<compile_context>
chip_gen: v7x
topology: tpu7x:2x2x1
jax: 0.10.2.dev20260603
libtpu: 0.0.44.dev20260713+nightly
codegen_flags: <defaults>
</compile_context>

<pallas_src>
import functools

import jax
import jax.numpy as jnp
from jax import lax
from jax.experimental import pallas as pl
from jax.experimental.pallas import tpu as pltpu
from jax.experimental.pallas import tpu_sc as plsc

B = 16384
NE = 100000
NR = 500
D = 128

NC = 2
NS = 16
NW = NC * NS
PER_W = B // NW
C = 32
NCH = PER_W // C
LANES = 16
GROUPS = D // LANES
NBUF = 2


def _ctab_body(phase_ref, ctab_ref):
    p = phase_ref[...]
    ctab_ref[:, :D] = jnp.cos(p).astype(jnp.bfloat16)
    ctab_ref[:, D:] = jnp.sin(p).astype(jnp.bfloat16)


def _relation_ctab(relation_phase):
    return pl.pallas_call(
        _ctab_body,
        out_shape=jax.ShapeDtypeStruct((NR, 2 * D), jnp.bfloat16),
    )(relation_phase)


def _sqrt_f32(s):
    i = lax.bitcast_convert_type(s, jnp.int32)
    y = lax.bitcast_convert_type(jnp.int32(0x5F3759DF) - (i >> 1), jnp.float32)
    y = y * (jnp.float32(1.5) - jnp.float32(0.5) * s * y * y)
    return s * y


def _sc_body(heads_hbm, rel_hbm, tails_hbm, ere_hbm, eim_hbm, ctab_hbm,
             out_hbm, hidx, ridx, tidx, bufs, ctab, ctab_sh,
             acc_b, out_b, sem0, sem1):
    wid = lax.axis_index("s") * NC + lax.axis_index("c")
    base = wid * PER_W
    sems = (sem0, sem1)

    pltpu.sync_copy(heads_hbm.at[wid], hidx)
    pltpu.sync_copy(rel_hbm.at[pl.ds(base, PER_W)], ridx.at[pl.ds(0, PER_W)])
    pltpu.sync_copy(tails_hbm.at[wid], tidx)
    for i in range(PER_W // LANES):
        sl = pl.ds(i * LANES, LANES)
        ridx[sl] = ridx[sl] * (2 * D)

    def issue(ci, slot):
        h = hidx.at[ci]
        t = tidx.at[ci]
        pltpu.async_copy(ere_hbm.at[h], bufs.at[slot, 0], sems[slot])
        pltpu.async_copy(eim_hbm.at[h], bufs.at[slot, 1], sems[slot])
        pltpu.async_copy(ere_hbm.at[t], bufs.at[slot, 2], sems[slot])
        pltpu.async_copy(eim_hbm.at[t], bufs.at[slot, 3], sems[slot])

    def drain(slot):
        for k in range(4):
            pltpu.make_async_copy(
                ere_hbm.at[hidx.at[0]], bufs.at[slot, k], sems[slot]
            ).wait()

    issue(0, 0)
    @pl.when(lax.axis_index("s") == 0)
    def _():
        pltpu.sync_copy(ctab_hbm, ctab_sh)

    plsc.subcore_barrier()
    pltpu.sync_copy(ctab_sh, ctab)
    lanes = jax.lax.iota(jnp.int32, LANES)

    def chunk_body(ci, slot):
        drain(slot)

        @pl.when(ci + 1 < NCH)
        def _():
            issue(ci + 1, 1 - slot)

        @plsc.parallel_loop(0, C, unroll=2)
        def triple_body(t):
            roff = ridx[pl.ds(ci * C + t, LANES)][0]
            acc = jnp.zeros((LANES,), jnp.float32)
            for g in range(GROUPS):
                pk = ctab[pl.ds(roff + g * LANES, 32)]
                rr, ri = plsc.unpack(pk, format=plsc.PackFormat.INTERLEAVED)
                sl = pl.ds(g * LANES, LANES)
                hre = bufs[slot, 0, t, sl]
                him = bufs[slot, 1, t, sl]
                dre = hre * rr - him * ri - bufs[slot, 2, t, sl]
                dim = hre * ri + him * rr - bufs[slot, 3, t, sl]
                acc = acc + _sqrt_f32(dre * dre + dim * dim)
            plsc.store_scatter(acc_b, [lanes * C + t], acc)
        for tg in range(C // LANES):
            r = jnp.zeros((LANES,), jnp.float32)
            for l in range(LANES):
                r = r + acc_b[pl.ds(l * C + tg * LANES, LANES)]
            out_b[pl.ds(ci * C + tg * LANES, LANES)] = r

    def pair_body(cp, carry):
        for b2 in range(NBUF):
            chunk_body(cp * NBUF + b2, b2)
        return carry

    lax.fori_loop(0, NCH // NBUF, pair_body, 0)
    pltpu.sync_copy(out_b, out_hbm.at[pl.ds(base, PER_W)])


@jax.jit
def _sc_rotate(heads, relations, tails, entity_re, entity_im, ctab):
    mesh = plsc.VectorSubcoreMesh(core_axis_name="c", subcore_axis_name="s")
    run = functools.partial(
        pl.kernel,
        mesh=mesh,
        compiler_params=pltpu.CompilerParams(needs_layout_passes=False),
        out_type=jax.ShapeDtypeStruct((B,), jnp.float32),
        scratch_types=[
            pltpu.VMEM((NCH, C), jnp.int32),
            pltpu.VMEM((PER_W + LANES,), jnp.int32),
            pltpu.VMEM((NCH, C), jnp.int32),
            pltpu.VMEM((NBUF, 4, C, D), jnp.float32),
            pltpu.VMEM((NR * 2 * D,), jnp.bfloat16),
            pltpu.MemorySpace.VMEM_SHARED((NR * 2 * D,), jnp.bfloat16),
            pltpu.VMEM((LANES * C,), jnp.float32),
            pltpu.VMEM((PER_W,), jnp.float32),
            pltpu.SemaphoreType.DMA,
            pltpu.SemaphoreType.DMA,
        ],
    )(_sc_body)
    return run(heads, relations, tails, entity_re, entity_im, ctab)


def kernel(heads, relations, tails, entity_re, entity_im, relation_phase):
    return _sc_rotate(
        heads.astype(jnp.int32).reshape(NW, NCH, C),
        relations.astype(jnp.int32),
        tails.astype(jnp.int32).reshape(NW, NCH, C),
        entity_re,
        entity_im,
        _relation_ctab(relation_phase).reshape(-1),
    )

# --- scband reference (transcript-rebuilt; emitter-appended) ---
"""Pipeline reference for scband-rotat-e-62380105008046 (READ-ONLY COPY).

The authoritative reference and input builder live on the scoring server;
editing this copy changes nothing except your own understanding.
"""

import jax, jax.numpy as jnp
import numpy as np

B = 16384
NE = 100000
NR = 500
D = 128
MARGIN = 9.0
EPSILON = 2.0


def setup_inputs(seed: int = 0) -> dict:
    key = jax.random.key(seed)
    k1, k2, k3, k4, k5, k6 = jax.random.split(key, 6)
    embedding_range = (MARGIN + EPSILON) / D
    heads = jax.random.randint(k1, (B,), 0, NE, dtype=jnp.int64 if jax.config.jax_enable_x64 else jnp.int32)
    relations = jax.random.randint(k2, (B,), 0, NR, dtype=jnp.int64 if jax.config.jax_enable_x64 else jnp.int32)
    tails = jax.random.randint(k3, (B,), 0, NE, dtype=jnp.int64 if jax.config.jax_enable_x64 else jnp.int32)
    entity_re = jax.random.uniform(k4, (NE, D), minval=-embedding_range, maxval=embedding_range, dtype=jnp.float32)
    entity_im = jax.random.uniform(k5, (NE, D), minval=-embedding_range, maxval=embedding_range, dtype=jnp.float32)
    relation_phase = jax.random.uniform(k6, (NR, D), minval=-np.pi, maxval=np.pi, dtype=jnp.float32)
    return {
        "heads": heads,
        "relations": relations,
        "tails": tails,
        "entity_re": entity_re,
        "entity_im": entity_im,
        "relation_phase": relation_phase,
    }


def reference(heads, relations, tails, entity_re, entity_im, relation_phase):
    # Embedding lookups (gather -> SparseCore friendly)
    h_re = jnp.take(entity_re, heads, axis=0)
    h_im = jnp.take(entity_im, heads, axis=0)
    t_re = jnp.take(entity_re, tails, axis=0)
    t_im = jnp.take(entity_im, tails, axis=0)
    phase = jnp.take(relation_phase, relations, axis=0)
    r_re = jnp.cos(phase)
    r_im = jnp.sin(phase)
    # Complex rotation: h * r
    hr_re = h_re * r_re - h_im * r_im
    hr_im = h_re * r_im + h_im * r_re
    diff_re = hr_re - t_re
    diff_im = hr_im - t_im
    score = jnp.sqrt(diff_re ** 2 + diff_im ** 2).sum(axis=1)
    return score

if __name__ == "__main__":
    import jax
    _d = setup_inputs()
    print(jax.jit(kernel)(*tuple(_d.values())))

</pallas_src>

<mosaic_0001>
#map = affine_map<(d0, d1) -> (0, 0, 0)>
#map1 = affine_map<(d0, d1) -> (0)>
#map2 = affine_map<(d0, d1) -> (0, 0)>
module attributes {stable_mosaic.version = 14 : i64} {
  func.func @_sc_body(%arg0: i32, %arg1: i32, %arg2: memref<32x16x32xi32, #tpu.memory_space<hbm>>, %arg3: memref<16384xi32, #tpu.memory_space<hbm>>, %arg4: memref<32x16x32xi32, #tpu.memory_space<hbm>>, %arg5: memref<100000x128xf32, #tpu.memory_space<hbm>>, %arg6: memref<100000x128xf32, #tpu.memory_space<hbm>>, %arg7: memref<128000xbf16, #tpu.memory_space<hbm>>, %arg8: memref<16384xf32, #tpu.memory_space<hbm>>, %arg9: memref<16x32xi32, #tpu.memory_space<vmem>>, %arg10: memref<528xi32, #tpu.memory_space<vmem>>, %arg11: memref<16x32xi32, #tpu.memory_space<vmem>>, %arg12: memref<2x4x32x128xf32, #tpu.memory_space<vmem>>, %arg13: memref<128000xbf16, #tpu.memory_space<vmem>>, %arg14: memref<128000xbf16, #tpu.memory_space<vmem_shared>>, %arg15: memref<512xf32, #tpu.memory_space<vmem>>, %arg16: memref<512xf32, #tpu.memory_space<vmem>>, %arg17: memref<!tpu.dma_semaphore, #tpu.memory_space<semaphore_mem>>, %arg18: memref<!tpu.dma_semaphore, #tpu.memory_space<semaphore_mem>>) attributes {dimension_semantics = [#tpu.dimension_semantics<core_parallel>, #tpu.dimension_semantics<subcore_parallel>], iteration_bounds = array<i64: 2, 16>, scalar_prefetch = 0 : i64, scratch_operands = 10 : i64, tpu.core_type = #tpu.core_type<sc_vector_subcore>, window_params = [{transform_indices = #map}, {transform_indices = #map1}, {transform_indices = #map}, {transform_indices = #map2}, {transform_indices = #map2}, {transform_indices = #map1}, {transform_indices = #map1}]} {
    %mul3A = arith.constant 2 : i32
    %mul3A_0 = arith.muli %arg1, %mul3A : i32
    %add3A = arith.addi %mul3A_0, %arg0 : i32
    %mul3A_1 = arith.constant 512 : i32
    %mul3A_2 = arith.muli %add3A, %mul3A_1 : i32
    "tpu.region"() ({
      %run_scoped3A = tpu.sem_alloc : memref<!tpu.dma_semaphore, #tpu.memory_space<semaphore_mem>>
      %dma_start3A_283 = arith.constant 0 : i32
      %dma_start3A_284 = arith.constant 0 : i32
      %dma_start3A_285 = tpu.memref_slice %arg2[%add3A, %dma_start3A_283, %dma_start3A_284] : memref<32x16x32xi32, #tpu.memory_space<hbm>> -> memref<1x16x32xi32, #tpu.memory_space<hbm>>
      %dma_start3A_286 = tpu.memref_squeeze %dma_start3A_285 : memref<1x16x32xi32, #tpu.memory_space<hbm>> -> memref<16x32xi32, #tpu.memory_space<hbm>>
      %dma_start3A_287 = arith.constant 0 : i32
      %dma_start3A_288 = arith.constant 0 : i32
      %dma_start3A_289 = tpu.memref_slice %arg2[%add3A, %dma_start3A_287, %dma_start3A_288] : memref<32x16x32xi32, #tpu.memory_space<hbm>> -> memref<1x16x32xi32, #tpu.memory_space<hbm>>
      %dma_start3A_290 = tpu.memref_squeeze %dma_start3A_289 : memref<1x16x32xi32, #tpu.memory_space<hbm>> -> memref<16x32xi32, #tpu.memory_space<hbm>>
      tpu.enqueue_dma source(%dma_start3A_290 : memref<16x32xi32, #tpu.memory_space<hbm>>) target(%arg9 : memref<16x32xi32, #tpu.memory_space<vmem>>) target_semaphore(%run_scoped3A : memref<!tpu.dma_semaphore, #tpu.memory_space<semaphore_mem>>)
      %dma_wait3A = arith.constant 0 : i32
      %dma_wait3A_291 = arith.constant 0 : i32
      %dma_wait3A_292 = tpu.memref_slice %arg2[%add3A, %dma_wait3A, %dma_wait3A_291] : memref<32x16x32xi32, #tpu.memory_space<hbm>> -> memref<1x16x32xi32, #tpu.memory_space<hbm>>
      %dma_wait3A_293 = tpu.memref_squeeze %dma_wait3A_292 : memref<1x16x32xi32, #tpu.memory_space<hbm>> -> memref<16x32xi32, #tpu.memory_space<hbm>>
      %dma_wait3A_294 = arith.constant 0 : i32
      %dma_wait3A_295 = arith.constant 0 : i32
      %dma_wait3A_296 = tpu.memref_slice %arg2[%add3A, %dma_wait3A_294, %dma_wait3A_295] : memref<32x16x32xi32, #tpu.memory_space<hbm>> -> memref<1x16x32xi32, #tpu.memory_space<hbm>>
      %dma_wait3A_297 = tpu.memref_squeeze %dma_wait3A_296 : memref<1x16x32xi32, #tpu.memory_space<hbm>> -> memref<16x32xi32, #tpu.memory_space<hbm>>
      tpu.wait_dma2 semaphore(%run_scoped3A : memref<!tpu.dma_semaphore, #tpu.memory_space<semaphore_mem>>) src(%dma_wait3A_297 : memref<16x32xi32, #tpu.memory_space<hbm>>) dst(%arg9 : memref<16x32xi32, #tpu.memory_space<vmem>>)
      tpu.yield
    }) : () -> ()
    "tpu.region"() ({
      %run_scoped3A = tpu.sem_alloc : memref<!tpu.dma_semaphore, #tpu.memory_space<semaphore_mem>>
      %dma_start3A_283 = arith.constant 0 : i32
      %dma_start3A_284 = tpu.memref_slice %arg10[%dma_start3A_283] : memref<528xi32, #tpu.memory_space<vmem>> -> memref<512xi32, #tpu.memory_space<vmem>>
      %dma_start3A_285 = tpu.memref_slice %arg3[%mul3A_2] : memref<16384xi32, #tpu.memory_space<hbm>> -> memref<512xi32, #tpu.memory_space<hbm>>
      %dma_start3A_286 = arith.constant 0 : i32
      %dma_start3A_287 = tpu.memref_slice %arg10[%dma_start3A_286] : memref<528xi32, #tpu.memory_space<vmem>> -> memref<512xi32, #tpu.memory_space<vmem>>
      %dma_start3A_288 = tpu.memref_slice %arg3[%mul3A_2] : memref<16384xi32, #tpu.memory_space<hbm>> -> memref<512xi32, #tpu.memory_space<hbm>>
      tpu.enqueue_dma source(%dma_start3A_288 : memref<512xi32, #tpu.memory_space<hbm>>) target(%dma_start3A_287 : memref<512xi32, #tpu.memory_space<vmem>>) target_semaphore(%run_scoped3A : memref<!tpu.dma_semaphore, #tpu.memory_space<semaphore_mem>>)
      %dma_wait3A = arith.constant 0 : i32
      %dma_wait3A_289 = tpu.memref_slice %arg10[%dma_wait3A] : memref<528xi32, #tpu.memory_space<vmem>> -> memref<512xi32, #tpu.memory_space<vmem>>
      %dma_wait3A_290 = tpu.memref_slice %arg3[%mul3A_2] : memref<16384xi32, #tpu.memory_space<hbm>> -> memref<512xi32, #tpu.memory_space<hbm>>
      %dma_wait3A_291 = arith.constant 0 : i32
      %dma_wait3A_292 = tpu.memref_slice %arg10[%dma_wait3A_291] : memref<528xi32, #tpu.memory_space<vmem>> -> memref<512xi32, #tpu.memory_space<vmem>>
      %dma_wait3A_293 = tpu.memref_slice %arg3[%mul3A_2] : memref<16384xi32, #tpu.memory_space<hbm>> -> memref<512xi32, #tpu.memory_space<hbm>>
      tpu.wait_dma2 semaphore(%run_scoped3A : memref<!tpu.dma_semaphore, #tpu.memory_space<semaphore_mem>>) src(%dma_wait3A_293 : memref<512xi32, #tpu.memory_space<hbm>>) dst(%dma_wait3A_292 : memref<512xi32, #tpu.memory_space<vmem>>)
      tpu.yield
    }) : () -> ()
    "tpu.region"() ({
      %run_scoped3A = tpu.sem_alloc : memref<!tpu.dma_semaphore, #tpu.memory_space<semaphore_mem>>
      %dma_start3A_283 = arith.constant 0 : i32
      %dma_start3A_284 = arith.constant 0 : i32
      %dma_start3A_285 = tpu.memref_slice %arg4[%add3A, %dma_start3A_283, %dma_start3A_284] : memref<32x16x32xi32, #tpu.memory_space<hbm>> -> memref<1x16x32xi32, #tpu.memory_space<hbm>>
      %dma_start3A_286 = tpu.memref_squeeze %dma_start3A_285 : memref<1x16x32xi32, #tpu.memory_space<hbm>> -> memref<16x32xi32, #tpu.memory_space<hbm>>
      %dma_start3A_287 = arith.constant 0 : i32
      %dma_start3A_288 = arith.constant 0 : i32
      %dma_start3A_289 = tpu.memref_slice %arg4[%add3A, %dma_start3A_287, %dma_start3A_288] : memref<32x16x32xi32, #tpu.memory_space<hbm>> -> memref<1x16x32xi32, #tpu.memory_space<hbm>>
      %dma_start3A_290 = tpu.memref_squeeze %dma_start3A_289 : memref<1x16x32xi32, #tpu.memory_space<hbm>> -> memref<16x32xi32, #tpu.memory_space<hbm>>
      tpu.enqueue_dma source(%dma_start3A_290 : memref<16x32xi32, #tpu.memory_space<hbm>>) target(%arg11 : memref<16x32xi32, #tpu.memory_space<vmem>>) target_semaphore(%run_scoped3A : memref<!tpu.dma_semaphore, #tpu.memory_space<semaphore_mem>>)
      %dma_wait3A = arith.constant 0 : i32
      %dma_wait3A_291 = arith.constant 0 : i32
      %dma_wait3A_292 = tpu.memref_slice %arg4[%add3A, %dma_wait3A, %dma_wait3A_291] : memref<32x16x32xi32, #tpu.memory_space<hbm>> -> memref<1x16x32xi32, #tpu.memory_space<hbm>>
      %dma_wait3A_293 = tpu.memref_squeeze %dma_wait3A_292 : memref<1x16x32xi32, #tpu.memory_space<hbm>> -> memref<16x32xi32, #tpu.memory_space<hbm>>
      %dma_wait3A_294 = arith.constant 0 : i32
      %dma_wait3A_295 = arith.constant 0 : i32
      %dma_wait3A_296 = tpu.memref_slice %arg4[%add3A, %dma_wait3A_294, %dma_wait3A_295] : memref<32x16x32xi32, #tpu.memory_space<hbm>> -> memref<1x16x32xi32, #tpu.memory_space<hbm>>
      %dma_wait3A_297 = tpu.memref_squeeze %dma_wait3A_296 : memref<1x16x32xi32, #tpu.memory_space<hbm>> -> memref<16x32xi32, #tpu.memory_space<hbm>>
      tpu.wait_dma2 semaphore(%run_scoped3A : memref<!tpu.dma_semaphore, #tpu.memory_space<semaphore_mem>>) src(%dma_wait3A_297 : memref<16x32xi32, #tpu.memory_space<hbm>>) dst(%arg11 : memref<16x32xi32, #tpu.memory_space<vmem>>)
      tpu.yield
    }) : () -> ()
    %get3A = arith.constant 0 : index
    %get3A_3 = tpu.vector_load %arg10[%get3A] {strides = array<i32>} : memref<528xi32, #tpu.memory_space<vmem>>, vector<16xi32>,
    %mul3A_4 = arith.constant 256 : i32
    %mul3A_5 = vector.broadcast %mul3A_4 : i32 to vector<16xi32>
    %mul3A_6 = arith.muli %get3A_3, %mul3A_5 : vector<16xi32>
    %swap3A = arith.constant 0 : index
    %swap3A_7 = tpu.vector_load %arg10[%swap3A] {strides = array<i32>} : memref<528xi32, #tpu.memory_space<vmem>>, vector<16xi32>,
    tpu.vector_store %arg10[%swap3A], %mul3A_6 {strides = array<i32>} : memref<528xi32, #tpu.memory_space<vmem>>, vector<16xi32>,
    %get3A_8 = arith.constant 16 : index
    %get3A_9 = tpu.vector_load %arg10[%get3A_8] {strides = array<i32>} : memref<528xi32, #tpu.memory_space<vmem>>, vector<16xi32>,
    %mul3A_10 = arith.constant 256 : i32
    %mul3A_11 = vector.broadcast %mul3A_10 : i32 to vector<16xi32>
    %mul3A_12 = arith.muli %get3A_9, %mul3A_11 : vector<16xi32>
    %swap3A_13 = arith.constant 16 : index
    %swap3A_14 = tpu.vector_load %arg10[%swap3A_13] {strides = array<i32>} : memref<528xi32, #tpu.memory_space<vmem>>, vector<16xi32>,
    tpu.vector_store %arg10[%swap3A_13], %mul3A_12 {strides = array<i32>} : memref<528xi32, #tpu.memory_space<vmem>>, vector<16xi32>,
    %get3A_15 = arith.constant 32 : index
    %get3A_16 = tpu.vector_load %arg10[%get3A_15] {strides = array<i32>} : memref<528xi32, #tpu.memory_space<vmem>>, vector<16xi32>,
    %mul3A_17 = arith.constant 256 : i32
    %mul3A_18 = vector.broadcast %mul3A_17 : i32 to vector<16xi32>
    %mul3A_19 = arith.muli %get3A_16, %mul3A_18 : vector<16xi32>
    %swap3A_20 = arith.constant 32 : index
    %swap3A_21 = tpu.vector_load %arg10[%swap3A_20] {strides = array<i32>} : memref<528xi32, #tpu.memory_space<vmem>>, vector<16xi32>,
    tpu.vector_store %arg10[%swap3A_20], %mul3A_19 {strides = array<i32>} : memref<528xi32, #tpu.memory_space<vmem>>, vector<16xi32>,
    %get3A_22 = arith.constant 48 : index
    %get3A_23 = tpu.vector_load %arg10[%get3A_22] {strides = array<i32>} : memref<528xi32, #tpu.memory_space<vmem>>, vector<16xi32>,
    %mul3A_24 = arith.constant 256 : i32
    %mul3A_25 = vector.broadcast %mul3A_24 : i32 to vector<16xi32>
    %mul3A_26 = arith.muli %get3A_23, %mul3A_25 : vector<16xi32>
    %swap3A_27 = arith.constant 48 : index
    %swap3A_28 = tpu.vector_load %arg10[%swap3A_27] {strides = array<i32>} : memref<528xi32, #tpu.memory_space<vmem>>, vector<16xi32>,
    tpu.vector_store %arg10[%swap3A_27], %mul3A_26 {strides = array<i32>} : memref<528xi32, #tpu.memory_space<vmem>>, vector<16xi32>,
    %get3A_29 = arith.constant 64 : index
    %get3A_30 = tpu.vector_load %arg10[%get3A_29] {strides = array<i32>} : memref<528xi32, #tpu.memory_space<vmem>>, vector<16xi32>,
    %mul3A_31 = arith.constant 256 : i32
    %mul3A_32 = vector.broadcast %mul3A_31 : i32 to vector<16xi32>
    %mul3A_33 = arith.muli %get3A_30, %mul3A_32 : vector<16xi32>
    %swap3A_34 = arith.constant 64 : index
    %swap3A_35 = tpu.vector_load %arg10[%swap3A_34] {strides = array<i32>} : memref<528xi32, #tpu.memory_space<vmem>>, vector<16xi32>,
    tpu.vector_store %arg10[%swap3A_34], %mul3A_33 {strides = array<i32>} : memref<528xi32, #tpu.memory_space<vmem>>, vector<16xi32>,
    %get3A_36 = arith.constant 80 : index
    %get3A_37 = tpu.vector_load %arg10[%get3A_36] {strides = array<i32>} : memref<528xi32, #tpu.memory_space<vmem>>, vector<16xi32>,
    %mul3A_38 = arith.constant 256 : i32
    %mul3A_39 = vector.broadcast %mul3A_38 : i32 to vector<16xi32>
    %mul3A_40 = arith.muli %get3A_37, %mul3A_39 : vector<16xi32>
    %swap3A_41 = arith.constant 80 : index
    %swap3A_42 = tpu.vector_load %arg10[%swap3A_41] {strides = array<i32>} : memref<528xi32, #tpu.memory_space<vmem>>, vector<16xi32>,
    tpu.vector_store %arg10[%swap3A_41], %mul3A_40 {strides = array<i32>} : memref<528xi32, #tpu.memory_space<vmem>>, vector<16xi32>,
    %get3A_43 = arith.constant 96 : index
    %get3A_44 = tpu.vector_load %arg10[%get3A_43] {strides = array<i32>} : memref<528xi32, #tpu.memory_space<vmem>>, vector<16xi32>,
    %mul3A_45 = arith.constant 256 : i32
    %mul3A_46 = vector.broadcast %mul3A_45 : i32 to vector<16xi32>
    %mul3A_47 = arith.muli %get3A_44, %mul3A_46 : vector<16xi32>
    %swap3A_48 = arith.constant 96 : index
    %swap3A_49 = tpu.vector_load %arg10[%swap3A_48] {strides = array<i32>} : memref<528xi32, #tpu.memory_space<vmem>>, vector<16xi32>,
    tpu.vector_store %arg10[%swap3A_48], %mul3A_47 {strides = array<i32>} : memref<528xi32, #tpu.memory_space<vmem>>, vector<16xi32>,
    %get3A_50 = arith.constant 112 : index
    %get3A_51 = tpu.vector_load %arg10[%get3A_50] {strides = array<i32>} : memref<528xi32, #tpu.memory_space<vmem>>, vector<16xi32>,
    %mul3A_52 = arith.constant 256 : i32
    %mul3A_53 = vector.broadcast %mul3A_52 : i32 to vector<16xi32>
    %mul3A_54 = arith.muli %get3A_51, %mul3A_53 : vector<16xi32>
    %swap3A_55 = arith.constant 112 : index
    %swap3A_56 = tpu.vector_load %arg10[%swap3A_55] {strides = array<i32>} : memref<528xi32, #tpu.memory_space<vmem>>, vector<16xi32>,
    tpu.vector_store %arg10[%swap3A_55], %mul3A_54 {strides = array<i32>} : memref<528xi32, #tpu.memory_space<vmem>>, vector<16xi32>,
    %get3A_57 = arith.constant 128 : index
    %get3A_58 = tpu.vector_load %arg10[%get3A_57] {strides = array<i32>} : memref<528xi32, #tpu.memory_space<vmem>>, vector<16xi32>,
    %mul3A_59 = arith.constant 256 : i32
    %mul3A_60 = vector.broadcast %mul3A_59 : i32 to vector<16xi32>
    %mul3A_61 = arith.muli %get3A_58, %mul3A_60 : vector<16xi32>
    %swap3A_62 = arith.constant 128 : index
    %swap3A_63 = tpu.vector_load %arg10[%swap3A_62] {strides = array<i32>} : memref<528xi32, #tpu.memory_space<vmem>>, vector<16xi32>,
    tpu.vector_store %arg10[%swap3A_62], %mul3A_61 {strides = array<i32>} : memref<528xi32, #tpu.memory_space<vmem>>, vector<16xi32>,
    %get3A_64 = arith.constant 144 : index
    %get3A_65 = tpu.vector_load %arg10[%get3A_64] {strides = array<i32>} : memref<528xi32, #tpu.memory_space<vmem>>, vector<16xi32>,
    %mul3A_66 = arith.constant 256 : i32
    %mul3A_67 = vector.broadcast %mul3A_66 : i32 to vector<16xi32>
    %mul3A_68 = arith.muli %get3A_65, %mul3A_67 : vector<16xi32>
    %swap3A_69 = arith.constant 144 : index
    %swap3A_70 = tpu.vector_load %arg10[%swap3A_69] {strides = array<i32>} : memref<528xi32, #tpu.memory_space<vmem>>, vector<16xi32>,
    tpu.vector_store %arg10[%swap3A_69], %mul3A_68 {strides = array<i32>} : memref<528xi32, #tpu.memory_space<vmem>>, vector<16xi32>,
    %get3A_71 = arith.constant 160 : index
    %get3A_72 = tpu.vector_load %arg10[%get3A_71] {strides = array<i32>} : memref<528xi32, #tpu.memory_space<vmem>>, vector<16xi32>,
    %mul3A_73 = arith.constant 256 : i32
    %mul3A_74 = vector.broadcast %mul3A_73 : i32 to vector<16xi32>
    %mul3A_75 = arith.muli %get3A_72, %mul3A_74 : vector<16xi32>
    %swap3A_76 = arith.constant 160 : index
    %swap3A_77 = tpu.vector_load %arg10[%swap3A_76] {strides = array<i32>} : memref<528xi32, #tpu.memory_space<vmem>>, vector<16xi32>,
    tpu.vector_store %arg10[%swap3A_76], %mul3A_75 {strides = array<i32>} : memref<528xi32, #tpu.memory_space<vmem>>, vector<16xi32>,
    %get3A_78 = arith.constant 176 : index
    %get3A_79 = tpu.vector_load %arg10[%get3A_78] {strides = array<i32>} : memref<528xi32, #tpu.memory_space<vmem>>, vector<16xi32>,
    %mul3A_80 = arith.constant 256 : i32
    %mul3A_81 = vector.broadcast %mul3A_80 : i32 to vector<16xi32>
    %mul3A_82 = arith.muli %get3A_79, %mul3A_81 : vector<16xi32>
    %swap3A_83 = arith.constant 176 : index
    %swap3A_84 = tpu.vector_load %arg10[%swap3A_83] {strides = array<i32>} : memref<528xi32, #tpu.memory_space<vmem>>, vector<16xi32>,
    tpu.vector_store %arg10[%swap3A_83], %mul3A_82 {strides = array<i32>} : memref<528xi32, #tpu.memory_space<vmem>>, vector<16xi32>,
    %get3A_85 = arith.constant 192 : index
    %get3A_86 = tpu.vector_load %arg10[%get3A_85] {strides = array<i32>} : memref<528xi32, #tpu.memory_space<vmem>>, vector<16xi32>,
    %mul3A_87 = arith.constant 256 : i32
    %mul3A_88 = vector.broadcast %mul3A_87 : i32 to vector<16xi32>
    %mul3A_89 = arith.muli %get3A_86, %mul3A_88 : vector<16xi32>
    %swap3A_90 = arith.constant 192 : index
    %swap3A_91 = tpu.vector_load %arg10[%swap3A_90] {strides = array<i32>} : memref<528xi32, #tpu.memory_space<vmem>>, vector<16xi32>,
    tpu.vector_store %arg10[%swap3A_90], %mul3A_89 {strides = array<i32>} : memref<528xi32, #tpu.memory_space<vmem>>, vector<16xi32>,
    %get3A_92 = arith.constant 208 : index
    %get3A_93 = tpu.vector_load %arg10[%get3A_92] {strides = array<i32>} : memref<528xi32, #tpu.memory_space<vmem>>, vector<16xi32>,
    %mul3A_94 = arith.constant 256 : i32
    %mul3A_95 = vector.broadcast %mul3A_94 : i32 to vector<16xi32>
    %mul3A_96 = arith.muli %get3A_93, %mul3A_95 : vector<16xi32>
    %swap3A_97 = arith.constant 208 : index
    %swap3A_98 = tpu.vector_load %arg10[%swap3A_97] {strides = array<i32>} : memref<528xi32, #tpu.memory_space<vmem>>, vector<16xi32>,
    tpu.vector_store %arg10[%swap3A_97], %mul3A_96 {strides = array<i32>} : memref<528xi32, #tpu.memory_space<vmem>>, vector<16xi32>,
    %get3A_99 = arith.constant 224 : index
    %get3A_100 = tpu.vector_load %arg10[%get3A_99] {strides = array<i32>} : memref<528xi32, #tpu.memory_space<vmem>>, vector<16xi32>,
    %mul3A_101 = arith.constant 256 : i32
    %mul3A_102 = vector.broadcast %mul3A_101 : i32 to vector<16xi32>
    %mul3A_103 = arith.muli %get3A_100, %mul3A_102 : vector<16xi32>
    %swap3A_104 = arith.constant 224 : index
    %swap3A_105 = tpu.vector_load %arg10[%swap3A_104] {strides = array<i32>} : memref<528xi32, #tpu.memory_space<vmem>>, vector<16xi32>,
    tpu.vector_store %arg10[%swap3A_104], %mul3A_103 {strides = array<i32>} : memref<528xi32, #tpu.memory_space<vmem>>, vector<16xi32>,
    %get3A_106 = arith.constant 240 : index
    %get3A_107 = tpu.vector_load %arg10[%get3A_106] {strides = array<i32>} : memref<528xi32, #tpu.memory_space<vmem>>, vector<16xi32>,
    %mul3A_108 = arith.constant 256 : i32
    %mul3A_109 = vector.broadcast %mul3A_108 : i32 to vector<16xi32>
    %mul3A_110 = arith.muli %get3A_107, %mul3A_109 : vector<16xi32>
    %swap3A_111 = arith.constant 240 : index
    %swap3A_112 = tpu.vector_load %arg10[%swap3A_111] {strides = array<i32>} : memref<528xi32, #tpu.memory_space<vmem>>, vector<16xi32>,
    tpu.vector_store %arg10[%swap3A_111], %mul3A_110 {strides = array<i32>} : memref<528xi32, #tpu.memory_space<vmem>>, vector<16xi32>,
    %get3A_113 = arith.constant 256 : index
    %get3A_114 = tpu.vector_load %arg10[%get3A_113] {strides = array<i32>} : memref<528xi32, #tpu.memory_space<vmem>>, vector<16xi32>,
    %mul3A_115 = arith.constant 256 : i32
    %mul3A_116 = vector.broadcast %mul3A_115 : i32 to vector<16xi32>
    %mul3A_117 = arith.muli %get3A_114, %mul3A_116 : vector<16xi32>
    %swap3A_118 = arith.constant 256 : index
    %swap3A_119 = tpu.vector_load %arg10[%swap3A_118] {strides = array<i32>} : memref<528xi32, #tpu.memory_space<vmem>>, vector<16xi32>,
    tpu.vector_store %arg10[%swap3A_118], %mul3A_117 {strides = array<i32>} : memref<528xi32, #tpu.memory_space<vmem>>, vector<16xi32>,
    %get3A_120 = arith.constant 272 : index
    %get3A_121 = tpu.vector_load %arg10[%get3A_120] {strides = array<i32>} : memref<528xi32, #tpu.memory_space<vmem>>, vector<16xi32>,
    %mul3A_122 = arith.constant 256 : i32
    %mul3A_123 = vector.broadcast %mul3A_122 : i32 to vector<16xi32>
    %mul3A_124 = arith.muli %get3A_121, %mul3A_123 : vector<16xi32>
    %swap3A_125 = arith.constant 272 : index
    %swap3A_126 = tpu.vector_load %arg10[%swap3A_125] {strides = array<i32>} : memref<528xi32, #tpu.memory_space<vmem>>, vector<16xi32>,
    tpu.vector_store %arg10[%swap3A_125], %mul3A_124 {strides = array<i32>} : memref<528xi32, #tpu.memory_space<vmem>>, vector<16xi32>,
    %get3A_127 = arith.constant 288 : index
    %get3A_128 = tpu.vector_load %arg10[%get3A_127] {strides = array<i32>} : memref<528xi32, #tpu.memory_space<vmem>>, vector<16xi32>,
    %mul3A_129 = arith.constant 256 : i32
    %mul3A_130 = vector.broadcast %mul3A_129 : i32 to vector<16xi32>
    %mul3A_131 = arith.muli %get3A_128, %mul3A_130 : vector<16xi32>
    %swap3A_132 = arith.constant 288 : index
    %swap3A_133 = tpu.vector_load %arg10[%swap3A_132] {strides = array<i32>} : memref<528xi32, #tpu.memory_space<vmem>>, vector<16xi32>,
    tpu.vector_store %arg10[%swap3A_132], %mul3A_131 {strides = array<i32>} : memref<528xi32, #tpu.memory_space<vmem>>, vector<16xi32>,
    %get3A_134 = arith.constant 304 : index
    %get3A_135 = tpu.vector_load %arg10[%get3A_134] {strides = array<i32>} : memref<528xi32, #tpu.memory_space<vmem>>, vector<16xi32>,
    %mul3A_136 = arith.constant 256 : i32
    %mul3A_137 = vector.broadcast %mul3A_136 : i32 to vector<16xi32>
    %mul3A_138 = arith.muli %get3A_135, %mul3A_137 : vector<16xi32>
    %swap3A_139 = arith.constant 304 : index
    %swap3A_140 = tpu.vector_load %arg10[%swap3A_139] {strides = array<i32>} : memref<528xi32, #tpu.memory_space<vmem>>, vector<16xi32>,
    tpu.vector_store %arg10[%swap3A_139], %mul3A_138 {strides = array<i32>} : memref<528xi32, #tpu.memory_space<vmem>>, vector<16xi32>,
    %get3A_141 = arith.constant 320 : index
    %get3A_142 = tpu.vector_load %arg10[%get3A_141] {strides = array<i32>} : memref<528xi32, #tpu.memory_space<vmem>>, vector<16xi32>,
    %mul3A_143 = arith.constant 256 : i32
    %mul3A_144 = vector.broadcast %mul3A_143 : i32 to vector<16xi32>
    %mul3A_145 = arith.muli %get3A_142, %mul3A_144 : vector<16xi32>
    %swap3A_146 = arith.constant 320 : index
    %swap3A_147 = tpu.vector_load %arg10[%swap3A_146] {strides = array<i32>} : memref<528xi32, #tpu.memory_space<vmem>>, vector<16xi32>,
    tpu.vector_store %arg10[%swap3A_146], %mul3A_145 {strides = array<i32>} : memref<528xi32, #tpu.memory_space<vmem>>, vector<16xi32>,
    %get3A_148 = arith.constant 336 : index
    %get3A_149 = tpu.vector_load %arg10[%get3A_148] {strides = array<i32>} : memref<528xi32, #tpu.memory_space<vmem>>, vector<16xi32>,
    %mul3A_150 = arith.constant 256 : i32
    %mul3A_151 = vector.broadcast %mul3A_150 : i32 to vector<16xi32>
    %mul3A_152 = arith.muli %get3A_149, %mul3A_151 : vector<16xi32>
    %swap3A_153 = arith.constant 336 : index
    %swap3A_154 = tpu.vector_load %arg10[%swap3A_153] {strides = array<i32>} : memref<528xi32, #tpu.memory_space<vmem>>, vector<16xi32>,
    tpu.vector_store %arg10[%swap3A_153], %mul3A_152 {strides = array<i32>} : memref<528xi32, #tpu.memory_space<vmem>>, vector<16xi32>,
    %get3A_155 = arith.constant 352 : index
    %get3A_156 = tpu.vector_load %arg10[%get3A_155] {strides = array<i32>} : memref<528xi32, #tpu.memory_space<vmem>>, vector<16xi32>,
    %mul3A_157 = arith.constant 256 : i32
    %mul3A_158 = vector.broadcast %mul3A_157 : i32 to vector<16xi32>
    %mul3A_159 = arith.muli %get3A_156, %mul3A_158 : vector<16xi32>
    %swap3A_160 = arith.constant 352 : index
    %swap3A_161 = tpu.vector_load %arg10[%swap3A_160] {strides = array<i32>} : memref<528xi32, #tpu.memory_space<vmem>>, vector<16xi32>,
    tpu.vector_store %arg10[%swap3A_160], %mul3A_159 {strides = array<i32>} : memref<528xi32, #tpu.memory_space<vmem>>, vector<16xi32>,
    %get3A_162 = arith.constant 368 : index
    %get3A_163 = tpu.vector_load %arg10[%get3A_162] {strides = array<i32>} : memref<528xi32, #tpu.memory_space<vmem>>, vector<16xi32>,
    %mul3A_164 = arith.constant 256 : i32
    %mul3A_165 = vector.broadcast %mul3A_164 : i32 to vector<16xi32>
    %mul3A_166 = arith.muli %get3A_163, %mul3A_165 : vector<16xi32>
    %swap3A_167 = arith.constant 368 : index
    %swap3A_168 = tpu.vector_load %arg10[%swap3A_167] {strides = array<i32>} : memref<528xi32, #tpu.memory_space<vmem>>, vector<16xi32>,
    tpu.vector_store %arg10[%swap3A_167], %mul3A_166 {strides = array<i32>} : memref<528xi32, #tpu.memory_space<vmem>>, vector<16xi32>,
    %get3A_169 = arith.constant 384 : index
    %get3A_170 = tpu.vector_load %arg10[%get3A_169] {strides = array<i32>} : memref<528xi32, #tpu.memory_space<vmem>>, vector<16xi32>,
    %mul3A_171 = arith.constant 256 : i32
    %mul3A_172 = vector.broadcast %mul3A_171 : i32 to vector<16xi32>
    %mul3A_173 = arith.muli %get3A_170, %mul3A_172 : vector<16xi32>
    %swap3A_174 = arith.constant 384 : index
    %swap3A_175 = tpu.vector_load %arg10[%swap3A_174] {strides = array<i32>} : memref<528xi32, #tpu.memory_space<vmem>>, vector<16xi32>,
    tpu.vector_store %arg10[%swap3A_174], %mul3A_173 {strides = array<i32>} : memref<528xi32, #tpu.memory_space<vmem>>, vector<16xi32>,
    %get3A_176 = arith.constant 400 : index
    %get3A_177 = tpu.vector_load %arg10[%get3A_176] {strides = array<i32>} : memref<528xi32, #tpu.memory_space<vmem>>, vector<16xi32>,
    %mul3A_178 = arith.constant 256 : i32
    %mul3A_179 = vector.broadcast %mul3A_178 : i32 to vector<16xi32>
    %mul3A_180 = arith.muli %get3A_177, %mul3A_179 : vector<16xi32>
    %swap3A_181 = arith.constant 400 : index
    %swap3A_182 = tpu.vector_load %arg10[%swap3A_181] {strides = array<i32>} : memref<528xi32, #tpu.memory_space<vmem>>, vector<16xi32>,
    tpu.vector_store %arg10[%swap3A_181], %mul3A_180 {strides = array<i32>} : memref<528xi32, #tpu.memory_space<vmem>>, vector<16xi32>,
    %get3A_183 = arith.constant 416 : index
    %get3A_184 = tpu.vector_load %arg10[%get3A_183] {strides = array<i32>} : memref<528xi32, #tpu.memory_space<vmem>>, vector<16xi32>,
    %mul3A_185 = arith.constant 256 : i32
    %mul3A_186 = vector.broadcast %mul3A_185 : i32 to vector<16xi32>
    %mul3A_187 = arith.muli %get3A_184, %mul3A_186 : vector<16xi32>
    %swap3A_188 = arith.constant 416 : index
    %swap3A_189 = tpu.vector_load %arg10[%swap3A_188] {strides = array<i32>} : memref<528xi32, #tpu.memory_space<vmem>>, vector<16xi32>,
    tpu.vector_store %arg10[%swap3A_188], %mul3A_187 {strides = array<i32>} : memref<528xi32, #tpu.memory_space<vmem>>, vector<16xi32>,
    %get3A_190 = arith.constant 432 : index
    %get3A_191 = tpu.vector_load %arg10[%get3A_190] {strides = array<i32>} : memref<528xi32, #tpu.memory_space<vmem>>, vector<16xi32>,
    %mul3A_192 = arith.constant 256 : i32
    %mul3A_193 = vector.broadcast %mul3A_192 : i32 to vector<16xi32>
    %mul3A_194 = arith.muli %get3A_191, %mul3A_193 : vector<16xi32>
    %swap3A_195 = arith.constant 432 : index
    %swap3A_196 = tpu.vector_load %arg10[%swap3A_195] {strides = array<i32>} : memref<528xi32, #tpu.memory_space<vmem>>, vector<16xi32>,
    tpu.vector_store %arg10[%swap3A_195], %mul3A_194 {strides = array<i32>} : memref<528xi32, #tpu.memory_space<vmem>>, vector<16xi32>,
    %get3A_197 = arith.constant 448 : index
    %get3A_198 = tpu.vector_load %arg10[%get3A_197] {strides = array<i32>} : memref<528xi32, #tpu.memory_space<vmem>>, vector<16xi32>,
    %mul3A_199 = arith.constant 256 : i32
    %mul3A_200 = vector.broadcast %mul3A_199 : i32 to vector<16xi32>
    %mul3A_201 = arith.muli %get3A_198, %mul3A_200 : vector<16xi32>
    %swap3A_202 = arith.constant 448 : index
    %swap3A_203 = tpu.vector_load %arg10[%swap3A_202] {strides = array<i32>} : memref<528xi32, #tpu.memory_space<vmem>>, vector<16xi32>,
    tpu.vector_store %arg10[%swap3A_202], %mul3A_201 {strides = array<i32>} : memref<528xi32, #tpu.memory_space<vmem>>, vector<16xi32>,
    %get3A_204 = arith.constant 464 : index
    %get3A_205 = tpu.vector_load %arg10[%get3A_204] {strides = array<i32>} : memref<528xi32, #tpu.memory_space<vmem>>, vector<16xi32>,
    %mul3A_206 = arith.constant 256 : i32
    %mul3A_207 = vector.broadcast %mul3A_206 : i32 to vector<16xi32>
    %mul3A_208 = arith.muli %get3A_205, %mul3A_207 : vector<16xi32>
    %swap3A_209 = arith.constant 464 : index
    %swap3A_210 = tpu.vector_load %arg10[%swap3A_209] {strides = array<i32>} : memref<528xi32, #tpu.memory_space<vmem>>, vector<16xi32>,
    tpu.vector_store %arg10[%swap3A_209], %mul3A_208 {strides = array<i32>} : memref<528xi32, #tpu.memory_space<vmem>>, vector<16xi32>,
    %get3A_211 = arith.constant 480 : index
    %get3A_212 = tpu.vector_load %arg10[%get3A_211] {strides = array<i32>} : memref<528xi32, #tpu.memory_space<vmem>>, vector<16xi32>,
    %mul3A_213 = arith.constant 256 : i32
    %mul3A_214 = vector.broadcast %mul3A_213 : i32 to vector<16xi32>
    %mul3A_215 = arith.muli %get3A_212, %mul3A_214 : vector<16xi32>
    %swap3A_216 = arith.constant 480 : index
    %swap3A_217 = tpu.vector_load %arg10[%swap3A_216] {strides = array<i32>} : memref<528xi32, #tpu.memory_space<vmem>>, vector<16xi32>,
    tpu.vector_store %arg10[%swap3A_216], %mul3A_215 {strides = array<i32>} : memref<528xi32, #tpu.memory_space<vmem>>, vector<16xi32>,
    %get3A_218 = arith.constant 496 : index
    %get3A_219 = tpu.vector_load %arg10[%get3A_218] {strides = array<i32>} : memref<528xi32, #tpu.memory_space<vmem>>, vector<16xi32>,
    %mul3A_220 = arith.constant 256 : i32
    %mul3A_221 = vector.broadcast %mul3A_220 : i32 to vector<16xi32>
    %mul3A_222 = arith.muli %get3A_219, %mul3A_221 : vector<16xi32>
    %swap3A_223 = arith.constant 496 : index
    %swap3A_224 = tpu.vector_load %arg10[%swap3A_223] {strides = array<i32>} : memref<528xi32, #tpu.memory_space<vmem>>, vector<16xi32>,
    tpu.vector_store %arg10[%swap3A_223], %mul3A_222 {strides = array<i32>} : memref<528xi32, #tpu.memory_space<vmem>>, vector<16xi32>,
    %dma_start3A = arith.constant 0 : i32
    %dma_start3A_225 = arith.constant 0 : i32
    %dma_start3A_226 = arith.constant 0 : i32
    %dma_start3A_227 = arith.constant 0 : i32
    %dma_start3A_228 = arith.constant 0 : i32
    %dma_start3A_229 = tpu.memref_slice %arg12[%dma_start3A_225, %dma_start3A_226, %dma_start3A_227, %dma_start3A_228] : memref<2x4x32x128xf32, #tpu.memory_space<vmem>> -> memref<1x1x32x128xf32, #tpu.memory_space<vmem>>
    %dma_start3A_230 = tpu.memref_squeeze %dma_start3A_229 : memref<1x1x32x128xf32, #tpu.memory_space<vmem>> -> memref<32x128xf32, #tpu.memory_space<vmem>>
    %dma_start3A_231 = arith.constant 0 : i32
    %dma_start3A_232 = tpu.memref_slice %arg9[%dma_start3A, %dma_start3A_231] : memref<16x32xi32, #tpu.memory_space<vmem>> -> memref<1x32xi32, #tpu.memory_space<vmem>>
    %dma_start3A_233 = tpu.memref_squeeze %dma_start3A_232 : memref<1x32xi32, #tpu.memory_space<vmem>> -> memref<32xi32, #tpu.memory_space<vmem>>
    %dma_start3A_234 = arith.constant 0 : i32
    %dma_start3A_235 = arith.constant 0 : i32
    %dma_start3A_236 = tpu.memref_slice %arg5[%dma_start3A_234, %dma_start3A_235] : memref<100000x128xf32, #tpu.memory_space<hbm>> -> memref<100000x128xf32, #tpu.memory_space<hbm>>
    tpu.enqueue_indirect_dma source(%dma_start3A_236 : memref<100000x128xf32, #tpu.memory_space<hbm>>) target(%dma_start3A_230 : memref<32x128xf32, #tpu.memory_space<vmem>>) offsets(%dma_start3A_233 : memref<32xi32, #tpu.memory_space<vmem>>) semaphore(%arg17 : memref<!tpu.dma_semaphore, #tpu.memory_space<semaphore_mem>>)
    %dma_start3A_237 = arith.constant 0 : i32
    %dma_start3A_238 = arith.constant 0 : i32
    %dma_start3A_239 = arith.constant 1 : i32
    %dma_start3A_240 = arith.constant 0 : i32
    %dma_start3A_241 = arith.constant 0 : i32
    %dma_start3A_242 = tpu.memref_slice %arg12[%dma_start3A_238, %dma_start3A_239, %dma_start3A_240, %dma_start3A_241] : memref<2x4x32x128xf32, #tpu.memory_space<vmem>> -> memref<1x1x32x128xf32, #tpu.memory_space<vmem>>
    %dma_start3A_243 = tpu.memref_squeeze %dma_start3A_242 : memref<1x1x32x128xf32, #tpu.memory_space<vmem>> -> memref<32x128xf32, #tpu.memory_space<vmem>>
    %dma_start3A_244 = arith.constant 0 : i32
    %dma_start3A_245 = tpu.memref_slice %arg9[%dma_start3A_237, %dma_start3A_244] : memref<16x32xi32, #tpu.memory_space<vmem>> -> memref<1x32xi32, #tpu.memory_space<vmem>>
    %dma_start3A_246 = tpu.memref_squeeze %dma_start3A_245 : memref<1x32xi32, #tpu.memory_space<vmem>> -> memref<32xi32, #tpu.memory_space<vmem>>
    %dma_start3A_247 = arith.constant 0 : i32
    %dma_start3A_248 = arith.constant 0 : i32
    %dma_start3A_249 = tpu.memref_slice %arg6[%dma_start3A_247, %dma_start3A_248] : memref<100000x128xf32, #tpu.memory_space<hbm>> -> memref<100000x128xf32, #tpu.memory_space<hbm>>
    tpu.enqueue_indirect_dma source(%dma_start3A_249 : memref<100000x128xf32, #tpu.memory_space<hbm>>) target(%dma_start3A_243 : memref<32x128xf32, #tpu.memory_space<vmem>>) offsets(%dma_start3A_246 : memref<32xi32, #tpu.memory_space<vmem>>) semaphore(%arg17 : memref<!tpu.dma_semaphore, #tpu.memory_space<semaphore_mem>>)
    %dma_start3A_250 = arith.constant 0 : i32
    %dma_start3A_251 = arith.constant 0 : i32
    %dma_start3A_252 = arith.constant 2 : i32
    %dma_start3A_253 = arith.constant 0 : i32
    %dma_start3A_254 = arith.constant 0 : i32
    %dma_start3A_255 = tpu.memref_slice %arg12[%dma_start3A_251, %dma_start3A_252, %dma_start3A_253, %dma_start3A_254] : memref<2x4x32x128xf32, #tpu.memory_space<vmem>> -> memref<1x1x32x128xf32, #tpu.memory_space<vmem>>
    %dma_start3A_256 = tpu.memref_squeeze %dma_start3A_255 : memref<1x1x32x128xf32, #tpu.memory_space<vmem>> -> memref<32x128xf32, #tpu.memory_space<vmem>>
    %dma_start3A_257 = arith.constant 0 : i32
    %dma_start3A_258 = tpu.memref_slice %arg11[%dma_start3A_250, %dma_start3A_257] : memref<16x32xi32, #tpu.memory_space<vmem>> -> memref<1x32xi32, #tpu.memory_space<vmem>>
    %dma_start3A_259 = tpu.memref_squeeze %dma_start3A_258 : memref<1x32xi32, #tpu.memory_space<vmem>> -> memref<32xi32, #tpu.memory_space<vmem>>
    %dma_start3A_260 = arith.constant 0 : i32
    %dma_start3A_261 = arith.constant 0 : i32
    %dma_start3A_262 = tpu.memref_slice %arg5[%dma_start3A_260, %dma_start3A_261] : memref<100000x128xf32, #tpu.memory_space<hbm>> -> memref<100000x128xf32, #tpu.memory_space<hbm>>
    tpu.enqueue_indirect_dma source(%dma_start3A_262 : memref<100000x128xf32, #tpu.memory_space<hbm>>) target(%dma_start3A_256 : memref<32x128xf32, #tpu.memory_space<vmem>>) offsets(%dma_start3A_259 : memref<32xi32, #tpu.memory_space<vmem>>) semaphore(%arg17 : memref<!tpu.dma_semaphore, #tpu.memory_space<semaphore_mem>>)
    %dma_start3A_263 = arith.constant 0 : i32
    %dma_start3A_264 = arith.constant 0 : i32
    %dma_start3A_265 = arith.constant 3 : i32
    %dma_start3A_266 = arith.constant 0 : i32
    %dma_start3A_267 = arith.constant 0 : i32
    %dma_start3A_268 = tpu.memref_slice %arg12[%dma_start3A_264, %dma_start3A_265, %dma_start3A_266, %dma_start3A_267] : memref<2x4x32x128xf32, #tpu.memory_space<vmem>> -> memref<1x1x32x128xf32, #tpu.memory_space<vmem>>
    %dma_start3A_269 = tpu.memref_squeeze %dma_start3A_268 : memref<1x1x32x128xf32, #tpu.memory_space<vmem>> -> memref<32x128xf32, #tpu.memory_space<vmem>>
    %dma_start3A_270 = arith.constant 0 : i32
    %dma_start3A_271 = tpu.memref_slice %arg11[%dma_start3A_263, %dma_start3A_270] : memref<16x32xi32, #tpu.memory_space<vmem>> -> memref<1x32xi32, #tpu.memory_space<vmem>>
    %dma_start3A_272 = tpu.memref_squeeze %dma_start3A_271 : memref<1x32xi32, #tpu.memory_space<vmem>> -> memref<32xi32, #tpu.memory_space<vmem>>
    %dma_start3A_273 = arith.constant 0 : i32
    %dma_start3A_274 = arith.constant 0 : i32
    %dma_start3A_275 = tpu.memref_slice %arg6[%dma_start3A_273, %dma_start3A_274] : memref<100000x128xf32, #tpu.memory_space<hbm>> -> memref<100000x128xf32, #tpu.memory_space<hbm>>
    tpu.enqueue_indirect_dma source(%dma_start3A_275 : memref<100000x128xf32, #tpu.memory_space<hbm>>) target(%dma_start3A_269 : memref<32x128xf32, #tpu.memory_space<vmem>>) offsets(%dma_start3A_272 : memref<32xi32, #tpu.memory_space<vmem>>) semaphore(%arg17 : memref<!tpu.dma_semaphore, #tpu.memory_space<semaphore_mem>>)
    %eq3A = arith.constant 0 : i32
    %eq3A_276 = arith.cmpi eq, %arg1, %eq3A : i32
    %convert_element_type3A = arith.extui %eq3A_276 : i1 to i32
    %cond3A = arith.constant 0 : i32
    %cond3A_277 = arith.cmpi ne, %convert_element_type3A, %cond3A : i32
    scf.if %cond3A_277 {
      "tpu.region"() ({
        %run_scoped3A = tpu.sem_alloc : memref<!tpu.dma_semaphore, #tpu.memory_space<semaphore_mem>>
        tpu.enqueue_dma source(%arg7 : memref<128000xbf16, #tpu.memory_space<hbm>>) target(%arg14 : memref<128000xbf16, #tpu.memory_space<vmem_shared>>) target_semaphore(%run_scoped3A : memref<!tpu.dma_semaphore, #tpu.memory_space<semaphore_mem>>)
        tpu.wait_dma2 semaphore(%run_scoped3A : memref<!tpu.dma_semaphore, #tpu.memory_space<semaphore_mem>>) src(%arg7 : memref<128000xbf16, #tpu.memory_space<hbm>>) dst(%arg14 : memref<128000xbf16, #tpu.memory_space<vmem_shared>>)
        tpu.yield
      }) : () -> ()
    } else {
    }
    %barrier3A = arith.constant 0 : index
    tpu.barrier barrier_id(%barrier3A)
    "tpu.region"() ({
      %run_scoped3A = tpu.sem_alloc : memref<!tpu.dma_semaphore, #tpu.memory_space<semaphore_mem>>
      tpu.enqueue_dma source(%arg14 : memref<128000xbf16, #tpu.memory_space<vmem_shared>>) target(%arg13 : memref<128000xbf16, #tpu.memory_space<vmem>>) target_semaphore(%run_scoped3A : memref<!tpu.dma_semaphore, #tpu.memory_space<semaphore_mem>>)
      tpu.wait_dma2 semaphore(%run_scoped3A : memref<!tpu.dma_semaphore, #tpu.memory_space<semaphore_mem>>) src(%arg14 : memref<128000xbf16, #tpu.memory_space<vmem_shared>>) dst(%arg13 : memref<128000xbf16, #tpu.memory_space<vmem>>)
      tpu.yield
    }) : () -> ()
    %iota3A = tpu.iota {dimensions = array<i32: 0>} : vector<16xi32>
    %scan3A = arith.constant 0 : i32
    %scan3A_278 = arith.constant 0 : i32
    %scan3A_279 = arith.constant 8 : i32
    %scan3A_280 = arith.addi %scan3A_278, %scan3A_279 : i32
    %scan3A_281 = arith.constant 1 : i32
    scf.for %scan3A_283 = %scan3A_278 to %scan3A_280 step %scan3A_281  : i32 {
      %mul3A_284 = arith.constant 2 : i32
      %mul3A_285 = arith.muli %scan3A_283, %mul3A_284 : i32
      %add3A_286 = arith.constant 0 : i32
      %add3A_287 = arith.addi %mul3A_285, %add3A_286 : i32
      %dma_wait3A = arith.constant 0 : i32
      %dma_wait3A_288 = arith.constant 0 : i32
      %dma_wait3A_289 = arith.constant 0 : i32
      %dma_wait3A_290 = arith.constant 0 : i32
      %dma_wait3A_291 = arith.constant 0 : i32
      %dma_wait3A_292 = tpu.memref_slice %arg12[%dma_wait3A_288, %dma_wait3A_289, %dma_wait3A_290, %dma_wait3A_291] : memref<2x4x32x128xf32, #tpu.memory_space<vmem>> -> memref<1x1x32x128xf32, #tpu.memory_space<vmem>>
      %dma_wait3A_293 = tpu.memref_squeeze %dma_wait3A_292 : memref<1x1x32x128xf32, #tpu.memory_space<vmem>> -> memref<32x128xf32, #tpu.memory_space<vmem>>
      %dma_wait3A_294 = arith.constant 0 : i32
      %dma_wait3A_295 = tpu.memref_slice %arg9[%dma_wait3A, %dma_wait3A_294] : memref<16x32xi32, #tpu.memory_space<vmem>> -> memref<1x32xi32, #tpu.memory_space<vmem>>
      %dma_wait3A_296 = tpu.memref_squeeze %dma_wait3A_295 : memref<1x32xi32, #tpu.memory_space<vmem>> -> memref<32xi32, #tpu.memory_space<vmem>>
      %dma_wait3A_297 = arith.constant 0 : i32
      %dma_wait3A_298 = arith.constant 0 : i32
      %dma_wait3A_299 = tpu.memref_slice %arg5[%dma_wait3A_297, %dma_wait3A_298] : memref<100000x128xf32, #tpu.memory_space<hbm>> -> memref<100000x128xf32, #tpu.memory_space<hbm>>
      tpu.wait_indirect_dma semaphore(%arg17 : memref<!tpu.dma_semaphore, #tpu.memory_space<semaphore_mem>>) src(%dma_wait3A_299 : memref<100000x128xf32, #tpu.memory_space<hbm>>) dst(%dma_wait3A_293 : memref<32x128xf32, #tpu.memory_space<vmem>>)
      %dma_wait3A_300 = arith.constant 0 : i32
      %dma_wait3A_301 = arith.constant 0 : i32
      %dma_wait3A_302 = arith.constant 1 : i32
      %dma_wait3A_303 = arith.constant 0 : i32
      %dma_wait3A_304 = arith.constant 0 : i32
      %dma_wait3A_305 = tpu.memref_slice %arg12[%dma_wait3A_301, %dma_wait3A_302, %dma_wait3A_303, %dma_wait3A_304] : memref<2x4x32x128xf32, #tpu.memory_space<vmem>> -> memref<1x1x32x128xf32, #tpu.memory_space<vmem>>
      %dma_wait3A_306 = tpu.memref_squeeze %dma_wait3A_305 : memref<1x1x32x128xf32, #tpu.memory_space<vmem>> -> memref<32x128xf32, #tpu.memory_space<vmem>>
      %dma_wait3A_307 = arith.constant 0 : i32
      %dma_wait3A_308 = tpu.memref_slice %arg9[%dma_wait3A_300, %dma_wait3A_307] : memref<16x32xi32, #tpu.memory_space<vmem>> -> memref<1x32xi32, #tpu.memory_space<vmem>>
      %dma_wait3A_309 = tpu.memref_squeeze %dma_wait3A_308 : memref<1x32xi32, #tpu.memory_space<vmem>> -> memref<32xi32, #tpu.memory_space<vmem>>
      %dma_wait3A_310 = arith.constant 0 : i32
      %dma_wait3A_311 = arith.constant 0 : i32
      %dma_wait3A_312 = tpu.memref_slice %arg5[%dma_wait3A_310, %dma_wait3A_311] : memref<100000x128xf32, #tpu.memory_space<hbm>> -> memref<100000x128xf32, #tpu.memory_space<hbm>>
      tpu.wait_indirect_dma semaphore(%arg17 : memref<!tpu.dma_semaphore, #tpu.memory_space<semaphore_mem>>) src(%dma_wait3A_312 : memref<100000x128xf32, #tpu.memory_space<hbm>>) dst(%dma_wait3A_306 : memref<32x128xf32, #tpu.memory_space<vmem>>)
      %dma_wait3A_313 = arith.constant 0 : i32
      %dma_wait3A_314 = arith.constant 0 : i32
      %dma_wait3A_315 = arith.constant 2 : i32
      %dma_wait3A_316 = arith.constant 0 : i32
      %dma_wait3A_317 = arith.constant 0 : i32
      %dma_wait3A_318 = tpu.memref_slice %arg12[%dma_wait3A_314, %dma_wait3A_315, %dma_wait3A_316, %dma_wait3A_317] : memref<2x4x32x128xf32, #tpu.memory_space<vmem>> -> memref<1x1x32x128xf32, #tpu.memory_space<vmem>>
      %dma_wait3A_319 = tpu.memref_squeeze %dma_wait3A_318 : memref<1x1x32x128xf32, #tpu.memory_space<vmem>> -> memref<32x128xf32, #tpu.memory_space<vmem>>
      %dma_wait3A_320 = arith.constant 0 : i32
      %dma_wait3A_321 = tpu.memref_slice %arg9[%dma_wait3A_313, %dma_wait3A_320] : memref<16x32xi32, #tpu.memory_space<vmem>> -> memref<1x32xi32, #tpu.memory_space<vmem>>
      %dma_wait3A_322 = tpu.memref_squeeze %dma_wait3A_321 : memref<1x32xi32, #tpu.memory_space<vmem>> -> memref<32xi32, #tpu.memory_space<vmem>>
      %dma_wait3A_323 = arith.constant 0 : i32
      %dma_wait3A_324 = arith.constant 0 : i32
      %dma_wait3A_325 = tpu.memref_slice %arg5[%dma_wait3A_323, %dma_wait3A_324] : memref<100000x128xf32, #tpu.memory_space<hbm>> -> memref<100000x128xf32, #tpu.memory_space<hbm>>
      tpu.wait_indirect_dma semaphore(%arg17 : memref<!tpu.dma_semaphore, #tpu.memory_space<semaphore_mem>>) src(%dma_wait3A_325 : memref<100000x128xf32, #tpu.memory_space<hbm>>) dst(%dma_wait3A_319 : memref<32x128xf32, #tpu.memory_space<vmem>>)
      %dma_wait3A_326 = arith.constant 0 : i32
      %dma_wait3A_327 = arith.constant 0 : i32
      %dma_wait3A_328 = arith.constant 3 : i32
      %dma_wait3A_329 = arith.constant 0 : i32
      %dma_wait3A_330 = arith.constant 0 : i32
      %dma_wait3A_331 = tpu.memref_slice %arg12[%dma_wait3A_327, %dma_wait3A_328, %dma_wait3A_329, %dma_wait3A_330] : memref<2x4x32x128xf32, #tpu.memory_space<vmem>> -> memref<1x1x32x128xf32, #tpu.memory_space<vmem>>
      %dma_wait3A_332 = tpu.memref_squeeze %dma_wait3A_331 : memref<1x1x32x128xf32, #tpu.memory_space<vmem>> -> memref<32x128xf32, #tpu.memory_space<vmem>>
      %dma_wait3A_333 = arith.constant 0 : i32
      %dma_wait3A_334 = tpu.memref_slice %arg9[%dma_wait3A_326, %dma_wait3A_333] : memref<16x32xi32, #tpu.memory_space<vmem>> -> memref<1x32xi32, #tpu.memory_space<vmem>>
      %dma_wait3A_335 = tpu.memref_squeeze %dma_wait3A_334 : memref<1x32xi32, #tpu.memory_space<vmem>> -> memref<32xi32, #tpu.memory_space<vmem>>
      %dma_wait3A_336 = arith.constant 0 : i32
      %dma_wait3A_337 = arith.constant 0 : i32
      %dma_wait3A_338 = tpu.memref_slice %arg5[%dma_wait3A_336, %dma_wait3A_337] : memref<100000x128xf32, #tpu.memory_space<hbm>> -> memref<100000x128xf32, #tpu.memory_space<hbm>>
      tpu.wait_indirect_dma semaphore(%arg17 : memref<!tpu.dma_semaphore, #tpu.memory_space<semaphore_mem>>) src(%dma_wait3A_338 : memref<100000x128xf32, #tpu.memory_space<hbm>>) dst(%dma_wait3A_332 : memref<32x128xf32, #tpu.memory_space<vmem>>)
      %add3A_339 = arith.constant 1 : i32
      %add3A_340 = arith.addi %add3A_287, %add3A_339 : i32
      %lt3A = arith.constant 16 : i32
      %lt3A_341 = arith.cmpi slt, %add3A_340, %lt3A : i32
      %convert_element_type3A_342 = arith.extui %lt3A_341 : i1 to i32
      %cond3A_343 = arith.constant 0 : i32
      %cond3A_344 = arith.cmpi ne, %convert_element_type3A_342, %cond3A_343 : i32
      scf.if %cond3A_344 {
        %add3A_636 = arith.constant 1 : i32
        %add3A_637 = arith.addi %add3A_287, %add3A_636 : i32
        %dma_start3A_638 = arith.constant 1 : i32
        %dma_start3A_639 = arith.constant 0 : i32
        %dma_start3A_640 = arith.constant 0 : i32
        %dma_start3A_641 = arith.constant 0 : i32
        %dma_start3A_642 = tpu.memref_slice %arg12[%dma_start3A_638, %dma_start3A_639, %dma_start3A_640, %dma_start3A_641] : memref<2x4x32x128xf32, #tpu.memory_space<vmem>> -> memref<1x1x32x128xf32, #tpu.memory_space<vmem>>
        %dma_start3A_643 = tpu.memref_squeeze %dma_start3A_642 : memref<1x1x32x128xf32, #tpu.memory_space<vmem>> -> memref<32x128xf32, #tpu.memory_space<vmem>>
        %dma_start3A_644 = arith.constant 0 : i32
        %dma_start3A_645 = tpu.memref_slice %arg9[%add3A_637, %dma_start3A_644] : memref<16x32xi32, #tpu.memory_space<vmem>> -> memref<1x32xi32, #tpu.memory_space<vmem>>
        %dma_start3A_646 = tpu.memref_squeeze %dma_start3A_645 : memref<1x32xi32, #tpu.memory_space<vmem>> -> memref<32xi32, #tpu.memory_space<vmem>>
        %dma_start3A_647 = arith.constant 0 : i32
        %dma_start3A_648 = arith.constant 0 : i32
        %dma_start3A_649 = tpu.memref_slice %arg5[%dma_start3A_647, %dma_start3A_648] : memref<100000x128xf32, #tpu.memory_space<hbm>> -> memref<100000x128xf32, #tpu.memory_space<hbm>>
        tpu.enqueue_indirect_dma source(%dma_start3A_649 : memref<100000x128xf32, #tpu.memory_space<hbm>>) target(%dma_start3A_643 : memref<32x128xf32, #tpu.memory_space<vmem>>) offsets(%dma_start3A_646 : memref<32xi32, #tpu.memory_space<vmem>>) semaphore(%arg18 : memref<!tpu.dma_semaphore, #tpu.memory_space<semaphore_mem>>)
        %dma_start3A_650 = arith.constant 1 : i32
        %dma_start3A_651 = arith.constant 1 : i32
        %dma_start3A_652 = arith.constant 0 : i32
        %dma_start3A_653 = arith.constant 0 : i32
        %dma_start3A_654 = tpu.memref_slice %arg12[%dma_start3A_650, %dma_start3A_651, %dma_start3A_652, %dma_start3A_653] : memref<2x4x32x128xf32, #tpu.memory_space<vmem>> -> memref<1x1x32x128xf32, #tpu.memory_space<vmem>>
        %dma_start3A_655 = tpu.memref_squeeze %dma_start3A_654 : memref<1x1x32x128xf32, #tpu.memory_space<vmem>> -> memref<32x128xf32, #tpu.memory_space<vmem>>
        %dma_start3A_656 = arith.constant 0 : i32
        %dma_start3A_657 = tpu.memref_slice %arg9[%add3A_637, %dma_start3A_656] : memref<16x32xi32, #tpu.memory_space<vmem>> -> memref<1x32xi32, #tpu.memory_space<vmem>>
        %dma_start3A_658 = tpu.memref_squeeze %dma_start3A_657 : memref<1x32xi32, #tpu.memory_space<vmem>> -> memref<32xi32, #tpu.memory_space<vmem>>
        %dma_start3A_659 = arith.constant 0 : i32
        %dma_start3A_660 = arith.constant 0 : i32
        %dma_start3A_661 = tpu.memref_slice %arg6[%dma_start3A_659, %dma_start3A_660] : memref<100000x128xf32, #tpu.memory_space<hbm>> -> memref<100000x128xf32, #tpu.memory_space<hbm>>
        tpu.enqueue_indirect_dma source(%dma_start3A_661 : memref<100000x128xf32, #tpu.memory_space<hbm>>) target(%dma_start3A_655 : memref<32x128xf32, #tpu.memory_space<vmem>>) offsets(%dma_start3A_658 : memref<32xi32, #tpu.memory_space<vmem>>) semaphore(%arg18 : memref<!tpu.dma_semaphore, #tpu.memory_space<semaphore_mem>>)
        %dma_start3A_662 = arith.constant 1 : i32
        %dma_start3A_663 = arith.constant 2 : i32
        %dma_start3A_664 = arith.constant 0 : i32
        %dma_start3A_665 = arith.constant 0 : i32
        %dma_start3A_666 = tpu.memref_slice %arg12[%dma_start3A_662, %dma_start3A_663, %dma_start3A_664, %dma_start3A_665] : memref<2x4x32x128xf32, #tpu.memory_space<vmem>> -> memref<1x1x32x128xf32, #tpu.memory_space<vmem>>
        %dma_start3A_667 = tpu.memref_squeeze %dma_start3A_666 : memref<1x1x32x128xf32, #tpu.memory_space<vmem>> -> memref<32x128xf32, #tpu.memory_space<vmem>>
        %dma_start3A_668 = arith.constant 0 : i32
        %dma_start3A_669 = tpu.memref_slice %arg11[%add3A_637, %dma_start3A_668] : memref<16x32xi32, #tpu.memory_space<vmem>> -> memref<1x32xi32, #tpu.memory_space<vmem>>
        %dma_start3A_670 = tpu.memref_squeeze %dma_start3A_669 : memref<1x32xi32, #tpu.memory_space<vmem>> -> memref<32xi32, #tpu.memory_space<vmem>>
        %dma_start3A_671 = arith.constant 0 : i32
        %dma_start3A_672 = arith.constant 0 : i32
        %dma_start3A_673 = tpu.memref_slice %arg5[%dma_start3A_671, %dma_start3A_672] : memref<100000x128xf32, #tpu.memory_space<hbm>> -> memref<100000x128xf32, #tpu.memory_space<hbm>>
        tpu.enqueue_indirect_dma source(%dma_start3A_673 : memref<100000x128xf32, #tpu.memory_space<hbm>>) target(%dma_start3A_667 : memref<32x128xf32, #tpu.memory_space<vmem>>) offsets(%dma_start3A_670 : memref<32xi32, #tpu.memory_space<vmem>>) semaphore(%arg18 : memref<!tpu.dma_semaphore, #tpu.memory_space<semaphore_mem>>)
        %dma_start3A_674 = arith.constant 1 : i32
        %dma_start3A_675 = arith.constant 3 : i32
        %dma_start3A_676 = arith.constant 0 : i32
        %dma_start3A_677 = arith.constant 0 : i32
        %dma_start3A_678 = tpu.memref_slice %arg12[%dma_start3A_674, %dma_start3A_675, %dma_start3A_676, %dma_start3A_677] : memref<2x4x32x128xf32, #tpu.memory_space<vmem>> -> memref<1x1x32x128xf32, #tpu.memory_space<vmem>>
        %dma_start3A_679 = tpu.memref_squeeze %dma_start3A_678 : memref<1x1x32x128xf32, #tpu.memory_space<vmem>> -> memref<32x128xf32, #tpu.memory_space<vmem>>
        %dma_start3A_680 = arith.constant 0 : i32
        %dma_start3A_681 = tpu.memref_slice %arg11[%add3A_637, %dma_start3A_680] : memref<16x32xi32, #tpu.memory_space<vmem>> -> memref<1x32xi32, #tpu.memory_space<vmem>>
        %dma_start3A_682 = tpu.memref_squeeze %dma_start3A_681 : memref<1x32xi32, #tpu.memory_space<vmem>> -> memref<32xi32, #tpu.memory_space<vmem>>
        %dma_start3A_683 = arith.constant 0 : i32
        %dma_start3A_684 = arith.constant 0 : i32
        %dma_start3A_685 = tpu.memref_slice %arg6[%dma_start3A_683, %dma_start3A_684] : memref<100000x128xf32, #tpu.memory_space<hbm>> -> memref<100000x128xf32, #tpu.memory_space<hbm>>
        tpu.enqueue_indirect_dma source(%dma_start3A_685 : memref<100000x128xf32, #tpu.memory_space<hbm>>) target(%dma_start3A_679 : memref<32x128xf32, #tpu.memory_space<vmem>>) offsets(%dma_start3A_682 : memref<32xi32, #tpu.memory_space<vmem>>) semaphore(%arg18 : memref<!tpu.dma_semaphore, #tpu.memory_space<semaphore_mem>>)
      } else {
      }
      %parallel_loop3A = arith.constant 0 : i32
      %parallel_loop3A_345 = arith.constant 32 : i32
      %parallel_loop3A_346 = arith.constant 1 : i32
      scf.for %parallel_loop3A_636 = %parallel_loop3A to %parallel_loop3A_345 step %parallel_loop3A_346  : i32 {
        %parallel_loop3A_637 = arith.constant 32 : i32
        %parallel_loop3A_638 = arith.muli %add3A_287, %parallel_loop3A_637 : i32
        %parallel_loop3A_639 = arith.addi %parallel_loop3A_638, %parallel_loop3A_636 : i32
        %parallel_loop3A_640 = arith.index_cast %parallel_loop3A_639 : i32 to index
        %parallel_loop3A_641 = tpu.vector_load %arg10[%parallel_loop3A_640] {strides = array<i32>} : memref<528xi32, #tpu.memory_space<vmem>>, vector<16xi32>,
        %parallel_loop3A_642 = vector.extract_strided_slice %parallel_loop3A_641 {offsets = [0], sizes = [1], strides = [1]} : vector<16xi32> to vector<1xi32>
        %parallel_loop3A_643 = vector.extract %parallel_loop3A_642[0] : i32 from vector<1xi32>
        %parallel_loop3A_644 = arith.constant 0.000000e+00 : f32
        %parallel_loop3A_645 = vector.broadcast %parallel_loop3A_644 : f32 to vector<16xf32>
        %parallel_loop3A_646 = arith.constant 0 : i32
        %parallel_loop3A_647 = arith.addi %parallel_loop3A_643, %parallel_loop3A_646 : i32
        %parallel_loop3A_648 = arith.index_cast %parallel_loop3A_647 : i32 to index
        %parallel_loop3A_649 = tpu.vector_load %arg13[%parallel_loop3A_648] {strides = array<i32>} : memref<128000xbf16, #tpu.memory_space<vmem>>, vector<32xbf16>,
        %parallel_loop3A_650 = tpu.unpack_subelements %parallel_loop3A_649, 0 {pack_format = #tpu.pack_format<interleaved>} : vector<32xbf16> -> vector<16xf32>
        %parallel_loop3A_651 = tpu.unpack_subelements %parallel_loop3A_649, 1 {pack_format = #tpu.pack_format<interleaved>} : vector<32xbf16> -> vector<16xf32>
        %parallel_loop3A_652 = arith.constant 0 : i32
        %parallel_loop3A_653 = arith.constant 0 : i32
        %parallel_loop3A_654 = arith.index_cast %parallel_loop3A_652 : i32 to index
        %parallel_loop3A_655 = arith.index_cast %parallel_loop3A_653 : i32 to index
        %parallel_loop3A_656 = arith.index_cast %parallel_loop3A_636 : i32 to index
        %parallel_loop3A_657 = arith.constant 0 : index
        %parallel_loop3A_658 = tpu.vector_load %arg12[%parallel_loop3A_654, %parallel_loop3A_655, %parallel_loop3A_656, %parallel_loop3A_657] {strides = array<i32>} : memref<2x4x32x128xf32, #tpu.memory_space<vmem>>, vector<16xf32>,
        %parallel_loop3A_659 = arith.constant 0 : i32
        %parallel_loop3A_660 = arith.constant 1 : i32
        %parallel_loop3A_661 = arith.index_cast %parallel_loop3A_659 : i32 to index
        %parallel_loop3A_662 = arith.index_cast %parallel_loop3A_660 : i32 to index
        %parallel_loop3A_663 = arith.index_cast %parallel_loop3A_636 : i32 to index
        %parallel_loop3A_664 = arith.constant 0 : index
        %parallel_loop3A_665 = tpu.vector_load %arg12[%parallel_loop3A_661, %parallel_loop3A_662, %parallel_loop3A_663, %parallel_loop3A_664] {strides = array<i32>} : memref<2x4x32x128xf32, #tpu.memory_space<vmem>>, vector<16xf32>,
        %parallel_loop3A_666 = arith.mulf %parallel_loop3A_658, %parallel_loop3A_650 : vector<16xf32>
        %parallel_loop3A_667 = arith.mulf %parallel_loop3A_665, %parallel_loop3A_651 : vector<16xf32>
        %parallel_loop3A_668 = arith.subf %parallel_loop3A_666, %parallel_loop3A_667 : vector<16xf32>
        %parallel_loop3A_669 = arith.constant 0 : i32
        %parallel_loop3A_670 = arith.constant 2 : i32
        %parallel_loop3A_671 = arith.index_cast %parallel_loop3A_669 : i32 to index
        %parallel_loop3A_672 = arith.index_cast %parallel_loop3A_670 : i32 to index
        %parallel_loop3A_673 = arith.index_cast %parallel_loop3A_636 : i32 to index
        %parallel_loop3A_674 = arith.constant 0 : index
        %parallel_loop3A_675 = tpu.vector_load %arg12[%parallel_loop3A_671, %parallel_loop3A_672, %parallel_loop3A_673, %parallel_loop3A_674] {strides = array<i32>} : memref<2x4x32x128xf32, #tpu.memory_space<vmem>>, vector<16xf32>,
        %parallel_loop3A_676 = arith.subf %parallel_loop3A_668, %parallel_loop3A_675 : vector<16xf32>
        %parallel_loop3A_677 = arith.mulf %parallel_loop3A_658, %parallel_loop3A_651 : vector<16xf32>
        %parallel_loop3A_678 = arith.mulf %parallel_loop3A_665, %parallel_loop3A_650 : vector<16xf32>
        %parallel_loop3A_679 = arith.addf %parallel_loop3A_677, %parallel_loop3A_678 : vector<16xf32>
        %parallel_loop3A_680 = arith.constant 0 : i32
        %parallel_loop3A_681 = arith.constant 3 : i32
        %parallel_loop3A_682 = arith.index_cast %parallel_loop3A_680 : i32 to index
        %parallel_loop3A_683 = arith.index_cast %parallel_loop3A_681 : i32 to index
        %parallel_loop3A_684 = arith.index_cast %parallel_loop3A_636 : i32 to index
        %parallel_loop3A_685 = arith.constant 0 : index
        %parallel_loop3A_686 = tpu.vector_load %arg12[%parallel_loop3A_682, %parallel_loop3A_683, %parallel_loop3A_684, %parallel_loop3A_685] {strides = array<i32>} : memref<2x4x32x128xf32, #tpu.memory_space<vmem>>, vector<16xf32>,
        %parallel_loop3A_687 = arith.subf %parallel_loop3A_679, %parallel_loop3A_686 : vector<16xf32>
        %parallel_loop3A_688 = arith.mulf %parallel_loop3A_676, %parallel_loop3A_676 : vector<16xf32>
        %parallel_loop3A_689 = arith.mulf %parallel_loop3A_687, %parallel_loop3A_687 : vector<16xf32>
        %parallel_loop3A_690 = arith.addf %parallel_loop3A_688, %parallel_loop3A_689 : vector<16xf32>
        %parallel_loop3A_691 = tpu.bitcast %parallel_loop3A_690 : vector<16xf32> -> vector<16xi32>
        %parallel_loop3A_692 = arith.constant 1 : i32
        %parallel_loop3A_693 = vector.broadcast %parallel_loop3A_692 : i32 to vector<16xi32>
        %parallel_loop3A_694 = arith.shrsi %parallel_loop3A_691, %parallel_loop3A_693 : vector<16xi32>
        %parallel_loop3A_695 = arith.constant 1597463007 : i32
        %parallel_loop3A_696 = vector.broadcast %parallel_loop3A_695 : i32 to vector<16xi32>
        %parallel_loop3A_697 = arith.subi %parallel_loop3A_696, %parallel_loop3A_694 : vector<16xi32>
        %parallel_loop3A_698 = tpu.bitcast %parallel_loop3A_697 : vector<16xi32> -> vector<16xf32>
        %parallel_loop3A_699 = arith.constant 5.000000e-01 : f32
        %parallel_loop3A_700 = vector.broadcast %parallel_loop3A_699 : f32 to vector<16xf32>
        %parallel_loop3A_701 = arith.mulf %parallel_loop3A_700, %parallel_loop3A_690 : vector<16xf32>
        %parallel_loop3A_702 = arith.mulf %parallel_loop3A_701, %parallel_loop3A_698 : vector<16xf32>
        %parallel_loop3A_703 = arith.mulf %parallel_loop3A_702, %parallel_loop3A_698 : vector<16xf32>
        %parallel_loop3A_704 = arith.constant 1.500000e+00 : f32
        %parallel_loop3A_705 = vector.broadcast %parallel_loop3A_704 : f32 to vector<16xf32>
        %parallel_loop3A_706 = arith.subf %parallel_loop3A_705, %parallel_loop3A_703 : vector<16xf32>
        %parallel_loop3A_707 = arith.mulf %parallel_loop3A_698, %parallel_loop3A_706 : vector<16xf32>
        %parallel_loop3A_708 = arith.mulf %parallel_loop3A_690, %parallel_loop3A_707 : vector<16xf32>
        %parallel_loop3A_709 = arith.addf %parallel_loop3A_645, %parallel_loop3A_708 : vector<16xf32>
        %parallel_loop3A_710 = arith.constant 16 : i32
        %parallel_loop3A_711 = arith.addi %parallel_loop3A_643, %parallel_loop3A_710 : i32
        %parallel_loop3A_712 = arith.index_cast %parallel_loop3A_711 : i32 to index
        %parallel_loop3A_713 = tpu.vector_load %arg13[%parallel_loop3A_712] {strides = array<i32>} : memref<128000xbf16, #tpu.memory_space<vmem>>, vector<32xbf16>,
        %parallel_loop3A_714 = tpu.unpack_subelements %parallel_loop3A_713, 0 {pack_format = #tpu.pack_format<interleaved>} : vector<32xbf16> -> vector<16xf32>
        %parallel_loop3A_715 = tpu.unpack_subelements %parallel_loop3A_713, 1 {pack_format = #tpu.pack_format<interleaved>} : vector<32xbf16> -> vector<16xf32>
        %parallel_loop3A_716 = arith.constant 0 : i32
        %parallel_loop3A_717 = arith.constant 0 : i32
        %parallel_loop3A_718 = arith.index_cast %parallel_loop3A_716 : i32 to index
        %parallel_loop3A_719 = arith.index_cast %parallel_loop3A_717 : i32 to index
        %parallel_loop3A_720 = arith.index_cast %parallel_loop3A_636 : i32 to index
        %parallel_loop3A_721 = arith.constant 16 : index
        %parallel_loop3A_722 = tpu.vector_load %arg12[%parallel_loop3A_718, %parallel_loop3A_719, %parallel_loop3A_720, %parallel_loop3A_721] {strides = array<i32>} : memref<2x4x32x128xf32, #tpu.memory_space<vmem>>, vector<16xf32>,
        %parallel_loop3A_723 = arith.constant 0 : i32
        %parallel_loop3A_724 = arith.constant 1 : i32
        %parallel_loop3A_725 = arith.index_cast %parallel_loop3A_723 : i32 to index
        %parallel_loop3A_726 = arith.index_cast %parallel_loop3A_724 : i32 to index
        %parallel_loop3A_727 = arith.index_cast %parallel_loop3A_636 : i32 to index
        %parallel_loop3A_728 = arith.constant 16 : index
        %parallel_loop3A_729 = tpu.vector_load %arg12[%parallel_loop3A_725, %parallel_loop3A_726, %parallel_loop3A_727, %parallel_loop3A_728] {strides = array<i32>} : memref<2x4x32x128xf32, #tpu.memory_space<vmem>>, vector<16xf32>,
        %parallel_loop3A_730 = arith.mulf %parallel_loop3A_722, %parallel_loop3A_714 : vector<16xf32>
        %parallel_loop3A_731 = arith.mulf %parallel_loop3A_729, %parallel_loop3A_715 : vector<16xf32>
        %parallel_loop3A_732 = arith.subf %parallel_loop3A_730, %parallel_loop3A_731 : vector<16xf32>
        %parallel_loop3A_733 = arith.constant 0 : i32
        %parallel_loop3A_734 = arith.constant 2 : i32
        %parallel_loop3A_735 = arith.index_cast %parallel_loop3A_733 : i32 to index
        %parallel_loop3A_736 = arith.index_cast %parallel_loop3A_734 : i32 to index
        %parallel_loop3A_737 = arith.index_cast %parallel_loop3A_636 : i32 to index
        %parallel_loop3A_738 = arith.constant 16 : index
        %parallel_loop3A_739 = tpu.vector_load %arg12[%parallel_loop3A_735, %parallel_loop3A_736, %parallel_loop3A_737, %parallel_loop3A_738] {strides = array<i32>} : memref<2x4x32x128xf32, #tpu.memory_space<vmem>>, vector<16xf32>,
        %parallel_loop3A_740 = arith.subf %parallel_loop3A_732, %parallel_loop3A_739 : vector<16xf32>
        %parallel_loop3A_741 = arith.mulf %parallel_loop3A_722, %parallel_loop3A_715 : vector<16xf32>
        %parallel_loop3A_742 = arith.mulf %parallel_loop3A_729, %parallel_loop3A_714 : vector<16xf32>
        %parallel_loop3A_743 = arith.addf %parallel_loop3A_741, %parallel_loop3A_742 : vector<16xf32>
        %parallel_loop3A_744 = arith.constant 0 : i32
        %parallel_loop3A_745 = arith.constant 3 : i32
        %parallel_loop3A_746 = arith.index_cast %parallel_loop3A_744 : i32 to index
        %parallel_loop3A_747 = arith.index_cast %parallel_loop3A_745 : i32 to index
        %parallel_loop3A_748 = arith.index_cast %parallel_loop3A_636 : i32 to index
        %parallel_loop3A_749 = arith.constant 16 : index
        %parallel_loop3A_750 = tpu.vector_load %arg12[%parallel_loop3A_746, %parallel_loop3A_747, %parallel_loop3A_748, %parallel_loop3A_749] {strides = array<i32>} : memref<2x4x32x128xf32, #tpu.memory_space<vmem>>, vector<16xf32>,
        %parallel_loop3A_751 = arith.subf %parallel_loop3A_743, %parallel_loop3A_750 : vector<16xf32>
        %parallel_loop3A_752 = arith.mulf %parallel_loop3A_740, %parallel_loop3A_740 : vector<16xf32>
        %parallel_loop3A_753 = arith.mulf %parallel_loop3A_751, %parallel_loop3A_751 : vector<16xf32>
        %parallel_loop3A_754 = arith.addf %parallel_loop3A_752, %parallel_loop3A_753 : vector<16xf32>
        %parallel_loop3A_755 = tpu.bitcast %parallel_loop3A_754 : vector<16xf32> -> vector<16xi32>
        %parallel_loop3A_756 = arith.constant 1 : i32
        %parallel_loop3A_757 = vector.broadcast %parallel_loop3A_756 : i32 to vector<16xi32>
        %parallel_loop3A_758 = arith.shrsi %parallel_loop3A_755, %parallel_loop3A_757 : vector<16xi32>
        %parallel_loop3A_759 = arith.constant 1597463007 : i32
        %parallel_loop3A_760 = vector.broadcast %parallel_loop3A_759 : i32 to vector<16xi32>
        %parallel_loop3A_761 = arith.subi %parallel_loop3A_760, %parallel_loop3A_758 : vector<16xi32>
        %parallel_loop3A_762 = tpu.bitcast %parallel_loop3A_761 : vector<16xi32> -> vector<16xf32>
        %parallel_loop3A_763 = arith.constant 5.000000e-01 : f32
        %parallel_loop3A_764 = vector.broadcast %parallel_loop3A_763 : f32 to vector<16xf32>
        %parallel_loop3A_765 = arith.mulf %parallel_loop3A_764, %parallel_loop3A_754 : vector<16xf32>
        %parallel_loop3A_766 = arith.mulf %parallel_loop3A_765, %parallel_loop3A_762 : vector<16xf32>
        %parallel_loop3A_767 = arith.mulf %parallel_loop3A_766, %parallel_loop3A_762 : vector<16xf32>
        %parallel_loop3A_768 = arith.constant 1.500000e+00 : f32
        %parallel_loop3A_769 = vector.broadcast %parallel_loop3A_768 : f32 to vector<16xf32>
        %parallel_loop3A_770 = arith.subf %parallel_loop3A_769, %parallel_loop3A_767 : vector<16xf32>
        %parallel_loop3A_771 = arith.mulf %parallel_loop3A_762, %parallel_loop3A_770 : vector<16xf32>
        %parallel_loop3A_772 = arith.mulf %parallel_loop3A_754, %parallel_loop3A_771 : vector<16xf32>
        %parallel_loop3A_773 = arith.addf %parallel_loop3A_709, %parallel_loop3A_772 : vector<16xf32>
        %parallel_loop3A_774 = arith.constant 32 : i32
        %parallel_loop3A_775 = arith.addi %parallel_loop3A_643, %parallel_loop3A_774 : i32
        %parallel_loop3A_776 = arith.index_cast %parallel_loop3A_775 : i32 to index
        %parallel_loop3A_777 = tpu.vector_load %arg13[%parallel_loop3A_776] {strides = array<i32>} : memref<128000xbf16, #tpu.memory_space<vmem>>, vector<32xbf16>,
        %parallel_loop3A_778 = tpu.unpack_subelements %parallel_loop3A_777, 0 {pack_format = #tpu.pack_format<interleaved>} : vector<32xbf16> -> vector<16xf32>
        %parallel_loop3A_779 = tpu.unpack_subelements %parallel_loop3A_777, 1 {pack_format = #tpu.pack_format<interleaved>} : vector<32xbf16> -> vector<16xf32>
        %parallel_loop3A_780 = arith.constant 0 : i32
        %parallel_loop3A_781 = arith.constant 0 : i32
        %parallel_loop3A_782 = arith.index_cast %parallel_loop3A_780 : i32 to index
        %parallel_loop3A_783 = arith.index_cast %parallel_loop3A_781 : i32 to index
        %parallel_loop3A_784 = arith.index_cast %parallel_loop3A_636 : i32 to index
        %parallel_loop3A_785 = arith.constant 32 : index
        %parallel_loop3A_786 = tpu.vector_load %arg12[%parallel_loop3A_782, %parallel_loop3A_783, %parallel_loop3A_784, %parallel_loop3A_785] {strides = array<i32>} : memref<2x4x32x128xf32, #tpu.memory_space<vmem>>, vector<16xf32>,
        %parallel_loop3A_787 = arith.constant 0 : i32
        %parallel_loop3A_788 = arith.constant 1 : i32
        %parallel_loop3A_789 = arith.index_cast %parallel_loop3A_787 : i32 to index
        %parallel_loop3A_790 = arith.index_cast %parallel_loop3A_788 : i32 to index
        %parallel_loop3A_791 = arith.index_cast %parallel_loop3A_636 : i32 to index
        %parallel_loop3A_792 = arith.constant 32 : index
        %parallel_loop3A_793 = tpu.vector_load %arg12[%parallel_loop3A_789, %parallel_loop3A_790, %parallel_loop3A_791, %parallel_loop3A_792] {strides = array<i32>} : memref<2x4x32x128xf32, #tpu.memory_space<vmem>>, vector<16xf32>,
        %parallel_loop3A_794 = arith.mulf %parallel_loop3A_786, %parallel_loop3A_778 : vector<16xf32>
        %parallel_loop3A_795 = arith.mulf %parallel_loop3A_793, %parallel_loop3A_779 : vector<16xf32>
        %parallel_loop3A_796 = arith.subf %parallel_loop3A_794, %parallel_loop3A_795 : vector<16xf32>
        %parallel_loop3A_797 = arith.constant 0 : i32
        %parallel_loop3A_798 = arith.constant 2 : i32
        %parallel_loop3A_799 = arith.index_cast %parallel_loop3A_797 : i32 to index
        %parallel_loop3A_800 = arith.index_cast %parallel_loop3A_798 : i32 to index
        %parallel_loop3A_801 = arith.index_cast %parallel_loop3A_636 : i32 to index
        %parallel_loop3A_802 = arith.constant 32 : index
        %parallel_loop3A_803 = tpu.vector_load %arg12[%parallel_loop3A_799, %parallel_loop3A_800, %parallel_loop3A_801, %parallel_loop3A_802] {strides = array<i32>} : memref<2x4x32x128xf32, #tpu.memory_space<vmem>>, vector<16xf32>,
        %parallel_loop3A_804 = arith.subf %parallel_loop3A_796, %parallel_loop3A_803 : vector<16xf32>
        %parallel_loop3A_805 = arith.mulf %parallel_loop3A_786, %parallel_loop3A_779 : vector<16xf32>
        %parallel_loop3A_806 = arith.mulf %parallel_loop3A_793, %parallel_loop3A_778 : vector<16xf32>
        %parallel_loop3A_807 = arith.addf %parallel_loop3A_805, %parallel_loop3A_806 : vector<16xf32>
        %parallel_loop3A_808 = arith.constant 0 : i32
        %parallel_loop3A_809 = arith.constant 3 : i32
        %parallel_loop3A_810 = arith.index_cast %parallel_loop3A_808 : i32 to index
        %parallel_loop3A_811 = arith.index_cast %parallel_loop3A_809 : i32 to index
        %parallel_loop3A_812 = arith.index_cast %parallel_loop3A_636 : i32 to index
        %parallel_loop3A_813 = arith.constant 32 : index
        %parallel_loop3A_814 = tpu.vector_load %arg12[%parallel_loop3A_810, %parallel_loop3A_811, %parallel_loop3A_812, %parallel_loop3A_813] {strides = array<i32>} : memref<2x4x32x128xf32, #tpu.memory_space<vmem>>, vector<16xf32>,
        %parallel_loop3A_815 = arith.subf %parallel_loop3A_807, %parallel_loop3A_814 : vector<16xf32>
        %parallel_loop3A_816 = arith.mulf %parallel_loop3A_804, %parallel_loop3A_804 : vector<16xf32>
        %parallel_loop3A_817 = arith.mulf %parallel_loop3A_815, %parallel_loop3A_815 : vector<16xf32>
        %parallel_loop3A_818 = arith.addf %parallel_loop3A_816, %parallel_loop3A_817 : vector<16xf32>
        %parallel_loop3A_819 = tpu.bitcast %parallel_loop3A_818 : vector<16xf32> -> vector<16xi32>
        %parallel_loop3A_820 = arith.constant 1 : i32
        %parallel_loop3A_821 = vector.broadcast %parallel_loop3A_820 : i32 to vector<16xi32>
        %parallel_loop3A_822 = arith.shrsi %parallel_loop3A_819, %parallel_loop3A_821 : vector<16xi32>
        %parallel_loop3A_823 = arith.constant 1597463007 : i32
        %parallel_loop3A_824 = vector.broadcast %parallel_loop3A_823 : i32 to vector<16xi32>
        %parallel_loop3A_825 = arith.subi %parallel_loop3A_824, %parallel_loop3A_822 : vector<16xi32>
        %parallel_loop3A_826 = tpu.bitcast %parallel_loop3A_825 : vector<16xi32> -> vector<16xf32>
        %parallel_loop3A_827 = arith.constant 5.000000e-01 : f32
        %parallel_loop3A_828 = vector.broadcast %parallel_loop3A_827 : f32 to vector<16xf32>
        %parallel_loop3A_829 = arith.mulf %parallel_loop3A_828, %parallel_loop3A_818 : vector<16xf32>
        %parallel_loop3A_830 = arith.mulf %parallel_loop3A_829, %parallel_loop3A_826 : vector<16xf32>
        %parallel_loop3A_831 = arith.mulf %parallel_loop3A_830, %parallel_loop3A_826 : vector<16xf32>
        %parallel_loop3A_832 = arith.constant 1.500000e+00 : f32
        %parallel_loop3A_833 = vector.broadcast %parallel_loop3A_832 : f32 to vector<16xf32>
        %parallel_loop3A_834 = arith.subf %parallel_loop3A_833, %parallel_loop3A_831 : vector<16xf32>
        %parallel_loop3A_835 = arith.mulf %parallel_loop3A_826, %parallel_loop3A_834 : vector<16xf32>
        %parallel_loop3A_836 = arith.mulf %parallel_loop3A_818, %parallel_loop3A_835 : vector<16xf32>
        %parallel_loop3A_837 = arith.addf %parallel_loop3A_773, %parallel_loop3A_836 : vector<16xf32>
        %parallel_loop3A_838 = arith.constant 48 : i32
        %parallel_loop3A_839 = arith.addi %parallel_loop3A_643, %parallel_loop3A_838 : i32
        %parallel_loop3A_840 = arith.index_cast %parallel_loop3A_839 : i32 to index
        %parallel_loop3A_841 = tpu.vector_load %arg13[%parallel_loop3A_840] {strides = array<i32>} : memref<128000xbf16, #tpu.memory_space<vmem>>, vector<32xbf16>,
        %parallel_loop3A_842 = tpu.unpack_subelements %parallel_loop3A_841, 0 {pack_format = #tpu.pack_format<interleaved>} : vector<32xbf16> -> vector<16xf32>
        %parallel_loop3A_843 = tpu.unpack_subelements %parallel_loop3A_841, 1 {pack_format = #tpu.pack_format<interleaved>} : vector<32xbf16> -> vector<16xf32>
        %parallel_loop3A_844 = arith.constant 0 : i32
        %parallel_loop3A_845 = arith.constant 0 : i32
        %parallel_loop3A_846 = arith.index_cast %parallel_loop3A_844 : i32 to index
        %parallel_loop3A_847 = arith.index_cast %parallel_loop3A_845 : i32 to index
        %parallel_loop3A_848 = arith.index_cast %parallel_loop3A_636 : i32 to index
        %parallel_loop3A_849 = arith.constant 48 : index
        %parallel_loop3A_850 = tpu.vector_load %arg12[%parallel_loop3A_846, %parallel_loop3A_847, %parallel_loop3A_848, %parallel_loop3A_849] {strides = array<i32>} : memref<2x4x32x128xf32, #tpu.memory_space<vmem>>, vector<16xf32>,
        %parallel_loop3A_851 = arith.constant 0 : i32
        %parallel_loop3A_852 = arith.constant 1 : i32
        %parallel_loop3A_853 = arith.index_cast %parallel_loop3A_851 : i32 to index
        %parallel_loop3A_854 = arith.index_cast %parallel_loop3A_852 : i32 to index
        %parallel_loop3A_855 = arith.index_cast %parallel_loop3A_636 : i32 to index
        %parallel_loop3A_856 = arith.constant 48 : index
        %parallel_loop3A_857 = tpu.vector_load %arg12[%parallel_loop3A_853, %parallel_loop3A_854, %parallel_loop3A_855, %parallel_loop3A_856] {strides = array<i32>} : memref<2x4x32x128xf32, #tpu.memory_space<vmem>>, vector<16xf32>,
        %parallel_loop3A_858 = arith.mulf %parallel_loop3A_850, %parallel_loop3A_842 : vector<16xf32>
        %parallel_loop3A_859 = arith.mulf %parallel_loop3A_857, %parallel_loop3A_843 : vector<16xf32>
        %parallel_loop3A_860 = arith.subf %parallel_loop3A_858, %parallel_loop3A_859 : vector<16xf32>
        %parallel_loop3A_861 = arith.constant 0 : i32
        %parallel_loop3A_862 = arith.constant 2 : i32
        %parallel_loop3A_863 = arith.index_cast %parallel_loop3A_861 : i32 to index
        %parallel_loop3A_864 = arith.index_cast %parallel_loop3A_862 : i32 to index
        %parallel_loop3A_865 = arith.index_cast %parallel_loop3A_636 : i32 to index
        %parallel_loop3A_866 = arith.constant 48 : index
        %parallel_loop3A_867 = tpu.vector_load %arg12[%parallel_loop3A_863, %parallel_loop3A_864, %parallel_loop3A_865, %parallel_loop3A_866] {strides = array<i32>} : memref<2x4x32x128xf32, #tpu.memory_space<vmem>>, vector<16xf32>,
        %parallel_loop3A_868 = arith.subf %parallel_loop3A_860, %parallel_loop3A_867 : vector<16xf32>
        %parallel_loop3A_869 = arith.mulf %parallel_loop3A_850, %parallel_loop3A_843 : vector<16xf32>
        %parallel_loop3A_870 = arith.mulf %parallel_loop3A_857, %parallel_loop3A_842 : vector<16xf32>
        %parallel_loop3A_871 = arith.addf %parallel_loop3A_869, %parallel_loop3A_870 : vector<16xf32>
        %parallel_loop3A_872 = arith.constant 0 : i32
        %parallel_loop3A_873 = arith.constant 3 : i32
        %parallel_loop3A_874 = arith.index_cast %parallel_loop3A_872 : i32 to index
        %parallel_loop3A_875 = arith.index_cast %parallel_loop3A_873 : i32 to index
        %parallel_loop3A_876 = arith.index_cast %parallel_loop3A_636 : i32 to index
        %parallel_loop3A_877 = arith.constant 48 : index
        %parallel_loop3A_878 = tpu.vector_load %arg12[%parallel_loop3A_874, %parallel_loop3A_875, %parallel_loop3A_876, %parallel_loop3A_877] {strides = array<i32>} : memref<2x4x32x128xf32, #tpu.memory_space<vmem>>, vector<16xf32>,
        %parallel_loop3A_879 = arith.subf %parallel_loop3A_871, %parallel_loop3A_878 : vector<16xf32>
        %parallel_loop3A_880 = arith.mulf %parallel_loop3A_868, %parallel_loop3A_868 : vector<16xf32>
        %parallel_loop3A_881 = arith.mulf %parallel_loop3A_879, %parallel_loop3A_879 : vector<16xf32>
        %parallel_loop3A_882 = arith.addf %parallel_loop3A_880, %parallel_loop3A_881 : vector<16xf32>
        %parallel_loop3A_883 = tpu.bitcast %parallel_loop3A_882 : vector<16xf32> -> vector<16xi32>
        %parallel_loop3A_884 = arith.constant 1 : i32
        %parallel_loop3A_885 = vector.broadcast %parallel_loop3A_884 : i32 to vector<16xi32>
        %parallel_loop3A_886 = arith.shrsi %parallel_loop3A_883, %parallel_loop3A_885 : vector<16xi32>
        %parallel_loop3A_887 = arith.constant 1597463007 : i32
        %parallel_loop3A_888 = vector.broadcast %parallel_loop3A_887 : i32 to vector<16xi32>
        %parallel_loop3A_889 = arith.subi %parallel_loop3A_888, %parallel_loop3A_886 : vector<16xi32>
        %parallel_loop3A_890 = tpu.bitcast %parallel_loop3A_889 : vector<16xi32> -> vector<16xf32>
        %parallel_loop3A_891 = arith.constant 5.000000e-01 : f32
        %parallel_loop3A_892 = vector.broadcast %parallel_loop3A_891 : f32 to vector<16xf32>
        %parallel_loop3A_893 = arith.mulf %parallel_loop3A_892, %parallel_loop3A_882 : vector<16xf32>
        %parallel_loop3A_894 = arith.mulf %parallel_loop3A_893, %parallel_loop3A_890 : vector<16xf32>
        %parallel_loop3A_895 = arith.mulf %parallel_loop3A_894, %parallel_loop3A_890 : vector<16xf32>
        %parallel_loop3A_896 = arith.constant 1.500000e+00 : f32
        %parallel_loop3A_897 = vector.broadcast %parallel_loop3A_896 : f32 to vector<16xf32>
        %parallel_loop3A_898 = arith.subf %parallel_loop3A_897, %parallel_loop3A_895 : vector<16xf32>
        %parallel_loop3A_899 = arith.mulf %parallel_loop3A_890, %parallel_loop3A_898 : vector<16xf32>
        %parallel_loop3A_900 = arith.mulf %parallel_loop3A_882, %parallel_loop3A_899 : vector<16xf32>
        %parallel_loop3A_901 = arith.addf %parallel_loop3A_837, %parallel_loop3A_900 : vector<16xf32>
        %parallel_loop3A_902 = arith.constant 64 : i32
        %parallel_loop3A_903 = arith.addi %parallel_loop3A_643, %parallel_loop3A_902 : i32
        %parallel_loop3A_904 = arith.index_cast %parallel_loop3A_903 : i32 to index
        %parallel_loop3A_905 = tpu.vector_load %arg13[%parallel_loop3A_904] {strides = array<i32>} : memref<128000xbf16, #tpu.memory_space<vmem>>, vector<32xbf16>,
        %parallel_loop3A_906 = tpu.unpack_subelements %parallel_loop3A_905, 0 {pack_format = #tpu.pack_format<interleaved>} : vector<32xbf16> -> vector<16xf32>
        %parallel_loop3A_907 = tpu.unpack_subelements %parallel_loop3A_905, 1 {pack_format = #tpu.pack_format<interleaved>} : vector<32xbf16> -> vector<16xf32>
        %parallel_loop3A_908 = arith.constant 0 : i32
        %parallel_loop3A_909 = arith.constant 0 : i32
        %parallel_loop3A_910 = arith.index_cast %parallel_loop3A_908 : i32 to index
        %parallel_loop3A_911 = arith.index_cast %parallel_loop3A_909 : i32 to index
        %parallel_loop3A_912 = arith.index_cast %parallel_loop3A_636 : i32 to index
        %parallel_loop3A_913 = arith.constant 64 : index
        %parallel_loop3A_914 = tpu.vector_load %arg12[%parallel_loop3A_910, %parallel_loop3A_911, %parallel_loop3A_912, %parallel_loop3A_913] {strides = array<i32>} : memref<2x4x32x128xf32, #tpu.memory_space<vmem>>, vector<16xf32>,
        %parallel_loop3A_915 = arith.constant 0 : i32
        %parallel_loop3A_916 = arith.constant 1 : i32
        %parallel_loop3A_917 = arith.index_cast %parallel_loop3A_915 : i32 to index
        %parallel_loop3A_918 = arith.index_cast %parallel_loop3A_916 : i32 to index
        %parallel_loop3A_919 = arith.index_cast %parallel_loop3A_636 : i32 to index
        %parallel_loop3A_920 = arith.constant 64 : index
        %parallel_loop3A_921 = tpu.vector_load %arg12[%parallel_loop3A_917, %parallel_loop3A_918, %parallel_loop3A_919, %parallel_loop3A_920] {strides = array<i32>} : memref<2x4x32x128xf32, #tpu.memory_space<vmem>>, vector<16xf32>,
        %parallel_loop3A_922 = arith.mulf %parallel_loop3A_914, %parallel_loop3A_906 : vector<16xf32>
        %parallel_loop3A_923 = arith.mulf %parallel_loop3A_921, %parallel_loop3A_907 : vector<16xf32>
        %parallel_loop3A_924 = arith.subf %parallel_loop3A_922, %parallel_loop3A_923 : vector<16xf32>
        %parallel_loop3A_925 = arith.constant 0 : i32
        %parallel_loop3A_926 = arith.constant 2 : i32
        %parallel_loop3A_927 = arith.index_cast %parallel_loop3A_925 : i32 to index
        %parallel_loop3A_928 = arith.index_cast %parallel_loop3A_926 : i32 to index
        %parallel_loop3A_929 = arith.index_cast %parallel_loop3A_636 : i32 to index
        %parallel_loop3A_930 = arith.constant 64 : index
        %parallel_loop3A_931 = tpu.vector_load %arg12[%parallel_loop3A_927, %parallel_loop3A_928, %parallel_loop3A_929, %parallel_loop3A_930] {strides = array<i32>} : memref<2x4x32x128xf32, #tpu.memory_space<vmem>>, vector<16xf32>,
        %parallel_loop3A_932 = arith.subf %parallel_loop3A_924, %parallel_loop3A_931 : vector<16xf32>
        %parallel_loop3A_933 = arith.mulf %parallel_loop3A_914, %parallel_loop3A_907 : vector<16xf32>
        %parallel_loop3A_934 = arith.mulf %parallel_loop3A_921, %parallel_loop3A_906 : vector<16xf32>
        %parallel_loop3A_935 = arith.addf %parallel_loop3A_933, %parallel_loop3A_934 : vector<16xf32>
        %parallel_loop3A_936 = arith.constant 0 : i32
        %parallel_loop3A_937 = arith.constant 3 : i32
        %parallel_loop3A_938 = arith.index_cast %parallel_loop3A_936 : i32 to index
        %parallel_loop3A_939 = arith.index_cast %parallel_loop3A_937 : i32 to index
        %parallel_loop3A_940 = arith.index_cast %parallel_loop3A_636 : i32 to index
        %parallel_loop3A_941 = arith.constant 64 : index
        %parallel_loop3A_942 = tpu.vector_load %arg12[%parallel_loop3A_938, %parallel_loop3A_939, %parallel_loop3A_940, %parallel_loop3A_941] {strides = array<i32>} : memref<2x4x32x128xf32, #tpu.memory_space<vmem>>, vector<16xf32>,
        %parallel_loop3A_943 = arith.subf %parallel_loop3A_935, %parallel_loop3A_942 : vector<16xf32>
        %parallel_loop3A_944 = arith.mulf %parallel_loop3A_932, %parallel_loop3A_932 : vector<16xf32>
        %parallel_loop3A_945 = arith.mulf %parallel_loop3A_943, %parallel_loop3A_943 : vector<16xf32>
        %parallel_loop3A_946 = arith.addf %parallel_loop3A_944, %parallel_loop3A_945 : vector<16xf32>
        %parallel_loop3A_947 = tpu.bitcast %parallel_loop3A_946 : vector<16xf32> -> vector<16xi32>
        %parallel_loop3A_948 = arith.constant 1 : i32
        %parallel_loop3A_949 = vector.broadcast %parallel_loop3A_948 : i32 to vector<16xi32>
        %parallel_loop3A_950 = arith.shrsi %parallel_loop3A_947, %parallel_loop3A_949 : vector<16xi32>
        %parallel_loop3A_951 = arith.constant 1597463007 : i32
        %parallel_loop3A_952 = vector.broadcast %parallel_loop3A_951 : i32 to vector<16xi32>
        %parallel_loop3A_953 = arith.subi %parallel_loop3A_952, %parallel_loop3A_950 : vector<16xi32>
        %parallel_loop3A_954 = tpu.bitcast %parallel_loop3A_953 : vector<16xi32> -> vector<16xf32>
        %parallel_loop3A_955 = arith.constant 5.000000e-01 : f32
        %parallel_loop3A_956 = vector.broadcast %parallel_loop3A_955 : f32 to vector<16xf32>
        %parallel_loop3A_957 = arith.mulf %parallel_loop3A_956, %parallel_loop3A_946 : vector<16xf32>
        %parallel_loop3A_958 = arith.mulf %parallel_loop3A_957, %parallel_loop3A_954 : vector<16xf32>
        %parallel_loop3A_959 = arith.mulf %parallel_loop3A_958, %parallel_loop3A_954 : vector<16xf32>
        %parallel_loop3A_960 = arith.constant 1.500000e+00 : f32
        %parallel_loop3A_961 = vector.broadcast %parallel_loop3A_960 : f32 to vector<16xf32>
        %parallel_loop3A_962 = arith.subf %parallel_loop3A_961, %parallel_loop3A_959 : vector<16xf32>
        %parallel_loop3A_963 = arith.mulf %parallel_loop3A_954, %parallel_loop3A_962 : vector<16xf32>
        %parallel_loop3A_964 = arith.mulf %parallel_loop3A_946, %parallel_loop3A_963 : vector<16xf32>
        %parallel_loop3A_965 = arith.addf %parallel_loop3A_901, %parallel_loop3A_964 : vector<16xf32>
        %parallel_loop3A_966 = arith.constant 80 : i32
        %parallel_loop3A_967 = arith.addi %parallel_loop3A_643, %parallel_loop3A_966 : i32
        %parallel_loop3A_968 = arith.index_cast %parallel_loop3A_967 : i32 to index
        %parallel_loop3A_969 = tpu.vector_load %arg13[%parallel_loop3A_968] {strides = array<i32>} : memref<128000xbf16, #tpu.memory_space<vmem>>, vector<32xbf16>,
        %parallel_loop3A_970 = tpu.unpack_subelements %parallel_loop3A_969, 0 {pack_format = #tpu.pack_format<interleaved>} : vector<32xbf16> -> vector<16xf32>
        %parallel_loop3A_971 = tpu.unpack_subelements %parallel_loop3A_969, 1 {pack_format = #tpu.pack_format<interleaved>} : vector<32xbf16> -> vector<16xf32>
        %parallel_loop3A_972 = arith.constant 0 : i32
        %parallel_loop3A_973 = arith.constant 0 : i32
        %parallel_loop3A_974 = arith.index_cast %parallel_loop3A_972 : i32 to index
        %parallel_loop3A_975 = arith.index_cast %parallel_loop3A_973 : i32 to index
        %parallel_loop3A_976 = arith.index_cast %parallel_loop3A_636 : i32 to index
        %parallel_loop3A_977 = arith.constant 80 : index
        %parallel_loop3A_978 = tpu.vector_load %arg12[%parallel_loop3A_974, %parallel_loop3A_975, %parallel_loop3A_976, %parallel_loop3A_977] {strides = array<i32>} : memref<2x4x32x128xf32, #tpu.memory_space<vmem>>, vector<16xf32>,
        %parallel_loop3A_979 = arith.constant 0 : i32
        %parallel_loop3A_980 = arith.constant 1 : i32
        %parallel_loop3A_981 = arith.index_cast %parallel_loop3A_979 : i32 to index
        %parallel_loop3A_982 = arith.index_cast %parallel_loop3A_980 : i32 to index
        %parallel_loop3A_983 = arith.index_cast %parallel_loop3A_636 : i32 to index
        %parallel_loop3A_984 = arith.constant 80 : index
        %parallel_loop3A_985 = tpu.vector_load %arg12[%parallel_loop3A_981, %parallel_loop3A_982, %parallel_loop3A_983, %parallel_loop3A_984] {strides = array<i32>} : memref<2x4x32x128xf32, #tpu.memory_space<vmem>>, vector<16xf32>,
        %parallel_loop3A_986 = arith.mulf %parallel_loop3A_978, %parallel_loop3A_970 : vector<16xf32>
        %parallel_loop3A_987 = arith.mulf %parallel_loop3A_985, %parallel_loop3A_971 : vector<16xf32>
        %parallel_loop3A_988 = arith.subf %parallel_loop3A_986, %parallel_loop3A_987 : vector<16xf32>
        %parallel_loop3A_989 = arith.constant 0 : i32
        %parallel_loop3A_990 = arith.constant 2 : i32
        %parallel_loop3A_991 = arith.index_cast %parallel_loop3A_989 : i32 to index
        %parallel_loop3A_992 = arith.index_cast %parallel_loop3A_990 : i32 to index
        %parallel_loop3A_993 = arith.index_cast %parallel_loop3A_636 : i32 to index
        %parallel_loop3A_994 = arith.constant 80 : index
        %parallel_loop3A_995 = tpu.vector_load %arg12[%parallel_loop3A_991, %parallel_loop3A_992, %parallel_loop3A_993, %parallel_loop3A_994] {strides = array<i32>} : memref<2x4x32x128xf32, #tpu.memory_space<vmem>>, vector<16xf32>,
        %parallel_loop3A_996 = arith.subf %parallel_loop3A_988, %parallel_loop3A_995 : vector<16xf32>
        %parallel_loop3A_997 = arith.mulf %parallel_loop3A_978, %parallel_loop3A_971 : vector<16xf32>
        %parallel_loop3A_998 = arith.mulf %parallel_loop3A_985, %parallel_loop3A_970 : vector<16xf32>
        %parallel_loop3A_999 = arith.addf %parallel_loop3A_997, %parallel_loop3A_998 : vector<16xf32>
        %parallel_loop3A_1000 = arith.constant 0 : i32
        %parallel_loop3A_1001 = arith.constant 3 : i32
        %parallel_loop3A_1002 = arith.index_cast %parallel_loop3A_1000 : i32 to index
        %parallel_loop3A_1003 = arith.index_cast %parallel_loop3A_1001 : i32 to index
        %parallel_loop3A_1004 = arith.index_cast %parallel_loop3A_636 : i32 to index
        %parallel_loop3A_1005 = arith.constant 80 : index
        %parallel_loop3A_1006 = tpu.vector_load %arg12[%parallel_loop3A_1002, %parallel_loop3A_1003, %parallel_loop3A_1004, %parallel_loop3A_1005] {strides = array<i32>} : memref<2x4x32x128xf32, #tpu.memory_space<vmem>>, vector<16xf32>,
        %parallel_loop3A_1007 = arith.subf %parallel_loop3A_999, %parallel_loop3A_1006 : vector<16xf32>
        %parallel_loop3A_1008 = arith.mulf %parallel_loop3A_996, %parallel_loop3A_996 : vector<16xf32>
        %parallel_loop3A_1009 = arith.mulf %parallel_loop3A_1007, %parallel_loop3A_1007 : vector<16xf32>
        %parallel_loop3A_1010 = arith.addf %parallel_loop3A_1008, %parallel_loop3A_1009 : vector<16xf32>
        %parallel_loop3A_1011 = tpu.bitcast %parallel_loop3A_1010 : vector<16xf32> -> vector<16xi32>
        %parallel_loop3A_1012 = arith.constant 1 : i32
        %parallel_loop3A_1013 = vector.broadcast %parallel_loop3A_1012 : i32 to vector<16xi32>
        %parallel_loop3A_1014 = arith.shrsi %parallel_loop3A_1011, %parallel_loop3A_1013 : vector<16xi32>
        %parallel_loop3A_1015 = arith.constant 1597463007 : i32
        %parallel_loop3A_1016 = vector.broadcast %parallel_loop3A_1015 : i32 to vector<16xi32>
        %parallel_loop3A_1017 = arith.subi %parallel_loop3A_1016, %parallel_loop3A_1014 : vector<16xi32>
        %parallel_loop3A_1018 = tpu.bitcast %parallel_loop3A_1017 : vector<16xi32> -> vector<16xf32>
        %parallel_loop3A_1019 = arith.constant 5.000000e-01 : f32
        %parallel_loop3A_1020 = vector.broadcast %parallel_loop3A_1019 : f32 to vector<16xf32>
        %parallel_loop3A_1021 = arith.mulf %parallel_loop3A_1020, %parallel_loop3A_1010 : vector<16xf32>
        %parallel_loop3A_1022 = arith.mulf %parallel_loop3A_1021, %parallel_loop3A_1018 : vector<16xf32>
        %parallel_loop3A_1023 = arith.mulf %parallel_loop3A_1022, %parallel_loop3A_1018 : vector<16xf32>
        %parallel_loop3A_1024 = arith.constant 1.500000e+00 : f32
        %parallel_loop3A_1025 = vector.broadcast %parallel_loop3A_1024 : f32 to vector<16xf32>
        %parallel_loop3A_1026 = arith.subf %parallel_loop3A_1025, %parallel_loop3A_1023 : vector<16xf32>
        %parallel_loop3A_1027 = arith.mulf %parallel_loop3A_1018, %parallel_loop3A_1026 : vector<16xf32>
        %parallel_loop3A_1028 = arith.mulf %parallel_loop3A_1010, %parallel_loop3A_1027 : vector<16xf32>
        %parallel_loop3A_1029 = arith.addf %parallel_loop3A_965, %parallel_loop3A_1028 : vector<16xf32>
        %parallel_loop3A_1030 = arith.constant 96 : i32
        %parallel_loop3A_1031 = arith.addi %parallel_loop3A_643, %parallel_loop3A_1030 : i32
        %parallel_loop3A_1032 = arith.index_cast %parallel_loop3A_1031 : i32 to index
        %parallel_loop3A_1033 = tpu.vector_load %arg13[%parallel_loop3A_1032] {strides = array<i32>} : memref<128000xbf16, #tpu.memory_space<vmem>>, vector<32xbf16>,
        %parallel_loop3A_1034 = tpu.unpack_subelements %parallel_loop3A_1033, 0 {pack_format = #tpu.pack_format<interleaved>} : vector<32xbf16> -> vector<16xf32>
        %parallel_loop3A_1035 = tpu.unpack_subelements %parallel_loop3A_1033, 1 {pack_format = #tpu.pack_format<interleaved>} : vector<32xbf16> -> vector<16xf32>
        %parallel_loop3A_1036 = arith.constant 0 : i32
        %parallel_loop3A_1037 = arith.constant 0 : i32
        %parallel_loop3A_1038 = arith.index_cast %parallel_loop3A_1036 : i32 to index
        %parallel_loop3A_1039 = arith.index_cast %parallel_loop3A_1037 : i32 to index
        %parallel_loop3A_1040 = arith.index_cast %parallel_loop3A_636 : i32 to index
        %parallel_loop3A_1041 = arith.constant 96 : index
        %parallel_loop3A_1042 = tpu.vector_load %arg12[%parallel_loop3A_1038, %parallel_loop3A_1039, %parallel_loop3A_1040, %parallel_loop3A_1041] {strides = array<i32>} : memref<2x4x32x128xf32, #tpu.memory_space<vmem>>, vector<16xf32>,
        %parallel_loop3A_1043 = arith.constant 0 : i32
        %parallel_loop3A_1044 = arith.constant 1 : i32
        %parallel_loop3A_1045 = arith.index_cast %parallel_loop3A_1043 : i32 to index
        %parallel_loop3A_1046 = arith.index_cast %parallel_loop3A_1044 : i32 to index
        %parallel_loop3A_1047 = arith.index_cast %parallel_loop3A_636 : i32 to index
        %parallel_loop3A_1048 = arith.constant 96 : index
        %parallel_loop3A_1049 = tpu.vector_load %arg12[%parallel_loop3A_1045, %parallel_loop3A_1046, %parallel_loop3A_1047, %parallel_loop3A_1048] {strides = array<i32>} : memref<2x4x32x128xf32, #tpu.memory_space<vmem>>, vector<16xf32>,
        %parallel_loop3A_1050 = arith.mulf %parallel_loop3A_1042, %parallel_loop3A_1034 : vector<16xf32>
        %parallel_loop3A_1051 = arith.mulf %parallel_loop3A_1049, %parallel_loop3A_1035 : vector<16xf32>
        %parallel_loop3A_1052 = arith.subf %parallel_loop3A_1050, %parallel_loop3A_1051 : vector<16xf32>
        %parallel_loop3A_1053 = arith.constant 0 : i32
        %parallel_loop3A_1054 = arith.constant 2 : i32
        %parallel_loop3A_1055 = arith.index_cast %parallel_loop3A_1053 : i32 to index
        %parallel_loop3A_1056 = arith.index_cast %parallel_loop3A_1054 : i32 to index
        %parallel_loop3A_1057 = arith.index_cast %parallel_loop3A_636 : i32 to index
        %parallel_loop3A_1058 = arith.constant 96 : index
        %parallel_loop3A_1059 = tpu.vector_load %arg12[%parallel_loop3A_1055, %parallel_loop3A_1056, %parallel_loop3A_1057, %parallel_loop3A_1058] {strides = array<i32>} : memref<2x4x32x128xf32, #tpu.memory_space<vmem>>, vector<16xf32>,
        %parallel_loop3A_1060 = arith.subf %parallel_loop3A_1052, %parallel_loop3A_1059 : vector<16xf32>
        %parallel_loop3A_1061 = arith.mulf %parallel_loop3A_1042, %parallel_loop3A_1035 : vector<16xf32>
        %parallel_loop3A_1062 = arith.mulf %parallel_loop3A_1049, %parallel_loop3A_1034 : vector<16xf32>
        %parallel_loop3A_1063 = arith.addf %parallel_loop3A_1061, %parallel_loop3A_1062 : vector<16xf32>
        %parallel_loop3A_1064 = arith.constant 0 : i32
        %parallel_loop3A_1065 = arith.constant 3 : i32
        %parallel_loop3A_1066 = arith.index_cast %parallel_loop3A_1064 : i32 to index
        %parallel_loop3A_1067 = arith.index_cast %parallel_loop3A_1065 : i32 to index
        %parallel_loop3A_1068 = arith.index_cast %parallel_loop3A_636 : i32 to index
        %parallel_loop3A_1069 = arith.constant 96 : index
        %parallel_loop3A_1070 = tpu.vector_load %arg12[%parallel_loop3A_1066, %parallel_loop3A_1067, %parallel_loop3A_1068, %parallel_loop3A_1069] {strides = array<i32>} : memref<2x4x32x128xf32, #tpu.memory_space<vmem>>, vector<16xf32>,
        %parallel_loop3A_1071 = arith.subf %parallel_loop3A_1063, %parallel_loop3A_1070 : vector<16xf32>
        %parallel_loop3A_1072 = arith.mulf %parallel_loop3A_1060, %parallel_loop3A_1060 : vector<16xf32>
        %parallel_loop3A_1073 = arith.mulf %parallel_loop3A_1071, %parallel_loop3A_1071 : vector<16xf32>
        %parallel_loop3A_1074 = arith.addf %parallel_loop3A_1072, %parallel_loop3A_1073 : vector<16xf32>
        %parallel_loop3A_1075 = tpu.bitcast %parallel_loop3A_1074 : vector<16xf32> -> vector<16xi32>
        %parallel_loop3A_1076 = arith.constant 1 : i32
        %parallel_loop3A_1077 = vector.broadcast %parallel_loop3A_1076 : i32 to vector<16xi32>
        %parallel_loop3A_1078 = arith.shrsi %parallel_loop3A_1075, %parallel_loop3A_1077 : vector<16xi32>
        %parallel_loop3A_1079 = arith.constant 1597463007 : i32
        %parallel_loop3A_1080 = vector.broadcast %parallel_loop3A_1079 : i32 to vector<16xi32>
        %parallel_loop3A_1081 = arith.subi %parallel_loop3A_1080, %parallel_loop3A_1078 : vector<16xi32>
        %parallel_loop3A_1082 = tpu.bitcast %parallel_loop3A_1081 : vector<16xi32> -> vector<16xf32>
        %parallel_loop3A_1083 = arith.constant 5.000000e-01 : f32
        %parallel_loop3A_1084 = vector.broadcast %parallel_loop3A_1083 : f32 to vector<16xf32>
        %parallel_loop3A_1085 = arith.mulf %parallel_loop3A_1084, %parallel_loop3A_1074 : vector<16xf32>
        %parallel_loop3A_1086 = arith.mulf %parallel_loop3A_1085, %parallel_loop3A_1082 : vector<16xf32>
        %parallel_loop3A_1087 = arith.mulf %parallel_loop3A_1086, %parallel_loop3A_1082 : vector<16xf32>
        %parallel_loop3A_1088 = arith.constant 1.500000e+00 : f32
        %parallel_loop3A_1089 = vector.broadcast %parallel_loop3A_1088 : f32 to vector<16xf32>
        %parallel_loop3A_1090 = arith.subf %parallel_loop3A_1089, %parallel_loop3A_1087 : vector<16xf32>
        %parallel_loop3A_1091 = arith.mulf %parallel_loop3A_1082, %parallel_loop3A_1090 : vector<16xf32>
        %parallel_loop3A_1092 = arith.mulf %parallel_loop3A_1074, %parallel_loop3A_1091 : vector<16xf32>
        %parallel_loop3A_1093 = arith.addf %parallel_loop3A_1029, %parallel_loop3A_1092 : vector<16xf32>
        %parallel_loop3A_1094 = arith.constant 112 : i32
        %parallel_loop3A_1095 = arith.addi %parallel_loop3A_643, %parallel_loop3A_1094 : i32
        %parallel_loop3A_1096 = arith.index_cast %parallel_loop3A_1095 : i32 to index
        %parallel_loop3A_1097 = tpu.vector_load %arg13[%parallel_loop3A_1096] {strides = array<i32>} : memref<128000xbf16, #tpu.memory_space<vmem>>, vector<32xbf16>,
        %parallel_loop3A_1098 = tpu.unpack_subelements %parallel_loop3A_1097, 0 {pack_format = #tpu.pack_format<interleaved>} : vector<32xbf16> -> vector<16xf32>
        %parallel_loop3A_1099 = tpu.unpack_subelements %parallel_loop3A_1097, 1 {pack_format = #tpu.pack_format<interleaved>} : vector<32xbf16> -> vector<16xf32>
        %parallel_loop3A_1100 = arith.constant 0 : i32
        %parallel_loop3A_1101 = arith.constant 0 : i32
        %parallel_loop3A_1102 = arith.index_cast %parallel_loop3A_1100 : i32 to index
        %parallel_loop3A_1103 = arith.index_cast %parallel_loop3A_1101 : i32 to index
        %parallel_loop3A_1104 = arith.index_cast %parallel_loop3A_636 : i32 to index
        %parallel_loop3A_1105 = arith.constant 112 : index
        %parallel_loop3A_1106 = tpu.vector_load %arg12[%parallel_loop3A_1102, %parallel_loop3A_1103, %parallel_loop3A_1104, %parallel_loop3A_1105] {strides = array<i32>} : memref<2x4x32x128xf32, #tpu.memory_space<vmem>>, vector<16xf32>,
        %parallel_loop3A_1107 = arith.constant 0 : i32
        %parallel_loop3A_1108 = arith.constant 1 : i32
        %parallel_loop3A_1109 = arith.index_cast %parallel_loop3A_1107 : i32 to index
        %parallel_loop3A_1110 = arith.index_cast %parallel_loop3A_1108 : i32 to index
        %parallel_loop3A_1111 = arith.index_cast %parallel_loop3A_636 : i32 to index
        %parallel_loop3A_1112 = arith.constant 112 : index
        %parallel_loop3A_1113 = tpu.vector_load %arg12[%parallel_loop3A_1109, %parallel_loop3A_1110, %parallel_loop3A_1111, %parallel_loop3A_1112] {strides = array<i32>} : memref<2x4x32x128xf32, #tpu.memory_space<vmem>>, vector<16xf32>,
        %parallel_loop3A_1114 = arith.mulf %parallel_loop3A_1106, %parallel_loop3A_1098 : vector<16xf32>
        %parallel_loop3A_1115 = arith.mulf %parallel_loop3A_1113, %parallel_loop3A_1099 : vector<16xf32>
        %parallel_loop3A_1116 = arith.subf %parallel_loop3A_1114, %parallel_loop3A_1115 : vector<16xf32>
        %parallel_loop3A_1117 = arith.constant 0 : i32
        %parallel_loop3A_1118 = arith.constant 2 : i32
        %parallel_loop3A_1119 = arith.index_cast %parallel_loop3A_1117 : i32 to index
        %parallel_loop3A_1120 = arith.index_cast %parallel_loop3A_1118 : i32 to index
        %parallel_loop3A_1121 = arith.index_cast %parallel_loop3A_636 : i32 to index
        %parallel_loop3A_1122 = arith.constant 112 : index
        %parallel_loop3A_1123 = tpu.vector_load %arg12[%parallel_loop3A_1119, %parallel_loop3A_1120, %parallel_loop3A_1121, %parallel_loop3A_1122] {strides = array<i32>} : memref<2x4x32x128xf32, #tpu.memory_space<vmem>>, vector<16xf32>,
        %parallel_loop3A_1124 = arith.subf %parallel_loop3A_1116, %parallel_loop3A_1123 : vector<16xf32>
        %parallel_loop3A_1125 = arith.mulf %parallel_loop3A_1106, %parallel_loop3A_1099 : vector<16xf32>
        %parallel_loop3A_1126 = arith.mulf %parallel_loop3A_1113, %parallel_loop3A_1098 : vector<16xf32>
        %parallel_loop3A_1127 = arith.addf %parallel_loop3A_1125, %parallel_loop3A_1126 : vector<16xf32>
        %parallel_loop3A_1128 = arith.constant 0 : i32
        %parallel_loop3A_1129 = arith.constant 3 : i32
        %parallel_loop3A_1130 = arith.index_cast %parallel_loop3A_1128 : i32 to index
        %parallel_loop3A_1131 = arith.index_cast %parallel_loop3A_1129 : i32 to index
        %parallel_loop3A_1132 = arith.index_cast %parallel_loop3A_636 : i32 to index
        %parallel_loop3A_1133 = arith.constant 112 : index
        %parallel_loop3A_1134 = tpu.vector_load %arg12[%parallel_loop3A_1130, %parallel_loop3A_1131, %parallel_loop3A_1132, %parallel_loop3A_1133] {strides = array<i32>} : memref<2x4x32x128xf32, #tpu.memory_space<vmem>>, vector<16xf32>,
        %parallel_loop3A_1135 = arith.subf %parallel_loop3A_1127, %parallel_loop3A_1134 : vector<16xf32>
        %parallel_loop3A_1136 = arith.mulf %parallel_loop3A_1124, %parallel_loop3A_1124 : vector<16xf32>
        %parallel_loop3A_1137 = arith.mulf %parallel_loop3A_1135, %parallel_loop3A_1135 : vector<16xf32>
        %parallel_loop3A_1138 = arith.addf %parallel_loop3A_1136, %parallel_loop3A_1137 : vector<16xf32>
        %parallel_loop3A_1139 = tpu.bitcast %parallel_loop3A_1138 : vector<16xf32> -> vector<16xi32>
        %parallel_loop3A_1140 = arith.constant 1 : i32
        %parallel_loop3A_1141 = vector.broadcast %parallel_loop3A_1140 : i32 to vector<16xi32>
        %parallel_loop3A_1142 = arith.shrsi %parallel_loop3A_1139, %parallel_loop3A_1141 : vector<16xi32>
        %parallel_loop3A_1143 = arith.constant 1597463007 : i32
        %parallel_loop3A_1144 = vector.broadcast %parallel_loop3A_1143 : i32 to vector<16xi32>
        %parallel_loop3A_1145 = arith.subi %parallel_loop3A_1144, %parallel_loop3A_1142 : vector<16xi32>
        %parallel_loop3A_1146 = tpu.bitcast %parallel_loop3A_1145 : vector<16xi32> -> vector<16xf32>
        %parallel_loop3A_1147 = arith.constant 5.000000e-01 : f32
        %parallel_loop3A_1148 = vector.broadcast %parallel_loop3A_1147 : f32 to vector<16xf32>
        %parallel_loop3A_1149 = arith.mulf %parallel_loop3A_1148, %parallel_loop3A_1138 : vector<16xf32>
        %parallel_loop3A_1150 = arith.mulf %parallel_loop3A_1149, %parallel_loop3A_1146 : vector<16xf32>
        %parallel_loop3A_1151 = arith.mulf %parallel_loop3A_1150, %parallel_loop3A_1146 : vector<16xf32>
        %parallel_loop3A_1152 = arith.constant 1.500000e+00 : f32
        %parallel_loop3A_1153 = vector.broadcast %parallel_loop3A_1152 : f32 to vector<16xf32>
        %parallel_loop3A_1154 = arith.subf %parallel_loop3A_1153, %parallel_loop3A_1151 : vector<16xf32>
        %parallel_loop3A_1155 = arith.mulf %parallel_loop3A_1146, %parallel_loop3A_1154 : vector<16xf32>
        %parallel_loop3A_1156 = arith.mulf %parallel_loop3A_1138, %parallel_loop3A_1155 : vector<16xf32>
        %parallel_loop3A_1157 = arith.addf %parallel_loop3A_1093, %parallel_loop3A_1156 : vector<16xf32>
        %parallel_loop3A_1158 = arith.constant 32 : i32
        %parallel_loop3A_1159 = vector.broadcast %parallel_loop3A_1158 : i32 to vector<16xi32>
        %parallel_loop3A_1160 = arith.muli %iota3A, %parallel_loop3A_1159 : vector<16xi32>
        %parallel_loop3A_1161 = vector.broadcast %parallel_loop3A_636 : i32 to vector<16xi32>
        %parallel_loop3A_1162 = arith.addi %parallel_loop3A_1160, %parallel_loop3A_1161 : vector<16xi32>
        tpu.vector_store_idx %arg15[%parallel_loop3A_1162], %parallel_loop3A_1157 : memref<512xf32, #tpu.memory_space<vmem>>[vector<16xi32>], vector<16xf32>,
      } {sc.loop_unroll_factor = 2 : i64, sc.parallel_access}
      %broadcast_in_dim3A = arith.constant 0.000000e+00 : f32
      %broadcast_in_dim3A_347 = vector.broadcast %broadcast_in_dim3A : f32 to vector<16xf32>
      %get3A_348 = arith.constant 0 : index
      %get3A_349 = tpu.vector_load %arg15[%get3A_348] {strides = array<i32>} : memref<512xf32, #tpu.memory_space<vmem>>, vector<16xf32>,
      %add3A_350 = arith.addf %broadcast_in_dim3A_347, %get3A_349 : vector<16xf32>
      %get3A_351 = arith.constant 32 : index
      %get3A_352 = tpu.vector_load %arg15[%get3A_351] {strides = array<i32>} : memref<512xf32, #tpu.memory_space<vmem>>, vector<16xf32>,
      %add3A_353 = arith.addf %add3A_350, %get3A_352 : vector<16xf32>
      %get3A_354 = arith.constant 64 : index
      %get3A_355 = tpu.vector_load %arg15[%get3A_354] {strides = array<i32>} : memref<512xf32, #tpu.memory_space<vmem>>, vector<16xf32>,
      %add3A_356 = arith.addf %add3A_353, %get3A_355 : vector<16xf32>
      %get3A_357 = arith.constant 96 : index
      %get3A_358 = tpu.vector_load %arg15[%get3A_357] {strides = array<i32>} : memref<512xf32, #tpu.memory_space<vmem>>, vector<16xf32>,
      %add3A_359 = arith.addf %add3A_356, %get3A_358 : vector<16xf32>
      %get3A_360 = arith.constant 128 : index
      %get3A_361 = tpu.vector_load %arg15[%get3A_360] {strides = array<i32>} : memref<512xf32, #tpu.memory_space<vmem>>, vector<16xf32>,
      %add3A_362 = arith.addf %add3A_359, %get3A_361 : vector<16xf32>
      %get3A_363 = arith.constant 160 : index
      %get3A_364 = tpu.vector_load %arg15[%get3A_363] {strides = array<i32>} : memref<512xf32, #tpu.memory_space<vmem>>, vector<16xf32>,
      %add3A_365 = arith.addf %add3A_362, %get3A_364 : vector<16xf32>
      %get3A_366 = arith.constant 192 : index
      %get3A_367 = tpu.vector_load %arg15[%get3A_366] {strides = array<i32>} : memref<512xf32, #tpu.memory_space<vmem>>, vector<16xf32>,
      %add3A_368 = arith.addf %add3A_365, %get3A_367 : vector<16xf32>
      %get3A_369 = arith.constant 224 : index
      %get3A_370 = tpu.vector_load %arg15[%get3A_369] {strides = array<i32>} : memref<512xf32, #tpu.memory_space<vmem>>, vector<16xf32>,
      %add3A_371 = arith.addf %add3A_368, %get3A_370 : vector<16xf32>
      %get3A_372 = arith.constant 256 : index
      %get3A_373 = tpu.vector_load %arg15[%get3A_372] {strides = array<i32>} : memref<512xf32, #tpu.memory_space<vmem>>, vector<16xf32>,
      %add3A_374 = arith.addf %add3A_371, %get3A_373 : vector<16xf32>
      %get3A_375 = arith.constant 288 : index
      %get3A_376 = tpu.vector_load %arg15[%get3A_375] {strides = array<i32>} : memref<512xf32, #tpu.memory_space<vmem>>, vector<16xf32>,
      %add3A_377 = arith.addf %add3A_374, %get3A_376 : vector<16xf32>
      %get3A_378 = arith.constant 320 : index
      %get3A_379 = tpu.vector_load %arg15[%get3A_378] {strides = array<i32>} : memref<512xf32, #tpu.memory_space<vmem>>, vector<16xf32>,
      %add3A_380 = arith.addf %add3A_377, %get3A_379 : vector<16xf32>
      %get3A_381 = arith.constant 352 : index
      %get3A_382 = tpu.vector_load %arg15[%get3A_381] {strides = array<i32>} : memref<512xf32, #tpu.memory_space<vmem>>, vector<16xf32>,
      %add3A_383 = arith.addf %add3A_380, %get3A_382 : vector<16xf32>
      %get3A_384 = arith.constant 384 : index
      %get3A_385 = tpu.vector_load %arg15[%get3A_384] {strides = array<i32>} : memref<512xf32, #tpu.memory_space<vmem>>, vector<16xf32>,
      %add3A_386 = arith.addf %add3A_383, %get3A_385 : vector<16xf32>
      %get3A_387 = arith.constant 416 : index
      %get3A_388 = tpu.vector_load %arg15[%get3A_387] {strides = array<i32>} : memref<512xf32, #tpu.memory_space<vmem>>, vector<16xf32>,
      %add3A_389 = arith.addf %add3A_386, %get3A_388 : vector<16xf32>
      %get3A_390 = arith.constant 448 : index
      %get3A_391 = tpu.vector_load %arg15[%get3A_390] {strides = array<i32>} : memref<512xf32, #tpu.memory_space<vmem>>, vector<16xf32>,
      %add3A_392 = arith.addf %add3A_389, %get3A_391 : vector<16xf32>
      %get3A_393 = arith.constant 480 : index
      %get3A_394 = tpu.vector_load %arg15[%get3A_393] {strides = array<i32>} : memref<512xf32, #tpu.memory_space<vmem>>, vector<16xf32>,
      %add3A_395 = arith.addf %add3A_392, %get3A_394 : vector<16xf32>
      %mul3A_396 = arith.constant 32 : i32
      %mul3A_397 = arith.muli %add3A_287, %mul3A_396 : i32
      %add3A_398 = arith.constant 0 : i32
      %add3A_399 = arith.addi %mul3A_397, %add3A_398 : i32
      %swap3A_400 = arith.index_cast %add3A_399 : i32 to index
      %swap3A_401 = tpu.vector_load %arg16[%swap3A_400] {strides = array<i32>} : memref<512xf32, #tpu.memory_space<vmem>>, vector<16xf32>,
      tpu.vector_store %arg16[%swap3A_400], %add3A_395 {strides = array<i32>} : memref<512xf32, #tpu.memory_space<vmem>>, vector<16xf32>,
      %broadcast_in_dim3A_402 = arith.constant 0.000000e+00 : f32
      %broadcast_in_dim3A_403 = vector.broadcast %broadcast_in_dim3A_402 : f32 to vector<16xf32>
      %get3A_404 = arith.constant 16 : index
      %get3A_405 = tpu.vector_load %arg15[%get3A_404] {strides = array<i32>} : memref<512xf32, #tpu.memory_space<vmem>>, vector<16xf32>,
      %add3A_406 = arith.addf %broadcast_in_dim3A_403, %get3A_405 : vector<16xf32>
      %get3A_407 = arith.constant 48 : index
      %get3A_408 = tpu.vector_load %arg15[%get3A_407] {strides = array<i32>} : memref<512xf32, #tpu.memory_space<vmem>>, vector<16xf32>,
      %add3A_409 = arith.addf %add3A_406, %get3A_408 : vector<16xf32>
      %get3A_410 = arith.constant 80 : index
      %get3A_411 = tpu.vector_load %arg15[%get3A_410] {strides = array<i32>} : memref<512xf32, #tpu.memory_space<vmem>>, vector<16xf32>,
      %add3A_412 = arith.addf %add3A_409, %get3A_411 : vector<16xf32>
      %get3A_413 = arith.constant 112 : index
      %get3A_414 = tpu.vector_load %arg15[%get3A_413] {strides = array<i32>} : memref<512xf32, #tpu.memory_space<vmem>>, vector<16xf32>,
      %add3A_415 = arith.addf %add3A_412, %get3A_414 : vector<16xf32>
      %get3A_416 = arith.constant 144 : index
      %get3A_417 = tpu.vector_load %arg15[%get3A_416] {strides = array<i32>} : memref<512xf32, #tpu.memory_space<vmem>>, vector<16xf32>,
      %add3A_418 = arith.addf %add3A_415, %get3A_417 : vector<16xf32>
      %get3A_419 = arith.constant 176 : index
      %get3A_420 = tpu.vector_load %arg15[%get3A_419] {strides = array<i32>} : memref<512xf32, #tpu.memory_space<vmem>>, vector<16xf32>,
      %add3A_421 = arith.addf %add3A_418, %get3A_420 : vector<16xf32>
      %get3A_422 = arith.constant 208 : index
      %get3A_423 = tpu.vector_load %arg15[%get3A_422] {strides = array<i32>} : memref<512xf32, #tpu.memory_space<vmem>>, vector<16xf32>,
      %add3A_424 = arith.addf %add3A_421, %get3A_423 : vector<16xf32>
      %get3A_425 = arith.constant 240 : index
      %get3A_426 = tpu.vector_load %arg15[%get3A_425] {strides = array<i32>} : memref<512xf32, #tpu.memory_space<vmem>>, vector<16xf32>,
      %add3A_427 = arith.addf %add3A_424, %get3A_426 : vector<16xf32>
      %get3A_428 = arith.constant 272 : index
      %get3A_429 = tpu.vector_load %arg15[%get3A_428] {strides = array<i32>} : memref<512xf32, #tpu.memory_space<vmem>>, vector<16xf32>,
      %add3A_430 = arith.addf %add3A_427, %get3A_429 : vector<16xf32>
      %get3A_431 = arith.constant 304 : index
      %get3A_432 = tpu.vector_load %arg15[%get3A_431] {strides = array<i32>} : memref<512xf32, #tpu.memory_space<vmem>>, vector<16xf32>,
      %add3A_433 = arith.addf %add3A_430, %get3A_432 : vector<16xf32>
      %get3A_434 = arith.constant 336 : index
      %get3A_435 = tpu.vector_load %arg15[%get3A_434] {strides = array<i32>} : memref<512xf32, #tpu.memory_space<vmem>>, vector<16xf32>,
      %add3A_436 = arith.addf %add3A_433, %get3A_435 : vector<16xf32>
      %get3A_437 = arith.constant 368 : index
      %get3A_438 = tpu.vector_load %arg15[%get3A_437] {strides = array<i32>} : memref<512xf32, #tpu.memory_space<vmem>>, vector<16xf32>,
      %add3A_439 = arith.addf %add3A_436, %get3A_438 : vector<16xf32>
      %get3A_440 = arith.constant 400 : index
      %get3A_441 = tpu.vector_load %arg15[%get3A_440] {strides = array<i32>} : memref<512xf32, #tpu.memory_space<vmem>>, vector<16xf32>,
      %add3A_442 = arith.addf %add3A_439, %get3A_441 : vector<16xf32>
      %get3A_443 = arith.constant 432 : index
      %get3A_444 = tpu.vector_load %arg15[%get3A_443] {strides = array<i32>} : memref<512xf32, #tpu.memory_space<vmem>>, vector<16xf32>,
      %add3A_445 = arith.addf %add3A_442, %get3A_444 : vector<16xf32>
      %get3A_446 = arith.constant 464 : index
      %get3A_447 = tpu.vector_load %arg15[%get3A_446] {strides = array<i32>} : memref<512xf32, #tpu.memory_space<vmem>>, vector<16xf32>,
      %add3A_448 = arith.addf %add3A_445, %get3A_447 : vector<16xf32>
      %get3A_449 = arith.constant 496 : index
      %get3A_450 = tpu.vector_load %arg15[%get3A_449] {strides = array<i32>} : memref<512xf32, #tpu.memory_space<vmem>>, vector<16xf32>,
      %add3A_451 = arith.addf %add3A_448, %get3A_450 : vector<16xf32>
      %mul3A_452 = arith.constant 32 : i32
      %mul3A_453 = arith.muli %add3A_287, %mul3A_452 : i32
      %add3A_454 = arith.constant 16 : i32
      %add3A_455 = arith.addi %mul3A_453, %add3A_454 : i32
      %swap3A_456 = arith.index_cast %add3A_455 : i32 to index
      %swap3A_457 = tpu.vector_load %arg16[%swap3A_456] {strides = array<i32>} : memref<512xf32, #tpu.memory_space<vmem>>, vector<16xf32>,
      tpu.vector_store %arg16[%swap3A_456], %add3A_451 {strides = array<i32>} : memref<512xf32, #tpu.memory_space<vmem>>, vector<16xf32>,
      %mul3A_458 = arith.constant 2 : i32
      %mul3A_459 = arith.muli %scan3A_283, %mul3A_458 : i32
      %add3A_460 = arith.constant 1 : i32
      %add3A_461 = arith.addi %mul3A_459, %add3A_460 : i32
      %dma_wait3A_462 = arith.constant 0 : i32
      %dma_wait3A_463 = arith.constant 1 : i32
      %dma_wait3A_464 = arith.constant 0 : i32
      %dma_wait3A_465 = arith.constant 0 : i32
      %dma_wait3A_466 = arith.constant 0 : i32
      %dma_wait3A_467 = tpu.memref_slice %arg12[%dma_wait3A_463, %dma_wait3A_464, %dma_wait3A_465, %dma_wait3A_466] : memref<2x4x32x128xf32, #tpu.memory_space<vmem>> -> memref<1x1x32x128xf32, #tpu.memory_space<vmem>>
      %dma_wait3A_468 = tpu.memref_squeeze %dma_wait3A_467 : memref<1x1x32x128xf32, #tpu.memory_space<vmem>> -> memref<32x128xf32, #tpu.memory_space<vmem>>
      %dma_wait3A_469 = arith.constant 0 : i32
      %dma_wait3A_470 = tpu.memref_slice %arg9[%dma_wait3A_462, %dma_wait3A_469] : memref<16x32xi32, #tpu.memory_space<vmem>> -> memref<1x32xi32, #tpu.memory_space<vmem>>
      %dma_wait3A_471 = tpu.memref_squeeze %dma_wait3A_470 : memref<1x32xi32, #tpu.memory_space<vmem>> -> memref<32xi32, #tpu.memory_space<vmem>>
      %dma_wait3A_472 = arith.constant 0 : i32
      %dma_wait3A_473 = arith.constant 0 : i32
      %dma_wait3A_474 = tpu.memref_slice %arg5[%dma_wait3A_472, %dma_wait3A_473] : memref<100000x128xf32, #tpu.memory_space<hbm>> -> memref<100000x128xf32, #tpu.memory_space<hbm>>
      tpu.wait_indirect_dma semaphore(%arg18 : memref<!tpu.dma_semaphore, #tpu.memory_space<semaphore_mem>>) src(%dma_wait3A_474 : memref<100000x128xf32, #tpu.memory_space<hbm>>) dst(%dma_wait3A_468 : memref<32x128xf32, #tpu.memory_space<vmem>>)
      %dma_wait3A_475 = arith.constant 0 : i32
      %dma_wait3A_476 = arith.constant 1 : i32
      %dma_wait3A_477 = arith.constant 1 : i32
      %dma_wait3A_478 = arith.constant 0 : i32
      %dma_wait3A_479 = arith.constant 0 : i32
      %dma_wait3A_480 = tpu.memref_slice %arg12[%dma_wait3A_476, %dma_wait3A_477, %dma_wait3A_478, %dma_wait3A_479] : memref<2x4x32x128xf32, #tpu.memory_space<vmem>> -> memref<1x1x32x128xf32, #tpu.memory_space<vmem>>
      %dma_wait3A_481 = tpu.memref_squeeze %dma_wait3A_480 : memref<1x1x32x128xf32, #tpu.memory_space<vmem>> -> memref<32x128xf32, #tpu.memory_space<vmem>>
      %dma_wait3A_482 = arith.constant 0 : i32
      %dma_wait3A_483 = tpu.memref_slice %arg9[%dma_wait3A_475, %dma_wait3A_482] : memref<16x32xi32, #tpu.memory_space<vmem>> -> memref<1x32xi32, #tpu.memory_space<vmem>>
      %dma_wait3A_484 = tpu.memref_squeeze %dma_wait3A_483 : memref<1x32xi32, #tpu.memory_space<vmem>> -> memref<32xi32, #tpu.memory_space<vmem>>
      %dma_wait3A_485 = arith.constant 0 : i32
      %dma_wait3A_486 = arith.constant 0 : i32
      %dma_wait3A_487 = tpu.memref_slice %arg5[%dma_wait3A_485, %dma_wait3A_486] : memref<100000x128xf32, #tpu.memory_space<hbm>> -> memref<100000x128xf32, #tpu.memory_space<hbm>>
      tpu.wait_indirect_dma semaphore(%arg18 : memref<!tpu.dma_semaphore, #tpu.memory_space<semaphore_mem>>) src(%dma_wait3A_487 : memref<100000x128xf32, #tpu.memory_space<hbm>>) dst(%dma_wait3A_481 : memref<32x128xf32, #tpu.memory_space<vmem>>)
      %dma_wait3A_488 = arith.constant 0 : i32
      %dma_wait3A_489 = arith.constant 1 : i32
      %dma_wait3A_490 = arith.constant 2 : i32
      %dma_wait3A_491 = arith.constant 0 : i32
      %dma_wait3A_492 = arith.constant 0 : i32
      %dma_wait3A_493 = tpu.memref_slice %arg12[%dma_wait3A_489, %dma_wait3A_490, %dma_wait3A_491, %dma_wait3A_492] : memref<2x4x32x128xf32, #tpu.memory_space<vmem>> -> memref<1x1x32x128xf32, #tpu.memory_space<vmem>>
      %dma_wait3A_494 = tpu.memref_squeeze %dma_wait3A_493 : memref<1x1x32x128xf32, #tpu.memory_space<vmem>> -> memref<32x128xf32, #tpu.memory_space<vmem>>
      %dma_wait3A_495 = arith.constant 0 : i32
      %dma_wait3A_496 = tpu.memref_slice %arg9[%dma_wait3A_488, %dma_wait3A_495] : memref<16x32xi32, #tpu.memory_space<vmem>> -> memref<1x32xi32, #tpu.memory_space<vmem>>
      %dma_wait3A_497 = tpu.memref_squeeze %dma_wait3A_496 : memref<1x32xi32, #tpu.memory_space<vmem>> -> memref<32xi32, #tpu.memory_space<vmem>>
      %dma_wait3A_498 = arith.constant 0 : i32
      %dma_wait3A_499 = arith.constant 0 : i32
      %dma_wait3A_500 = tpu.memref_slice %arg5[%dma_wait3A_498, %dma_wait3A_499] : memref<100000x128xf32, #tpu.memory_space<hbm>> -> memref<100000x128xf32, #tpu.memory_space<hbm>>
      tpu.wait_indirect_dma semaphore(%arg18 : memref<!tpu.dma_semaphore, #tpu.memory_space<semaphore_mem>>) src(%dma_wait3A_500 : memref<100000x128xf32, #tpu.memory_space<hbm>>) dst(%dma_wait3A_494 : memref<32x128xf32, #tpu.memory_space<vmem>>)
      %dma_wait3A_501 = arith.constant 0 : i32
      %dma_wait3A_502 = arith.constant 1 : i32
      %dma_wait3A_503 = arith.constant 3 : i32
      %dma_wait3A_504 = arith.constant 0 : i32
      %dma_wait3A_505 = arith.constant 0 : i32
      %dma_wait3A_506 = tpu.memref_slice %arg12[%dma_wait3A_502, %dma_wait3A_503, %dma_wait3A_504, %dma_wait3A_505] : memref<2x4x32x128xf32, #tpu.memory_space<vmem>> -> memref<1x1x32x128xf32, #tpu.memory_space<vmem>>
      %dma_wait3A_507 = tpu.memref_squeeze %dma_wait3A_506 : memref<1x1x32x128xf32, #tpu.memory_space<vmem>> -> memref<32x128xf32, #tpu.memory_space<vmem>>
      %dma_wait3A_508 = arith.constant 0 : i32
      %dma_wait3A_509 = tpu.memref_slice %arg9[%dma_wait3A_501, %dma_wait3A_508] : memref<16x32xi32, #tpu.memory_space<vmem>> -> memref<1x32xi32, #tpu.memory_space<vmem>>
      %dma_wait3A_510 = tpu.memref_squeeze %dma_wait3A_509 : memref<1x32xi32, #tpu.memory_space<vmem>> -> memref<32xi32, #tpu.memory_space<vmem>>
      %dma_wait3A_511 = arith.constant 0 : i32
      %dma_wait3A_512 = arith.constant 0 : i32
      %dma_wait3A_513 = tpu.memref_slice %arg5[%dma_wait3A_511, %dma_wait3A_512] : memref<100000x128xf32, #tpu.memory_space<hbm>> -> memref<100000x128xf32, #tpu.memory_space<hbm>>
      tpu.wait_indirect_dma semaphore(%arg18 : memref<!tpu.dma_semaphore, #tpu.memory_space<semaphore_mem>>) src(%dma_wait3A_513 : memref<100000x128xf32, #tpu.memory_space<hbm>>) dst(%dma_wait3A_507 : memref<32x128xf32, #tpu.memory_space<vmem>>)
      %add3A_514 = arith.constant 1 : i32
      %add3A_515 = arith.addi %add3A_461, %add3A_514 : i32
      %lt3A_516 = arith.constant 16 : i32
      %lt3A_517 = arith.cmpi slt, %add3A_515, %lt3A_516 : i32
      %convert_element_type3A_518 = arith.extui %lt3A_517 : i1 to i32
      %cond3A_519 = arith.constant 0 : i32
      %cond3A_520 = arith.cmpi ne, %convert_element_type3A_518, %cond3A_519 : i32
      scf.if %cond3A_520 {
        %add3A_636 = arith.constant 1 : i32
        %add3A_637 = arith.addi %add3A_461, %add3A_636 : i32
        %dma_start3A_638 = arith.constant 0 : i32
        %dma_start3A_639 = arith.constant 0 : i32
        %dma_start3A_640 = arith.constant 0 : i32
        %dma_start3A_641 = arith.constant 0 : i32
        %dma_start3A_642 = tpu.memref_slice %arg12[%dma_start3A_638, %dma_start3A_639, %dma_start3A_640, %dma_start3A_641] : memref<2x4x32x128xf32, #tpu.memory_space<vmem>> -> memref<1x1x32x128xf32, #tpu.memory_space<vmem>>
        %dma_start3A_643 = tpu.memref_squeeze %dma_start3A_642 : memref<1x1x32x128xf32, #tpu.memory_space<vmem>> -> memref<32x128xf32, #tpu.memory_space<vmem>>
        %dma_start3A_644 = arith.constant 0 : i32
        %dma_start3A_645 = tpu.memref_slice %arg9[%add3A_637, %dma_start3A_644] : memref<16x32xi32, #tpu.memory_space<vmem>> -> memref<1x32xi32, #tpu.memory_space<vmem>>
        %dma_start3A_646 = tpu.memref_squeeze %dma_start3A_645 : memref<1x32xi32, #tpu.memory_space<vmem>> -> memref<32xi32, #tpu.memory_space<vmem>>
        %dma_start3A_647 = arith.constant 0 : i32
        %dma_start3A_648 = arith.constant 0 : i32
        %dma_start3A_649 = tpu.memref_slice %arg5[%dma_start3A_647, %dma_start3A_648] : memref<100000x128xf32, #tpu.memory_space<hbm>> -> memref<100000x128xf32, #tpu.memory_space<hbm>>
        tpu.enqueue_indirect_dma source(%dma_start3A_649 : memref<100000x128xf32, #tpu.memory_space<hbm>>) target(%dma_start3A_643 : memref<32x128xf32, #tpu.memory_space<vmem>>) offsets(%dma_start3A_646 : memref<32xi32, #tpu.memory_space<vmem>>) semaphore(%arg17 : memref<!tpu.dma_semaphore, #tpu.memory_space<semaphore_mem>>)
        %dma_start3A_650 = arith.constant 0 : i32
        %dma_start3A_651 = arith.constant 1 : i32
        %dma_start3A_652 = arith.constant 0 : i32
        %dma_start3A_653 = arith.constant 0 : i32
        %dma_start3A_654 = tpu.memref_slice %arg12[%dma_start3A_650, %dma_start3A_651, %dma_start3A_652, %dma_start3A_653] : memref<2x4x32x128xf32, #tpu.memory_space<vmem>> -> memref<1x1x32x128xf32, #tpu.memory_space<vmem>>
        %dma_start3A_655 = tpu.memref_squeeze %dma_start3A_654 : memref<1x1x32x128xf32, #tpu.memory_space<vmem>> -> memref<32x128xf32, #tpu.memory_space<vmem>>
        %dma_start3A_656 = arith.constant 0 : i32
        %dma_start3A_657 = tpu.memref_slice %arg9[%add3A_637, %dma_start3A_656] : memref<16x32xi32, #tpu.memory_space<vmem>> -> memref<1x32xi32, #tpu.memory_space<vmem>>
        %dma_start3A_658 = tpu.memref_squeeze %dma_start3A_657 : memref<1x32xi32, #tpu.memory_space<vmem>> -> memref<32xi32, #tpu.memory_space<vmem>>
        %dma_start3A_659 = arith.constant 0 : i32
        %dma_start3A_660 = arith.constant 0 : i32
        %dma_start3A_661 = tpu.memref_slice %arg6[%dma_start3A_659, %dma_start3A_660] : memref<100000x128xf32, #tpu.memory_space<hbm>> -> memref<100000x128xf32, #tpu.memory_space<hbm>>
        tpu.enqueue_indirect_dma source(%dma_start3A_661 : memref<100000x128xf32, #tpu.memory_space<hbm>>) target(%dma_start3A_655 : memref<32x128xf32, #tpu.memory_space<vmem>>) offsets(%dma_start3A_658 : memref<32xi32, #tpu.memory_space<vmem>>) semaphore(%arg17 : memref<!tpu.dma_semaphore, #tpu.memory_space<semaphore_mem>>)
        %dma_start3A_662 = arith.constant 0 : i32
        %dma_start3A_663 = arith.constant 2 : i32
        %dma_start3A_664 = arith.constant 0 : i32
        %dma_start3A_665 = arith.constant 0 : i32
        %dma_start3A_666 = tpu.memref_slice %arg12[%dma_start3A_662, %dma_start3A_663, %dma_start3A_664, %dma_start3A_665] : memref<2x4x32x128xf32, #tpu.memory_space<vmem>> -> memref<1x1x32x128xf32, #tpu.memory_space<vmem>>
        %dma_start3A_667 = tpu.memref_squeeze %dma_start3A_666 : memref<1x1x32x128xf32, #tpu.memory_space<vmem>> -> memref<32x128xf32, #tpu.memory_space<vmem>>
        %dma_start3A_668 = arith.constant 0 : i32
        %dma_start3A_669 = tpu.memref_slice %arg11[%add3A_637, %dma_start3A_668] : memref<16x32xi32, #tpu.memory_space<vmem>> -> memref<1x32xi32, #tpu.memory_space<vmem>>
        %dma_start3A_670 = tpu.memref_squeeze %dma_start3A_669 : memref<1x32xi32, #tpu.memory_space<vmem>> -> memref<32xi32, #tpu.memory_space<vmem>>
        %dma_start3A_671 = arith.constant 0 : i32
        %dma_start3A_672 = arith.constant 0 : i32
        %dma_start3A_673 = tpu.memref_slice %arg5[%dma_start3A_671, %dma_start3A_672] : memref<100000x128xf32, #tpu.memory_space<hbm>> -> memref<100000x128xf32, #tpu.memory_space<hbm>>
        tpu.enqueue_indirect_dma source(%dma_start3A_673 : memref<100000x128xf32, #tpu.memory_space<hbm>>) target(%dma_start3A_667 : memref<32x128xf32, #tpu.memory_space<vmem>>) offsets(%dma_start3A_670 : memref<32xi32, #tpu.memory_space<vmem>>) semaphore(%arg17 : memref<!tpu.dma_semaphore, #tpu.memory_space<semaphore_mem>>)
        %dma_start3A_674 = arith.constant 0 : i32
        %dma_start3A_675 = arith.constant 3 : i32
        %dma_start3A_676 = arith.constant 0 : i32
        %dma_start3A_677 = arith.constant 0 : i32
        %dma_start3A_678 = tpu.memref_slice %arg12[%dma_start3A_674, %dma_start3A_675, %dma_start3A_676, %dma_start3A_677] : memref<2x4x32x128xf32, #tpu.memory_space<vmem>> -> memref<1x1x32x128xf32, #tpu.memory_space<vmem>>
        %dma_start3A_679 = tpu.memref_squeeze %dma_start3A_678 : memref<1x1x32x128xf32, #tpu.memory_space<vmem>> -> memref<32x128xf32, #tpu.memory_space<vmem>>
        %dma_start3A_680 = arith.constant 0 : i32
        %dma_start3A_681 = tpu.memref_slice %arg11[%add3A_637, %dma_start3A_680] : memref<16x32xi32, #tpu.memory_space<vmem>> -> memref<1x32xi32, #tpu.memory_space<vmem>>
        %dma_start3A_682 = tpu.memref_squeeze %dma_start3A_681 : memref<1x32xi32, #tpu.memory_space<vmem>> -> memref<32xi32, #tpu.memory_space<vmem>>
        %dma_start3A_683 = arith.constant 0 : i32
        %dma_start3A_684 = arith.constant 0 : i32
        %dma_start3A_685 = tpu.memref_slice %arg6[%dma_start3A_683, %dma_start3A_684] : memref<100000x128xf32, #tpu.memory_space<hbm>> -> memref<100000x128xf32, #tpu.memory_space<hbm>>
        tpu.enqueue_indirect_dma source(%dma_start3A_685 : memref<100000x128xf32, #tpu.memory_space<hbm>>) target(%dma_start3A_679 : memref<32x128xf32, #tpu.memory_space<vmem>>) offsets(%dma_start3A_682 : memref<32xi32, #tpu.memory_space<vmem>>) semaphore(%arg17 : memref<!tpu.dma_semaphore, #tpu.memory_space<semaphore_mem>>)
      } else {
      }
      %parallel_loop3A_521 = arith.constant 0 : i32
      %parallel_loop3A_522 = arith.constant 32 : i32
      %parallel_loop3A_523 = arith.constant 1 : i32
      scf.for %parallel_loop3A_636 = %parallel_loop3A_521 to %parallel_loop3A_522 step %parallel_loop3A_523  : i32 {
        %parallel_loop3A_637 = arith.constant 32 : i32
        %parallel_loop3A_638 = arith.muli %add3A_461, %parallel_loop3A_637 : i32
        %parallel_loop3A_639 = arith.addi %parallel_loop3A_638, %parallel_loop3A_636 : i32
        %parallel_loop3A_640 = arith.index_cast %parallel_loop3A_639 : i32 to index
        %parallel_loop3A_641 = tpu.vector_load %arg10[%parallel_loop3A_640] {strides = array<i32>} : memref<528xi32, #tpu.memory_space<vmem>>, vector<16xi32>,
        %parallel_loop3A_642 = vector.extract_strided_slice %parallel_loop3A_641 {offsets = [0], sizes = [1], strides = [1]} : vector<16xi32> to vector<1xi32>
        %parallel_loop3A_643 = vector.extract %parallel_loop3A_642[0] : i32 from vector<1xi32>
        %parallel_loop3A_644 = arith.constant 0.000000e+00 : f32
        %parallel_loop3A_645 = vector.broadcast %parallel_loop3A_644 : f32 to vector<16xf32>
        %parallel_loop3A_646 = arith.constant 0 : i32
        %parallel_loop3A_647 = arith.addi %parallel_loop3A_643, %parallel_loop3A_646 : i32
        %parallel_loop3A_648 = arith.index_cast %parallel_loop3A_647 : i32 to index
        %parallel_loop3A_649 = tpu.vector_load %arg13[%parallel_loop3A_648] {strides = array<i32>} : memref<128000xbf16, #tpu.memory_space<vmem>>, vector<32xbf16>,
        %parallel_loop3A_650 = tpu.unpack_subelements %parallel_loop3A_649, 0 {pack_format = #tpu.pack_format<interleaved>} : vector<32xbf16> -> vector<16xf32>
        %parallel_loop3A_651 = tpu.unpack_subelements %parallel_loop3A_649, 1 {pack_format = #tpu.pack_format<interleaved>} : vector<32xbf16> -> vector<16xf32>
        %parallel_loop3A_652 = arith.constant 1 : i32
        %parallel_loop3A_653 = arith.constant 0 : i32
        %parallel_loop3A_654 = arith.index_cast %parallel_loop3A_652 : i32 to index
        %parallel_loop3A_655 = arith.index_cast %parallel_loop3A_653 : i32 to index
        %parallel_loop3A_656 = arith.index_cast %parallel_loop3A_636 : i32 to index
        %parallel_loop3A_657 = arith.constant 0 : index
        %parallel_loop3A_658 = tpu.vector_load %arg12[%parallel_loop3A_654, %parallel_loop3A_655, %parallel_loop3A_656, %parallel_loop3A_657] {strides = array<i32>} : memref<2x4x32x128xf32, #tpu.memory_space<vmem>>, vector<16xf32>,
        %parallel_loop3A_659 = arith.constant 1 : i32
        %parallel_loop3A_660 = arith.constant 1 : i32
        %parallel_loop3A_661 = arith.index_cast %parallel_loop3A_659 : i32 to index
        %parallel_loop3A_662 = arith.index_cast %parallel_loop3A_660 : i32 to index
        %parallel_loop3A_663 = arith.index_cast %parallel_loop3A_636 : i32 to index
        %parallel_loop3A_664 = arith.constant 0 : index
        %parallel_loop3A_665 = tpu.vector_load %arg12[%parallel_loop3A_661, %parallel_loop3A_662, %parallel_loop3A_663, %parallel_loop3A_664] {strides = array<i32>} : memref<2x4x32x128xf32, #tpu.memory_space<vmem>>, vector<16xf32>,
        %parallel_loop3A_666 = arith.mulf %parallel_loop3A_658, %parallel_loop3A_650 : vector<16xf32>
        %parallel_loop3A_667 = arith.mulf %parallel_loop3A_665, %parallel_loop3A_651 : vector<16xf32>
        %parallel_loop3A_668 = arith.subf %parallel_loop3A_666, %parallel_loop3A_667 : vector<16xf32>
        %parallel_loop3A_669 = arith.constant 1 : i32
        %parallel_loop3A_670 = arith.constant 2 : i32
        %parallel_loop3A_671 = arith.index_cast %parallel_loop3A_669 : i32 to index
        %parallel_loop3A_672 = arith.index_cast %parallel_loop3A_670 : i32 to index
        %parallel_loop3A_673 = arith.index_cast %parallel_loop3A_636 : i32 to index
        %parallel_loop3A_674 = arith.constant 0 : index
        %parallel_loop3A_675 = tpu.vector_load %arg12[%parallel_loop3A_671, %parallel_loop3A_672, %parallel_loop3A_673, %parallel_loop3A_674] {strides = array<i32>} : memref<2x4x32x128xf32, #tpu.memory_space<vmem>>, vector<16xf32>,
        %parallel_loop3A_676 = arith.subf %parallel_loop3A_668, %parallel_loop3A_675 : vector<16xf32>
        %parallel_loop3A_677 = arith.mulf %parallel_loop3A_658, %parallel_loop3A_651 : vector<16xf32>
        %parallel_loop3A_678 = arith.mulf %parallel_loop3A_665, %parallel_loop3A_650 : vector<16xf32>
        %parallel_loop3A_679 = arith.addf %parallel_loop3A_677, %parallel_loop3A_678 : vector<16xf32>
        %parallel_loop3A_680 = arith.constant 1 : i32
        %parallel_loop3A_681 = arith.constant 3 : i32
        %parallel_loop3A_682 = arith.index_cast %parallel_loop3A_680 : i32 to index
        %parallel_loop3A_683 = arith.index_cast %parallel_loop3A_681 : i32 to index
        %parallel_loop3A_684 = arith.index_cast %parallel_loop3A_636 : i32 to index
        %parallel_loop3A_685 = arith.constant 0 : index
        %parallel_loop3A_686 = tpu.vector_load %arg12[%parallel_loop3A_682, %parallel_loop3A_683, %parallel_loop3A_684, %parallel_loop3A_685] {strides = array<i32>} : memref<2x4x32x128xf32, #tpu.memory_space<vmem>>, vector<16xf32>,
        %parallel_loop3A_687 = arith.subf %parallel_loop3A_679, %parallel_loop3A_686 : vector<16xf32>
        %parallel_loop3A_688 = arith.mulf %parallel_loop3A_676, %parallel_loop3A_676 : vector<16xf32>
        %parallel_loop3A_689 = arith.mulf %parallel_loop3A_687, %parallel_loop3A_687 : vector<16xf32>
        %parallel_loop3A_690 = arith.addf %parallel_loop3A_688, %parallel_loop3A_689 : vector<16xf32>
        %parallel_loop3A_691 = tpu.bitcast %parallel_loop3A_690 : vector<16xf32> -> vector<16xi32>
        %parallel_loop3A_692 = arith.constant 1 : i32
        %parallel_loop3A_693 = vector.broadcast %parallel_loop3A_692 : i32 to vector<16xi32>
        %parallel_loop3A_694 = arith.shrsi %parallel_loop3A_691, %parallel_loop3A_693 : vector<16xi32>
        %parallel_loop3A_695 = arith.constant 1597463007 : i32
        %parallel_loop3A_696 = vector.broadcast %parallel_loop3A_695 : i32 to vector<16xi32>
        %parallel_loop3A_697 = arith.subi %parallel_loop3A_696, %parallel_loop3A_694 : vector<16xi32>
        %parallel_loop3A_698 = tpu.bitcast %parallel_loop3A_697 : vector<16xi32> -> vector<16xf32>
        %parallel_loop3A_699 = arith.constant 5.000000e-01 : f32
        %parallel_loop3A_700 = vector.broadcast %parallel_loop3A_699 : f32 to vector<16xf32>
        %parallel_loop3A_701 = arith.mulf %parallel_loop3A_700, %parallel_loop3A_690 : vector<16xf32>
        %parallel_loop3A_702 = arith.mulf %parallel_loop3A_701, %parallel_loop3A_698 : vector<16xf32>
        %parallel_loop3A_703 = arith.mulf %parallel_loop3A_702, %parallel_loop3A_698 : vector<16xf32>
        %parallel_loop3A_704 = arith.constant 1.500000e+00 : f32
        %parallel_loop3A_705 = vector.broadcast %parallel_loop3A_704 : f32 to vector<16xf32>
        %parallel_loop3A_706 = arith.subf %parallel_loop3A_705, %parallel_loop3A_703 : vector<16xf32>
        %parallel_loop3A_707 = arith.mulf %parallel_loop3A_698, %parallel_loop3A_706 : vector<16xf32>
        %parallel_loop3A_708 = arith.mulf %parallel_loop3A_690, %parallel_loop3A_707 : vector<16xf32>
        %parallel_loop3A_709 = arith.addf %parallel_loop3A_645, %parallel_loop3A_708 : vector<16xf32>
        %parallel_loop3A_710 = arith.constant 16 : i32
        %parallel_loop3A_711 = arith.addi %parallel_loop3A_643, %parallel_loop3A_710 : i32
        %parallel_loop3A_712 = arith.index_cast %parallel_loop3A_711 : i32 to index
        %parallel_loop3A_713 = tpu.vector_load %arg13[%parallel_loop3A_712] {strides = array<i32>} : memref<128000xbf16, #tpu.memory_space<vmem>>, vector<32xbf16>,
        %parallel_loop3A_714 = tpu.unpack_subelements %parallel_loop3A_713, 0 {pack_format = #tpu.pack_format<interleaved>} : vector<32xbf16> -> vector<16xf32>
        %parallel_loop3A_715 = tpu.unpack_subelements %parallel_loop3A_713, 1 {pack_format = #tpu.pack_format<interleaved>} : vector<32xbf16> -> vector<16xf32>
        %parallel_loop3A_716 = arith.constant 1 : i32
        %parallel_loop3A_717 = arith.constant 0 : i32
        %parallel_loop3A_718 = arith.index_cast %parallel_loop3A_716 : i32 to index
        %parallel_loop3A_719 = arith.index_cast %parallel_loop3A_717 : i32 to index
        %parallel_loop3A_720 = arith.index_cast %parallel_loop3A_636 : i32 to index
        %parallel_loop3A_721 = arith.constant 16 : index
        %parallel_loop3A_722 = tpu.vector_load %arg12[%parallel_loop3A_718, %parallel_loop3A_719, %parallel_loop3A_720, %parallel_loop3A_721] {strides = array<i32>} : memref<2x4x32x128xf32, #tpu.memory_space<vmem>>, vector<16xf32>,
        %parallel_loop3A_723 = arith.constant 1 : i32
        %parallel_loop3A_724 = arith.constant 1 : i32
        %parallel_loop3A_725 = arith.index_cast %parallel_loop3A_723 : i32 to index
        %parallel_loop3A_726 = arith.index_cast %parallel_loop3A_724 : i32 to index
        %parallel_loop3A_727 = arith.index_cast %parallel_loop3A_636 : i32 to index
        %parallel_loop3A_728 = arith.constant 16 : index
        %parallel_loop3A_729 = tpu.vector_load %arg12[%parallel_loop3A_725, %parallel_loop3A_726, %parallel_loop3A_727, %parallel_loop3A_728] {strides = array<i32>} : memref<2x4x32x128xf32, #tpu.memory_space<vmem>>, vector<16xf32>,
        %parallel_loop3A_730 = arith.mulf %parallel_loop3A_722, %parallel_loop3A_714 : vector<16xf32>
        %parallel_loop3A_731 = arith.mulf %parallel_loop3A_729, %parallel_loop3A_715 : vector<16xf32>
        %parallel_loop3A_732 = arith.subf %parallel_loop3A_730, %parallel_loop3A_731 : vector<16xf32>
        %parallel_loop3A_733 = arith.constant 1 : i32
        %parallel_loop3A_734 = arith.constant 2 : i32
        %parallel_loop3A_735 = arith.index_cast %parallel_loop3A_733 : i32 to index
        %parallel_loop3A_736 = arith.index_cast %parallel_loop3A_734 : i32 to index
        %parallel_loop3A_737 = arith.index_cast %parallel_loop3A_636 : i32 to index
        %parallel_loop3A_738 = arith.constant 16 : index
        %parallel_loop3A_739 = tpu.vector_load %arg12[%parallel_loop3A_735, %parallel_loop3A_736, %parallel_loop3A_737, %parallel_loop3A_738] {strides = array<i32>} : memref<2x4x32x128xf32, #tpu.memory_space<vmem>>, vector<16xf32>,
        %parallel_loop3A_740 = arith.subf %parallel_loop3A_732, %parallel_loop3A_739 : vector<16xf32>
        %parallel_loop3A_741 = arith.mulf %parallel_loop3A_722, %parallel_loop3A_715 : vector<16xf32>
        %parallel_loop3A_742 = arith.mulf %parallel_loop3A_729, %parallel_loop3A_714 : vector<16xf32>
        %parallel_loop3A_743 = arith.addf %parallel_loop3A_741, %parallel_loop3A_742 : vector<16xf32>
        %parallel_loop3A_744 = arith.constant 1 : i32
        %parallel_loop3A_745 = arith.constant 3 : i32
        %parallel_loop3A_746 = arith.index_cast %parallel_loop3A_744 : i32 to index
        %parallel_loop3A_747 = arith.index_cast %parallel_loop3A_745 : i32 to index
        %parallel_loop3A_748 = arith.index_cast %parallel_loop3A_636 : i32 to index
        %parallel_loop3A_749 = arith.constant 16 : index
        %parallel_loop3A_750 = tpu.vector_load %arg12[%parallel_loop3A_746, %parallel_loop3A_747, %parallel_loop3A_748, %parallel_loop3A_749] {strides = array<i32>} : memref<2x4x32x128xf32, #tpu.memory_space<vmem>>, vector<16xf32>,
        %parallel_loop3A_751 = arith.subf %parallel_loop3A_743, %parallel_loop3A_750 : vector<16xf32>
        %parallel_loop3A_752 = arith.mulf %parallel_loop3A_740, %parallel_loop3A_740 : vector<16xf32>
        %parallel_loop3A_753 = arith.mulf %parallel_loop3A_751, %parallel_loop3A_751 : vector<16xf32>
        %parallel_loop3A_754 = arith.addf %parallel_loop3A_752, %parallel_loop3A_753 : vector<16xf32>
        %parallel_loop3A_755 = tpu.bitcast %parallel_loop3A_754 : vector<16xf32> -> vector<16xi32>
        %parallel_loop3A_756 = arith.constant 1 : i32
        %parallel_loop3A_757 = vector.broadcast %parallel_loop3A_756 : i32 to vector<16xi32>
        %parallel_loop3A_758 = arith.shrsi %parallel_loop3A_755, %parallel_loop3A_757 : vector<16xi32>
        %parallel_loop3A_759 = arith.constant 1597463007 : i32
        %parallel_loop3A_760 = vector.broadcast %parallel_loop3A_759 : i32 to vector<16xi32>
        %parallel_loop3A_761 = arith.subi %parallel_loop3A_760, %parallel_loop3A_758 : vector<16xi32>
        %parallel_loop3A_762 = tpu.bitcast %parallel_loop3A_761 : vector<16xi32> -> vector<16xf32>
        %parallel_loop3A_763 = arith.constant 5.000000e-01 : f32
        %parallel_loop3A_764 = vector.broadcast %parallel_loop3A_763 : f32 to vector<16xf32>
        %parallel_loop3A_765 = arith.mulf %parallel_loop3A_764, %parallel_loop3A_754 : vector<16xf32>
        %parallel_loop3A_766 = arith.mulf %parallel_loop3A_765, %parallel_loop3A_762 : vector<16xf32>
        %parallel_loop3A_767 = arith.mulf %parallel_loop3A_766, %parallel_loop3A_762 : vector<16xf32>
        %parallel_loop3A_768 = arith.constant 1.500000e+00 : f32
        %parallel_loop3A_769 = vector.broadcast %parallel_loop3A_768 : f32 to vector<16xf32>
        %parallel_loop3A_770 = arith.subf %parallel_loop3A_769, %parallel_loop3A_767 : vector<16xf32>
        %parallel_loop3A_771 = arith.mulf %parallel_loop3A_762, %parallel_loop3A_770 : vector<16xf32>
        %parallel_loop3A_772 = arith.mulf %parallel_loop3A_754, %parallel_loop3A_771 : vector<16xf32>
        %parallel_loop3A_773 = arith.addf %parallel_loop3A_709, %parallel_loop3A_772 : vector<16xf32>
        %parallel_loop3A_774 = arith.constant 32 : i32
        %parallel_loop3A_775 = arith.addi %parallel_loop3A_643, %parallel_loop3A_774 : i32
        %parallel_loop3A_776 = arith.index_cast %parallel_loop3A_775 : i32 to index
        %parallel_loop3A_777 = tpu.vector_load %arg13[%parallel_loop3A_776] {strides = array<i32>} : memref<128000xbf16, #tpu.memory_space<vmem>>, vector<32xbf16>,
        %parallel_loop3A_778 = tpu.unpack_subelements %parallel_loop3A_777, 0 {pack_format = #tpu.pack_format<interleaved>} : vector<32xbf16> -> vector<16xf32>
        %parallel_loop3A_779 = tpu.unpack_subelements %parallel_loop3A_777, 1 {pack_format = #tpu.pack_format<interleaved>} : vector<32xbf16> -> vector<16xf32>
        %parallel_loop3A_780 = arith.constant 1 : i32
        %parallel_loop3A_781 = arith.constant 0 : i32
        %parallel_loop3A_782 = arith.index_cast %parallel_loop3A_780 : i32 to index
        %parallel_loop3A_783 = arith.index_cast %parallel_loop3A_781 : i32 to index
        %parallel_loop3A_784 = arith.index_cast %parallel_loop3A_636 : i32 to index
        %parallel_loop3A_785 = arith.constant 32 : index
        %parallel_loop3A_786 = tpu.vector_load %arg12[%parallel_loop3A_782, %parallel_loop3A_783, %parallel_loop3A_784, %parallel_loop3A_785] {strides = array<i32>} : memref<2x4x32x128xf32, #tpu.memory_space<vmem>>, vector<16xf32>,
        %parallel_loop3A_787 = arith.constant 1 : i32
        %parallel_loop3A_788 = arith.constant 1 : i32
        %parallel_loop3A_789 = arith.index_cast %parallel_loop3A_787 : i32 to index
        %parallel_loop3A_790 = arith.index_cast %parallel_loop3A_788 : i32 to index
        %parallel_loop3A_791 = arith.index_cast %parallel_loop3A_636 : i32 to index
        %parallel_loop3A_792 = arith.constant 32 : index
        %parallel_loop3A_793 = tpu.vector_load %arg12[%parallel_loop3A_789, %parallel_loop3A_790, %parallel_loop3A_791, %parallel_loop3A_792] {strides = array<i32>} : memref<2x4x32x128xf32, #tpu.memory_space<vmem>>, vector<16xf32>,
        %parallel_loop3A_794 = arith.mulf %parallel_loop3A_786, %parallel_loop3A_778 : vector<16xf32>
        %parallel_loop3A_795 = arith.mulf %parallel_loop3A_793, %parallel_loop3A_779 : vector<16xf32>
        %parallel_loop3A_796 = arith.subf %parallel_loop3A_794, %parallel_loop3A_795 : vector<16xf32>
        %parallel_loop3A_797 = arith.constant 1 : i32
        %parallel_loop3A_798 = arith.constant 2 : i32
        %parallel_loop3A_799 = arith.index_cast %parallel_loop3A_797 : i32 to index
        %parallel_loop3A_800 = arith.index_cast %parallel_loop3A_798 : i32 to index
        %parallel_loop3A_801 = arith.index_cast %parallel_loop3A_636 : i32 to index
        %parallel_loop3A_802 = arith.constant 32 : index
        %parallel_loop3A_803 = tpu.vector_load %arg12[%parallel_loop3A_799, %parallel_loop3A_800, %parallel_loop3A_801, %parallel_loop3A_802] {strides = array<i32>} : memref<2x4x32x128xf32, #tpu.memory_space<vmem>>, vector<16xf32>,
        %parallel_loop3A_804 = arith.subf %parallel_loop3A_796, %parallel_loop3A_803 : vector<16xf32>
        %parallel_loop3A_805 = arith.mulf %parallel_loop3A_786, %parallel_loop3A_779 : vector<16xf32>
        %parallel_loop3A_806 = arith.mulf %parallel_loop3A_793, %parallel_loop3A_778 : vector<16xf32>
        %parallel_loop3A_807 = arith.addf %parallel_loop3A_805, %parallel_loop3A_806 : vector<16xf32>
        %parallel_loop3A_808 = arith.constant 1 : i32
        %parallel_loop3A_809 = arith.constant 3 : i32
        %parallel_loop3A_810 = arith.index_cast %parallel_loop3A_808 : i32 to index
        %parallel_loop3A_811 = arith.index_cast %parallel_loop3A_809 : i32 to index
        %parallel_loop3A_812 = arith.index_cast %parallel_loop3A_636 : i32 to index
        %parallel_loop3A_813 = arith.constant 32 : index
        %parallel_loop3A_814 = tpu.vector_load %arg12[%parallel_loop3A_810, %parallel_loop3A_811, %parallel_loop3A_812, %parallel_loop3A_813] {strides = array<i32>} : memref<2x4x32x128xf32, #tpu.memory_space<vmem>>, vector<16xf32>,
        %parallel_loop3A_815 = arith.subf %parallel_loop3A_807, %parallel_loop3A_814 : vector<16xf32>
        %parallel_loop3A_816 = arith.mulf %parallel_loop3A_804, %parallel_loop3A_804 : vector<16xf32>
        %parallel_loop3A_817 = arith.mulf %parallel_loop3A_815, %parallel_loop3A_815 : vector<16xf32>
        %parallel_loop3A_818 = arith.addf %parallel_loop3A_816, %parallel_loop3A_817 : vector<16xf32>
        %parallel_loop3A_819 = tpu.bitcast %parallel_loop3A_818 : vector<16xf32> -> vector<16xi32>
        %parallel_loop3A_820 = arith.constant 1 : i32
        %parallel_loop3A_821 = vector.broadcast %parallel_loop3A_820 : i32 to vector<16xi32>
        %parallel_loop3A_822 = arith.shrsi %parallel_loop3A_819, %parallel_loop3A_821 : vector<16xi32>
        %parallel_loop3A_823 = arith.constant 1597463007 : i32
        %parallel_loop3A_824 = vector.broadcast %parallel_loop3A_823 : i32 to vector<16xi32>
        %parallel_loop3A_825 = arith.subi %parallel_loop3A_824, %parallel_loop3A_822 : vector<16xi32>
        %parallel_loop3A_826 = tpu.bitcast %parallel_loop3A_825 : vector<16xi32> -> vector<16xf32>
        %parallel_loop3A_827 = arith.constant 5.000000e-01 : f32
        %parallel_loop3A_828 = vector.broadcast %parallel_loop3A_827 : f32 to vector<16xf32>
        %parallel_loop3A_829 = arith.mulf %parallel_loop3A_828, %parallel_loop3A_818 : vector<16xf32>
        %parallel_loop3A_830 = arith.mulf %parallel_loop3A_829, %parallel_loop3A_826 : vector<16xf32>
        %parallel_loop3A_831 = arith.mulf %parallel_loop3A_830, %parallel_loop3A_826 : vector<16xf32>
        %parallel_loop3A_832 = arith.constant 1.500000e+00 : f32
        %parallel_loop3A_833 = vector.broadcast %parallel_loop3A_832 : f32 to vector<16xf32>
        %parallel_loop3A_834 = arith.subf %parallel_loop3A_833, %parallel_loop3A_831 : vector<16xf32>
        %parallel_loop3A_835 = arith.mulf %parallel_loop3A_826, %parallel_loop3A_834 : vector<16xf32>
        %parallel_loop3A_836 = arith.mulf %parallel_loop3A_818, %parallel_loop3A_835 : vector<16xf32>
        %parallel_loop3A_837 = arith.addf %parallel_loop3A_773, %parallel_loop3A_836 : vector<16xf32>
        %parallel_loop3A_838 = arith.constant 48 : i32
        %parallel_loop3A_839 = arith.addi %parallel_loop3A_643, %parallel_loop3A_838 : i32
        %parallel_loop3A_840 = arith.index_cast %parallel_loop3A_839 : i32 to index
        %parallel_loop3A_841 = tpu.vector_load %arg13[%parallel_loop3A_840] {strides = array<i32>} : memref<128000xbf16, #tpu.memory_space<vmem>>, vector<32xbf16>,
        %parallel_loop3A_842 = tpu.unpack_subelements %parallel_loop3A_841, 0 {pack_format = #tpu.pack_format<interleaved>} : vector<32xbf16> -> vector<16xf32>
        %parallel_loop3A_843 = tpu.unpack_subelements %parallel_loop3A_841, 1 {pack_format = #tpu.pack_format<interleaved>} : vector<32xbf16> -> vector<16xf32>
        %parallel_loop3A_844 = arith.constant 1 : i32
        %parallel_loop3A_845 = arith.constant 0 : i32
        %parallel_loop3A_846 = arith.index_cast %parallel_loop3A_844 : i32 to index
        %parallel_loop3A_847 = arith.index_cast %parallel_loop3A_845 : i32 to index
        %parallel_loop3A_848 = arith.index_cast %parallel_loop3A_636 : i32 to index
        %parallel_loop3A_849 = arith.constant 48 : index
        %parallel_loop3A_850 = tpu.vector_load %arg12[%parallel_loop3A_846, %parallel_loop3A_847, %parallel_loop3A_848, %parallel_loop3A_849] {strides = array<i32>} : memref<2x4x32x128xf32, #tpu.memory_space<vmem>>, vector<16xf32>,
        %parallel_loop3A_851 = arith.constant 1 : i32
        %parallel_loop3A_852 = arith.constant 1 : i32
        %parallel_loop3A_853 = arith.index_cast %parallel_loop3A_851 : i32 to index
        %parallel_loop3A_854 = arith.index_cast %parallel_loop3A_852 : i32 to index
        %parallel_loop3A_855 = arith.index_cast %parallel_loop3A_636 : i32 to index
        %parallel_loop3A_856 = arith.constant 48 : index
        %parallel_loop3A_857 = tpu.vector_load %arg12[%parallel_loop3A_853, %parallel_loop3A_854, %parallel_loop3A_855, %parallel_loop3A_856] {strides = array<i32>} : memref<2x4x32x128xf32, #tpu.memory_space<vmem>>, vector<16xf32>,
        %parallel_loop3A_858 = arith.mulf %parallel_loop3A_850, %parallel_loop3A_842 : vector<16xf32>
        %parallel_loop3A_859 = arith.mulf %parallel_loop3A_857, %parallel_loop3A_843 : vector<16xf32>
        %parallel_loop3A_860 = arith.subf %parallel_loop3A_858, %parallel_loop3A_859 : vector<16xf32>
        %parallel_loop3A_861 = arith.constant 1 : i32
        %parallel_loop3A_862 = arith.constant 2 : i32
        %parallel_loop3A_863 = arith.index_cast %parallel_loop3A_861 : i32 to index
        %parallel_loop3A_864 = arith.index_cast %parallel_loop3A_862 : i32 to index
        %parallel_loop3A_865 = arith.index_cast %parallel_loop3A_636 : i32 to index
        %parallel_loop3A_866 = arith.constant 48 : index
        %parallel_loop3A_867 = tpu.vector_load %arg12[%parallel_loop3A_863, %parallel_loop3A_864, %parallel_loop3A_865, %parallel_loop3A_866] {strides = array<i32>} : memref<2x4x32x128xf32, #tpu.memory_space<vmem>>, vector<16xf32>,
        %parallel_loop3A_868 = arith.subf %parallel_loop3A_860, %parallel_loop3A_867 : vector<16xf32>
        %parallel_loop3A_869 = arith.mulf %parallel_loop3A_850, %parallel_loop3A_843 : vector<16xf32>
        %parallel_loop3A_870 = arith.mulf %parallel_loop3A_857, %parallel_loop3A_842 : vector<16xf32>
        %parallel_loop3A_871 = arith.addf %parallel_loop3A_869, %parallel_loop3A_870 : vector<16xf32>
        %parallel_loop3A_872 = arith.constant 1 : i32
        %parallel_loop3A_873 = arith.constant 3 : i32
        %parallel_loop3A_874 = arith.index_cast %parallel_loop3A_872 : i32 to index
        %parallel_loop3A_875 = arith.index_cast %parallel_loop3A_873 : i32 to index
        %parallel_loop3A_876 = arith.index_cast %parallel_loop3A_636 : i32 to index
        %parallel_loop3A_877 = arith.constant 48 : index
        %parallel_loop3A_878 = tpu.vector_load %arg12[%parallel_loop3A_874, %parallel_loop3A_875, %parallel_loop3A_876, %parallel_loop3A_877] {strides = array<i32>} : memref<2x4x32x128xf32, #tpu.memory_space<vmem>>, vector<16xf32>,
        %parallel_loop3A_879 = arith.subf %parallel_loop3A_871, %parallel_loop3A_878 : vector<16xf32>
        %parallel_loop3A_880 = arith.mulf %parallel_loop3A_868, %parallel_loop3A_868 : vector<16xf32>
        %parallel_loop3A_881 = arith.mulf %parallel_loop3A_879, %parallel_loop3A_879 : vector<16xf32>
        %parallel_loop3A_882 = arith.addf %parallel_loop3A_880, %parallel_loop3A_881 : vector<16xf32>
        %parallel_loop3A_883 = tpu.bitcast %parallel_loop3A_882 : vector<16xf32> -> vector<16xi32>
        %parallel_loop3A_884 = arith.constant 1 : i32
        %parallel_loop3A_885 = vector.broadcast %parallel_loop3A_884 : i32 to vector<16xi32>
        %parallel_loop3A_886 = arith.shrsi %parallel_loop3A_883, %parallel_loop3A_885 : vector<16xi32>
        %parallel_loop3A_887 = arith.constant 1597463007 : i32
        %parallel_loop3A_888 = vector.broadcast %parallel_loop3A_887 : i32 to vector<16xi32>
        %parallel_loop3A_889 = arith.subi %parallel_loop3A_888, %parallel_loop3A_886 : vector<16xi32>
        %parallel_loop3A_890 = tpu.bitcast %parallel_loop3A_889 : vector<16xi32> -> vector<16xf32>
        %parallel_loop3A_891 = arith.constant 5.000000e-01 : f32
        %parallel_loop3A_892 = vector.broadcast %parallel_loop3A_891 : f32 to vector<16xf32>
        %parallel_loop3A_893 = arith.mulf %parallel_loop3A_892, %parallel_loop3A_882 : vector<16xf32>
        %parallel_loop3A_894 = arith.mulf %parallel_loop3A_893, %parallel_loop3A_890 : vector<16xf32>
        %parallel_loop3A_895 = arith.mulf %parallel_loop3A_894, %parallel_loop3A_890 : vector<16xf32>
        %parallel_loop3A_896 = arith.constant 1.500000e+00 : f32
        %parallel_loop3A_897 = vector.broadcast %parallel_loop3A_896 : f32 to vector<16xf32>
        %parallel_loop3A_898 = arith.subf %parallel_loop3A_897, %parallel_loop3A_895 : vector<16xf32>
        %parallel_loop3A_899 = arith.mulf %parallel_loop3A_890, %parallel_loop3A_898 : vector<16xf32>
        %parallel_loop3A_900 = arith.mulf %parallel_loop3A_882, %parallel_loop3A_899 : vector<16xf32>
        %parallel_loop3A_901 = arith.addf %parallel_loop3A_837, %parallel_loop3A_900 : vector<16xf32>
        %parallel_loop3A_902 = arith.constant 64 : i32
        %parallel_loop3A_903 = arith.addi %parallel_loop3A_643, %parallel_loop3A_902 : i32
        %parallel_loop3A_904 = arith.index_cast %parallel_loop3A_903 : i32 to index
        %parallel_loop3A_905 = tpu.vector_load %arg13[%parallel_loop3A_904] {strides = array<i32>} : memref<128000xbf16, #tpu.memory_space<vmem>>, vector<32xbf16>,
        %parallel_loop3A_906 = tpu.unpack_subelements %parallel_loop3A_905, 0 {pack_format = #tpu.pack_format<interleaved>} : vector<32xbf16> -> vector<16xf32>
        %parallel_loop3A_907 = tpu.unpack_subelements %parallel_loop3A_905, 1 {pack_format = #tpu.pack_format<interleaved>} : vector<32xbf16> -> vector<16xf32>
        %parallel_loop3A_908 = arith.constant 1 : i32
        %parallel_loop3A_909 = arith.constant 0 : i32
        %parallel_loop3A_910 = arith.index_cast %parallel_loop3A_908 : i32 to index
        %parallel_loop3A_911 = arith.index_cast %parallel_loop3A_909 : i32 to index
        %parallel_loop3A_912 = arith.index_cast %parallel_loop3A_636 : i32 to index
        %parallel_loop3A_913 = arith.constant 64 : index
        %parallel_loop3A_914 = tpu.vector_load %arg12[%parallel_loop3A_910, %parallel_loop3A_911, %parallel_loop3A_912, %parallel_loop3A_913] {strides = array<i32>} : memref<2x4x32x128xf32, #tpu.memory_space<vmem>>, vector<16xf32>,
        %parallel_loop3A_915 = arith.constant 1 : i32
        %parallel_loop3A_916 = arith.constant 1 : i32
        %parallel_loop3A_917 = arith.index_cast %parallel_loop3A_915 : i32 to index
        %parallel_loop3A_918 = arith.index_cast %parallel_loop3A_916 : i32 to index
        %parallel_loop3A_919 = arith.index_cast %parallel_loop3A_636 : i32 to index
        %parallel_loop3A_920 = arith.constant 64 : index
        %parallel_loop3A_921 = tpu.vector_load %arg12[%parallel_loop3A_917, %parallel_loop3A_918, %parallel_loop3A_919, %parallel_loop3A_920] {strides = array<i32>} : memref<2x4x32x128xf32, #tpu.memory_space<vmem>>, vector<16xf32>,
        %parallel_loop3A_922 = arith.mulf %parallel_loop3A_914, %parallel_loop3A_906 : vector<16xf32>
        %parallel_loop3A_923 = arith.mulf %parallel_loop3A_921, %parallel_loop3A_907 : vector<16xf32>
        %parallel_loop3A_924 = arith.subf %parallel_loop3A_922, %parallel_loop3A_923 : vector<16xf32>
        %parallel_loop3A_925 = arith.constant 1 : i32
        %parallel_loop3A_926 = arith.constant 2 : i32
        %parallel_loop3A_927 = arith.index_cast %parallel_loop3A_925 : i32 to index
        %parallel_loop3A_928 = arith.index_cast %parallel_loop3A_926 : i32 to index
        %parallel_loop3A_929 = arith.index_cast %parallel_loop3A_636 : i32 to index
        %parallel_loop3A_930 = arith.constant 64 : index
        %parallel_loop3A_931 = tpu.vector_load %arg12[%parallel_loop3A_927, %parallel_loop3A_928, %parallel_loop3A_929, %parallel_loop3A_930] {strides = array<i32>} : memref<2x4x32x128xf32, #tpu.memory_space<vmem>>, vector<16xf32>,
        %parallel_loop3A_932 = arith.subf %parallel_loop3A_924, %parallel_loop3A_931 : vector<16xf32>
        %parallel_loop3A_933 = arith.mulf %parallel_loop3A_914, %parallel_loop3A_907 : vector<16xf32>
        %parallel_loop3A_934 = arith.mulf %parallel_loop3A_921, %parallel_loop3A_906 : vector<16xf32>
        %parallel_loop3A_935 = arith.addf %parallel_loop3A_933, %parallel_loop3A_934 : vector<16xf32>
        %parallel_loop3A_936 = arith.constant 1 : i32
        %parallel_loop3A_937 = arith.constant 3 : i32
        %parallel_loop3A_938 = arith.index_cast %parallel_loop3A_936 : i32 to index
        %parallel_loop3A_939 = arith.index_cast %parallel_loop3A_937 : i32 to index
        %parallel_loop3A_940 = arith.index_cast %parallel_loop3A_636 : i32 to index
        %parallel_loop3A_941 = arith.constant 64 : index
        %parallel_loop3A_942 = tpu.vector_load %arg12[%parallel_loop3A_938, %parallel_loop3A_939, %parallel_loop3A_940, %parallel_loop3A_941] {strides = array<i32>} : memref<2x4x32x128xf32, #tpu.memory_space<vmem>>, vector<16xf32>,
        %parallel_loop3A_943 = arith.subf %parallel_loop3A_935, %parallel_loop3A_942 : vector<16xf32>
        %parallel_loop3A_944 = arith.mulf %parallel_loop3A_932, %parallel_loop3A_932 : vector<16xf32>
        %parallel_loop3A_945 = arith.mulf %parallel_loop3A_943, %parallel_loop3A_943 : vector<16xf32>
        %parallel_loop3A_946 = arith.addf %parallel_loop3A_944, %parallel_loop3A_945 : vector<16xf32>
        %parallel_loop3A_947 = tpu.bitcast %parallel_loop3A_946 : vector<16xf32> -> vector<16xi32>
        %parallel_loop3A_948 = arith.constant 1 : i32
        %parallel_loop3A_949 = vector.broadcast %parallel_loop3A_948 : i32 to vector<16xi32>
        %parallel_loop3A_950 = arith.shrsi %parallel_loop3A_947, %parallel_loop3A_949 : vector<16xi32>
        %parallel_loop3A_951 = arith.constant 1597463007 : i32
        %parallel_loop3A_952 = vector.broadcast %parallel_loop3A_951 : i32 to vector<16xi32>
        %parallel_loop3A_953 = arith.subi %parallel_loop3A_952, %parallel_loop3A_950 : vector<16xi32>
        %parallel_loop3A_954 = tpu.bitcast %parallel_loop3A_953 : vector<16xi32> -> vector<16xf32>
        %parallel_loop3A_955 = arith.constant 5.000000e-01 : f32
        %parallel_loop3A_956 = vector.broadcast %parallel_loop3A_955 : f32 to vector<16xf32>
        %parallel_loop3A_957 = arith.mulf %parallel_loop3A_956, %parallel_loop3A_946 : vector<16xf32>
        %parallel_loop3A_958 = arith.mulf %parallel_loop3A_957, %parallel_loop3A_954 : vector<16xf32>
        %parallel_loop3A_959 = arith.mulf %parallel_loop3A_958, %parallel_loop3A_954 : vector<16xf32>
        %parallel_loop3A_960 = arith.constant 1.500000e+00 : f32
        %parallel_loop3A_961 = vector.broadcast %parallel_loop3A_960 : f32 to vector<16xf32>
        %parallel_loop3A_962 = arith.subf %parallel_loop3A_961, %parallel_loop3A_959 : vector<16xf32>
        %parallel_loop3A_963 = arith.mulf %parallel_loop3A_954, %parallel_loop3A_962 : vector<16xf32>
        %parallel_loop3A_964 = arith.mulf %parallel_loop3A_946, %parallel_loop3A_963 : vector<16xf32>
        %parallel_loop3A_965 = arith.addf %parallel_loop3A_901, %parallel_loop3A_964 : vector<16xf32>
        %parallel_loop3A_966 = arith.constant 80 : i32
        %parallel_loop3A_967 = arith.addi %parallel_loop3A_643, %parallel_loop3A_966 : i32
        %parallel_loop3A_968 = arith.index_cast %parallel_loop3A_967 : i32 to index
        %parallel_loop3A_969 = tpu.vector_load %arg13[%parallel_loop3A_968] {strides = array<i32>} : memref<128000xbf16, #tpu.memory_space<vmem>>, vector<32xbf16>,
        %parallel_loop3A_970 = tpu.unpack_subelements %parallel_loop3A_969, 0 {pack_format = #tpu.pack_format<interleaved>} : vector<32xbf16> -> vector<16xf32>
        %parallel_loop3A_971 = tpu.unpack_subelements %parallel_loop3A_969, 1 {pack_format = #tpu.pack_format<interleaved>} : vector<32xbf16> -> vector<16xf32>
        %parallel_loop3A_972 = arith.constant 1 : i32
        %parallel_loop3A_973 = arith.constant 0 : i32
        %parallel_loop3A_974 = arith.index_cast %parallel_loop3A_972 : i32 to index
        %parallel_loop3A_975 = arith.index_cast %parallel_loop3A_973 : i32 to index
        %parallel_loop3A_976 = arith.index_cast %parallel_loop3A_636 : i32 to index
        %parallel_loop3A_977 = arith.constant 80 : index
        %parallel_loop3A_978 = tpu.vector_load %arg12[%parallel_loop3A_974, %parallel_loop3A_975, %parallel_loop3A_976, %parallel_loop3A_977] {strides = array<i32>} : memref<2x4x32x128xf32, #tpu.memory_space<vmem>>, vector<16xf32>,
        %parallel_loop3A_979 = arith.constant 1 : i32
        %parallel_loop3A_980 = arith.constant 1 : i32
        %parallel_loop3A_981 = arith.index_cast %parallel_loop3A_979 : i32 to index
        %parallel_loop3A_982 = arith.index_cast %parallel_loop3A_980 : i32 to index
        %parallel_loop3A_983 = arith.index_cast %parallel_loop3A_636 : i32 to index
        %parallel_loop3A_984 = arith.constant 80 : index
        %parallel_loop3A_985 = tpu.vector_load %arg12[%parallel_loop3A_981, %parallel_loop3A_982, %parallel_loop3A_983, %parallel_loop3A_984] {strides = array<i32>} : memref<2x4x32x128xf32, #tpu.memory_space<vmem>>, vector<16xf32>,
        %parallel_loop3A_986 = arith.mulf %parallel_loop3A_978, %parallel_loop3A_970 : vector<16xf32>
        %parallel_loop3A_987 = arith.mulf %parallel_loop3A_985, %parallel_loop3A_971 : vector<16xf32>
        %parallel_loop3A_988 = arith.subf %parallel_loop3A_986, %parallel_loop3A_987 : vector<16xf32>
        %parallel_loop3A_989 = arith.constant 1 : i32
        %parallel_loop3A_990 = arith.constant 2 : i32
        %parallel_loop3A_991 = arith.index_cast %parallel_loop3A_989 : i32 to index
        %parallel_loop3A_992 = arith.index_cast %parallel_loop3A_990 : i32 to index
        %parallel_loop3A_993 = arith.index_cast %parallel_loop3A_636 : i32 to index
        %parallel_loop3A_994 = arith.constant 80 : index
        %parallel_loop3A_995 = tpu.vector_load %arg12[%parallel_loop3A_991, %parallel_loop3A_992, %parallel_loop3A_993, %parallel_loop3A_994] {strides = array<i32>} : memref<2x4x32x128xf32, #tpu.memory_space<vmem>>, vector<16xf32>,
        %parallel_loop3A_996 = arith.subf %parallel_loop3A_988, %parallel_loop3A_995 : vector<16xf32>
        %parallel_loop3A_997 = arith.mulf %parallel_loop3A_978, %parallel_loop3A_971 : vector<16xf32>
        %parallel_loop3A_998 = arith.mulf %parallel_loop3A_985, %parallel_loop3A_970 : vector<16xf32>
        %parallel_loop3A_999 = arith.addf %parallel_loop3A_997, %parallel_loop3A_998 : vector<16xf32>
        %parallel_loop3A_1000 = arith.constant 1 : i32
        %parallel_loop3A_1001 = arith.constant 3 : i32
        %parallel_loop3A_1002 = arith.index_cast %parallel_loop3A_1000 : i32 to index
        %parallel_loop3A_1003 = arith.index_cast %parallel_loop3A_1001 : i32 to index
        %parallel_loop3A_1004 = arith.index_cast %parallel_loop3A_636 : i32 to index
        %parallel_loop3A_1005 = arith.constant 80 : index
        %parallel_loop3A_1006 = tpu.vector_load %arg12[%parallel_loop3A_1002, %parallel_loop3A_1003, %parallel_loop3A_1004, %parallel_loop3A_1005] {strides = array<i32>} : memref<2x4x32x128xf32, #tpu.memory_space<vmem>>, vector<16xf32>,
        %parallel_loop3A_1007 = arith.subf %parallel_loop3A_999, %parallel_loop3A_1006 : vector<16xf32>
        %parallel_loop3A_1008 = arith.mulf %parallel_loop3A_996, %parallel_loop3A_996 : vector<16xf32>
        %parallel_loop3A_1009 = arith.mulf %parallel_loop3A_1007, %parallel_loop3A_1007 : vector<16xf32>
        %parallel_loop3A_1010 = arith.addf %parallel_loop3A_1008, %parallel_loop3A_1009 : vector<16xf32>
        %parallel_loop3A_1011 = tpu.bitcast %parallel_loop3A_1010 : vector<16xf32> -> vector<16xi32>
        %parallel_loop3A_1012 = arith.constant 1 : i32
        %parallel_loop3A_1013 = vector.broadcast %parallel_loop3A_1012 : i32 to vector<16xi32>
        %parallel_loop3A_1014 = arith.shrsi %parallel_loop3A_1011, %parallel_loop3A_1013 : vector<16xi32>
        %parallel_loop3A_1015 = arith.constant 1597463007 : i32
        %parallel_loop3A_1016 = vector.broadcast %parallel_loop3A_1015 : i32 to vector<16xi32>
        %parallel_loop3A_1017 = arith.subi %parallel_loop3A_1016, %parallel_loop3A_1014 : vector<16xi32>
        %parallel_loop3A_1018 = tpu.bitcast %parallel_loop3A_1017 : vector<16xi32> -> vector<16xf32>
        %parallel_loop3A_1019 = arith.constant 5.000000e-01 : f32
        %parallel_loop3A_1020 = vector.broadcast %parallel_loop3A_1019 : f32 to vector<16xf32>
        %parallel_loop3A_1021 = arith.mulf %parallel_loop3A_1020, %parallel_loop3A_1010 : vector<16xf32>
        %parallel_loop3A_1022 = arith.mulf %parallel_loop3A_1021, %parallel_loop3A_1018 : vector<16xf32>
        %parallel_loop3A_1023 = arith.mulf %parallel_loop3A_1022, %parallel_loop3A_1018 : vector<16xf32>
        %parallel_loop3A_1024 = arith.constant 1.500000e+00 : f32
        %parallel_loop3A_1025 = vector.broadcast %parallel_loop3A_1024 : f32 to vector<16xf32>
        %parallel_loop3A_1026 = arith.subf %parallel_loop3A_1025, %parallel_loop3A_1023 : vector<16xf32>
        %parallel_loop3A_1027 = arith.mulf %parallel_loop3A_1018, %parallel_loop3A_1026 : vector<16xf32>
        %parallel_loop3A_1028 = arith.mulf %parallel_loop3A_1010, %parallel_loop3A_1027 : vector<16xf32>
        %parallel_loop3A_1029 = arith.addf %parallel_loop3A_965, %parallel_loop3A_1028 : vector<16xf32>
        %parallel_loop3A_1030 = arith.constant 96 : i32
        %parallel_loop3A_1031 = arith.addi %parallel_loop3A_643, %parallel_loop3A_1030 : i32
        %parallel_loop3A_1032 = arith.index_cast %parallel_loop3A_1031 : i32 to index
        %parallel_loop3A_1033 = tpu.vector_load %arg13[%parallel_loop3A_1032] {strides = array<i32>} : memref<128000xbf16, #tpu.memory_space<vmem>>, vector<32xbf16>,
        %parallel_loop3A_1034 = tpu.unpack_subelements %parallel_loop3A_1033, 0 {pack_format = #tpu.pack_format<interleaved>} : vector<32xbf16> -> vector<16xf32>
        %parallel_loop3A_1035 = tpu.unpack_subelements %parallel_loop3A_1033, 1 {pack_format = #tpu.pack_format<interleaved>} : vector<32xbf16> -> vector<16xf32>
        %parallel_loop3A_1036 = arith.constant 1 : i32
        %parallel_loop3A_1037 = arith.constant 0 : i32
        %parallel_loop3A_1038 = arith.index_cast %parallel_loop3A_1036 : i32 to index
        %parallel_loop3A_1039 = arith.index_cast %parallel_loop3A_1037 : i32 to index
        %parallel_loop3A_1040 = arith.index_cast %parallel_loop3A_636 : i32 to index
        %parallel_loop3A_1041 = arith.constant 96 : index
        %parallel_loop3A_1042 = tpu.vector_load %arg12[%parallel_loop3A_1038, %parallel_loop3A_1039, %parallel_loop3A_1040, %parallel_loop3A_1041] {strides = array<i32>} : memref<2x4x32x128xf32, #tpu.memory_space<vmem>>, vector<16xf32>,
        %parallel_loop3A_1043 = arith.constant 1 : i32
        %parallel_loop3A_1044 = arith.constant 1 : i32
        %parallel_loop3A_1045 = arith.index_cast %parallel_loop3A_1043 : i32 to index
        %parallel_loop3A_1046 = arith.index_cast %parallel_loop3A_1044 : i32 to index
        %parallel_loop3A_1047 = arith.index_cast %parallel_loop3A_636 : i32 to index
        %parallel_loop3A_1048 = arith.constant 96 : index
        %parallel_loop3A_1049 = tpu.vector_load %arg12[%parallel_loop3A_1045, %parallel_loop3A_1046, %parallel_loop3A_1047, %parallel_loop3A_1048] {strides = array<i32>} : memref<2x4x32x128xf32, #tpu.memory_space<vmem>>, vector<16xf32>,
        %parallel_loop3A_1050 = arith.mulf %parallel_loop3A_1042, %parallel_loop3A_1034 : vector<16xf32>
        %parallel_loop3A_1051 = arith.mulf %parallel_loop3A_1049, %parallel_loop3A_1035 : vector<16xf32>
        %parallel_loop3A_1052 = arith.subf %parallel_loop3A_1050, %parallel_loop3A_1051 : vector<16xf32>
        %parallel_loop3A_1053 = arith.constant 1 : i32
        %parallel_loop3A_1054 = arith.constant 2 : i32
        %parallel_loop3A_1055 = arith.index_cast %parallel_loop3A_1053 : i32 to index
        %parallel_loop3A_1056 = arith.index_cast %parallel_loop3A_1054 : i32 to index
        %parallel_loop3A_1057 = arith.index_cast %parallel_loop3A_636 : i32 to index
        %parallel_loop3A_1058 = arith.constant 96 : index
        %parallel_loop3A_1059 = tpu.vector_load %arg12[%parallel_loop3A_1055, %parallel_loop3A_1056, %parallel_loop3A_1057, %parallel_loop3A_1058] {strides = array<i32>} : memref<2x4x32x128xf32, #tpu.memory_space<vmem>>, vector<16xf32>,
        %parallel_loop3A_1060 = arith.subf %parallel_loop3A_1052, %parallel_loop3A_1059 : vector<16xf32>
        %parallel_loop3A_1061 = arith.mulf %parallel_loop3A_1042, %parallel_loop3A_1035 : vector<16xf32>
        %parallel_loop3A_1062 = arith.mulf %parallel_loop3A_1049, %parallel_loop3A_1034 : vector<16xf32>
        %parallel_loop3A_1063 = arith.addf %parallel_loop3A_1061, %parallel_loop3A_1062 : vector<16xf32>
        %parallel_loop3A_1064 = arith.constant 1 : i32
        %parallel_loop3A_1065 = arith.constant 3 : i32
        %parallel_loop3A_1066 = arith.index_cast %parallel_loop3A_1064 : i32 to index
        %parallel_loop3A_1067 = arith.index_cast %parallel_loop3A_1065 : i32 to index
        %parallel_loop3A_1068 = arith.index_cast %parallel_loop3A_636 : i32 to index
        %parallel_loop3A_1069 = arith.constant 96 : index
        %parallel_loop3A_1070 = tpu.vector_load %arg12[%parallel_loop3A_1066, %parallel_loop3A_1067, %parallel_loop3A_1068, %parallel_loop3A_1069] {strides = array<i32>} : memref<2x4x32x128xf32, #tpu.memory_space<vmem>>, vector<16xf32>,
        %parallel_loop3A_1071 = arith.subf %parallel_loop3A_1063, %parallel_loop3A_1070 : vector<16xf32>
        %parallel_loop3A_1072 = arith.mulf %parallel_loop3A_1060, %parallel_loop3A_1060 : vector<16xf32>
        %parallel_loop3A_1073 = arith.mulf %parallel_loop3A_1071, %parallel_loop3A_1071 : vector<16xf32>
        %parallel_loop3A_1074 = arith.addf %parallel_loop3A_1072, %parallel_loop3A_1073 : vector<16xf32>
        %parallel_loop3A_1075 = tpu.bitcast %parallel_loop3A_1074 : vector<16xf32> -> vector<16xi32>
        %parallel_loop3A_1076 = arith.constant 1 : i32
        %parallel_loop3A_1077 = vector.broadcast %parallel_loop3A_1076 : i32 to vector<16xi32>
        %parallel_loop3A_1078 = arith.shrsi %parallel_loop3A_1075, %parallel_loop3A_1077 : vector<16xi32>
        %parallel_loop3A_1079 = arith.constant 1597463007 : i32
        %parallel_loop3A_1080 = vector.broadcast %parallel_loop3A_1079 : i32 to vector<16xi32>
        %parallel_loop3A_1081 = arith.subi %parallel_loop3A_1080, %parallel_loop3A_1078 : vector<16xi32>
        %parallel_loop3A_1082 = tpu.bitcast %parallel_loop3A_1081 : vector<16xi32> -> vector<16xf32>
        %parallel_loop3A_1083 = arith.constant 5.000000e-01 : f32
        %parallel_loop3A_1084 = vector.broadcast %parallel_loop3A_1083 : f32 to vector<16xf32>
        %parallel_loop3A_1085 = arith.mulf %parallel_loop3A_1084, %parallel_loop3A_1074 : vector<16xf32>
        %parallel_loop3A_1086 = arith.mulf %parallel_loop3A_1085, %parallel_loop3A_1082 : vector<16xf32>
        %parallel_loop3A_1087 = arith.mulf %parallel_loop3A_1086, %parallel_loop3A_1082 : vector<16xf32>
        %parallel_loop3A_1088 = arith.constant 1.500000e+00 : f32
        %parallel_loop3A_1089 = vector.broadcast %parallel_loop3A_1088 : f32 to vector<16xf32>
        %parallel_loop3A_1090 = arith.subf %parallel_loop3A_1089, %parallel_loop3A_1087 : vector<16xf32>
        %parallel_loop3A_1091 = arith.mulf %parallel_loop3A_1082, %parallel_loop3A_1090 : vector<16xf32>
        %parallel_loop3A_1092 = arith.mulf %parallel_loop3A_1074, %parallel_loop3A_1091 : vector<16xf32>
        %parallel_loop3A_1093 = arith.addf %parallel_loop3A_1029, %parallel_loop3A_1092 : vector<16xf32>
        %parallel_loop3A_1094 = arith.constant 112 : i32
        %parallel_loop3A_1095 = arith.addi %parallel_loop3A_643, %parallel_loop3A_1094 : i32
        %parallel_loop3A_1096 = arith.index_cast %parallel_loop3A_1095 : i32 to index
        %parallel_loop3A_1097 = tpu.vector_load %arg13[%parallel_loop3A_1096] {strides = array<i32>} : memref<128000xbf16, #tpu.memory_space<vmem>>, vector<32xbf16>,
        %parallel_loop3A_1098 = tpu.unpack_subelements %parallel_loop3A_1097, 0 {pack_format = #tpu.pack_format<interleaved>} : vector<32xbf16> -> vector<16xf32>
        %parallel_loop3A_1099 = tpu.unpack_subelements %parallel_loop3A_1097, 1 {pack_format = #tpu.pack_format<interleaved>} : vector<32xbf16> -> vector<16xf32>
        %parallel_loop3A_1100 = arith.constant 1 : i32
        %parallel_loop3A_1101 = arith.constant 0 : i32
        %parallel_loop3A_1102 = arith.index_cast %parallel_loop3A_1100 : i32 to index
        %parallel_loop3A_1103 = arith.index_cast %parallel_loop3A_1101 : i32 to index
        %parallel_loop3A_1104 = arith.index_cast %parallel_loop3A_636 : i32 to index
        %parallel_loop3A_1105 = arith.constant 112 : index
        %parallel_loop3A_1106 = tpu.vector_load %arg12[%parallel_loop3A_1102, %parallel_loop3A_1103, %parallel_loop3A_1104, %parallel_loop3A_1105] {strides = array<i32>} : memref<2x4x32x128xf32, #tpu.memory_space<vmem>>, vector<16xf32>,
        %parallel_loop3A_1107 = arith.constant 1 : i32
        %parallel_loop3A_1108 = arith.constant 1 : i32
        %parallel_loop3A_1109 = arith.index_cast %parallel_loop3A_1107 : i32 to index
        %parallel_loop3A_1110 = arith.index_cast %parallel_loop3A_1108 : i32 to index
        %parallel_loop3A_1111 = arith.index_cast %parallel_loop3A_636 : i32 to index
        %parallel_loop3A_1112 = arith.constant 112 : index
        %parallel_loop3A_1113 = tpu.vector_load %arg12[%parallel_loop3A_1109, %parallel_loop3A_1110, %parallel_loop3A_1111, %parallel_loop3A_1112] {strides = array<i32>} : memref<2x4x32x128xf32, #tpu.memory_space<vmem>>, vector<16xf32>,
        %parallel_loop3A_1114 = arith.mulf %parallel_loop3A_1106, %parallel_loop3A_1098 : vector<16xf32>
        %parallel_loop3A_1115 = arith.mulf %parallel_loop3A_1113, %parallel_loop3A_1099 : vector<16xf32>
        %parallel_loop3A_1116 = arith.subf %parallel_loop3A_1114, %parallel_loop3A_1115 : vector<16xf32>
        %parallel_loop3A_1117 = arith.constant 1 : i32
        %parallel_loop3A_1118 = arith.constant 2 : i32
        %parallel_loop3A_1119 = arith.index_cast %parallel_loop3A_1117 : i32 to index
        %parallel_loop3A_1120 = arith.index_cast %parallel_loop3A_1118 : i32 to index
        %parallel_loop3A_1121 = arith.index_cast %parallel_loop3A_636 : i32 to index
        %parallel_loop3A_1122 = arith.constant 112 : index
        %parallel_loop3A_1123 = tpu.vector_load %arg12[%parallel_loop3A_1119, %parallel_loop3A_1120, %parallel_loop3A_1121, %parallel_loop3A_1122] {strides = array<i32>} : memref<2x4x32x128xf32, #tpu.memory_space<vmem>>, vector<16xf32>,
        %parallel_loop3A_1124 = arith.subf %parallel_loop3A_1116, %parallel_loop3A_1123 : vector<16xf32>
        %parallel_loop3A_1125 = arith.mulf %parallel_loop3A_1106, %parallel_loop3A_1099 : vector<16xf32>
        %parallel_loop3A_1126 = arith.mulf %parallel_loop3A_1113, %parallel_loop3A_1098 : vector<16xf32>
        %parallel_loop3A_1127 = arith.addf %parallel_loop3A_1125, %parallel_loop3A_1126 : vector<16xf32>
        %parallel_loop3A_1128 = arith.constant 1 : i32
        %parallel_loop3A_1129 = arith.constant 3 : i32
        %parallel_loop3A_1130 = arith.index_cast %parallel_loop3A_1128 : i32 to index
        %parallel_loop3A_1131 = arith.index_cast %parallel_loop3A_1129 : i32 to index
        %parallel_loop3A_1132 = arith.index_cast %parallel_loop3A_636 : i32 to index
        %parallel_loop3A_1133 = arith.constant 112 : index
        %parallel_loop3A_1134 = tpu.vector_load %arg12[%parallel_loop3A_1130, %parallel_loop3A_1131, %parallel_loop3A_1132, %parallel_loop3A_1133] {strides = array<i32>} : memref<2x4x32x128xf32, #tpu.memory_space<vmem>>, vector<16xf32>,
        %parallel_loop3A_1135 = arith.subf %parallel_loop3A_1127, %parallel_loop3A_1134 : vector<16xf32>
        %parallel_loop3A_1136 = arith.mulf %parallel_loop3A_1124, %parallel_loop3A_1124 : vector<16xf32>
        %parallel_loop3A_1137 = arith.mulf %parallel_loop3A_1135, %parallel_loop3A_1135 : vector<16xf32>
        %parallel_loop3A_1138 = arith.addf %parallel_loop3A_1136, %parallel_loop3A_1137 : vector<16xf32>
        %parallel_loop3A_1139 = tpu.bitcast %parallel_loop3A_1138 : vector<16xf32> -> vector<16xi32>
        %parallel_loop3A_1140 = arith.constant 1 : i32
        %parallel_loop3A_1141 = vector.broadcast %parallel_loop3A_1140 : i32 to vector<16xi32>
        %parallel_loop3A_1142 = arith.shrsi %parallel_loop3A_1139, %parallel_loop3A_1141 : vector<16xi32>
        %parallel_loop3A_1143 = arith.constant 1597463007 : i32
        %parallel_loop3A_1144 = vector.broadcast %parallel_loop3A_1143 : i32 to vector<16xi32>
        %parallel_loop3A_1145 = arith.subi %parallel_loop3A_1144, %parallel_loop3A_1142 : vector<16xi32>
        %parallel_loop3A_1146 = tpu.bitcast %parallel_loop3A_1145 : vector<16xi32> -> vector<16xf32>
        %parallel_loop3A_1147 = arith.constant 5.000000e-01 : f32
        %parallel_loop3A_1148 = vector.broadcast %parallel_loop3A_1147 : f32 to vector<16xf32>
        %parallel_loop3A_1149 = arith.mulf %parallel_loop3A_1148, %parallel_loop3A_1138 : vector<16xf32>
        %parallel_loop3A_1150 = arith.mulf %parallel_loop3A_1149, %parallel_loop3A_1146 : vector<16xf32>
        %parallel_loop3A_1151 = arith.mulf %parallel_loop3A_1150, %parallel_loop3A_1146 : vector<16xf32>
        %parallel_loop3A_1152 = arith.constant 1.500000e+00 : f32
        %parallel_loop3A_1153 = vector.broadcast %parallel_loop3A_1152 : f32 to vector<16xf32>
        %parallel_loop3A_1154 = arith.subf %parallel_loop3A_1153, %parallel_loop3A_1151 : vector<16xf32>
        %parallel_loop3A_1155 = arith.mulf %parallel_loop3A_1146, %parallel_loop3A_1154 : vector<16xf32>
        %parallel_loop3A_1156 = arith.mulf %parallel_loop3A_1138, %parallel_loop3A_1155 : vector<16xf32>
        %parallel_loop3A_1157 = arith.addf %parallel_loop3A_1093, %parallel_loop3A_1156 : vector<16xf32>
        %parallel_loop3A_1158 = arith.constant 32 : i32
        %parallel_loop3A_1159 = vector.broadcast %parallel_loop3A_1158 : i32 to vector<16xi32>
        %parallel_loop3A_1160 = arith.muli %iota3A, %parallel_loop3A_1159 : vector<16xi32>
        %parallel_loop3A_1161 = vector.broadcast %parallel_loop3A_636 : i32 to vector<16xi32>
        %parallel_loop3A_1162 = arith.addi %parallel_loop3A_1160, %parallel_loop3A_1161 : vector<16xi32>
        tpu.vector_store_idx %arg15[%parallel_loop3A_1162], %parallel_loop3A_1157 : memref<512xf32, #tpu.memory_space<vmem>>[vector<16xi32>], vector<16xf32>,
      } {sc.loop_unroll_factor = 2 : i64, sc.parallel_access}
      %broadcast_in_dim3A_524 = arith.constant 0.000000e+00 : f32
      %broadcast_in_dim3A_525 = vector.broadcast %broadcast_in_dim3A_524 : f32 to vector<16xf32>
      %get3A_526 = arith.constant 0 : index
      %get3A_527 = tpu.vector_load %arg15[%get3A_526] {strides = array<i32>} : memref<512xf32, #tpu.memory_space<vmem>>, vector<16xf32>,
      %add3A_528 = arith.addf %broadcast_in_dim3A_525, %get3A_527 : vector<16xf32>
      %get3A_529 = arith.constant 32 : index
      %get3A_530 = tpu.vector_load %arg15[%get3A_529] {strides = array<i32>} : memref<512xf32, #tpu.memory_space<vmem>>, vector<16xf32>,
      %add3A_531 = arith.addf %add3A_528, %get3A_530 : vector<16xf32>
      %get3A_532 = arith.constant 64 : index
      %get3A_533 = tpu.vector_load %arg15[%get3A_532] {strides = array<i32>} : memref<512xf32, #tpu.memory_space<vmem>>, vector<16xf32>,
      %add3A_534 = arith.addf %add3A_531, %get3A_533 : vector<16xf32>
      %get3A_535 = arith.constant 96 : index
      %get3A_536 = tpu.vector_load %arg15[%get3A_535] {strides = array<i32>} : memref<512xf32, #tpu.memory_space<vmem>>, vector<16xf32>,
      %add3A_537 = arith.addf %add3A_534, %get3A_536 : vector<16xf32>
      %get3A_538 = arith.constant 128 : index
      %get3A_539 = tpu.vector_load %arg15[%get3A_538] {strides = array<i32>} : memref<512xf32, #tpu.memory_space<vmem>>, vector<16xf32>,
      %add3A_540 = arith.addf %add3A_537, %get3A_539 : vector<16xf32>
      %get3A_541 = arith.constant 160 : index
      %get3A_542 = tpu.vector_load %arg15[%get3A_541] {strides = array<i32>} : memref<512xf32, #tpu.memory_space<vmem>>, vector<16xf32>,
      %add3A_543 = arith.addf %add3A_540, %get3A_542 : vector<16xf32>
      %get3A_544 = arith.constant 192 : index
      %get3A_545 = tpu.vector_load %arg15[%get3A_544] {strides = array<i32>} : memref<512xf32, #tpu.memory_space<vmem>>, vector<16xf32>,
      %add3A_546 = arith.addf %add3A_543, %get3A_545 : vector<16xf32>
      %get3A_547 = arith.constant 224 : index
      %get3A_548 = tpu.vector_load %arg15[%get3A_547] {strides = array<i32>} : memref<512xf32, #tpu.memory_space<vmem>>, vector<16xf32>,
      %add3A_549 = arith.addf %add3A_546, %get3A_548 : vector<16xf32>
      %get3A_550 = arith.constant 256 : index
      %get3A_551 = tpu.vector_load %arg15[%get3A_550] {strides = array<i32>} : memref<512xf32, #tpu.memory_space<vmem>>, vector<16xf32>,
      %add3A_552 = arith.addf %add3A_549, %get3A_551 : vector<16xf32>
      %get3A_553 = arith.constant 288 : index
      %get3A_554 = tpu.vector_load %arg15[%get3A_553] {strides = array<i32>} : memref<512xf32, #tpu.memory_space<vmem>>, vector<16xf32>,
      %add3A_555 = arith.addf %add3A_552, %get3A_554 : vector<16xf32>
      %get3A_556 = arith.constant 320 : index
      %get3A_557 = tpu.vector_load %arg15[%get3A_556] {strides = array<i32>} : memref<512xf32, #tpu.memory_space<vmem>>, vector<16xf32>,
      %add3A_558 = arith.addf %add3A_555, %get3A_557 : vector<16xf32>
      %get3A_559 = arith.constant 352 : index
      %get3A_560 = tpu.vector_load %arg15[%get3A_559] {strides = array<i32>} : memref<512xf32, #tpu.memory_space<vmem>>, vector<16xf32>,
      %add3A_561 = arith.addf %add3A_558, %get3A_560 : vector<16xf32>
      %get3A_562 = arith.constant 384 : index
      %get3A_563 = tpu.vector_load %arg15[%get3A_562] {strides = array<i32>} : memref<512xf32, #tpu.memory_space<vmem>>, vector<16xf32>,
      %add3A_564 = arith.addf %add3A_561, %get3A_563 : vector<16xf32>
      %get3A_565 = arith.constant 416 : index
      %get3A_566 = tpu.vector_load %arg15[%get3A_565] {strides = array<i32>} : memref<512xf32, #tpu.memory_space<vmem>>, vector<16xf32>,
      %add3A_567 = arith.addf %add3A_564, %get3A_566 : vector<16xf32>
      %get3A_568 = arith.constant 448 : index
      %get3A_569 = tpu.vector_load %arg15[%get3A_568] {strides = array<i32>} : memref<512xf32, #tpu.memory_space<vmem>>, vector<16xf32>,
      %add3A_570 = arith.addf %add3A_567, %get3A_569 : vector<16xf32>
      %get3A_571 = arith.constant 480 : index
      %get3A_572 = tpu.vector_load %arg15[%get3A_571] {strides = array<i32>} : memref<512xf32, #tpu.memory_space<vmem>>, vector<16xf32>,
      %add3A_573 = arith.addf %add3A_570, %get3A_572 : vector<16xf32>
      %mul3A_574 = arith.constant 32 : i32
      %mul3A_575 = arith.muli %add3A_461, %mul3A_574 : i32
      %add3A_576 = arith.constant 0 : i32
      %add3A_577 = arith.addi %mul3A_575, %add3A_576 : i32
      %swap3A_578 = arith.index_cast %add3A_577 : i32 to index
      %swap3A_579 = tpu.vector_load %arg16[%swap3A_578] {strides = array<i32>} : memref<512xf32, #tpu.memory_space<vmem>>, vector<16xf32>,
      tpu.vector_store %arg16[%swap3A_578], %add3A_573 {strides = array<i32>} : memref<512xf32, #tpu.memory_space<vmem>>, vector<16xf32>,
      %broadcast_in_dim3A_580 = arith.constant 0.000000e+00 : f32
      %broadcast_in_dim3A_581 = vector.broadcast %broadcast_in_dim3A_580 : f32 to vector<16xf32>
      %get3A_582 = arith.constant 16 : index
      %get3A_583 = tpu.vector_load %arg15[%get3A_582] {strides = array<i32>} : memref<512xf32, #tpu.memory_space<vmem>>, vector<16xf32>,
      %add3A_584 = arith.addf %broadcast_in_dim3A_581, %get3A_583 : vector<16xf32>
      %get3A_585 = arith.constant 48 : index
      %get3A_586 = tpu.vector_load %arg15[%get3A_585] {strides = array<i32>} : memref<512xf32, #tpu.memory_space<vmem>>, vector<16xf32>,
      %add3A_587 = arith.addf %add3A_584, %get3A_586 : vector<16xf32>
      %get3A_588 = arith.constant 80 : index
      %get3A_589 = tpu.vector_load %arg15[%get3A_588] {strides = array<i32>} : memref<512xf32, #tpu.memory_space<vmem>>, vector<16xf32>,
      %add3A_590 = arith.addf %add3A_587, %get3A_589 : vector<16xf32>
      %get3A_591 = arith.constant 112 : index
      %get3A_592 = tpu.vector_load %arg15[%get3A_591] {strides = array<i32>} : memref<512xf32, #tpu.memory_space<vmem>>, vector<16xf32>,
      %add3A_593 = arith.addf %add3A_590, %get3A_592 : vector<16xf32>
      %get3A_594 = arith.constant 144 : index
      %get3A_595 = tpu.vector_load %arg15[%get3A_594] {strides = array<i32>} : memref<512xf32, #tpu.memory_space<vmem>>, vector<16xf32>,
      %add3A_596 = arith.addf %add3A_593, %get3A_595 : vector<16xf32>
      %get3A_597 = arith.constant 176 : index
      %get3A_598 = tpu.vector_load %arg15[%get3A_597] {strides = array<i32>} : memref<512xf32, #tpu.memory_space<vmem>>, vector<16xf32>,
      %add3A_599 = arith.addf %add3A_596, %get3A_598 : vector<16xf32>
      %get3A_600 = arith.constant 208 : index
      %get3A_601 = tpu.vector_load %arg15[%get3A_600] {strides = array<i32>} : memref<512xf32, #tpu.memory_space<vmem>>, vector<16xf32>,
      %add3A_602 = arith.addf %add3A_599, %get3A_601 : vector<16xf32>
      %get3A_603 = arith.constant 240 : index
      %get3A_604 = tpu.vector_load %arg15[%get3A_603] {strides = array<i32>} : memref<512xf32, #tpu.memory_space<vmem>>, vector<16xf32>,
      %add3A_605 = arith.addf %add3A_602, %get3A_604 : vector<16xf32>
      %get3A_606 = arith.constant 272 : index
      %get3A_607 = tpu.vector_load %arg15[%get3A_606] {strides = array<i32>} : memref<512xf32, #tpu.memory_space<vmem>>, vector<16xf32>,
      %add3A_608 = arith.addf %add3A_605, %get3A_607 : vector<16xf32>
      %get3A_609 = arith.constant 304 : index
      %get3A_610 = tpu.vector_load %arg15[%get3A_609] {strides = array<i32>} : memref<512xf32, #tpu.memory_space<vmem>>, vector<16xf32>,
      %add3A_611 = arith.addf %add3A_608, %get3A_610 : vector<16xf32>
      %get3A_612 = arith.constant 336 : index
      %get3A_613 = tpu.vector_load %arg15[%get3A_612] {strides = array<i32>} : memref<512xf32, #tpu.memory_space<vmem>>, vector<16xf32>,
      %add3A_614 = arith.addf %add3A_611, %get3A_613 : vector<16xf32>
      %get3A_615 = arith.constant 368 : index
      %get3A_616 = tpu.vector_load %arg15[%get3A_615] {strides = array<i32>} : memref<512xf32, #tpu.memory_space<vmem>>, vector<16xf32>,
      %add3A_617 = arith.addf %add3A_614, %get3A_616 : vector<16xf32>
      %get3A_618 = arith.constant 400 : index
      %get3A_619 = tpu.vector_load %arg15[%get3A_618] {strides = array<i32>} : memref<512xf32, #tpu.memory_space<vmem>>, vector<16xf32>,
      %add3A_620 = arith.addf %add3A_617, %get3A_619 : vector<16xf32>
      %get3A_621 = arith.constant 432 : index
      %get3A_622 = tpu.vector_load %arg15[%get3A_621] {strides = array<i32>} : memref<512xf32, #tpu.memory_space<vmem>>, vector<16xf32>,
      %add3A_623 = arith.addf %add3A_620, %get3A_622 : vector<16xf32>
      %get3A_624 = arith.constant 464 : index
      %get3A_625 = tpu.vector_load %arg15[%get3A_624] {strides = array<i32>} : memref<512xf32, #tpu.memory_space<vmem>>, vector<16xf32>,
      %add3A_626 = arith.addf %add3A_623, %get3A_625 : vector<16xf32>
      %get3A_627 = arith.constant 496 : index
      %get3A_628 = tpu.vector_load %arg15[%get3A_627] {strides = array<i32>} : memref<512xf32, #tpu.memory_space<vmem>>, vector<16xf32>,
      %add3A_629 = arith.addf %add3A_626, %get3A_628 : vector<16xf32>
      %mul3A_630 = arith.constant 32 : i32
      %mul3A_631 = arith.muli %add3A_461, %mul3A_630 : i32
      %add3A_632 = arith.constant 16 : i32
      %add3A_633 = arith.addi %mul3A_631, %add3A_632 : i32
      %swap3A_634 = arith.index_cast %add3A_633 : i32 to index
      %swap3A_635 = tpu.vector_load %arg16[%swap3A_634] {strides = array<i32>} : memref<512xf32, #tpu.memory_space<vmem>>, vector<16xf32>,
      tpu.vector_store %arg16[%swap3A_634], %add3A_629 {strides = array<i32>} : memref<512xf32, #tpu.memory_space<vmem>>, vector<16xf32>,
    }
    %scan3A_282 = arith.constant 8 : i32
    "tpu.region"() ({
      %run_scoped3A = tpu.sem_alloc : memref<!tpu.dma_semaphore, #tpu.memory_space<semaphore_mem>>
      %dma_start3A_283 = tpu.memref_slice %arg8[%mul3A_2] : memref<16384xf32, #tpu.memory_space<hbm>> -> memref<512xf32, #tpu.memory_space<hbm>>
      %dma_start3A_284 = tpu.memref_slice %arg8[%mul3A_2] : memref<16384xf32, #tpu.memory_space<hbm>> -> memref<512xf32, #tpu.memory_space<hbm>>
      tpu.enqueue_dma source(%arg16 : memref<512xf32, #tpu.memory_space<vmem>>) target(%dma_start3A_284 : memref<512xf32, #tpu.memory_space<hbm>>) target_semaphore(%run_scoped3A : memref<!tpu.dma_semaphore, #tpu.memory_space<semaphore_mem>>)
      %dma_wait3A = tpu.memref_slice %arg8[%mul3A_2] : memref<16384xf32, #tpu.memory_space<hbm>> -> memref<512xf32, #tpu.memory_space<hbm>>
      %dma_wait3A_285 = tpu.memref_slice %arg8[%mul3A_2] : memref<16384xf32, #tpu.memory_space<hbm>> -> memref<512xf32, #tpu.memory_space<hbm>>
      tpu.wait_dma2 semaphore(%run_scoped3A : memref<!tpu.dma_semaphore, #tpu.memory_space<semaphore_mem>>) src(%arg16 : memref<512xf32, #tpu.memory_space<vmem>>) dst(%dma_wait3A_285 : memref<512xf32, #tpu.memory_space<hbm>>)
      tpu.yield
    }) : () -> ()
    return
  }
}

</mosaic_0001>

<sc_bundles>
// kernel: _sc_rotate.3.cloned.1.call-start
scs
__scs_entry_jumppad:
0x0: {  	(pc) =	sbr.rel $0x88, $3  }
0x1: {  	(tag) =	ssettag $0x0;
	lr =	simm.s32 $0x1  }
0x2: {  	[smem:$0x3F9B] =	sst lr;
	_ =	strace $0xD0000000  }
0x3: {  	_ = 	snop  }
0x4: {  	_ = 	snop  }
0x5: {  	_ = 	snop  }
0x6: {  	_ = 	snop  }
0x7: {  	_ = 	snop  }
__scs_overlays_trampoline_lowered:
0x8: {  	[smem:$0x3FAA] =	sst s0  }
0x9: {  	[smem:$0x3FAB] =	sst s1  }
0xa: {  	[smem:$0x3FAC] =	sst s2  }
0xb: {  	[smem:$0x3FAD] =	sst s3  }
0xc: {  	[smem:$0x3FAE] =	sst s4  }
0xd: {  	[smem:$0x3FAF] =	sst s5  }
0xe: {  	[smem:$0x3FB0] =	sst s6  }
0xf: {  	[smem:$0x3FB1] =	sst s7  }
0x10: {  	[smem:$0x3FB2] =	sst s8  }
0x11: {  	[smem:$0x3FB3] =	sst s9;
	s0 =	simm.s32 @!p0 $0x0  }
0x12: {  	s1 =	sld [smem:$0x3F99];
	s0 =	simm.s32 @p0 $0x1  }
0x13: {  	[smem:$0x3FB4] =	sst s0;
	s0 =	simm.s32 @!p1 $0x0  }
0x14: {  	s2 =	sld [smem:$0x3F98];
	s0 =	simm.s32 @p1 $0x1  }
0x15: {  	[smem:$0x3FB5] =	sst s0;
	s0 =	simm.s32 @!p2 $0x0  }
0x16: {  	s3 =	sld [smem:$0x3FDB];
	s0 =	simm.s32 @p2 $0x1  }
0x17: {  	s4 =	simm.s32 $0x1BF5;
	[smem:$0x3FB7] =	sst s0  }
0x18: {  	s0 =	sld [smem:$0x3F9A];
	_ =	swait.ge [sflag:s4], $0x0  }
0x19: {  	s7 =	sld [smem:$0x3F9B]  }
0x1a: {  	s8 =	sadd.s32 $0xFFFFE003, lr  }
0x1b: {  	s9 =	sadd.s32 $0xFFFFFEF7, lr;
	s5 =	simm.s32 $0xFFFFFFFF;
	p2 =	slt.u32 s8, $0xFFFFF086  }
0x1c: {  	p1 =	slt.u32 s9, $0xF7A;
	s5 =	simm.s32 @!p2 $0x0  }
0x1d: {  	s5 =	simm.s32 @p1 $0x1;
	p0 =	seq.s32 s7, s2  }
0x1e: {  	s7 =	smul.u32 @!p0 $0xF7A, s2;
	p2 =	seq.s32 @!p0 s5, $0x0  }
0x1f: {  	s9 =	smul.u32 $0xF7A, s1;
	s8 =	simm.s32 @!p0 $0x1BF5;
	p2 =	por !p2, p0  }
0x20: {  	[sflag:s8] =	ssyncset.s32 @!p0 $0xFFFFF086;
	s6 =	sadd.s32 @!p0 s3, s7;
	s7 =	simm.s32 @!p0 $0x108  }
0x21: {  	s3 =	sadd.s32 s3, s9;
	s6 =	sadd.s32 @!p0 $0x88, s6;
	s7 =	simm.s32 @p2 $0x1082  }
0x22: {  	[simem:s7], [sflag:s8] =	dma.local @!p0 [hbm:s6], $0xF7A  }
0x23: {  	s9 =	sor.u32 $0xD0000000, s2;
	s6 =	simm.s32 $0x108;
	_ =	swait.ge @!p0 [sflag:s8], $0x0  }
0x24: {  	s3 =	sadd.s32 $0x88, s3;
	s6 =	simm.s32 @!p1 $0x1082;
	[sflag:s4] =	ssyncset.s32 $0xFFFFF086  }
0x25: {  	[simem:s6], [sflag:s4] =	dma.local [hbm:s3], $0xF7A  }
0x26: {  	[smem:$0x3F9B] =	sst s1;
	(tag) =	ssettag s2;
	_ =	strace s9  }
0x27: {  	s1 =	sld [smem:$0x3FAB]  }
0x28: {  	s2 =	sld [smem:$0x3FAC]  }
0x29: {  	s4 =	sld [smem:$0x3FAE]  }
0x2a: {  	p0 =	seq.s32 s5, $0x0;
	s5 =	sld [smem:$0x3FAF]  }
0x2b: {  	s6 =	sld [smem:$0x3FB0]  }
0x2c: {  	s7 =	sld [smem:$0x3FB1]  }
0x2d: {  	s3 =	simm.s32 $0x108;
	s8 =	sld [smem:$0x3FB2]  }
0x2e: {  	s3 =	simm.s32 @!p0 $0x1082;
	s9 =	sld [smem:$0x3FB3]  }
0x2f: {  	lr =	sadd.s32 s0, s3;
	s0 =	sld [smem:$0x3FAA]  }
0x30: {  	s3 =	sld [smem:$0x3FAD]  }
0x31: {  	[smem:$0x3FB6] =	sst s10  }
0x32: {  	s10 =	sld [smem:$0x3FB4];
	_ =	sdelay $0x3  }
0x33: {  	p0 =	seq.s32 s10, $0x1;
	s10 =	sld [smem:$0x3FB6];
	_ =	sdelay $0x3  }
0x34: {  	[smem:$0x3FB6] =	sst s10  }
0x35: {  	s10 =	sld [smem:$0x3FB5];
	_ =	sdelay $0x3  }
0x36: {  	p1 =	seq.s32 s10, $0x1;
	s10 =	sld [smem:$0x3FB6];
	_ =	sdelay $0x3  }
0x37: {  	[smem:$0x3FB6] =	sst s10  }
0x38: {  	s10 =	sld [smem:$0x3FB7]  }
0x39: {  	_ = 	snop;
	(pc) =	sbr.ind lr, $3  }
0x3a: {  	_ = 	snop  }
0x3b: {  	_ = 	snop  }
0x3c: {  	p2 =	seq.s32 s10, $0x1;
	s10 =	sld [smem:$0x3FB6]  }
0x3d: {  	_ =	shalt  }
0x3e: {  	_ =	shalt  }
0x3f: {  	_ =	shalt  }
0x40: {  	_ =	shalt  }
0x41: {  	_ =	shalt  }
0x42: {  	_ =	shalt  }
0x43: {  	_ =	shalt  }
0x44: {  	_ =	shalt  }
0x45: {  	_ =	shalt  }
0x46: {  	_ =	shalt  }
0x47: {  	_ =	shalt  }
0x48: {  	_ =	shalt  }
0x49: {  	_ =	shalt  }
0x4a: {  	_ =	shalt  }
0x4b: {  	_ =	shalt  }
0x4c: {  	_ =	shalt  }
0x4d: {  	_ =	shalt  }
0x4e: {  	_ =	shalt  }
0x4f: {  	_ =	shalt  }
0x50: {  	_ =	shalt  }
0x51: {  	_ =	shalt  }
0x52: {  	_ =	shalt  }
0x53: {  	_ =	shalt  }
0x54: {  	_ =	shalt  }
0x55: {  	_ =	shalt  }
0x56: {  	_ =	shalt  }
0x57: {  	_ =	shalt  }
0x58: {  	_ =	shalt  }
0x59: {  	_ =	shalt  }
0x5a: {  	_ =	shalt  }
0x5b: {  	_ =	shalt  }
0x5c: {  	_ =	shalt  }
0x5d: {  	_ =	shalt  }
0x5e: {  	_ =	shalt  }
0x5f: {  	_ =	shalt  }
0x60: {  	_ =	shalt  }
0x61: {  	_ =	shalt  }
0x62: {  	_ =	shalt  }
0x63: {  	_ =	shalt  }
0x64: {  	_ =	shalt  }
0x65: {  	_ =	shalt  }
0x66: {  	_ =	shalt  }
0x67: {  	_ =	shalt  }
0x68: {  	_ =	shalt  }
0x69: {  	_ =	shalt  }
0x6a: {  	_ =	shalt  }
0x6b: {  	_ =	shalt  }
0x6c: {  	_ =	shalt  }
0x6d: {  	_ =	shalt  }
0x6e: {  	_ =	shalt  }
0x6f: {  	_ =	shalt  }
0x70: {  	_ =	shalt  }
0x71: {  	_ =	shalt  }
0x72: {  	_ =	shalt  }
0x73: {  	_ =	shalt  }
0x74: {  	_ =	shalt  }
0x75: {  	_ =	shalt  }
0x76: {  	_ =	shalt  }
0x77: {  	_ =	shalt  }
0x78: {  	_ =	shalt  }
0x79: {  	_ =	shalt  }
0x7a: {  	_ =	shalt  }
0x7b: {  	_ =	shalt  }
0x7c: {  	_ =	shalt  }
0x7d: {  	_ =	shalt  }
0x7e: {  	_ =	shalt  }
0x7f: {  	_ =	shalt  }
0x80: {  	_ =	shalt  }
0x81: {  	_ =	shalt  }
0x82: {  	_ =	shalt  }
0x83: {  	_ =	shalt  }
0x84: {  	_ =	shalt  }
0x85: {  	_ =	shalt  }
0x86: {  	_ =	shalt  }
0x87: {  	_ =	shalt  }
.Lfunc_end0:
.L_simem_size_0:
called_computation_lowered:
.L_overlay_start_0:
0x88: {  	s2 =	sld [smem:$0x3FD9]  }
0x89: {  	s3 =	sld [smem:$0x3FFE];
	_ =	sdelay $0x1  }
0x8a: {  	s1 =	srdreg.scid  }
0x8b: {  	s0 =	sand.u32 $0x1, s1  }
0x8c: {  	s18 =	sshll.u32 s0, $0xA;
	s2 =	sadd.s32 s3, s2  }
0x8d: {  	s2 =	sadd.s32 s2, s18  }
0x8e: {  	[smem:$0x3FC2] =	sst s2  }
0x8f: {  	_ = 	snop  }
0x90: {  	s2 =	sld [smem:$0x3FC9]  }
0x91: {  	s19 =	sld [smem:$0x3FC8]  }
0x92: {  	s4 =	sld [smem:$0x3FC7]  }
0x93: {  	s5 =	sld [smem:$0x3FC6]  }
0x94: {  	s6 =	sld [smem:$0x3FC5]  }
0x95: {  	s7 =	sld [smem:$0x3FC4]  }
0x96: {  	s8 =	sld [smem:$0x3FD0];
	(tm) =	ssettm $0x1  }
0x97: {  	s9 =	sld [smem:$0x3FFB];
	_ =	sdelay $0x3  }
0x98: {  	_ =	strace s9  }
0x99: {  	s9 =	sld [smem:$0x3FFC];
	_ =	sdelay $0x3  }
0x9a: {  	_ =	strace s9  }
0x9b: {  	s9 =	sld [smem:$0x3FFD];
	_ =	sdelay $0x3  }
0x9c: {  	_ =	strace s9  }
0x9d: {  	_ =	strace $0x8FFFFFFF  }
0x9e: {  	s20 =	sld [smem:$0x3FDB];
	_ =	sdelay $0x1  }
0x9f: {  	s10 =	simm.s32 $_scs_section_size  }
0xa0: {  	s11 =	simm.s32 $_size__tile_overlayer_lowered;
	s12 =	simm.s32 $_tile_overlayer_lowered  }
0xa1: {  	s23 =	simm.s32 $0x1BFF;
	s22 =	sshll.u32 s12, $0x1;
	s9 =	sadd.s32 s10, s20  }
0xa2: {  	s13 =	simm.s32 $0x0;
	s21 =	sshll.u32 s11, $0x1;
	s11 =	sadd.s32 s22, s9  }
0xa3: {  	[timem:s13], [sflag:s23] =	dma.local [hbm:s11], s21  }
0xa4: {  	_ =	swait.ge [sflag:s23], s21  }
0xa5: {  	s10 =	ssub.s32 $0x0, s21;
	[sflag:s23] =	ssyncset.done $0x0  }
0xa6: {  	[sflag:s23] =	ssyncadd.s32 s10;
	_ =	sdelay $0x1  }
0xa7: {  	s24 =	simm.s32 $0x1B8B  }
0xa8: {  	_ =	swait.ge [sflag:s24], $0x1  }
0xa9: {  	[sflag:s24] =	ssyncset.done $0x0  }
0xaa: {  	s25 =	simm.s32 $0x1B8E;
	[sflag:s24] =	ssyncadd.s32 $0xFFFFFFFF  }
0xab: {  	s26 =	simm.s32 $execute0_lowered;
	[smem:$0x3FD2] =	sst s25  }
0xac: {  	s10 =	sshll.u32 s26, $0x1;
	_ =	strace $0x80000046;
	[dreg:$0x1] =	wrdreg $0xFFFFFFFF  }
0xad: {  	s28 =	simm.s32 $_size_execute0_lowered;
	s9 =	sadd.s32 s9, s10;
	[dreg:$0x0] =	wrdreg $0x0  }
0xae: {  	s10 =	sshll.u32 s28, $0x1;
	[dreg:$0x2] =	wrdreg s9  }
0xaf: {  	[dreg:$0x3] =	wrdreg s10  }
0xb0: {  	[dreg:$0x4] =	wrdreg $0xC0  }
0xb1: {  	_ =	task [dreg:s13], $0x5FFFF  }
0xb2: {  	[dreg:$0x1] =	wrdreg $0xFFFFFFFF  }
0xb3: {  	[dreg:$0x0] =	wrdreg $0x60  }
0xb4: {  	[dreg:$0x2] =	wrdreg s2  }
0xb5: {  	[dreg:$0x3] =	wrdreg s19  }
0xb6: {  	[dreg:$0x4] =	wrdreg s4  }
0xb7: {  	[dreg:$0x5] =	wrdreg s5  }
0xb8: {  	[dreg:$0x6] =	wrdreg s6  }
0xb9: {  	[dreg:$0x7] =	wrdreg s7  }
0xba: {  	[dreg:$0x8] =	wrdreg s8  }
0xbb: {  	[dreg:$0x9] =	wrdreg $0x18C800  }
0xbc: {  	[dreg:$0xa] =	wrdreg $0x9  }
0xbd: {  	_ =	task.clear_ibuf [dreg:s13], $0xBFFFF;
	_ =	strace $0x90000046  }
0xbe: {  	s29 =	simm.s32 $0x9;
	_ =	strace $0x80000048  }
0xbf: {  	_ =	swait.ge [sflag:s29], $0x1  }
0xc0: {  	[sflag:s29] =	ssyncadd.s32 $0xFFFFFFFF  }
0xc1: {  	_ =	strace $0x90000048  }
0xc2: {  	_ =	sfence  }
0xc3: {  	s30 =	sld [smem:$0x0];
	_ =	sdelay $0x2  }
0xc4: {  	s31 =	sshll.u32 s1, $0xD;
	s1 =	sshrl.u32 s1, $0x2  }
0xc5: {  	s3 =	sand.u32 $0x4000, s31;
	s1 =	sadd.s32 s1, s30  }
0xc6: {  	s0 =	sor.u32 s3, s0;
	s1 =	sshll.u32 s1, $0x11  }
0xc7: {  	s0 =	sor.u32 s1, s0  }
0xc8: {  	s0 =	sadd.s32 $0x8F2B, s0  }
0xc9: {  	[sflag:s0] =	ssyncadd.remote.s32 $0x1  }
0xca: {  	_ =	sfence.sel $0xFFFF  }
0xcb: {  	[dreg:$0x0] =	wrdreg $0xFFFFFFFF;
	(pc) =	sbr.abs _section_cstart, $3  }
0xcc: {  	[dreg:$0x1] =	wrdreg $0xFFFFFFFF  }
0xcd: {  	_ =	task.clear_ibuf [dreg:s13], $0x2FFFF;
	_ =	strace $0x9FFFFFFF  }
0xce: {  	(tm) =	ssettm $0x7FFFFFFF  }
0xcf: {  	_ =	shalt  }
tec
execute0_lowered:
.L_overlay_start_1:
0x0: {  	(tag) =	ssettag $0x1  }
0x1: {  	s0 =	rddreg [dreg:$0x0]  }
0x2: {  	s3 =	rddreg [dreg:$0x1]  }
0x3: {  	s4 =	rddreg [dreg:$0x2]  }
0x4: {  	s1 =	rddreg [dreg:$0x3]  }
0x5: {  	s2 =	rddreg [dreg:$0x4]  }
0x6: {  	s6 =	rddreg [dreg:$0x6]  }
0x7: {  	s5 =	rddreg [dreg:$0x7]  }
0x8: {  	s7 =	srdreg.scid;
	s8 =	stileid.u32;
	s12 =	simm.s32 $0x0  }
0x9: {  	s14 =	simm.s32 $0x20;
	s21 =	simm.s32 $0x1;
	s22 =	simm.s32 $0x5280  }
0xa: {  	s23 =	simm.s32 $0x6280;
	s7 =	sand.u32 $0x1, s7;
	s9 =	sshll.u32 s8, $0x1  }
0xb: {  	s24 =	simm.s32 $0x7280;
	s10 =	ssub.s32 $0x2, s7;
	s7 =	sor.u32 s7, s9  }
0xc: {  	s28 =	simm.s32 $0x2;
	s30 =	simm.s32 $0x0;
	s11 =	sshll.u32 s7, $0x8  }
0xd: {  	[smem:$0x7FF] =	sst s12;
	s26 =	sshll.u32 s7, $0x6;
	s0 =	sadd.s32 s0, s11  }
0xe: {  	_ =	strace $0x80000047;
	s3 =	sadd.s32 s3, s26;
	[dreg:$0x9] =	wrdreg s0  }
0xf: {  	s25 =	sshrl.u32 s10, $0x1;
	s29 =	sadd.s32 s4, s11;
	[dreg:$0xa] =	wrdreg s3  }
0x10: {  	s9 =	ssub.s32 s10, s25;
	[dreg:$0xb] =	wrdreg s29;
	s0 =	sadd.s32 s6, s26  }
0x11: {  	p0 =	sne.s32 s8, $0x0;
	s31 =	smax.u32 s9, $0x1;
	[dreg:$0xc] =	wrdreg s0  }
0x12: {  	v0 =	vlaneseq.u32;
	s11 =	simm.s32 $0x3;
	[dreg:$0xd] =	wrdreg s31;
	s0 =	sshrl.u32 @!p0 s5, $0x3  }
0x13: {  	v0 =	vmul.u32 $0x20, v0;
	s25 =	simm.s32 $0x8280;
	s26 =	simm.s32 $0x19C20;
	[dreg:$0xe] =	wrdreg s0  }
.LBB2_1:
0x14: {  	s0 =	rddreg [dreg:$0x9]  }
0x15: {  	[tilespmem:s12], [sflag:$0x3] =	stream.linear.gather [hbm4b:s0+s12], $0x800, $0x38;
	[tilespmem:$0x1A020] =	vst v63  }
0x16: {  	_ =	swait.ge [sflag:s11], $0x800  }
0x17: {  	[sflag:s11] =	ssyncset.done $0x0  }
0x18: {  	s3 =	simm.s32 $0x800;
	s10 =	rddreg [dreg:$0xa];
	[sflag:s11] =	ssyncadd.s32 $0xFFFFF800  }
0x19: {  	[tilespmem:s3], [sflag:$0x3] =	stream.linear.gather [hbm4b:s10+s12], $0x200, $0x38;
	[tilespmem:$0x1A020] =	vst v63  }
0x1a: {  	_ =	swait.ge [sflag:s11], $0x200  }
0x1b: {  	[sflag:s11] =	ssyncset.done $0x0  }
0x1c: {  	s15 =	simm.s32 $0xA80;
	s13 =	rddreg [dreg:$0xb];
	[sflag:s11] =	ssyncadd.s32 $0xFFFFFE00  }
0x1d: {  	[tilespmem:s15], [sflag:$0x3] =	stream.linear.gather [hbm4b:s13+s12], $0x800, $0x38;
	[tilespmem:$0x1A020] =	vst v63  }
0x1e: {  	_ =	swait.ge [sflag:s11], $0x800  }
0x1f: {  	[sflag:s11] =	ssyncset.done $0x0  }
0x20: {  	[sflag:s11] =	ssyncadd.s32 $0xFFFFF800  }
0x21: {  	v1 =	vld [tilespmem:$0x800]  }
0x22: {  	v2 =	vld [tilespmem:$0x810]  }
0x23: {  	v3 =	vld [tilespmem:$0x820]  }
0x24: {  	v4 =	vld [tilespmem:$0x830]  }
0x25: {  	v5 =	vld [tilespmem:$0x840]  }
0x26: {  	v6 =	vld [tilespmem:$0x850];
	v1 =	vshll.u32 v1, $0x8  }
0x27: {  	[tilespmem:$0x800] =	vst v1;
	v1 =	vshll.u32 v2, $0x8;
	v2 =	vld [tilespmem:$0x860]  }
0x28: {  	[tilespmem:$0x810] =	vst v1;
	v1 =	vshll.u32 v3, $0x8;
	v3 =	vld [tilespmem:$0x870]  }
0x29: {  	v49 =	vld [tilespmem:$0x880];
	[tilespmem:$0x820] =	vst v1;
	v1 =	vshll.u32 v4, $0x8  }
0x2a: {  	v50 =	vld [tilespmem:$0x890];
	[tilespmem:$0x830] =	vst v1;
	v1 =	vshll.u32 v5, $0x8  }
0x2b: {  	v51 =	vld [tilespmem:$0x8A0];
	[tilespmem:$0x840] =	vst v1;
	v1 =	vshll.u32 v6, $0x8  }
0x2c: {  	[tilespmem:$0x850] =	vst v1;
	v1 =	vshll.u32 v2, $0x8;
	v2 =	vld [tilespmem:$0x8B0]  }
0x2d: {  	[tilespmem:$0x860] =	vst v1;
	v1 =	vshll.u32 v3, $0x8;
	v3 =	vld [tilespmem:$0x8C0]  }
0x2e: {  	v52 =	vld [tilespmem:$0x8D0];
	[tilespmem:$0x870] =	vst v1;
	v1 =	vshll.u32 v49, $0x8  }
0x2f: {  	v53 =	vld [tilespmem:$0x8E0];
	[tilespmem:$0x880] =	vst v1;
	v1 =	vshll.u32 v50, $0x8  }
0x30: {  	v54 =	vld [tilespmem:$0x8F0];
	[tilespmem:$0x890] =	vst v1;
	v1 =	vshll.u32 v51, $0x8  }
0x31: {  	[tilespmem:$0x8A0] =	vst v1;
	v1 =	vshll.u32 v2, $0x8;
	v2 =	vld [tilespmem:$0x900]  }
0x32: {  	[tilespmem:$0x8B0] =	vst v1;
	v1 =	vshll.u32 v3, $0x8;
	v3 =	vld [tilespmem:$0x910]  }
0x33: {  	v55 =	vld [tilespmem:$0x920];
	[tilespmem:$0x8C0] =	vst v1;
	v1 =	vshll.u32 v52, $0x8  }
0x34: {  	v56 =	vld [tilespmem:$0x930];
	[tilespmem:$0x8D0] =	vst v1;
	v1 =	vshll.u32 v53, $0x8  }
0x35: {  	v57 =	vld [tilespmem:$0x940];
	[tilespmem:$0x8E0] =	vst v1;
	v1 =	vshll.u32 v54, $0x8  }
0x36: {  	[tilespmem:$0x8F0] =	vst v1;
	v1 =	vshll.u32 v2, $0x8;
	v2 =	vld [tilespmem:$0x950]  }
0x37: {  	[tilespmem:$0x900] =	vst v1;
	v1 =	vshll.u32 v3, $0x8;
	v3 =	vld [tilespmem:$0x960]  }
0x38: {  	v58 =	vld [tilespmem:$0x970];
	[tilespmem:$0x910] =	vst v1;
	v1 =	vshll.u32 v55, $0x8  }
0x39: {  	v59 =	vld [tilespmem:$0x980];
	[tilespmem:$0x920] =	vst v1;
	v1 =	vshll.u32 v56, $0x8  }
0x3a: {  	v60 =	vld [tilespmem:$0x990];
	[tilespmem:$0x930] =	vst v1;
	v1 =	vshll.u32 v57, $0x8  }
0x3b: {  	[tilespmem:$0x940] =	vst v1;
	v1 =	vshll.u32 v2, $0x8;
	v2 =	vld [tilespmem:$0x9A0]  }
0x3c: {  	[tilespmem:$0x950] =	vst v1;
	v1 =	vshll.u32 v3, $0x8;
	v3 =	vld [tilespmem:$0x9B0]  }
0x3d: {  	v61 =	vld [tilespmem:$0x9C0];
	[tilespmem:$0x960] =	vst v1;
	v1 =	vshll.u32 v58, $0x8  }
0x3e: {  	v62 =	vld [tilespmem:$0x9D0];
	[tilespmem:$0x970] =	vst v1;
	v1 =	vshll.u32 v59, $0x8  }
0x3f: {  	v63 =	vld [tilespmem:$0x9E0];
	[tilespmem:$0x980] =	vst v1;
	v1 =	vshll.u32 v60, $0x8  }
0x40: {  	[tilespmem:$0x990] =	vst v1;
	v1 =	vshll.u32 v2, $0x8;
	v2 =	vld [tilespmem:$0x9F0]  }
0x41: {  	[tilespmem:$0x9A0] =	vst v1;
	v1 =	vshll.u32 v3, $0x8  }
0x42: {  	[tilespmem:$0x9B0] =	vst v1;
	v1 =	vshll.u32 v61, $0x8  }
0x43: {  	[tilespmem:$0x9C0] =	vst v1;
	v1 =	vshll.u32 v62, $0x8  }
0x44: {  	[tilespmem:$0x9D0] =	vst v1;
	v1 =	vshll.u32 v63, $0x8  }
0x45: {  	[tilespmem:$0x9E0] =	vst v1;
	v1 =	vshll.u32 v2, $0x8  }
0x46: {  	s16 =	simm.s32 $0x1280;
	[tilespmem:$0x9F0] =	vst v1  }
0x47: {  	[tilespmem:s16], [sflag:$0x1] =	stream.indirect.gather [hbm4b:s1+s14], $0x80, s12, s14, $0xb8;
	[tilespmem:$0x1A020] =	vst v63  }
0x48: {  	s17 =	simm.s32 $0x2280  }
0x49: {  	[tilespmem:s17], [sflag:$0x1] =	stream.indirect.gather [hbm4b:s2+s14], $0x80, s12, s14, $0xb8;
	[tilespmem:$0x1A020] =	vst v63  }
0x4a: {  	s18 =	simm.s32 $0x3280;
	s4 =	rddreg [dreg:$0xe]  }
0x4b: {  	[tilespmem:s18], [sflag:$0x1] =	stream.indirect.gather [hbm4b:s1+s14], $0x80, s15, s14, $0xb8;
	[tilespmem:$0x1A020] =	vst v63  }
0x4c: {  	s19 =	simm.s32 $0x4280;
	s0 =	simm.s32 @!p0 $0x1C03;
	s3 =	rddreg [dreg:$0x5]  }
0x4d: {  	[tilespmem:s19], [sflag:$0x1] =	stream.indirect.gather [hbm4b:s2+s14], $0x80, s15, s14, $0xb8;
	[tilespmem:$0x1A020] =	vst v63  }
0x4e: {  	[spmem:s4], [sflag:s0] =	dma.local @!p0 [hbm:s3], $0x1F40  }
0x4f: {  	s0 =	simm.s32 @!p0 $0x3  }
0x50: {  	_ =	swait.ge @!p0 [sflag:s0], $0x1F40  }
0x51: {  	[sflag:s0] =	ssyncset.done @!p0 $0x0  }
0x52: {  	[sflag:s0] =	ssyncadd.s32 @!p0 $0xFFFFE0C0  }
0x53: {  	[bflag:$0x0] =	sbarrier.arrive $0xFFFF  }
0x54: {  	s29 =	simm.s32 $0x9280;
	s20 =	rddreg [dreg:$0x7]  }
0x55: {  	[tilespmem:s29], [sflag:$0x3] =	stream.linear.gather [spmem:s20], $0xFA00, $0x38;
	[tilespmem:$0x1A020] =	vst v63  }
0x56: {  	_ =	swait.ge [sflag:s11], $0xFA00  }
0x57: {  	s31 =	simm.s32 $0x801;
	[sflag:s11] =	ssyncset.done $0x0  }
0x58: {  	s3 =	simm.s32 $0x0;
	s0 =	simm.s32 $0x821;
	[sflag:s11] =	ssyncadd.s32 $0xFFFF0600  }
.LBB2_2:
0x59: {  	_ =	swait.ge [sflag:s21], $0x1000  }
0x5a: {  	[sflag:s21] =	ssyncset.done $0x0  }
0x5b: {  	[sflag:s21] =	ssyncadd.s32 $0xFFFFF000  }
0x5c: {  	_ =	swait.ge [sflag:s21], $0x1000  }
0x5d: {  	[sflag:s21] =	ssyncset.done $0x0  }
0x5e: {  	[sflag:s21] =	ssyncadd.s32 $0xFFFFF000  }
0x5f: {  	_ =	swait.ge [sflag:s21], $0x1000  }
0x60: {  	[sflag:s21] =	ssyncset.done $0x0  }
0x61: {  	[sflag:s21] =	ssyncadd.s32 $0xFFFFF000  }
0x62: {  	_ =	swait.ge [sflag:s21], $0x1000  }
0x63: {  	s15 =	sshll.u32 s3, $0x8;
	[sflag:s21] =	ssyncset.done $0x0  }
0x64: {  	s12 =	sor.u32 $0x80, s15;
	[sflag:s21] =	ssyncadd.s32 $0xFFFFF000  }
0x65: {  	[tilespmem:s22], [sflag:$0x2] =	stream.indirect.gather [hbm4b:s1+s14], $0x80, s12, s14, $0xb8;
	[tilespmem:$0x1A020] =	vst v63  }
0x66: {  	_ = 	snop  }
0x67: {  	[tilespmem:s23], [sflag:$0x2] =	stream.indirect.gather [hbm4b:s2+s14], $0x80, s12, s14, $0xb8;
	[tilespmem:$0x1A020] =	vst v63  }
0x68: {  	s4 =	sadd.s32 $0xB00, s15  }
0x69: {  	[tilespmem:s24], [sflag:$0x2] =	stream.indirect.gather [hbm4b:s1+s14], $0x80, s4, s14, $0xb8;
	[tilespmem:$0x1A020] =	vst v63  }
0x6a: {  	_ = 	snop  }
0x6b: {  	[tilespmem:s25], [sflag:$0x2] =	stream.indirect.gather [hbm4b:s2+s14], $0x80, s4, s14, $0xb8;
	[tilespmem:$0x1A020] =	vst v63  }
0x6c: {  	v1 =	vld [tilespmem:s31+$0x0];
	_ =	sdelay $0x4  }
0x6d: {  	(v2sf) =	vpush v1, $0x0;
	_ =	sdelay $0x9  }
0x6e: {  	s16 =	simm.s32 $0x3280  }
0x6f: {  	v2 =	vld [tilespmem:s16+$0xFFFFE0F0]  }
0x70: {  	v3 =	vld [tilespmem:s16+$0xFFFFF0F0]  }
0x71: {  	v4 =	vld [tilespmem:s16+$0xFFFFE0E0]  }
0x72: {  	v5 =	vld [tilespmem:s16+$0xFFFFE0D0]  }
0x73: {  	v1 =	vld [tilespmem:s31+$0xFFFFFFFF];
	s4 =	spop (v2sf)  }
0x74: {  	v6 =	vld [tilespmem:s16+$0xFFFFE080];
	s7 =	sadd.s32 $0x70, s4;
	s8 =	sand.u32 $0xFFFFFF00, s4  }
0x75: {  	v7 =	vld [tilespmem:s16+$0xFFFFF080];
	s9 =	sand.u32 $0x7F, s4;
	s8 =	sshra.s32 s8, $0x1;
	s17 =	sand.u32 $0xFFFFFF00, s7  }
0x76: {  	v11 =	vld [tilespmem:s16+$0xFFFFF0D0];
	s7 =	sand.u32 $0x7F, s7;
	s8 =	sor.u32 s9, s8;
	s17 =	sshra.s32 s17, $0x1  }
0x77: {  	s6 =	sadd.s32 $0x60, s4;
	v8 =	vld [tilespmem:s8+$0x9280];
	s7 =	sor.u32 s7, s17  }
0x78: {  	(v2sf) =	vpush v1, $0x0;
	s5 =	sand.u32 $0xFFFFFF00, s6;
	v9 =	vld [tilespmem:s7+$0x9280]  }
0x79: {  	v13 =	vld [tilespmem:s16+$0xFFFFE0C0];
	s6 =	sand.u32 $0x7F, s6;
	s13 =	sshra.s32 s5, $0x1  }
0x7a: {  	v18 =	vld [tilespmem:s16+$0xFFFFF0C0];
	s10 =	sadd.s32 $0x50, s4;
	s6 =	sor.u32 s6, s13  }
0x7b: {  	s18 =	sadd.s32 $0x40, s4;
	s17 =	sand.u32 $0xFFFFFF00, s10;
	v10 =	vld [tilespmem:s6+$0x9280]  }
0x7c: {  	v30 =	vld [tilespmem:s16+$0xFFFFF0A0];
	s20 =	sand.u32 $0x7F, s10;
	s5 =	sand.u32 $0xFFFFFF00, s18;
	s19 =	sshra.s32 s17, $0x1;
	v14 =	vunpack.i.u.bf16.f32 v8;
	v8 =	vunpack.i.l.bf16.f32 v8  }
0x7d: {  	v1 =	vld [tilespmem:s16+$0xFFFFF0E0];
	s6 =	sshra.s32 s5, $0x1;
	s7 =	sand.u32 $0x7F, s18;
	s8 =	sor.u32 s20, s19;
	v16 =	vunpack.i.u.bf16.f32 v9;
	v17 =	vmul.f32 v6, v8  }
0x7e: {  	s17 =	sadd.s32 $0x20, s4;
	s6 =	sor.u32 s7, s6;
	v12 =	vld [tilespmem:s8+$0x9280];
	v9 =	vunpack.i.l.bf16.f32 v9;
	v19 =	vmul.f32 v7, v14;
	v6 =	vmul.f32 v6, v14  }
0x7f: {  	s10 =	sadd.s32 $0x30, s4;
	s18 =	sand.u32 $0xFFFFFF00, s17;
	v15 =	vld [tilespmem:s6+$0x9280];
	v7 =	vmul.f32 v7, v8;
	v22 =	vmul.f32 v2, v9  }
0x80: {  	v33 =	vld [tilespmem:s16+$0xF0];
	s13 =	sand.u32 $0xFFFFFF00, s10;
	s7 =	sand.u32 $0x7F, s17;
	s6 =	sshra.s32 s18, $0x1;
	v8 =	vunpack.i.l.bf16.f32 v10;
	v23 =	vmul.f32 v3, v16;
	v2 =	vmul.f32 v2, v16  }
0x81: {  	v36 =	vld [tilespmem:s16+$0xFFFFF090];
	s9 =	sand.u32 $0x7F, s10;
	s8 =	sshra.s32 s13, $0x1;
	s6 =	sor.u32 s7, s6;
	v20 =	vunpack.i.u.bf16.f32 v10;
	v3 =	vmul.f32 v3, v9;
	v25 =	vmul.f32 v4, v8  }
0x82: {  	s4 =	sadd.s32 $0x10, s4;
	s8 =	sor.u32 s9, s8;
	v24 =	vld [tilespmem:s6+$0x9280];
	v26 =	vmul.f32 v1, v20;
	v4 =	vmul.f32 v4, v20  }
0x83: {  	s19 =	sand.u32 $0xFFFFFF00, s4;
	v14 =	vld [tilespmem:s8+$0x9280];
	v1 =	vmul.f32 v1, v8;
	v21 =	vunpack.i.u.bf16.f32 v12;
	v12 =	vunpack.i.l.bf16.f32 v12  }
0x84: {  	s5 =	sand.u32 $0x7F, s4;
	s20 =	sshra.s32 s19, $0x1;
	v10 =	vld [tilespmem:s16+$0xFFFFE0B0];
	v16 =	vunpack.i.u.bf16.f32 v15;
	v28 =	vmul.f32 v5, v12;
	v29 =	vmul.f32 v11, v21  }
0x85: {  	s8 =	sor.u32 s5, s20;
	v9 =	vld [tilespmem:s16+$0xFFFFF0B0];
	v15 =	vunpack.i.l.bf16.f32 v15;
	v5 =	vmul.f32 v5, v21;
	v11 =	vmul.f32 v11, v12  }
0x86: {  	v27 =	vld [tilespmem:s8+$0x9280];
	v6 =	vadd.f32 v7, v6;
	v31 =	vmul.f32 v13, v15;
	v32 =	vmul.f32 v18, v16  }
0x87: {  	s4 =	spop (v2sf);
	v8 =	vld [tilespmem:s16+$0xFFFFE0A0];
	v13 =	vmul.f32 v13, v16;
	v15 =	vmul.f32 v18, v15;
	v2 =	vadd.f32 v3, v2  }
0x88: {  	v49 =	vld [tilespmem:s16+$0xD0];
	s9 =	sand.u32 $0xFFFFFF00, s4;
	v1 =	vadd.f32 v1, v4;
	v21 =	vunpack.i.u.bf16.f32 v24;
	v24 =	vunpack.i.l.bf16.f32 v24  }
0x89: {  	s13 =	sand.u32 $0x7F, s4;
	s10 =	sshra.s32 s9, $0x1;
	v7 =	vld [tilespmem:s16+$0xE0];
	v20 =	vunpack.i.u.bf16.f32 v14;
	v14 =	vunpack.i.l.bf16.f32 v14;
	v47 =	vsub.f32 v31, v32  }
0x8a: {  	s6 =	sor.u32 s13, s10;
	v18 =	vld [tilespmem:s16+$0xFFFFE090];
	v5 =	vadd.f32 v11, v5;
	v13 =	vadd.f32 v15, v13;
	v34 =	vmul.f32 v10, v14  }
0x8b: {  	v12 =	vld [tilespmem:s6+$0x9280];
	v16 =	vunpack.i.u.bf16.f32 v27;
	v35 =	vmul.f32 v9, v20;
	v10 =	vmul.f32 v10, v20  }
0x8c: {  	v3 =	vld [tilespmem:s16+$0x80];
	v9 =	vmul.f32 v9, v14;
	v14 =	vsub.f32 v17, v19;
	v19 =	vmul.f32 v8, v24  }
0x8d: {  	v4 =	vld [tilespmem:s16+$0x1080];
	v27 =	vunpack.i.l.bf16.f32 v27;
	v20 =	vmul.f32 v30, v21;
	v8 =	vmul.f32 v8, v21  }
0x8e: {  	v17 =	vld [tilespmem:s16+$0x10F0];
	v21 =	vsub.f32 v22, v23;
	v22 =	vsub.f32 v25, v26;
	v24 =	vmul.f32 v30, v24  }
0x8f: {  	v23 =	vld [tilespmem:s16+$0x10E0];
	v25 =	vsub.f32 v28, v29;
	v48 =	vmul.f32 v36, v16;
	v26 =	vmul.f32 v18, v27  }
0x90: {  	v11 =	vsub.f32 v34, v35;
	v16 =	vmul.f32 v18, v16;
	v15 =	vsub.f32 v19, v20;
	v18 =	vld [tilespmem:s16+$0x10D0]  }
0x91: {  	v9 =	vadd.f32 v9, v10;
	v20 =	vld [tilespmem:s16+$0xC0];
	v8 =	vadd.f32 v24, v8  }
0x92: {  	v19 =	vmul.f32 v36, v27;
	v3 =	vsub.f32 v14, v3;
	v14 =	vld [tilespmem:s16+$0x10C0];
	v4 =	vsub.f32 v6, v4  }
0x93: {  	v6 =	vld [tilespmem:s16+$0xB0];
	v7 =	vsub.f32 v22, v7;
	v24 =	vsub.f32 v25, v49  }
0x94: {  	v22 =	vunpack.i.u.bf16.f32 v12;
	v16 =	vadd.f32 v19, v16;
	v19 =	vsub.f32 v21, v33;
	v21 =	vld [tilespmem:s16+$0x10B0]  }
0x95: {  	v12 =	vunpack.i.l.bf16.f32 v12;
	v10 =	vsub.f32 v26, v48;
	v2 =	vsub.f32 v2, v17;
	v17 =	vld [tilespmem:s16+$0xA0]  }
0x96: {  	v3 =	vmul.f32 v3, v3;
	v4 =	vmul.f32 v4, v4;
	v1 =	vsub.f32 v1, v23;
	v23 =	vld [tilespmem:s16+$0x10A0]  }
0x97: {  	v7 =	vmul.f32 v7, v7;
	v20 =	vsub.f32 v47, v20;
	v5 =	vsub.f32 v5, v18;
	v18 =	vld [tilespmem:s16+$0x90]  }
0x98: {  	v13 =	vsub.f32 v13, v14;
	v14 =	vld [tilespmem:s16+$0x1090];
	v6 =	vsub.f32 v11, v6;
	v11 =	vmul.f32 v19, v19  }
0x99: {  	v3 =	vadd.f32 v4, v3;
	v2 =	vmul.f32 v2, v2;
	v19 =	vmul.f32 v1, v1  }
0x9a: {  	v9 =	vsub.f32 v9, v21;
	v5 =	vmul.f32 v5, v5;
	v20 =	vmul.f32 v20, v20  }
0x9b: {  	v13 =	vmul.f32 v13, v13;
	v6 =	vmul.f32 v6, v6;
	v7 =	vadd.f32 v19, v7  }
0x9c: {  	v21 =	vld [tilespmem:s16+$0xFFFFF000];
	v1 =	vsub.f32 v15, v17;
	v15 =	vmul.f32 v24, v24;
	v8 =	vsub.f32 v8, v23  }
0x9d: {  	v9 =	vmul.f32 v9, v9;
	v10 =	vsub.f32 v10, v18;
	v14 =	vsub.f32 v16, v14  }
0x9e: {  	v17 =	vld [tilespmem:s16+$0xFFFFE000];
	v16 =	vmul.f32 v1, v1;
	v8 =	vmul.f32 v8, v8;
	v1 =	vadd.f32 v2, v11  }
0x9f: {  	v5 =	vadd.f32 v5, v15;
	v15 =	vshra.s32 v7, $0x1;
	v6 =	vadd.f32 v9, v6  }
0xa0: {  	v9 =	vadd.f32 v13, v20;
	v13 =	vmul.f32 $5.000000000e-01, v3;
	v4 =	vmul.f32 v10, v10  }
0xa1: {  	v15 =	vsub.s32 $0x5F3759DF, v15;
	v2 =	vmul.f32 v14, v14;
	v11 =	vmul.f32 v21, v22  }
0xa2: {  	v14 =	vshra.s32 v1, $0x1;
	v18 =	vmul.f32 $5.000000000e-01, v1;
	v20 =	vshra.s32 v5, $0x1  }
0xa3: {  	v23 =	vmul.f32 $5.000000000e-01, v5;
	v10 =	vmul.f32 v17, v12;
	v19 =	vshra.s32 v9, $0x1  }
0xa4: {  	v2 =	vadd.f32 v2, v4;
	v4 =	vadd.f32 v8, v16;
	v8 =	vshra.s32 v3, $0x1  }
0xa5: {  	v24 =	vshra.s32 v6, $0x1;
	v27 =	vmul.f32 $5.000000000e-01, v9;
	v8 =	vsub.s32 $0x5F3759DF, v8  }
0xa6: {  	v13 =	vmul.f32 v8, v13;
	v25 =	vshra.s32 v2, $0x1;
	v26 =	vmul.f32 $5.000000000e-01, v2  }
0xa7: {  	v52 =	vmul.f32 $5.000000000e-01, v6;
	v50 =	vmul.f32 $5.000000000e-01, v4;
	v25 =	vsub.s32 $0x5F3759DF, v25  }
0xa8: {  	v51 =	vshra.s32 v4, $0x1;
	v13 =	vmul.f32 v8, v13;
	v26 =	vmul.f32 v25, v26  }
0xa9: {  	v20 =	vsub.s32 $0x5F3759DF, v20;
	v24 =	vsub.s32 $0x5F3759DF, v24;
	v29 =	vsub.s32 $0x5F3759DF, v51  }
0xaa: {  	v28 =	vmul.f32 v29, v50;
	v13 =	vsub.f32 $1.500000000e+00, v13;
	v26 =	vmul.f32 v25, v26  }
0xab: {  	v16 =	vmul.f32 $5.000000000e-01, v7;
	v19 =	vsub.s32 $0x5F3759DF, v19;
	v30 =	vmul.f32 v24, v52  }
0xac: {  	v8 =	vmul.f32 v8, v13;
	v13 =	vsub.f32 $1.500000000e+00, v26;
	v26 =	vmul.f32 v29, v28  }
0xad: {  	v14 =	vsub.s32 $0x5F3759DF, v14;
	v27 =	vmul.f32 v19, v27;
	v53 =	vmul.f32 v24, v30  }
0xae: {  	s17 =	sadd.s32 $0x10, s4;
	v3 =	vmul.f32 v8, v3;
	v8 =	vmul.f32 v25, v13;
	v13 =	vsub.f32 $1.500000000e+00, v26  }
0xaf: {  	s18 =	sand.u32 $0xFFFFFF00, s17;
	v23 =	vmul.f32 v20, v23;
	v25 =	vsub.f32 $1.500000000e+00, v53;
	v26 =	vmul.f32 v19, v27  }
0xb0: {  	s19 =	sadd.s32 $0x20, s4;
	s7 =	sshra.s32 s18, $0x1;
	s6 =	sand.u32 $0x7F, s17;
	v3 =	vadd.f32 $0.0e+00, v3;
	v2 =	vmul.f32 v8, v2;
	v8 =	vmul.f32 v29, v13  }
0xb1: {  	s20 =	sand.u32 $0xFFFFFF00, s19;
	s6 =	sor.u32 s6, s7;
	v23 =	vmul.f32 v20, v23;
	v16 =	vmul.f32 v15, v16;
	v27 =	vld [tilespmem:s16+$0xFFFFE010];
	v26 =	vsub.f32 $1.500000000e+00, v26  }
0xb2: {  	s5 =	sand.u32 $0x7F, s19;
	s7 =	sshra.s32 s20, $0x1;
	v13 =	vld [tilespmem:s6+$0x9280];
	v2 =	vadd.f32 v2, v3;
	v3 =	vmul.f32 v8, v4;
	v4 =	vmul.f32 v24, v25  }
0xb3: {  	v17 =	vmul.f32 v17, v22;
	v23 =	vsub.f32 $1.500000000e+00, v23;
	v16 =	vmul.f32 v15, v16;
	s6 =	sor.u32 s5, s7;
	v8 =	vld [tilespmem:s16+$0xFFFFF010]  }
0xb4: {  	v24 =	vld [tilespmem:s6+$0x9280];
	v2 =	vadd.f32 v3, v2;
	v3 =	vmul.f32 v4, v6;
	v4 =	vmul.f32 v19, v26  }
0xb5: {  	v12 =	vmul.f32 v21, v12;
	v18 =	vmul.f32 v14, v18;
	v16 =	vsub.f32 $1.500000000e+00, v16;
	v6 =	vld [tilespmem:s16+$0x0]  }
0xb6: {  	v19 =	vld [tilespmem:s16+$0x1000];
	v2 =	vadd.f32 v3, v2;
	v3 =	vmul.f32 v4, v9;
	v4 =	vmul.f32 v20, v23  }
0xb7: {  	v10 =	vsub.f32 v10, v11;
	v12 =	vadd.f32 v12, v17;
	v18 =	vmul.f32 v14, v18  }
0xb8: {  	s7 =	sadd.s32 $0x30, s4;
	v9 =	vld [tilespmem:s16+$0xFFFFE020];
	v2 =	vadd.f32 v3, v2;
	v3 =	vmul.f32 v4, v5;
	v4 =	vmul.f32 v15, v16  }
0xb9: {  	v22 =	vld [tilespmem:s16+$0xFFFFE040];
	s8 =	sand.u32 $0xFFFFFF00, s7;
	v15 =	vunpack.i.u.bf16.f32 v13;
	v16 =	vsub.f32 $1.500000000e+00, v18;
	v13 =	vunpack.i.l.bf16.f32 v13  }
0xba: {  	s6 =	sand.u32 $0x7F, s7;
	s7 =	sshra.s32 s8, $0x1;
	v20 =	vld [tilespmem:s16+$0xFFFFF020];
	v18 =	vunpack.i.l.bf16.f32 v24;
	v17 =	vmul.f32 v8, v15;
	v15 =	vmul.f32 v27, v15  }
0xbb: {  	v11 =	vld [tilespmem:s16+$0x10];
	s6 =	sor.u32 s6, s7;
	v8 =	vmul.f32 v8, v13;
	v6 =	vsub.f32 v10, v6;
	v12 =	vsub.f32 v12, v19  }
0xbc: {  	v5 =	vld [tilespmem:s6+$0x9280];
	v2 =	vadd.f32 v3, v2;
	v4 =	vmul.f32 v4, v7;
	v3 =	vmul.f32 v14, v16  }
0xbd: {  	s9 =	sadd.s32 $0x40, s4;
	v7 =	vld [tilespmem:s16+$0x1010];
	v14 =	vmul.f32 v27, v13;
	v13 =	vunpack.i.u.bf16.f32 v24;
	v10 =	vmul.f32 v9, v18  }
0xbe: {  	s10 =	sand.u32 $0xFFFFFF00, s9;
	v16 =	vld [tilespmem:s16+$0xFFFFE030];
	v9 =	vmul.f32 v9, v13;
	v6 =	vmul.f32 v6, v6  }
0xbf: {  	s7 =	sshra.s32 s10, $0x1;
	s6 =	sand.u32 $0x7F, s9;
	v8 =	vadd.f32 v8, v15;
	v15 =	vld [tilespmem:s16+$0x1020];
	v18 =	vmul.f32 v20, v18;
	v12 =	vmul.f32 v12, v12  }
0xc0: {  	s6 =	sor.u32 s6, s7;
	v2 =	vadd.f32 v4, v2;
	v4 =	vld [tilespmem:s16+$0xFFFFF030];
	v14 =	vsub.f32 v14, v17;
	v17 =	vmul.f32 v20, v13  }
0xc1: {  	s13 =	sadd.s32 $0x50, s4;
	v21 =	vld [tilespmem:s6+$0x9280];
	v1 =	vmul.f32 v3, v1;
	v13 =	vunpack.i.u.bf16.f32 v5;
	v9 =	vadd.f32 v18, v9  }
0xc2: {  	s17 =	sand.u32 $0xFFFFFF00, s13;
	v19 =	vld [tilespmem:s16+$0x20];
	v5 =	vunpack.i.l.bf16.f32 v5;
	v6 =	vadd.f32 v12, v6;
	v11 =	vsub.f32 v14, v11  }
0xc3: {  	s7 =	sshra.s32 s17, $0x1;
	s6 =	sand.u32 $0x7F, s13;
	v14 =	vld [tilespmem:s16+$0xFFFFF040];
	v7 =	vsub.f32 v8, v7;
	v8 =	vsub.f32 v10, v17;
	v10 =	vmul.f32 v16, v5  }
0xc4: {  	s6 =	sor.u32 s6, s7;
	v20 =	vld [tilespmem:s16+$0x1030];
	v2 =	vadd.f32 v1, v2;
	v24 =	vmul.f32 $5.000000000e-01, v6;
	v11 =	vmul.f32 v11, v11  }
0xc5: {  	v18 =	vld [tilespmem:s6+$0x9280];
	v9 =	vsub.f32 v9, v15;
	v17 =	vmul.f32 v4, v13;
	v13 =	vmul.f32 v16, v13  }
0xc6: {  	v12 =	vld [tilespmem:s16+$0x30];
	v16 =	vunpack.i.u.bf16.f32 v21;
	v4 =	vmul.f32 v4, v5;
	v5 =	vunpack.i.l.bf16.f32 v21  }
0xc7: {  	v15 =	vld [tilespmem:s16+$0xFFFFE050];
	v7 =	vmul.f32 v7, v7;
	v8 =	vsub.f32 v8, v19;
	v9 =	vmul.f32 v9, v9  }
0xc8: {  	s18 =	sadd.s32 $0x60, s4;
	v10 =	vsub.f32 v10, v17;
	v17 =	vmul.f32 v22, v5;
	v19 =	vmul.f32 v14, v16  }
0xc9: {  	s19 =	sand.u32 $0xFFFFFF00, s18;
	v21 =	vld [tilespmem:s16+$0xFFFFF050];
	v4 =	vadd.f32 v4, v13;
	v13 =	vmul.f32 v22, v16;
	v5 =	vmul.f32 v14, v5  }
0xca: {  	s7 =	sshra.s32 s19, $0x1;
	s6 =	sand.u32 $0x7F, s18;
	v16 =	vunpack.i.u.bf16.f32 v18;
	v18 =	vunpack.i.l.bf16.f32 v18;
	v22 =	vshra.s32 v6, $0x1  }
0xcb: {  	v23 =	vld [tilespmem:s16+$0x40];
	s6 =	sor.u32 s6, s7;
	v11 =	vadd.f32 v7, v11;
	v7 =	vmul.f32 v8, v8;
	v10 =	vsub.f32 v10, v12  }
0xcc: {  	v14 =	vld [tilespmem:s6+$0x9280];
	v4 =	vsub.f32 v4, v20;
	v17 =	vsub.f32 v17, v19;
	v19 =	vmul.f32 v15, v18  }
0xcd: {  	s4 =	sadd.s32 $0x70, s4;
	v8 =	vld [tilespmem:s16+$0x1040];
	v5 =	vadd.f32 v5, v13;
	v15 =	vmul.f32 v15, v16;
	v25 =	vshra.s32 v11, $0x1  }
0xce: {  	s20 =	sand.u32 $0xFFFFFF00, s4;
	v27 =	vld [tilespmem:s16+$0x50];
	v26 =	vmul.f32 $5.000000000e-01, v11;
	v20 =	vmul.f32 v21, v16;
	v16 =	vsub.s32 $0x5F3759DF, v22  }
0xcf: {  	s4 =	sand.u32 $0x7F, s4;
	s6 =	sshra.s32 s20, $0x1;
	v12 =	vld [tilespmem:s16+$0xFFFFE060];
	v9 =	vadd.f32 v9, v7;
	v18 =	vmul.f32 v21, v18;
	v22 =	vmul.f32 v16, v24  }
0xd0: {  	s4 =	sor.u32 s4, s6;
	v13 =	vld [tilespmem:s16+$0xFFFFF060];
	v25 =	vsub.s32 $0x5F3759DF, v25;
	v7 =	vmul.f32 v10, v10;
	v4 =	vmul.f32 v4, v4  }
0xd1: {  	v24 =	vld [tilespmem:s4+$0x9280];
	v10 =	vsub.f32 v17, v23;
	v26 =	vmul.f32 v25, v26;
	v56 =	vmul.f32 $5.000000000e-01, v9  }
0xd2: {  	v17 =	vld [tilespmem:s16+$0x1050];
	v21 =	vunpack.i.u.bf16.f32 v14;
	v14 =	vunpack.i.l.bf16.f32 v14;
	v5 =	vsub.f32 v5, v8  }
0xd3: {  	v8 =	vsub.f32 v19, v20;
	v15 =	vadd.f32 v18, v15;
	v22 =	vmul.f32 v16, v22  }
0xd4: {  	v19 =	vld [tilespmem:s16+$0xFFFFE070];
	v57 =	vadd.f32 v4, v7;
	v4 =	vmul.f32 v10, v10;
	v18 =	vmul.f32 v12, v14  }
0xd5: {  	v23 =	vld [tilespmem:s16+$0xFFFFF070];
	v54 =	vshra.s32 v9, $0x1;
	v20 =	vmul.f32 v13, v21;
	v12 =	vmul.f32 v12, v21  }
0xd6: {  	v13 =	vmul.f32 v13, v14;
	v7 =	vsub.f32 v8, v27;
	v5 =	vmul.f32 v5, v5  }
0xd7: {  	s4 =	sadd.s32 $0x2, s31;
	v27 =	vmul.f32 $5.000000000e-01, v57;
	v14 =	vunpack.i.u.bf16.f32 v24;
	v8 =	vsub.f32 v15, v17  }
0xd8: {  	v21 =	vunpack.i.l.bf16.f32 v24;
	v24 =	vld [tilespmem:s4+$0x0];
	v10 =	vsub.f32 v18, v20;
	v12 =	vadd.f32 v13, v12  }
0xd9: {  	v15 =	vld [tilespmem:s16+$0x60];
	v5 =	vadd.f32 v5, v4;
	v4 =	vmul.f32 v7, v7;
	v13 =	vmul.f32 v19, v21  }
0xda: {  	v17 =	vsub.s32 $0x5F3759DF, v54;
	v18 =	vld [tilespmem:s16+$0x1060];
	v20 =	vmul.f32 v23, v14;
	v14 =	vmul.f32 v19, v14  }
0xdb: {  	v19 =	vsub.f32 $1.500000000e+00, v22;
	v21 =	vmul.f32 v23, v21;
	v22 =	vmul.f32 v25, v26  }
0xdc: {  	v23 =	vmul.f32 v17, v56;
	v8 =	vmul.f32 v8, v8;
	v13 =	vsub.f32 v13, v20  }
0xdd: {  	v26 =	vld [tilespmem:s16+$0x70];
	v16 =	vmul.f32 v16, v19;
	v14 =	vadd.f32 v21, v14;
	(v2sf) =	vpush v24, $0x0  }
0xde: {  	v7 =	vld [tilespmem:s16+$0x1070];
	v19 =	vmul.f32 v17, v23;
	v21 =	vshra.s32 v5, $0x1;
	v23 =	vadd.f32 v8, v4  }
0xdf: {  	v24 =	vshra.s32 v57, $0x1;
	v10 =	vsub.f32 v10, v15;
	v12 =	vsub.f32 v12, v18  }
0xe0: {  	v18 =	vsub.f32 $1.500000000e+00, v22;
	v22 =	vmul.f32 $5.000000000e-01, v5;
	v15 =	vsub.s32 $0x5F3759DF, v24  }
0xe1: {  	v6 =	vmul.f32 v16, v6;
	v16 =	vsub.f32 $1.500000000e+00, v19;
	v20 =	vmul.f32 v15, v27  }
0xe2: {  	v4 =	vmul.f32 v10, v10;
	v8 =	vmul.f32 v12, v12;
	v10 =	vsub.f32 v13, v26  }
0xe3: {  	v12 =	vsub.f32 v14, v7;
	v13 =	vmul.f32 v25, v18;
	v14 =	vsub.s32 $0x5F3759DF, v21  }
0xe4: {  	v21 =	vmul.f32 $5.000000000e-01, v23;
	v6 =	vadd.f32 $0.0e+00, v6;
	v19 =	vmul.f32 v14, v22  }
0xe5: {  	v18 =	vmul.f32 v15, v20;
	v7 =	vadd.f32 v8, v4;
	v4 =	vmul.f32 v10, v10  }
0xe6: {  	v55 =	vld [tilespmem:s4+$0xFFFFFFFF];
	s16 =	simm.s32 $0x3380;
	v20 =	vshra.s32 v23, $0x1;
	v8 =	vmul.f32 v12, v12;
	v11 =	vmul.f32 v13, v11  }
0xe7: {  	v59 =	vld [tilespmem:s16+$0xFFFFF0C0];
	v12 =	vmul.f32 v17, v16;
	v20 =	vsub.s32 $0x5F3759DF, v20;
	v17 =	vmul.f32 v14, v19  }
0xe8: {  	v40 =	vld [tilespmem:s16+$0xFFFFF0A0];
	v16 =	vsub.f32 $1.500000000e+00, v18;
	v18 =	vmul.f32 v20, v21;
	v21 =	vshra.s32 v7, $0x1  }
0xe9: {  	v43 =	vld [tilespmem:s16+$0xFFFFE090];
	v22 =	vmul.f32 $5.000000000e-01, v7;
	v4 =	vadd.f32 v8, v4;
	v6 =	vadd.f32 v11, v6  }
0xea: {  	v46 =	vld [tilespmem:s16+$0xFFFFF090];
	v9 =	vmul.f32 v12, v9;
	v8 =	vsub.s32 $0x5F3759DF, v21;
	v12 =	vmul.f32 v15, v16  }
0xeb: {  	v47 =	vld [tilespmem:s16+$0x10C0];
	v15 =	vsub.f32 $1.500000000e+00, v17;
	v16 =	vmul.f32 v20, v18;
	v18 =	vmul.f32 v8, v22  }
0xec: {  	v24 =	vld [tilespmem:s16+$0xFFFFF0E0];
	v21 =	vshra.s32 v4, $0x1;
	v22 =	vmul.f32 $5.000000000e-01, v4;
	v6 =	vadd.f32 v9, v6;
	s6 =	spop (v2sf)  }
0xed: {  	v25 =	vld [tilespmem:s16+$0xFFFFF080];
	v9 =	vsub.s32 $0x5F3759DF, v21;
	v12 =	vmul.f32 v12, v57;
	v14 =	vmul.f32 v14, v15;
	s7 =	sadd.s32 $0x60, s6;
	s5 =	sadd.s32 $0x70, s6;
	s10 =	sand.u32 $0xFFFFFF00, s6  }
0xee: {  	v10 =	vld [tilespmem:s16+$0xFFFFE0F0];
	v3 =	vsub.f32 $1.500000000e+00, v16;
	v16 =	vmul.f32 v9, v22;
	v18 =	vmul.f32 v8, v18;
	s13 =	sand.u32 $0x7F, s6;
	s9 =	sshra.s32 s10, $0x1;
	s18 =	sand.u32 $0xFFFFFF00, s5  }
0xef: {  	(v2sf) =	vpush v55, $0x0;
	v17 =	vld [tilespmem:s16+$0xFFFFE080];
	v6 =	vadd.f32 v12, v6;
	v5 =	vmul.f32 v14, v5;
	s8 =	sand.u32 $0x7F, s5;
	s9 =	sor.u32 s13, s9;
	s18 =	sshra.s32 s18, $0x1  }
0xf0: {  	v1 =	vmul.f32 v20, v3;
	v16 =	vmul.f32 v9, v16;
	v18 =	vsub.f32 $1.500000000e+00, v18;
	s19 =	sand.u32 $0xFFFFFF00, s7;
	v21 =	vld [tilespmem:s9+$0x9280];
	s8 =	sor.u32 s8, s18  }
0xf1: {  	v5 =	vadd.f32 v5, v6;
	s17 =	sadd.s32 $0x50, s6;
	s7 =	sand.u32 $0x7F, s7;
	s20 =	sshra.s32 s19, $0x1;
	v15 =	vld [tilespmem:s8+$0x9280]  }
0xf2: {  	v13 =	vld [tilespmem:s16+$0xFFFFF0F0];
	v6 =	vmul.f32 v1, v23;
	v16 =	vsub.f32 $1.500000000e+00, v16;
	v8 =	vmul.f32 v8, v18;
	s5 =	sand.u32 $0xFFFFFF00, s17;
	s7 =	sor.u32 s7, s20  }
0xf3: {  	s13 =	sshra.s32 s5, $0x1;
	s18 =	sand.u32 $0x7F, s17;
	v12 =	vld [tilespmem:s7+$0x9280]  }
0xf4: {  	v19 =	vld [tilespmem:s16+$0xFFFFE0E0];
	v8 =	vmul.f32 v8, v7;
	v9 =	vmul.f32 v9, v16;
	v5 =	vadd.f32 v6, v5;
	s19 =	simm.s32 $0x1;
	s9 =	sor.u32 s18, s13  }
0xf5: {  	v3 =	vor.u32 s19, v0;
	v20 =	vld [tilespmem:s9+$0x9280];
	v1 =	vunpack.i.u.bf16.f32 v21;
	v21 =	vunpack.i.l.bf16.f32 v21  }
0xf6: {  	v11 =	vld [tilespmem:s16+$0xFFFFE0D0];
	s5 =	sadd.s32 $0x30, s6;
	s8 =	sadd.s32 $0x40, s6;
	v26 =	vunpack.i.u.bf16.f32 v15;
	v27 =	vmul.f32 v17, v21;
	v58 =	vmul.f32 v25, v1  }
0xf7: {  	v14 =	vld [tilespmem:s16+$0xFFFFF0D0];
	s17 =	sand.u32 $0xFFFFFF00, s5;
	s20 =	sand.u32 $0xFFFFFF00, s8;
	v15 =	vunpack.i.l.bf16.f32 v15;
	v1 =	vmul.f32 v17, v1;
	v17 =	vmul.f32 v25, v21  }
0xf8: {  	v55 =	vld [tilespmem:s16+$0x10F0];
	s18 =	sadd.s32 $0x20, s6;
	s8 =	sand.u32 $0x7F, s8;
	s13 =	sshra.s32 s20, $0x1;
	v60 =	vunpack.i.u.bf16.f32 v12;
	v62 =	vmul.f32 v10, v15;
	v63 =	vmul.f32 v13, v26  }
0xf9: {  	v22 =	vld [tilespmem:s16+$0xFFFFE0C0];
	s7 =	sand.u32 $0x7F, s5;
	s9 =	sshra.s32 s17, $0x1;
	s8 =	sor.u32 s8, s13;
	v12 =	vunpack.i.l.bf16.f32 v12;
	v10 =	vmul.f32 v10, v26;
	v13 =	vmul.f32 v13, v15  }
0xfa: {  	s19 =	sand.u32 $0xFFFFFF00, s18;
	s7 =	sor.u32 s7, s9;
	v23 =	vld [tilespmem:s8+$0x9280];
	v61 =	vunpack.i.u.bf16.f32 v20;
	v49 =	vmul.f32 v19, v12;
	v50 =	vmul.f32 v24, v60  }
0xfb: {  	s20 =	sand.u32 $0x7F, s18;
	s8 =	sshra.s32 s19, $0x1;
	v21 =	vld [tilespmem:s7+$0x9280];
	v20 =	vunpack.i.l.bf16.f32 v20;
	v19 =	vmul.f32 v19, v60;
	v12 =	vmul.f32 v24, v12  }
0xfc: {  	v5 =	vadd.f32 v8, v5;
	s6 =	sadd.s32 $0x10, s6;
	s8 =	sor.u32 s20, s8;
	v25 =	vld [tilespmem:s16+$0xFFFFE0B0];
	v38 =	vmul.f32 v11, v20;
	v39 =	vmul.f32 v14, v61  }
0xfd: {  	s5 =	sand.u32 $0xFFFFFF00, s6;
	v48 =	vld [tilespmem:s8+$0x9280];
	v11 =	vmul.f32 v11, v61;
	v1 =	vadd.f32 v17, v1;
	v56 =	vsub.f32 v62, v63  }
0xfe: {  	s6 =	sand.u32 $0x7F, s6;
	s7 =	sshra.s32 s5, $0x1;
	v15 =	vld [tilespmem:s16+$0xFFFFF0B0];
	v14 =	vmul.f32 v14, v20;
	v10 =	vadd.f32 v13, v10;
	v19 =	vadd.f32 v12, v19  }
0xff: {  	s17 =	spop (v2sf);
	s6 =	sor.u32 s6, s7;
	v24 =	vld [tilespmem:s16+$0xFFFFE0A0];
	v26 =	vunpack.i.u.bf16.f32 v23;
	v23 =	vunpack.i.l.bf16.f32 v23;
	v61 =	vsub.f32 v38, v39  }
0x100: {  	s9 =	sand.u32 $0xFFFFFF00, s17;
	v37 =	vld [tilespmem:s6+$0x9280];
	v14 =	vadd.f32 v14, v11;
	v51 =	vunpack.i.u.bf16.f32 v21;
	v41 =	vmul.f32 v22, v23  }
0x101: {  	v7 =	vld [tilespmem:s16+$0x10B0];
	s10 =	sshra.s32 s9, $0x1;
	s13 =	sand.u32 $0x7F, s17;
	v21 =	vunpack.i.l.bf16.f32 v21;
	v42 =	vmul.f32 v59, v26;
	v22 =	vmul.f32 v22, v26  }
0x102: {  	v16 =	vld [tilespmem:s16+$0xA0];
	s6 =	sor.u32 s13, s10;
	v23 =	vmul.f32 v59, v23;
	v10 =	vsub.f32 v10, v55;
	v52 =	vunpack.i.u.bf16.f32 v48  }
0x103: {  	v20 =	vld [tilespmem:s6+$0x9280];
	v34 =	vunpack.i.l.bf16.f32 v48;
	v44 =	vmul.f32 v25, v21;
	v45 =	vmul.f32 v15, v51  }
0x104: {  	v13 =	vld [tilespmem:s16+$0x80];
	v25 =	vmul.f32 v25, v51;
	v15 =	vmul.f32 v15, v21;
	v21 =	vsub.f32 v27, v58  }
0x105: {  	v62 =	vld [tilespmem:s16+$0x1080];
	v58 =	vsub.f32 v49, v50;
	v53 =	vunpack.i.u.bf16.f32 v37;
	v27 =	vmul.f32 v24, v34  }
0x106: {  	v26 =	vld [tilespmem:s16+$0xF0];
	v37 =	vunpack.i.l.bf16.f32 v37;
	v54 =	vmul.f32 v40, v52;
	v17 =	vmul.f32 v24, v52  }
0x107: {  	v59 =	vld [tilespmem:s16+$0x10E0];
	v57 =	vmul.f32 v40, v34;
	v63 =	vsub.f32 v41, v42;
	v22 =	vadd.f32 v23, v22  }
0x108: {  	v48 =	vld [tilespmem:s16+$0xB0];
	v60 =	vmul.f32 v43, v37;
	v12 =	vmul.f32 v46, v53;
	v45 =	vsub.f32 v44, v45  }
0x109: {  	v49 =	vld [tilespmem:s16+$0x10A0];
	v29 =	vmul.f32 v43, v53;
	v15 =	vadd.f32 v15, v25;
	v13 =	vsub.f32 v21, v13  }
0x10a: {  	v50 =	vld [tilespmem:s16+$0x1090];
	v37 =	vmul.f32 v46, v37;
	v27 =	vsub.f32 v27, v54;
	v17 =	vadd.f32 v57, v17  }
0x10b: {  	v24 =	vld [tilespmem:s16+$0xE0];
	v11 =	vunpack.i.u.bf16.f32 v20;
	v22 =	vsub.f32 v22, v47;
	v18 =	vsub.f32 v60, v12  }
0x10c: {  	v23 =	vld [tilespmem:s16+$0xD0];
	v21 =	vadd.f32 v37, v29;
	v12 =	vunpack.i.l.bf16.f32 v20;
	v20 =	vsub.f32 v1, v62  }
0x10d: {  	s18 =	simm.s32 $0x0;
	v10 =	vmul.f32 v10, v10;
	v46 =	vld [tilespmem:s16+$0xC0];
	v26 =	vsub.f32 v56, v26;
	v19 =	vsub.f32 v19, v59  }
0x10e: {  	v25 =	vld [tilespmem:s16+$0x10D0];
	v1 =	vor.u32 s18, v0;
	v7 =	vsub.f32 v15, v7;
	v51 =	vsub.f32 v45, v48  }
0x10f: {  	v13 =	vmul.f32 v13, v13;
	v16 =	vsub.f32 v27, v16;
	v17 =	vsub.f32 v17, v49  }
0x110: {  	v22 =	vmul.f32 v22, v22;
	v24 =	vsub.f32 v58, v24;
	v20 =	vmul.f32 v20, v20  }
0x111: {  	v23 =	vsub.f32 v61, v23;
	v26 =	vmul.f32 v26, v26;
	v19 =	vmul.f32 v19, v19  }
0x112: {  	v27 =	vld [tilespmem:s16+$0xFFFFE000];
	v7 =	vmul.f32 v7, v7;
	v21 =	vsub.f32 v21, v50;
	v28 =	vsub.f32 v63, v46  }
0x113: {  	v14 =	vsub.f32 v14, v25;
	v25 =	vld [tilespmem:s16+$0x90];
	v16 =	vmul.f32 v16, v16;
	v17 =	vmul.f32 v17, v17  }
0x114: {  	v15 =	vmul.f32 v24, v24;
	v23 =	vmul.f32 v23, v23;
	v13 =	vadd.f32 v20, v13  }
0x115: {  	v20 =	vadd.f32 v10, v26;
	v21 =	vmul.f32 v21, v21;
	v10 =	vmul.f32 v9, v4  }
0x116: {  	v14 =	vmul.f32 v14, v14;
	v24 =	vmul.f32 v28, v28;
	v16 =	vadd.f32 v17, v16  }
0x117: {  	v15 =	vadd.f32 v19, v15;
	v9 =	vmul.f32 v27, v12;
	v17 =	vshra.s32 v13, $0x1  }
0x118: {  	v19 =	vmul.f32 $5.000000000e-01, v13;
	v14 =	vadd.f32 v14, v23;
	v18 =	vsub.f32 v18, v25  }
0x119: {  	v17 =	vsub.s32 $0x5F3759DF, v17;
	v57 =	vmul.f32 $5.000000000e-01, v16;
	v25 =	vmul.f32 v51, v51  }
0x11a: {  	v59 =	vshra.s32 v16, $0x1;
	v23 =	vmul.f32 $5.000000000e-01, v15;
	v18 =	vmul.f32 v18, v18  }
0x11b: {  	v19 =	vmul.f32 v17, v19;
	v35 =	vsub.s32 $0x5F3759DF, v59;
	v26 =	vshra.s32 v14, $0x1  }
0x11c: {  	v52 =	vmul.f32 $5.000000000e-01, v14;
	v33 =	vmul.f32 v35, v57;
	v18 =	vadd.f32 v21, v18  }
0x11d: {  	v4 =	vadd.f32 v7, v25;
	v7 =	vadd.f32 v22, v24;
	v22 =	vshra.s32 v15, $0x1  }
0x11e: {  	v24 =	vmul.f32 $5.000000000e-01, v20;
	v55 =	vshra.s32 v18, $0x1;
	v56 =	vmul.f32 $5.000000000e-01, v18  }
0x11f: {  	v19 =	vmul.f32 v17, v19;
	v26 =	vsub.s32 $0x5F3759DF, v26;
	v31 =	vsub.s32 $0x5F3759DF, v55  }
0x120: {  	v22 =	vsub.s32 $0x5F3759DF, v22;
	v60 =	vmul.f32 v35, v33;
	v32 =	vmul.f32 v31, v56  }
0x121: {  	v28 =	vmul.f32 v26, v52;
	v53 =	vshra.s32 v4, $0x1;
	v58 =	vmul.f32 $5.000000000e-01, v4  }
0x122: {  	v19 =	vsub.f32 $1.500000000e+00, v19;
	v29 =	vsub.s32 $0x5F3759DF, v53;
	v32 =	vmul.f32 v31, v32  }
0x123: {  	v25 =	vshra.s32 v7, $0x1;
	v54 =	vmul.f32 $5.000000000e-01, v7;
	v34 =	vmul.f32 v29, v58  }
0x124: {  	v25 =	vsub.s32 $0x5F3759DF, v25;
	v17 =	vmul.f32 v17, v19;
	v19 =	vsub.f32 $1.500000000e+00, v32  }
0x125: {  	v21 =	vshra.s32 v20, $0x1;
	v30 =	vmul.f32 v25, v54;
	v61 =	vmul.f32 v29, v34  }
0x126: {  	v13 =	vmul.f32 v17, v13;
	v17 =	vmul.f32 v31, v19;
	v19 =	vsub.f32 $1.500000000e+00, v60  }
0x127: {  	s19 =	sadd.s32 $0x10, s17;
	v23 =	vmul.f32 v22, v23;
	v30 =	vmul.f32 v25, v30;
	v62 =	vsub.f32 $1.500000000e+00, v61  }
0x128: {  	s20 =	sand.u32 $0xFFFFFF00, s19;
	v63 =	vld [tilespmem:s16+$0xFFFFF000];
	v13 =	vadd.f32 $0.0e+00, v13;
	v17 =	vmul.f32 v17, v18;
	v18 =	vmul.f32 v35, v19  }
0x129: {  	s7 =	sshra.s32 s20, $0x1;
	s6 =	sand.u32 $0x7F, s19;
	v21 =	vsub.s32 $0x5F3759DF, v21;
	v28 =	vmul.f32 v26, v28;
	v19 =	vsub.f32 $1.500000000e+00, v30  }
0x12a: {  	s6 =	sor.u32 s6, s7;
	v13 =	vadd.f32 v17, v13;
	v16 =	vmul.f32 v18, v16;
	v17 =	vmul.f32 v29, v62  }
0x12b: {  	v23 =	vmul.f32 v22, v23;
	v24 =	vmul.f32 v21, v24;
	v28 =	vsub.f32 $1.500000000e+00, v28;
	v34 =	vld [tilespmem:s6+$0x9280]  }
0x12c: {  	s5 =	sadd.s32 $0x20, s17;
	v35 =	vld [tilespmem:s16+$0xFFFFF010];
	v13 =	vadd.f32 v16, v13;
	v4 =	vmul.f32 v17, v4;
	v16 =	vmul.f32 v25, v19  }
0x12d: {  	s9 =	sand.u32 $0xFFFFFF00, s5;
	v12 =	vmul.f32 v63, v12;
	v23 =	vsub.f32 $1.500000000e+00, v23;
	v24 =	vmul.f32 v21, v24;
	v18 =	vld [tilespmem:s16+$0xFFFFE010]  }
0x12e: {  	s10 =	sand.u32 $0x7F, s5;
	s7 =	sshra.s32 s9, $0x1;
	v25 =	vld [tilespmem:s16+$0x0];
	v4 =	vadd.f32 v4, v13;
	v7 =	vmul.f32 v16, v7;
	v13 =	vmul.f32 v26, v28  }
0x12f: {  	s6 =	sor.u32 s10, s7;
	v24 =	vsub.f32 $1.500000000e+00, v24;
	v17 =	vmul.f32 v63, v11;
	v11 =	vmul.f32 v27, v11;
	v16 =	vld [tilespmem:s16+$0x1000]  }
0x130: {  	s13 =	sadd.s32 $0x30, s17;
	v19 =	vld [tilespmem:s6+$0x9280];
	v4 =	vadd.f32 v7, v4;
	v7 =	vmul.f32 v13, v14;
	v13 =	vmul.f32 v22, v23  }
0x131: {  	s18 =	sand.u32 $0xFFFFFF00, s13;
	v26 =	vld [tilespmem:s16+$0xFFFFE020];
	v9 =	vsub.f32 v9, v17;
	v12 =	vadd.f32 v12, v11;
	v22 =	vunpack.i.u.bf16.f32 v34  }
0x132: {  	s7 =	sshra.s32 s18, $0x1;
	s6 =	sand.u32 $0x7F, s13;
	v14 =	vld [tilespmem:s16+$0xFFFFF020];
	v23 =	vunpack.i.l.bf16.f32 v34;
	v4 =	vadd.f32 v7, v4;
	v7 =	vmul.f32 v13, v15  }
0x133: {  	v36 =	vld [tilespmem:s16+$0x1010];
	s6 =	sor.u32 s6, s7;
	v9 =	vsub.f32 v9, v25;
	v13 =	vmul.f32 v21, v24;
	v21 =	vmul.f32 v18, v23  }
0x134: {  	s19 =	sadd.s32 $0x40, s17;
	v27 =	vld [tilespmem:s6+$0x9280];
	v24 =	vmul.f32 v35, v22;
	v22 =	vmul.f32 v18, v22;
	v12 =	vsub.f32 v12, v16  }
0x135: {  	s5 =	sand.u32 $0xFFFFFF00, s19;
	v15 =	vld [tilespmem:s16+$0x10];
	v9 =	vmul.f32 v9, v9;
	v17 =	vadd.f32 v7, v4;
	v18 =	vmul.f32 v13, v20  }
0x136: {  	s8 =	sshra.s32 s5, $0x1;
	s6 =	sand.u32 $0x7F, s19;
	v4 =	vld [tilespmem:s16+$0xFFFFE030];
	v7 =	vmul.f32 v35, v23;
	v13 =	vunpack.i.l.bf16.f32 v19;
	v19 =	vunpack.i.u.bf16.f32 v19  }
0x137: {  	s20 =	simm.s32 $0x3;
	s6 =	sor.u32 s6, s8;
	v20 =	vld [tilespmem:s16+$0xFFFFF030];
	v16 =	vsub.f32 v21, v24;
	v23 =	vmul.f32 v26, v13;
	v21 =	vmul.f32 v14, v19  }
0x138: {  	v11 =	vor.u32 s20, v0;
	v25 =	vld [tilespmem:s6+$0x9280];
	v19 =	vmul.f32 v26, v19;
	v13 =	vmul.f32 v14, v13  }
0x139: {  	v24 =	vld [tilespmem:s16+$0x20];
	v12 =	vmul.f32 v12, v12;
	v7 =	vadd.f32 v7, v22;
	v18 =	vadd.f32 v18, v17  }
0x13a: {  	s9 =	sadd.s32 $0x50, s17;
	v26 =	vld [tilespmem:s16+$0x1020];
	v14 =	vunpack.i.l.bf16.f32 v27;
	v15 =	vsub.f32 v16, v15;
	v21 =	vsub.f32 v23, v21  }
0x13b: {  	s10 =	sand.u32 $0xFFFFFF00, s9;
	v22 =	vunpack.i.u.bf16.f32 v27;
	v27 =	vld [tilespmem:s16+$0xFFFFE040];
	v13 =	vadd.f32 v13, v19;
	v9 =	vadd.f32 v12, v9  }
0x13c: {  	s7 =	sshra.s32 s10, $0x1;
	s6 =	sand.u32 $0x7F, s9;
	v7 =	vsub.f32 v7, v36;
	v19 =	vmul.f32 v4, v14;
	v37 =	vmul.f32 v20, v22  }
0x13d: {  	s6 =	sor.u32 s6, s7;
	v16 =	vld [tilespmem:s16+$0xFFFFF040];
	v4 =	vmul.f32 v4, v22;
	v22 =	vunpack.i.u.bf16.f32 v25;
	v12 =	vmul.f32 v20, v14  }
0x13e: {  	v23 =	vld [tilespmem:s6+$0x9280];
	v14 =	vunpack.i.l.bf16.f32 v25;
	v15 =	vmul.f32 v15, v15;
	v21 =	vsub.f32 v21, v24  }
0x13f: {  	v38 =	vld [tilespmem:s16+$0x30];
	s13 =	sadd.s32 $0x60, s17;
	v39 =	vshra.s32 v9, $0x1;
	v40 =	vmul.f32 $5.000000000e-01, v9;
	v7 =	vmul.f32 v7, v7  }
0x140: {  	s18 =	sand.u32 $0xFFFFFF00, s13;
	s19 =	sadd.s32 $0x70, s17;
	v20 =	vld [tilespmem:s16+$0x1030];
	v13 =	vsub.f32 v13, v26;
	v28 =	vsub.s32 $0x5F3759DF, v39;
	v25 =	vmul.f32 v27, v14  }
0x141: {  	s20 =	sand.u32 $0xFFFFFF00, s19;
	s7 =	sshra.s32 s18, $0x1;
	s6 =	sand.u32 $0x7F, s13;
	v24 =	vld [tilespmem:s16+$0xFFFFE050];
	v19 =	vsub.f32 v19, v37;
	v21 =	vmul.f32 v21, v21;
	v30 =	vmul.f32 v28, v40  }
0x142: {  	s6 =	sor.u32 s6, s7;
	s7 =	sshra.s32 s20, $0x1;
	s20 =	sadd.s32 $0x2, s4;
	v26 =	vld [tilespmem:s16+$0xFFFFF050];
	v4 =	vadd.f32 v12, v4;
	v12 =	vmul.f32 v16, v22;
	v22 =	vmul.f32 v27, v22  }
0x143: {  	v47 =	vld [tilespmem:s20+$0x0];
	v14 =	vmul.f32 v16, v14;
	v16 =	vunpack.i.u.bf16.f32 v23;
	v23 =	vunpack.i.l.bf16.f32 v23  }
0x144: {  	v49 =	vld [tilespmem:s20+$0xFFFFFFFF];
	v15 =	vadd.f32 v7, v15;
	v13 =	vmul.f32 v13, v13;
	v19 =	vsub.f32 v19, v38  }
0x145: {  	v27 =	vld [tilespmem:s6+$0x9280];
	v30 =	vmul.f32 v28, v30;
	v4 =	vsub.f32 v4, v20;
	v12 =	vsub.f32 v25, v12  }
0x146: {  	v7 =	vld [tilespmem:s16+$0x40];
	v20 =	vmul.f32 v24, v23;
	v14 =	vadd.f32 v14, v22;
	v43 =	vshra.s32 v15, $0x1  }
0x147: {  	v41 =	vld [tilespmem:s16+$0x1040];
	s6 =	sand.u32 $0x7F, s19;
	v44 =	vmul.f32 $5.000000000e-01, v15;
	v21 =	vadd.f32 v13, v21;
	v22 =	vmul.f32 v26, v16  }
0x148: {  	s6 =	sor.u32 s6, s7;
	v25 =	vld [tilespmem:s16+$0xFFFFE060];
	(v2sf) =	vpush v47, $0x0;
	v16 =	vmul.f32 v24, v16;
	v23 =	vmul.f32 v26, v23  }
0x149: {  	v42 =	vld [tilespmem:s6+$0x9280];
	v13 =	vmul.f32 v19, v19;
	v45 =	vsub.s32 $0x5F3759DF, v43;
	(v2sf) =	vpush v49, $0x0  }
0x14a: {  	v24 =	vld [tilespmem:s16+$0xFFFFF060];
	v4 =	vmul.f32 v4, v4;
	v33 =	vmul.f32 v45, v44;
	v48 =	vshra.s32 v21, $0x1  }
0x14b: {  	v19 =	vld [tilespmem:s16+$0x50];
	v50 =	vmul.f32 $5.000000000e-01, v21;
	v26 =	vunpack.i.u.bf16.f32 v27;
	v7 =	vsub.f32 v12, v7  }
0x14c: {  	v27 =	vunpack.i.l.bf16.f32 v27;
	v12 =	vsub.f32 v14, v41;
	v14 =	vld [tilespmem:s16+$0x1050];
	v20 =	vsub.f32 v20, v22  }
0x14d: {  	v16 =	vadd.f32 v23, v16;
	v52 =	vmul.f32 v45, v33;
	v22 =	vmul.f32 v25, v27  }
0x14e: {  	v23 =	vld [tilespmem:s16+$0xFFFFE070];
	v51 =	vadd.f32 v4, v13;
	v25 =	vmul.f32 v25, v26;
	v4 =	vmul.f32 v7, v7  }
0x14f: {  	v31 =	vunpack.i.l.bf16.f32 v42;
	v7 =	vmul.f32 v12, v12;
	v46 =	vmul.f32 v24, v26  }
0x150: {  	v26 =	vld [tilespmem:s16+$0xFFFFF070];
	v24 =	vmul.f32 v24, v27;
	v27 =	vunpack.i.u.bf16.f32 v42;
	v12 =	vsub.f32 v20, v19  }
0x151: {  	v55 =	vshra.s32 v51, $0x1;
	v56 =	vmul.f32 $5.000000000e-01, v51;
	v13 =	vsub.f32 v16, v14;
	v14 =	vld [tilespmem:s16+$0x60]  }
0x152: {  	v57 =	vadd.f32 v7, v4;
	v33 =	vsub.s32 $0x5F3759DF, v55;
	v16 =	vsub.f32 v22, v46;
	v22 =	vld [tilespmem:s16+$0x1060]  }
0x153: {  	v19 =	vadd.f32 v24, v25;
	v20 =	vmul.f32 v23, v31;
	v23 =	vmul.f32 v23, v27  }
0x154: {  	v24 =	vsub.s32 $0x5F3759DF, v48;
	v7 =	vmul.f32 v12, v12;
	v12 =	vmul.f32 v13, v13  }
0x155: {  	v54 =	vld [tilespmem:s16+$0x70];
	v53 =	vmul.f32 v24, v50;
	v25 =	vmul.f32 v26, v27;
	v27 =	vsub.f32 $1.500000000e+00, v30  }
0x156: {  	v4 =	vld [tilespmem:s16+$0x1070];
	v26 =	vmul.f32 v26, v31;
	v58 =	vadd.f32 v12, v7;
	v13 =	vsub.f32 v16, v14  }
0x157: {  	v14 =	vsub.f32 v19, v22;
	v16 =	vsub.f32 v20, v25;
	v19 =	vmul.f32 v28, v27  }
0x158: {  	v20 =	vsub.f32 $1.500000000e+00, v52;
	v22 =	vadd.f32 v26, v23;
	v23 =	vmul.f32 v24, v53  }
0x159: {  	v25 =	vmul.f32 v33, v56;
	v26 =	vshra.s32 v57, $0x1;
	v27 =	vmul.f32 $5.000000000e-01, v57  }
0x15a: {  	v26 =	vsub.s32 $0x5F3759DF, v26;
	v7 =	vmul.f32 v13, v13;
	v12 =	vmul.f32 v14, v14  }
0x15b: {  	v13 =	vsub.f32 v16, v54;
	v4 =	vsub.f32 v22, v4;
	v9 =	vmul.f32 v19, v9  }
0x15c: {  	v14 =	vmul.f32 v45, v20;
	v16 =	vsub.f32 $1.500000000e+00, v23;
	v19 =	vmul.f32 v33, v25  }
0x15d: {  	v20 =	vmul.f32 v26, v27;
	v22 =	vshra.s32 v58, $0x1;
	v23 =	vmul.f32 $5.000000000e-01, v58  }
0x15e: {  	s17 =	simm.s32 $0x3480;
	v25 =	vsub.s32 $0x5F3759DF, v22;
	v7 =	vadd.f32 v12, v7;
	v22 =	vmul.f32 v13, v13  }
0x15f: {  	v17 =	vld [tilespmem:s17+$0xFFFFF0D0];
	v4 =	vmul.f32 v4, v4;
	v9 =	vadd.f32 $0.0e+00, v9;
	v14 =	vmul.f32 v14, v15  }
0x160: {  	[tilespmem:v11+s26+$0x0] =	vst.idx.msk $0xffff, v18;
	v18 =	vld [tilespmem:s17+$0xFFFFE0C0];
	v24 =	vmul.f32 v24, v16;
	v19 =	vsub.f32 $1.500000000e+00, v19;
	v20 =	vmul.f32 v26, v20  }
0x161: {  	s18 =	simm.s32 $0x2;
	s16 =	simm.s32 $0x4;
	s6 =	spop (v2sf);
	v13 =	vld [tilespmem:s17+$0xFFFFE0F0];
	v23 =	vmul.f32 v25, v23;
	v27 =	vshra.s32 v7, $0x1;
	v59 =	vmul.f32 $5.000000000e-01, v7  }
0x162: {  	s7 =	sadd.s32 $0x60, s6;
	s5 =	sadd.s32 $0x70, s6;
	s10 =	sand.u32 $0xFFFFFF00, s6;
	v16 =	vld [tilespmem:s17+$0xFFFFF0F0];
	v4 =	vadd.f32 v4, v22;
	v9 =	vadd.f32 v14, v9;
	v21 =	vmul.f32 v24, v21  }
0x163: {  	s4 =	spop (v2sf);
	s13 =	sand.u32 $0x7F, s6;
	s19 =	sadd.s32 $0x50, s6;
	v12 =	vld [tilespmem:s17+$0xFFFFE0E0];
	v22 =	vmul.f32 v33, v19;
	v24 =	vsub.f32 $1.500000000e+00, v20;
	v27 =	vsub.s32 $0x5F3759DF, v27  }
0x164: {  	s9 =	sshra.s32 s10, $0x1;
	s29 =	sand.u32 $0xFFFFFF00, s5;
	s8 =	sand.u32 $0x7F, s5;
	v23 =	vmul.f32 v25, v23;
	v19 =	vld [tilespmem:s17+$0xFFFFE080];
	v29 =	vmul.f32 v27, v59;
	v60 =	vshra.s32 v4, $0x1  }
0x165: {  	s5 =	sand.u32 $0xFFFFFF00, s7;
	s9 =	sor.u32 s13, s9;
	s29 =	sshra.s32 s29, $0x1;
	v20 =	vld [tilespmem:s17+$0xFFFFF080];
	v61 =	vmul.f32 $5.000000000e-01, v4;
	v21 =	vadd.f32 v21, v9;
	v62 =	vmul.f32 v22, v51  }
0x166: {  	s10 =	sshra.s32 s5, $0x1;
	s13 =	sand.u32 $0x7F, s7;
	s8 =	sor.u32 s8, s29;
	v22 =	vld [tilespmem:s9+$0x9280];
	v26 =	vmul.f32 v26, v24;
	v23 =	vsub.f32 $1.500000000e+00, v23;
	v9 =	vsub.s32 $0x5F3759DF, v60  }
0x167: {  	[tilespmem:v3+s26+$0x0] =	vst.idx.msk $0xffff, v2;
	s7 =	sand.u32 $0xFFFFFF00, s4;
	s29 =	sand.u32 $0xFFFFFF00, s19;
	s9 =	sor.u32 s13, s10;
	v24 =	vld [tilespmem:s8+$0x9280];
	v29 =	vmul.f32 v27, v29;
	v31 =	vmul.f32 v9, v61  }
0x168: {  	s5 =	sadd.s32 $0x40, s6;
	s19 =	sand.u32 $0x7F, s19;
	s13 =	sshra.s32 s29, $0x1;
	v63 =	vadd.f32 v62, v21;
	v21 =	vld [tilespmem:s9+$0x9280];
	v2 =	vmul.f32 v26, v57;
	v3 =	vmul.f32 v25, v23  }
0x169: {  	v15 =	vld [tilespmem:s17+$0xFFFFF0E0];
	s29 =	sand.u32 $0xFFFFFF00, s5;
	s8 =	sadd.s32 $0x20, s6;
	s19 =	sor.u32 s19, s13;
	v6 =	vsub.f32 $1.500000000e+00, v29;
	v26 =	vmul.f32 v9, v31  }
0x16a: {  	v5 =	vadd.f32 v10, v5;
	s10 =	sand.u32 $0x7F, s5;
	s29 =	sshra.s32 s29, $0x1;
	s9 =	sadd.s32 $0x30, s6;
	v23 =	vld [tilespmem:s19+$0x9280];
	v2 =	vadd.f32 v2, v63;
	v3 =	vmul.f32 v3, v58  }
0x16b: {  	v14 =	vld [tilespmem:s17+$0xFFFFE0D0];
	s10 =	sor.u32 s10, s29;
	s29 =	simm.s32 $0x6;
	s19 =	sand.u32 $0xFFFFFF00, s9;
	v25 =	vunpack.i.u.bf16.f32 v22;
	v8 =	vmul.f32 v27, v6;
	v11 =	vsub.f32 $1.500000000e+00, v26  }
.LBB2_3:
0x16c: {  	p1 =	slt.u32 s29, $0x1E;
	v6 =	vunpack.i.l.bf16.f32 v22;
	s19 =	sshra.s32 s19, $0x1;
	s9 =	sand.u32 $0x7F, s9;
	v10 =	vld [tilespmem:s10+$0x9280];
	v22 =	vunpack.i.u.bf16.f32 v24;
	v24 =	vunpack.i.l.bf16.f32 v24  }
0x16d: {  	s7 =	sshra.s32 s7, $0x1;
	v27 =	vmul.f32 v20, v25;
	s10 =	sand.u32 $0xFFFFFF00, s8;
	v26 =	vmul.f32 v19, v6;
	s9 =	sor.u32 s9, s19;
	v28 =	vld [tilespmem:s17+$0xFFFFF0C0];
	v29 =	vunpack.i.u.bf16.f32 v21;
	[tilespmem:v1+s26+$0x0] =	vst.idx.msk $0xffff, v5  }
0x16e: {  	s6 =	sadd.s32 $0x10, s6;
	s8 =	sand.u32 $0x7F, s8;
	v1 =	vmul.f32 v19, v25;
	v5 =	vmul.f32 v20, v6;
	s10 =	sshra.s32 s10, $0x1;
	v19 =	vunpack.i.l.bf16.f32 v21;
	v6 =	vld [tilespmem:s9+$0x9280]  }
0x16f: {  	s19 =	sand.u32 $0xFFFFFF00, s6;
	v25 =	vmul.f32 v13, v24;
	v30 =	vmul.f32 v16, v22;
	s9 =	sand.u32 $0x7F, s4;
	s8 =	sor.u32 s8, s10;
	v20 =	vld [tilespmem:s17+$0xFFFFE0B0];
	v21 =	vunpack.i.u.bf16.f32 v23  }
0x170: {  	s6 =	sand.u32 $0x7F, s6;
	v13 =	vmul.f32 v13, v22;
	v16 =	vmul.f32 v16, v24;
	s10 =	sadd.s32 $0x10, s4;
	s19 =	sshra.s32 s19, $0x1;
	v23 =	vunpack.i.l.bf16.f32 v23;
	v31 =	vld [tilespmem:s8+$0x9280]  }
0x171: {  	v32 =	vmul.f32 v12, v19;
	v33 =	vmul.f32 v15, v29;
	s7 =	sor.u32 s9, s7;
	s6 =	sor.u32 s6, s19;
	s8 =	sand.u32 $0xFFFFFF00, s10;
	v22 =	vld [tilespmem:s17+$0xFFFFF0B0];
	v24 =	vunpack.i.u.bf16.f32 v10  }
0x172: {  	v12 =	vmul.f32 v12, v29;
	v15 =	vmul.f32 v15, v19;
	s9 =	sand.u32 $0x7F, s10;
	s19 =	sadd.s32 $0x20, s4;
	s8 =	sshra.s32 s8, $0x1;
	v10 =	vunpack.i.l.bf16.f32 v10;
	v34 =	vld [tilespmem:s6+$0x9280]  }
0x173: {  	v35 =	vmul.f32 v14, v23;
	v36 =	vmul.f32 v17, v21;
	s10 =	sor.u32 s9, s8;
	s6 =	sand.u32 $0xFFFFFF00, s19;
	s8 =	sand.u32 $0x7F, s19;
	v19 =	vld [tilespmem:s17+$0xFFFFE0A0];
	v29 =	vunpack.i.u.bf16.f32 v6  }
0x174: {  	s13 =	sadd.s32 $0x40, s4;
	v14 =	vmul.f32 v14, v21;
	v17 =	vmul.f32 v17, v23;
	s9 =	sadd.s32 $0x30, s4;
	s6 =	sshra.s32 s6, $0x1;
	v6 =	vunpack.i.l.bf16.f32 v6;
	v37 =	vld [tilespmem:s17+$0xFFFFF0A0]  }
0x175: {  	v38 =	vmul.f32 v18, v10;
	v39 =	vmul.f32 v28, v24;
	s19 =	sor.u32 s8, s6;
	s6 =	sand.u32 $0xFFFFFF00, s9;
	v21 =	vld [tilespmem:s7+$0x9280];
	s7 =	sand.u32 $0x7F, s9;
	v23 =	vunpack.i.u.bf16.f32 v31  }
0x176: {  	v18 =	vmul.f32 v18, v24;
	v10 =	vmul.f32 v28, v10;
	s8 =	sand.u32 $0xFFFFFF00, s13;
	s13 =	sand.u32 $0x7F, s13;
	s6 =	sshra.s32 s6, $0x1;
	v31 =	vunpack.i.l.bf16.f32 v31;
	v24 =	vld [tilespmem:s17+$0xF0]  }
0x177: {  	v41 =	vmul.f32 v20, v6;
	s9 =	sor.u32 s7, s6;
	s6 =	sshra.s32 s8, $0x1;
	s7 =	sadd.s32 $0x50, s4;
	v42 =	vmul.f32 v22, v29;
	v28 =	vunpack.i.u.bf16.f32 v34;
	v40 =	vld [tilespmem:s17+$0xFFFFE090]  }
0x178: {  	v20 =	vmul.f32 v20, v29;
	v6 =	vmul.f32 v22, v6;
	s8 =	sor.u32 s13, s6;
	s6 =	sand.u32 $0xFFFFFF00, s7;
	s7 =	sand.u32 $0x7F, s7;
	v34 =	vunpack.i.l.bf16.f32 v34;
	v43 =	vld [tilespmem:s17+$0xFFFFF090]  }
0x179: {  	v22 =	vsub.f32 v26, v27;
	s13 =	sadd.s32 $0x60, s4;
	s4 =	sadd.s32 $0x70, s4;
	s6 =	sshra.s32 s6, $0x1;
	v26 =	vmul.f32 v19, v31;
	v27 =	vmul.f32 v37, v23;
	v29 =	vld [tilespmem:s17+$0x10F0]  }
0x17a: {  	v1 =	vadd.f32 v5, v1;
	v5 =	vmul.f32 v19, v23;
	s7 =	sor.u32 s7, s6;
	s6 =	sand.u32 $0xFFFFFF00, s13;
	s13 =	sand.u32 $0x7F, s13;
	v23 =	vsub.f32 v25, v30;
	v19 =	vld [tilespmem:s17+$0xE0]  }
0x17b: {  	v13 =	vadd.f32 v16, v13;
	s5 =	sand.u32 $0xFFFFFF00, s4;
	s4 =	sand.u32 $0x7F, s4;
	v25 =	vmul.f32 v37, v31;
	v30 =	vsub.f32 v32, v33;
	s6 =	sshra.s32 s6, $0x1;
	v31 =	vld [tilespmem:s17+$0x10E0]  }
0x17c: {  	v15 =	vadd.f32 v15, v12;
	s5 =	sshra.s32 s5, $0x1;
	v33 =	vsub.f32 v35, v36;
	s6 =	sor.u32 s13, s6;
	v16 =	vld [tilespmem:s17+$0x80];
	v32 =	vmul.f32 v40, v34  }
0x17d: {  	v14 =	vadd.f32 v17, v14;
	v37 =	vsub.f32 v38, v39;
	s4 =	sor.u32 s4, s5;
	v35 =	vld [tilespmem:s17+$0x1080];
	v36 =	vmul.f32 v43, v28  }
0x17e: {  	v18 =	vadd.f32 v10, v18;
	v17 =	vmul.f32 v40, v28;
	v28 =	vsub.f32 v41, v42;
	v38 =	vld [tilespmem:s17+$0xD0]  }
0x17f: {  	v20 =	vadd.f32 v6, v20;
	v27 =	vsub.f32 v26, v27;
	v34 =	vmul.f32 v43, v34;
	v6 =	vld [tilespmem:s17+$0x10D0]  }
0x180: {  	v12 =	vunpack.i.u.bf16.f32 v21;
	v25 =	vadd.f32 v25, v5;
	v32 =	vsub.f32 v32, v36;
	v26 =	vld [tilespmem:s17+$0xC0]  }
0x181: {  	v10 =	vunpack.i.l.bf16.f32 v21;
	v17 =	vadd.f32 v34, v17;
	v16 =	vsub.f32 v22, v16;
	v21 =	vld [tilespmem:s17+$0x10C0]  }
0x182: {  	v23 =	vsub.f32 v23, v24;
	v5 =	vmul.f32 v8, v7;
	v22 =	vsub.f32 v1, v35;
	v34 =	vld [tilespmem:s17+$0xB0]  }
0x183: {  	v9 =	vmul.f32 v9, v11;
	v13 =	vsub.f32 v13, v29;
	v8 =	vsub.f32 v30, v19;
	v7 =	vld [tilespmem:s17+$0x10B0]  }
0x184: {  	v15 =	vsub.f32 v15, v31;
	v1 =	vor.u32 s18, v0;
	s18 =	smov.u32 s16;
	s16 =	smov.u32 s29;
	v19 =	vsub.f32 v33, v38;
	v11 =	vld [tilespmem:s17+$0xA0]  }
0x185: {  	v14 =	vsub.f32 v14, v6;
	v6 =	vmul.f32 v9, v4;
	v24 =	vld [tilespmem:s17+$0x10A0];
	v29 =	vsub.f32 v37, v26  }
0x186: {  	v9 =	vmul.f32 v16, v16;
	v30 =	vmul.f32 v22, v22;
	v31 =	vld [tilespmem:s17+$0x90];
	v4 =	vsub.f32 v18, v21  }
0x187: {  	v23 =	vmul.f32 v23, v23;
	v13 =	vmul.f32 v13, v13;
	v18 =	vld [tilespmem:s17+$0x1090];
	v21 =	vsub.f32 v28, v34  }
0x188: {  	v15 =	vmul.f32 v15, v15;
	v26 =	vld [tilespmem:s17+$0xFFFFE000];
	v7 =	vsub.f32 v20, v7;
	v20 =	vmul.f32 v8, v8  }
0x189: {  	v19 =	vmul.f32 v19, v19;
	v14 =	vmul.f32 v14, v14;
	v22 =	vld [tilespmem:s17+$0xFFFFF000];
	v8 =	vsub.f32 v27, v11  }
0x18a: {  	v16 =	vld [tilespmem:s10+$0x9280];
	v11 =	vsub.f32 v25, v24;
	v24 =	vmul.f32 v29, v29;
	v25 =	vmul.f32 v4, v4  }
0x18b: {  	v21 =	vmul.f32 v21, v21;
	v28 =	vmul.f32 v7, v7;
	v4 =	vld [tilespmem:s17+$0xFFFFE010];
	v27 =	vsub.f32 v32, v31  }
0x18c: {  	v29 =	vmul.f32 v8, v8;
	v7 =	vld [tilespmem:s17+$0xFFFFF010];
	v17 =	vsub.f32 v17, v18;
	v31 =	vmul.f32 v11, v11  }
0x18d: {  	v30 =	vadd.f32 v30, v9;
	v18 =	vadd.f32 v13, v23;
	v8 =	vld [tilespmem:s19+$0x9280];
	v9 =	vmul.f32 v27, v27  }
0x18e: {  	v39 =	vadd.f32 v14, v19;
	v36 =	vadd.f32 v15, v20;
	v11 =	vld [tilespmem:s17+$0x0];
	v17 =	vmul.f32 v17, v17  }
0x18f: {  	v38 =	vadd.f32 v28, v21;
	v41 =	vadd.f32 v25, v24;
	v40 =	vmul.f32 v26, v10;
	v14 =	vld [tilespmem:s17+$0x1000]  }
0x190: {  	v42 =	vmul.f32 v22, v12;
	v37 =	vadd.f32 v31, v29;
	v13 =	vld [tilespmem:s17+$0xFFFFE020];
	v34 =	vadd.f32 v17, v9  }
0x191: {  	v19 =	vshra.s32 v30, $0x1;
	v20 =	vmul.f32 $5.000000000e-01, v30;
	v25 =	vshra.s32 v18, $0x1;
	v9 =	vld [tilespmem:s17+$0xFFFFF020]  }
0x192: {  	v28 =	vshra.s32 v36, $0x1;
	v35 =	vmul.f32 $5.000000000e-01, v36;
	v43 =	vmul.f32 $5.000000000e-01, v18;
	v15 =	vld [tilespmem:s9+$0x9280]  }
0x193: {  	v44 =	vmul.f32 $5.000000000e-01, v39;
	v29 =	vshra.s32 v41, $0x1;
	v31 =	vshra.s32 v39, $0x1;
	v17 =	vld [tilespmem:s17+$0x10]  }
0x194: {  	v32 =	vsub.s32 $0x5F3759DF, v19;
	v27 =	vshra.s32 v38, $0x1;
	v45 =	vmul.f32 $5.000000000e-01, v41;
	v21 =	vld [tilespmem:s17+$0x1010]  }
0x195: {  	v24 =	vmul.f32 v32, v20;
	v23 =	vshra.s32 v34, $0x1;
	v33 =	vmul.f32 $5.000000000e-01, v34;
	v19 =	vld [tilespmem:s17+$0xFFFFE030]  }
0x196: {  	v48 =	vmul.f32 $5.000000000e-01, v38;
	v47 =	vmul.f32 $5.000000000e-01, v37;
	v46 =	vsub.s32 $0x5F3759DF, v23;
	v20 =	vld [tilespmem:s17+$0xFFFFF030]  }
0x197: {  	v49 =	vmul.f32 v32, v24;
	v50 =	vshra.s32 v37, $0x1;
	v33 =	vmul.f32 v46, v33;
	v23 =	vld [tilespmem:s8+$0x9280]  }
0x198: {  	v51 =	vsub.s32 $0x5F3759DF, v27;
	v52 =	vsub.s32 $0x5F3759DF, v25;
	v50 =	vsub.s32 $0x5F3759DF, v50;
	v24 =	vld [tilespmem:s17+$0x20]  }
0x199: {  	v49 =	vsub.f32 $1.500000000e+00, v49;
	v47 =	vmul.f32 v50, v47;
	v33 =	vmul.f32 v46, v33;
	v27 =	vld [tilespmem:s17+$0x1020]  }
0x19a: {  	v54 =	vsub.s32 $0x5F3759DF, v28;
	v53 =	vsub.s32 $0x5F3759DF, v29;
	v48 =	vmul.f32 v51, v48;
	v25 =	vld [tilespmem:s17+$0xFFFFE040]  }
0x19b: {  	v32 =	vmul.f32 v32, v49;
	v47 =	vmul.f32 v50, v47;
	v49 =	vsub.f32 $1.500000000e+00, v33;
	v29 =	vld [tilespmem:s17+$0xFFFFF040]  }
0x19c: {  	v55 =	vsub.s32 $0x5F3759DF, v31;
	v45 =	vmul.f32 v53, v45;
	v48 =	vmul.f32 v51, v48;
	v33 =	vld [tilespmem:s7+$0x9280]  }
0x19d: {  	v30 =	vmul.f32 v32, v30;
	v47 =	vsub.f32 $1.500000000e+00, v47;
	v46 =	vmul.f32 v46, v49;
	v28 =	vld [tilespmem:s17+$0x30]  }
0x19e: {  	v44 =	vmul.f32 v55, v44;
	v45 =	vmul.f32 v53, v45;
	v48 =	vsub.f32 $1.500000000e+00, v48;
	v32 =	vld [tilespmem:s17+$0x1030]  }
0x19f: {  	v30 =	vadd.f32 $0.0e+00, v30;
	v47 =	vmul.f32 v50, v47;
	v46 =	vmul.f32 v46, v34;
	v31 =	vld [tilespmem:s17+$0xFFFFE050]  }
0x1a0: {  	v44 =	vmul.f32 v55, v44;
	v45 =	vsub.f32 $1.500000000e+00, v45;
	v49 =	vmul.f32 v54, v35;
	v34 =	vld [tilespmem:s17+$0xFFFFF050]  }
0x1a1: {  	v48 =	vmul.f32 v51, v48;
	v47 =	vmul.f32 v47, v37;
	v46 =	vadd.f32 v46, v30;
	v35 =	vld [tilespmem:s6+$0x9280]  }
0x1a2: {  	v43 =	vmul.f32 v52, v43;
	v44 =	vsub.f32 $1.500000000e+00, v44;
	v49 =	vmul.f32 v54, v49;
	v30 =	vld [tilespmem:s17+$0x40]  }
0x1a3: {  	v45 =	vmul.f32 v53, v45;
	v46 =	vadd.f32 v47, v46;
	v47 =	vmul.f32 v48, v38;
	v37 =	vld [tilespmem:s17+$0x1040]  }
0x1a4: {  	v49 =	vsub.f32 $1.500000000e+00, v49;
	v48 =	vmul.f32 v26, v12;
	v12 =	vmul.f32 v52, v43;
	v26 =	vld [tilespmem:s17+$0xFFFFE060]  }
0x1a5: {  	v44 =	vmul.f32 v55, v44;
	v41 =	vmul.f32 v45, v41;
	v43 =	vadd.f32 v47, v46;
	v38 =	vld [tilespmem:s17+$0xFFFFF060]  }
0x1a6: {  	v10 =	vmul.f32 v22, v10;
	v45 =	vunpack.i.u.bf16.f32 v16;
	v22 =	vsub.f32 $1.500000000e+00, v12;
	v46 =	vld [tilespmem:s4+$0x9280]  }
0x1a7: {  	v41 =	vadd.f32 v41, v43;
	v43 =	vmul.f32 v44, v39;
	v44 =	vmul.f32 v54, v49;
	v12 =	vld [tilespmem:s17+$0x50]  }
0x1a8: {  	v40 =	vsub.f32 v40, v42;
	v42 =	vadd.f32 v10, v48;
	v47 =	vunpack.i.l.bf16.f32 v16;
	v39 =	vld [tilespmem:s17+$0x1050]  }
0x1a9: {  	v41 =	vadd.f32 v43, v41;
	v36 =	vmul.f32 v44, v36;
	v43 =	vmul.f32 v52, v22;
	s4 =	sadd.s32 $0x1, s18;
	v16 =	vld [tilespmem:s17+$0xFFFFE070]  }
0x1aa: {  	v48 =	vmul.f32 v7, v45;
	v44 =	vmul.f32 v4, v47;
	v49 =	vor.u32 s4, v0;
	v22 =	vld [tilespmem:s17+$0xFFFFF070]  }
0x1ab: {  	v45 =	vmul.f32 v4, v45;
	v36 =	vadd.f32 v36, v41;
	v18 =	vmul.f32 v43, v18;
	v10 =	vld [tilespmem:s17+$0x60]  }
0x1ac: {  	v41 =	vmul.f32 v7, v47;
	v43 =	vunpack.i.u.bf16.f32 v8;
	v47 =	vunpack.i.l.bf16.f32 v8;
	v8 =	vld [tilespmem:s17+$0x1060]  }
0x1ad: {  	v11 =	vsub.f32 v40, v11;
	v40 =	vmul.f32 v13, v47;
	v18 =	vadd.f32 v18, v36;
	v4 =	vld [tilespmem:s17+$0x70]  }
0x1ae: {  	v14 =	vsub.f32 v42, v14;
	v42 =	vmul.f32 v9, v43;
	v36 =	vsub.f32 v44, v48;
	v7 =	vld [tilespmem:s17+$0x1070]  }
0x1af: {  	v13 =	vmul.f32 v13, v43;
	v43 =	vunpack.i.u.bf16.f32 v15;
	v41 =	vadd.f32 v41, v45;
	[tilespmem:v49+s26+$0x0] =	vst.idx.msk $0xffff, v18  }
0x1b0: {  	v11 =	vmul.f32 v11, v11;
	v9 =	vmul.f32 v9, v47;
	v15 =	vunpack.i.l.bf16.f32 v15  }
0x1b1: {  	v14 =	vmul.f32 v14, v14;
	v17 =	vsub.f32 v36, v17;
	v18 =	vsub.f32 v41, v21  }
0x1b2: {  	v9 =	vadd.f32 v9, v13;
	v13 =	vmul.f32 v19, v15;
	v21 =	vsub.f32 v40, v42  }
0x1b3: {  	v19 =	vmul.f32 v19, v43;
	v36 =	vmul.f32 v20, v43;
	v40 =	vunpack.i.u.bf16.f32 v23  }
0x1b4: {  	v11 =	vadd.f32 v14, v11;
	v14 =	vmul.f32 v20, v15;
	v15 =	vunpack.i.l.bf16.f32 v23  }
0x1b5: {  	v17 =	vmul.f32 v17, v17;
	v18 =	vmul.f32 v18, v18;
	v20 =	vsub.f32 v21, v24  }
0x1b6: {  	v9 =	vsub.f32 v9, v27;
	v13 =	vsub.f32 v13, v36;
	v21 =	vmul.f32 v25, v15  }
0x1b7: {  	v14 =	vadd.f32 v14, v19;
	v19 =	vmul.f32 v29, v40;
	v23 =	vmul.f32 v25, v40  }
0x1b8: {  	v15 =	vmul.f32 v29, v15;
	v24 =	vunpack.i.u.bf16.f32 v33;
	v25 =	vunpack.i.l.bf16.f32 v33  }
0x1b9: {  	v27 =	vshra.s32 v11, $0x1;
	v29 =	vmul.f32 $5.000000000e-01, v11;
	v17 =	vadd.f32 v18, v17  }
0x1ba: {  	v9 =	vmul.f32 v9, v9;
	v13 =	vsub.f32 v13, v28;
	v18 =	vmul.f32 v20, v20  }
0x1bb: {  	v14 =	vsub.f32 v14, v32;
	v19 =	vsub.f32 v21, v19;
	v20 =	vmul.f32 v31, v25  }
0x1bc: {  	v15 =	vadd.f32 v15, v23;
	v21 =	vmul.f32 v34, v24;
	v23 =	vmul.f32 v31, v24  }
0x1bd: {  	v24 =	vsub.s32 $0x5F3759DF, v27;
	v25 =	vmul.f32 v34, v25;
	v27 =	vunpack.i.u.bf16.f32 v35  }
0x1be: {  	v31 =	vunpack.i.l.bf16.f32 v35;
	v28 =	vmul.f32 v24, v29;
	v29 =	vshra.s32 v17, $0x1  }
0x1bf: {  	v13 =	vmul.f32 v13, v13;
	v32 =	vmul.f32 $5.000000000e-01, v17;
	v9 =	vadd.f32 v9, v18  }
0x1c0: {  	v14 =	vmul.f32 v14, v14;
	v18 =	vsub.f32 v19, v30;
	v15 =	vsub.f32 v15, v37  }
0x1c1: {  	v19 =	vsub.f32 v20, v21;
	v20 =	vadd.f32 v25, v23;
	v21 =	vmul.f32 v26, v31  }
0x1c2: {  	v25 =	vmul.f32 v38, v27;
	v26 =	vmul.f32 v26, v27;
	v23 =	vsub.s32 $0x5F3759DF, v29  }
0x1c3: {  	s20 =	sadd.s32 $0x2, s20;
	v27 =	vmul.f32 v38, v31;
	v30 =	vunpack.i.l.bf16.f32 v46;
	v29 =	vunpack.i.u.bf16.f32 v46  }
0x1c4: {  	v28 =	vmul.f32 v24, v28;
	v32 =	vmul.f32 v23, v32;
	v33 =	vshra.s32 v9, $0x1;
	v31 =	vld [tilespmem:s20+$0x0]  }
0x1c5: {  	v36 =	vadd.f32 v14, v13;
	v35 =	vmul.f32 $5.000000000e-01, v9;
	v13 =	vmul.f32 v18, v18;
	v34 =	vld [tilespmem:s20+$0xFFFFFFFF]  }
0x1c6: {  	v14 =	vmul.f32 v15, v15;
	v12 =	vsub.f32 v19, v12;
	v15 =	vsub.f32 v20, v39  }
0x1c7: {  	v18 =	vsub.f32 v21, v25;
	v19 =	vadd.f32 v27, v26;
	v20 =	vmul.f32 v16, v30  }
0x1c8: {  	v25 =	vmul.f32 v22, v29;
	v16 =	vmul.f32 v16, v29;
	v21 =	vsub.s32 $0x5F3759DF, v33  }
0x1c9: {  	v22 =	vmul.f32 v22, v30;
	v26 =	vsub.f32 $1.500000000e+00, v28;
	(v2sf) =	vpush v31, $0x0  }
0x1ca: {  	v27 =	vmul.f32 v23, v32;
	v28 =	vmul.f32 v21, v35;
	(v2sf) =	vpush v34, $0x0  }
0x1cb: {  	v29 =	vshra.s32 v36, $0x1;
	v30 =	vmul.f32 $5.000000000e-01, v36;
	v31 =	vadd.f32 v14, v13  }
0x1cc: {  	v12 =	vmul.f32 v12, v12;
	v10 =	vsub.f32 v18, v10;
	v13 =	vmul.f32 v15, v15  }
0x1cd: {  	v18 =	vsub.s32 $0x5F3759DF, v29;
	v8 =	vsub.f32 v19, v8;
	v14 =	vsub.f32 v20, v25  }
0x1ce: {  	v16 =	vadd.f32 v22, v16;
	v19 =	vsub.f32 $1.500000000e+00, v27;
	v15 =	vmul.f32 v24, v26  }
0x1cf: {  	v22 =	vmul.f32 v18, v30;
	v20 =	vmul.f32 v21, v28;
	v24 =	vshra.s32 v31, $0x1  }
0x1d0: {  	v10 =	vmul.f32 v10, v10;
	v25 =	vmul.f32 $5.000000000e-01, v31;
	v26 =	vadd.f32 v13, v12  }
0x1d1: {  	v8 =	vmul.f32 v8, v8;
	v4 =	vsub.f32 v14, v4;
	v12 =	vsub.f32 v16, v7  }
0x1d2: {  	v11 =	vmul.f32 v15, v11;
	v14 =	vmul.f32 v23, v19;
	v23 =	vsub.s32 $0x5F3759DF, v24  }
0x1d3: {  	v15 =	vsub.f32 $1.500000000e+00, v20;
	v19 =	vmul.f32 v18, v22;
	v20 =	vmul.f32 v23, v25  }
0x1d4: {  	v7 =	vadd.f32 v8, v10;
	v13 =	vshra.s32 v26, $0x1;
	v22 =	vmul.f32 $5.000000000e-01, v26  }
0x1d5: {  	s17 =	sadd.s32 $0x100, s17;
	v4 =	vmul.f32 v4, v4;
	v10 =	vmul.f32 v12, v12;
	v8 =	vsub.s32 $0x5F3759DF, v13  }
0x1d6: {  	v11 =	vadd.f32 $0.0e+00, v11;
	v14 =	vmul.f32 v14, v17;
	v17 =	vmul.f32 v21, v15;
	v13 =	vld [tilespmem:s17+$0xFFFFE0F0]  }
0x1d7: {  	v19 =	vsub.f32 $1.500000000e+00, v19;
	v20 =	vmul.f32 v23, v20;
	v21 =	vmul.f32 v8, v22;
	v16 =	vld [tilespmem:s17+$0xFFFFF0F0]  }
0x1d8: {  	s6 =	spop (v2sf)  }
0x1d9: {  	v24 =	vmul.f32 $5.000000000e-01, v7;
	v22 =	vshra.s32 v7, $0x1;
	v4 =	vadd.f32 v10, v4;
	v12 =	vld [tilespmem:s17+$0xFFFFE0E0];
	s5 =	sadd.s32 $0x60, s6  }
0x1da: {  	v10 =	vadd.f32 v14, v11;
	v9 =	vmul.f32 v17, v9;
	v11 =	vsub.s32 $0x5F3759DF, v22;
	v15 =	vld [tilespmem:s17+$0xFFFFF0E0];
	s7 =	sadd.s32 $0x70, s6;
	s4 =	spop (v2sf);
	s8 =	sand.u32 $0xFFFFFF00, s6  }
0x1db: {  	v17 =	vmul.f32 v18, v19;
	v18 =	vsub.f32 $1.500000000e+00, v20;
	v21 =	vmul.f32 v8, v21;
	s9 =	sand.u32 $0x7F, s6;
	s10 =	sadd.s32 $0x50, s6;
	v14 =	vld [tilespmem:s17+$0xFFFFE0D0];
	s8 =	sshra.s32 s8, $0x1  }
0x1dc: {  	v24 =	vmul.f32 v11, v24;
	v22 =	vshra.s32 v4, $0x1;
	v25 =	vmul.f32 $5.000000000e-01, v4;
	s13 =	sand.u32 $0xFFFFFF00, s7;
	s7 =	sand.u32 $0x7F, s7;
	v19 =	vld [tilespmem:s17+$0xFFFFE080];
	s8 =	sor.u32 s9, s8  }
0x1dd: {  	v10 =	vadd.f32 v9, v10;
	v17 =	vmul.f32 v17, v36;
	v9 =	vsub.s32 $0x5F3759DF, v22;
	s9 =	sand.u32 $0xFFFFFF00, s5;
	s13 =	sshra.s32 s13, $0x1;
	s5 =	sand.u32 $0x7F, s5;
	v20 =	vld [tilespmem:s17+$0xFFFFF080]  }
0x1de: {  	v18 =	vmul.f32 v23, v18;
	v23 =	vsub.f32 $1.500000000e+00, v21;
	v27 =	vmul.f32 v11, v24;
	v22 =	vld [tilespmem:s8+$0x9280];
	s8 =	sshra.s32 s9, $0x1;
	s9 =	sor.u32 s7, s13;
	s7 =	sand.u32 $0xFFFFFF00, s4  }
.Ltmp0:
0x1df: {  	v2 =	vadd.f32 v3, v2;
	v10 =	vadd.f32 v17, v10;
	v25 =	vmul.f32 v9, v25;
	s13 =	sand.u32 $0xFFFFFF00, s10;
	s5 =	sor.u32 s5, s8;
	v24 =	vld [tilespmem:s9+$0x9280];
	(pc) =	sbr.rel @p1 .LBB2_3-.Ltmp0, $4  }
0x1e0: {  	v3 =	vmul.f32 v18, v31;
	v8 =	vmul.f32 v8, v23;
	v18 =	vsub.f32 $1.500000000e+00, v27;
	s19 =	sadd.s32 $0x40, s6;
	s10 =	sand.u32 $0x7F, s10;
	s8 =	sshra.s32 s13, $0x1;
	v21 =	vld [tilespmem:s5+$0x9280]  }
0x1e1: {  	v5 =	vadd.f32 v5, v2;
	v27 =	vmul.f32 v9, v25;
	s9 =	sadd.s32 $0x30, s6;
	s5 =	sand.u32 $0xFFFFFF00, s19;
	s10 =	sor.u32 s10, s8;
	v17 =	vld [tilespmem:s17+$0xFFFFF0D0]  }
0x1e2: {  	v2 =	vadd.f32 v3, v10;
	v3 =	vmul.f32 v8, v26;
	v8 =	vmul.f32 v11, v18;
	s13 =	sand.u32 $0x7F, s19;
	s8 =	sadd.s32 $0x20, s6;
	s5 =	sshra.s32 s5, $0x1;
	v23 =	vld [tilespmem:s10+$0x9280]  }
0x1e3: {  	s29 =	sadd.s32 $0x2, s29;
	v5 =	vadd.f32 v6, v5;
	v11 =	vsub.f32 $1.500000000e+00, v27;
	s19 =	sand.u32 $0xFFFFFF00, s9;
	s10 =	sor.u32 s13, s5;
	v25 =	vunpack.i.u.bf16.f32 v22;
	v18 =	vld [tilespmem:s17+$0xFFFFE0C0]  }
0x1e4: {  	v10 =	vld [tilespmem:s10+$0x9280]  }
0x1e5: {  	v6 =	vunpack.i.l.bf16.f32 v22;
	v22 =	vunpack.i.u.bf16.f32 v24;
	v27 =	vmul.f32 v20, v25;
	v28 =	vld [tilespmem:s17+$0xFFFFF0C0]  }
0x1e6: {  	v24 =	vunpack.i.l.bf16.f32 v24;
	v39 =	vld [tilespmem:s17+$0xFFFFF0A0];
	v26 =	vmul.f32 v19, v6;
	v19 =	vmul.f32 v19, v25  }
0x1e7: {  	v42 =	vld [tilespmem:s17+$0xFFFFE090];
	v29 =	vunpack.i.u.bf16.f32 v21;
	v6 =	vmul.f32 v20, v6;
	v31 =	vmul.f32 v13, v24  }
0x1e8: {  	v45 =	vld [tilespmem:s17+$0xFFFFF090];
	v21 =	vunpack.i.l.bf16.f32 v21;
	v32 =	vmul.f32 v16, v22;
	v13 =	vmul.f32 v13, v22  }
0x1e9: {  	v56 =	vld [tilespmem:s17+$0x10F0];
	v16 =	vmul.f32 v16, v24;
	v34 =	vmul.f32 v12, v21  }
0x1ea: {  	v60 =	vld [tilespmem:s17+$0x10E0];
	v35 =	vmul.f32 v15, v29;
	v12 =	vmul.f32 v12, v29  }
0x1eb: {  	s5 =	sshra.s32 s19, $0x1;
	s9 =	sand.u32 $0x7F, s9;
	s13 =	sand.u32 $0xFFFFFF00, s8;
	v46 =	vld [tilespmem:s17+$0x10C0];
	v15 =	vmul.f32 v15, v21;
	v30 =	vunpack.i.u.bf16.f32 v23;
	v23 =	vunpack.i.l.bf16.f32 v23  }
0x1ec: {  	s20 =	sand.u32 $0x7F, s8;
	s5 =	sor.u32 s9, s5;
	s19 =	sshra.s32 s13, $0x1;
	v25 =	vld [tilespmem:s17+$0xFFFFE0B0];
	v6 =	vadd.f32 v6, v19;
	v57 =	vsub.f32 v31, v32;
	v37 =	vmul.f32 v14, v23  }
0x1ed: {  	s6 =	sadd.s32 $0x10, s6;
	v20 =	vld [tilespmem:s5+$0x9280];
	s8 =	sor.u32 s20, s19;
	v16 =	vadd.f32 v16, v13;
	v38 =	vmul.f32 v17, v30;
	v14 =	vmul.f32 v14, v30  }
0x1ee: {  	s29 =	sand.u32 $0xFFFFFF00, s6;
	v33 =	vld [tilespmem:s8+$0x9280];
	v17 =	vmul.f32 v17, v23;
	v24 =	vunpack.i.u.bf16.f32 v10;
	v10 =	vunpack.i.l.bf16.f32 v10  }
0x1ef: {  	s6 =	sand.u32 $0x7F, s6;
	v22 =	vld [tilespmem:s17+$0xFFFFF0B0];
	s5 =	sshra.s32 s29, $0x1;
	v59 =	vsub.f32 v34, v35;
	v15 =	vadd.f32 v15, v12;
	v40 =	vmul.f32 v18, v10  }
0x1f0: {  	v21 =	vld [tilespmem:s17+$0xFFFFE0A0];
	s5 =	sor.u32 s6, s5;
	v16 =	vsub.f32 v16, v56;
	v41 =	vmul.f32 v28, v24;
	v18 =	vmul.f32 v18, v24  }
0x1f1: {  	v36 =	vld [tilespmem:s5+$0x9280];
	v10 =	vmul.f32 v28, v10;
	v62 =	vsub.f32 v37, v38;
	v14 =	vadd.f32 v17, v14  }
0x1f2: {  	v48 =	vld [tilespmem:s17+$0xB0];
	v15 =	vsub.f32 v15, v60;
	v53 =	vunpack.i.u.bf16.f32 v20;
	v20 =	vunpack.i.l.bf16.f32 v20  }
0x1f3: {  	v12 =	vld [tilespmem:s17+$0x1080];
	v16 =	vmul.f32 v16, v16;
	v54 =	vunpack.i.u.bf16.f32 v33;
	v43 =	vmul.f32 v25, v20  }
0x1f4: {  	v49 =	vld [tilespmem:s17+$0x90];
	v33 =	vunpack.i.l.bf16.f32 v33;
	v44 =	vmul.f32 v22, v53;
	v25 =	vmul.f32 v25, v53  }
0x1f5: {  	s10 =	sand.u32 $0x7F, s4;
	v50 =	vld [tilespmem:s17+$0x1090];
	s9 =	sshra.s32 s7, $0x1;
	v20 =	vmul.f32 v22, v20;
	v22 =	vsub.f32 v26, v27;
	v41 =	vsub.f32 v40, v41  }
0x1f6: {  	v13 =	vld [tilespmem:s17+$0x80];
	s5 =	sor.u32 s10, s9;
	v15 =	vmul.f32 v15, v15;
	v55 =	vunpack.i.u.bf16.f32 v36;
	v26 =	vmul.f32 v21, v33  }
0x1f7: {  	v23 =	vld [tilespmem:s5+$0x9280];
	v36 =	vunpack.i.l.bf16.f32 v36;
	v27 =	vmul.f32 v39, v54;
	v19 =	vmul.f32 v21, v54  }
0x1f8: {  	v24 =	vld [tilespmem:s17+$0xF0];
	v58 =	vmul.f32 v39, v33;
	v47 =	vsub.f32 v6, v12;
	v6 =	vmul.f32 v8, v7  }
0x1f9: {  	v10 =	vadd.f32 v10, v18;
	v18 =	vld [tilespmem:s17+$0xD0];
	v7 =	vmul.f32 v9, v11;
	v61 =	vmul.f32 v42, v36  }
0x1fa: {  	v21 =	vld [tilespmem:s17+$0xE0];
	v63 =	vmul.f32 v45, v55;
	v17 =	vmul.f32 v42, v55;
	v44 =	vsub.f32 v43, v44  }
0x1fb: {  	v8 =	vld [tilespmem:s17+$0xA0];
	v36 =	vmul.f32 v45, v36;
	v20 =	vadd.f32 v20, v25;
	v22 =	vsub.f32 v22, v13  }
0x1fc: {  	v9 =	vld [tilespmem:s17+$0x10A0];
	v13 =	vunpack.i.u.bf16.f32 v23;
	v10 =	vsub.f32 v10, v46;
	v26 =	vsub.f32 v26, v27  }
0x1fd: {  	v45 =	vld [tilespmem:s17+$0xC0];
	v12 =	vunpack.i.l.bf16.f32 v23;
	v19 =	vadd.f32 v58, v19;
	v24 =	vsub.f32 v57, v24  }
0x1fe: {  	v25 =	vld [tilespmem:s17+$0x10D0];
	v4 =	vmul.f32 v7, v4;
	v27 =	vsub.f32 v61, v63;
	v17 =	vadd.f32 v36, v17  }
0x1ff: {  	v23 =	vld [tilespmem:s17+$0x10B0];
	v22 =	vmul.f32 v22, v22;
	v28 =	vsub.f32 v44, v48;
	v18 =	vsub.f32 v62, v18  }
0x200: {  	v10 =	vmul.f32 v10, v10;
	v21 =	vsub.f32 v59, v21;
	v8 =	vsub.f32 v26, v8  }
0x201: {  	v24 =	vmul.f32 v24, v24;
	v9 =	vsub.f32 v19, v9;
	v26 =	vsub.f32 v27, v49  }
0x202: {  	v27 =	vmul.f32 v28, v28;
	v17 =	vsub.f32 v17, v50;
	v11 =	vsub.f32 v41, v45  }
0x203: {  	v14 =	vsub.f32 v14, v25;
	v25 =	vmul.f32 v47, v47;
	v18 =	vmul.f32 v18, v18  }
0x204: {  	v19 =	vld [tilespmem:s17+$0xFFFFF000];
	v20 =	vsub.f32 v20, v23;
	v21 =	vmul.f32 v21, v21;
	v51 =	vmul.f32 v8, v8  }
0x205: {  	v52 =	vmul.f32 v9, v9;
	v8 =	vadd.f32 v16, v24;
	v16 =	vmul.f32 v17, v17  }
0x206: {  	v14 =	vmul.f32 v14, v14;
	v11 =	vmul.f32 v11, v11  }
0x207: {  	v23 =	vld [tilespmem:s17+$0xFFFFE000];
	v20 =	vmul.f32 v20, v20;
	v22 =	vadd.f32 v25, v22;
	v25 =	vmul.f32 v26, v26  }
0x208: {  	v9 =	vadd.f32 v15, v21;
	v24 =	vshra.s32 v8, $0x1;
	v14 =	vadd.f32 v14, v18  }
0x209: {  	v17 =	vadd.f32 v20, v27;
	v18 =	vadd.f32 v10, v11;
	v20 =	vmul.f32 v19, v13  }
0x20a: {  	v11 =	vadd.f32 v16, v25;
	v16 =	vadd.f32 v52, v51;
	v21 =	vmul.f32 $5.000000000e-01, v22  }
0x20b: {  	v10 =	vshra.s32 v22, $0x1;
	v27 =	vmul.f32 $5.000000000e-01, v8;
	v19 =	vmul.f32 v19, v12  }
0x20c: {  	v15 =	vmul.f32 v23, v12;
	v25 =	vshra.s32 v9, $0x1;
	v26 =	vmul.f32 $5.000000000e-01, v9  }
0x20d: {  	v56 =	vsub.s32 $0x5F3759DF, v10;
	v13 =	vmul.f32 v23, v13;
	v53 =	vshra.s32 v18, $0x1  }
0x20e: {  	v54 =	vshra.s32 v14, $0x1;
	v55 =	vmul.f32 $5.000000000e-01, v14;
	v57 =	vmul.f32 $5.000000000e-01, v18  }
0x20f: {  	v10 =	vshra.s32 v17, $0x1;
	v21 =	vmul.f32 v56, v21;
	v59 =	vmul.f32 $5.000000000e-01, v11  }
0x210: {  	v58 =	vshra.s32 v11, $0x1;
	v60 =	vmul.f32 $5.000000000e-01, v16;
	v61 =	vmul.f32 $5.000000000e-01, v17  }
0x211: {  	v62 =	vshra.s32 v16, $0x1;
	v25 =	vsub.s32 $0x5F3759DF, v25;
	v33 =	vsub.s32 $0x5F3759DF, v58  }
0x212: {  	v37 =	vsub.s32 $0x5F3759DF, v62;
	v63 =	vsub.s32 $0x5F3759DF, v10;
	v10 =	vsub.s32 $0x5F3759DF, v24  }
0x213: {  	v46 =	vld [tilespmem:s17+$0x0];
	v28 =	vsub.s32 $0x5F3759DF, v53;
	v26 =	vmul.f32 v25, v26;
	v21 =	vmul.f32 v56, v21  }
0x214: {  	v47 =	vld [tilespmem:s17+$0x1000];
	v29 =	vsub.s32 $0x5F3759DF, v54;
	v34 =	vmul.f32 v33, v59;
	v39 =	vmul.f32 v37, v60  }
0x215: {  	v15 =	vsub.f32 v15, v20;
	v40 =	vmul.f32 v63, v61;
	v32 =	vmul.f32 v28, v57  }
0x216: {  	v30 =	vmul.f32 v29, v55;
	v21 =	vsub.f32 $1.500000000e+00, v21;
	v24 =	vmul.f32 v33, v34  }
0x217: {  	s13 =	sadd.s32 $0x10, s4;
	v19 =	vadd.f32 v19, v13;
	v27 =	vmul.f32 v10, v27;
	v26 =	vmul.f32 v25, v26  }
0x218: {  	s19 =	sand.u32 $0xFFFFFF00, s13;
	v41 =	vmul.f32 v37, v39;
	v21 =	vmul.f32 v56, v21;
	v24 =	vsub.f32 $1.500000000e+00, v24  }
0x219: {  	s6 =	sshra.s32 s19, $0x1;
	s5 =	sand.u32 $0x7F, s13;
	v15 =	vsub.f32 v15, v46;
	v19 =	vsub.f32 v19, v47;
	v42 =	vmul.f32 v63, v40  }
0x21a: {  	s5 =	sor.u32 s5, s6;
	v21 =	vmul.f32 v21, v22;
	v22 =	vmul.f32 v33, v24;
	v24 =	vsub.f32 $1.500000000e+00, v41  }
0x21b: {  	s20 =	sadd.s32 $0x20, s4;
	v44 =	vld [tilespmem:s5+$0x9280];
	v32 =	vmul.f32 v28, v32;
	v30 =	vmul.f32 v29, v30;
	v43 =	vsub.f32 $1.500000000e+00, v42  }
0x21c: {  	s29 =	sand.u32 $0xFFFFFF00, s20;
	v50 =	vld [tilespmem:s17+$0xFFFFE030];
	v21 =	vadd.f32 $0.0e+00, v21;
	v11 =	vmul.f32 v22, v11;
	v22 =	vmul.f32 v37, v24  }
0x21d: {  	s7 =	sand.u32 $0x7F, s20;
	s8 =	sadd.s32 $0x30, s4;
	s6 =	sshra.s32 s29, $0x1;
	v45 =	vld [tilespmem:s17+$0xFFFFF010];
	v23 =	vmul.f32 v10, v27;
	v26 =	vsub.f32 $1.500000000e+00, v26;
	v32 =	vsub.f32 $1.500000000e+00, v32  }
0x21e: {  	s9 =	sand.u32 $0xFFFFFF00, s8;
	s5 =	sor.u32 s7, s6;
	v27 =	vld [tilespmem:s17+$0xFFFFE020];
	v11 =	vadd.f32 v11, v21;
	v16 =	vmul.f32 v22, v16;
	v21 =	vmul.f32 v63, v43  }
0x21f: {  	s6 =	sshra.s32 s9, $0x1;
	v15 =	vmul.f32 v15, v15;
	v19 =	vmul.f32 v19, v19;
	v30 =	vsub.f32 $1.500000000e+00, v30;
	v22 =	vld [tilespmem:s5+$0x9280];
	s5 =	sand.u32 $0x7F, s8  }
0x220: {  	v24 =	vld [tilespmem:s17+$0xFFFFE010];
	s5 =	sor.u32 s5, s6;
	v16 =	vadd.f32 v16, v11;
	v17 =	vmul.f32 v21, v17;
	v21 =	vmul.f32 v28, v32  }
0x221: {  	s10 =	sadd.s32 $0x40, s4;
	v48 =	vunpack.i.u.bf16.f32 v44;
	v12 =	vsub.f32 $1.500000000e+00, v23;
	v15 =	vadd.f32 v19, v15;
	v49 =	vld [tilespmem:s5+$0x9280]  }
0x222: {  	s13 =	sand.u32 $0xFFFFFF00, s10;
	v23 =	vld [tilespmem:s17+$0x1010];
	v16 =	vadd.f32 v17, v16;
	v17 =	vmul.f32 v21, v18;
	v18 =	vmul.f32 v29, v30  }
0x223: {  	v20 =	vunpack.i.l.bf16.f32 v44;
	v41 =	vld [tilespmem:s17+$0xFFFFF060];
	v62 =	vmul.f32 $5.000000000e-01, v15;
	s6 =	sshra.s32 s13, $0x1;
	v11 =	vor.u32 s18, v0;
	s5 =	sand.u32 $0x7F, s10;
	s18 =	sadd.s32 $0x50, s4  }
0x224: {  	s5 =	sor.u32 s5, s6;
	s19 =	sand.u32 $0xFFFFFF00, s18;
	v21 =	vld [tilespmem:s17+$0xFFFFF020];
	v16 =	vadd.f32 v17, v16;
	v17 =	vmul.f32 v18, v14;
	v14 =	vmul.f32 v25, v26  }
0x225: {  	v2 =	vadd.f32 v3, v2;
	v51 =	vld [tilespmem:s5+$0x9280];
	s5 =	sand.u32 $0x7F, s18;
	s6 =	sshra.s32 s19, $0x1;
	v25 =	vmul.f32 v24, v20;
	v26 =	vmul.f32 v45, v48  }
0x226: {  	s20 =	sadd.s32 $0x60, s4;
	s5 =	sor.u32 s5, s6;
	v18 =	vld [tilespmem:s17+$0x10];
	v30 =	vunpack.i.l.bf16.f32 v49;
	v13 =	vadd.f32 v17, v16;
	v16 =	vmul.f32 v24, v48  }
0x227: {  	s29 =	sand.u32 $0xFFFFFF00, s20;
	v55 =	vld [tilespmem:s5+$0x9280];
	v17 =	vmul.f32 v45, v20;
	v24 =	vunpack.i.u.bf16.f32 v22;
	v22 =	vunpack.i.l.bf16.f32 v22  }
0x228: {  	v61 =	vshra.s32 v15, $0x1;
	s6 =	sshra.s32 s29, $0x1;
	s5 =	sand.u32 $0x7F, s20;
	v20 =	vld [tilespmem:s17+$0xFFFFF030];
	v54 =	vmul.f32 v50, v30;
	v52 =	vmul.f32 v27, v22  }
0x229: {  	s5 =	sor.u32 s5, s6;
	v25 =	vsub.f32 v25, v26;
	v26 =	vld [tilespmem:s17+$0x20];
	v53 =	vmul.f32 v21, v24;
	v21 =	vmul.f32 v21, v22  }
0x22a: {  	v60 =	vld [tilespmem:s5+$0x9280];
	v57 =	vunpack.i.u.bf16.f32 v51;
	v29 =	vunpack.i.l.bf16.f32 v51;
	v16 =	vadd.f32 v17, v16  }
0x22b: {  	s5 =	sadd.s32 $0x70, s4;
	v22 =	vld [tilespmem:s17+$0xFFFFE040];
	v17 =	vmul.f32 v27, v24;
	v27 =	vunpack.i.u.bf16.f32 v49;
	v18 =	vsub.f32 v25, v18  }
0x22c: {  	s6 =	sand.u32 $0xFFFFFF00, s5;
	v24 =	vld [tilespmem:s17+$0x1020];
	v59 =	vunpack.i.u.bf16.f32 v55;
	v31 =	vunpack.i.l.bf16.f32 v55;
	v16 =	vsub.f32 v16, v23  }
0x22d: {  	s4 =	sand.u32 $0x7F, s5;
	s5 =	sshra.s32 s6, $0x1;
	v25 =	vld [tilespmem:s17+$0xFFFFF040];
	v17 =	vadd.f32 v21, v17;
	v21 =	vmul.f32 v20, v27;
	v27 =	vmul.f32 v50, v27  }
0x22e: {  	v56 =	vld [tilespmem:s17+$0x30];
	s4 =	sor.u32 s4, s5;
	v23 =	vsub.f32 v52, v53;
	v19 =	vmul.f32 v20, v30;
	v18 =	vmul.f32 v18, v18  }
0x22f: {  	v42 =	vld [tilespmem:s4+$0x9280];
	v43 =	vunpack.i.u.bf16.f32 v60;
	v30 =	vunpack.i.l.bf16.f32 v60;
	v16 =	vmul.f32 v16, v16  }
0x230: {  	v20 =	vld [tilespmem:s17+$0x1030];
	v23 =	vsub.f32 v23, v26;
	v58 =	vmul.f32 v22, v29;
	v22 =	vmul.f32 v22, v57  }
0x231: {  	v49 =	vld [tilespmem:s17+$0xFFFFF070];
	v48 =	vmul.f32 v41, v43;
	v17 =	vsub.f32 v17, v24;
	v21 =	vsub.f32 v54, v21  }
0x232: {  	v26 =	vld [tilespmem:s17+$0xFFFFE050];
	v19 =	vadd.f32 v19, v27;
	v27 =	vmul.f32 v25, v57;
	v25 =	vmul.f32 v25, v29  }
0x233: {  	v16 =	vadd.f32 v16, v18;
	v18 =	vmul.f32 v23, v23;
	v29 =	vsub.s32 $0x5F3759DF, v61  }
0x234: {  	v24 =	vld [tilespmem:s17+$0xFFFFF050];
	v21 =	vsub.f32 v21, v56;
	v17 =	vmul.f32 v17, v17;
	v34 =	vmul.f32 v29, v62  }
0x235: {  	v63 =	vld [tilespmem:s17+$0x40];
	v50 =	vunpack.i.u.bf16.f32 v42;
	v19 =	vsub.f32 v19, v20;
	v20 =	vsub.f32 v58, v27  }
0x236: {  	v23 =	vld [tilespmem:s17+$0x1040];
	v22 =	vadd.f32 v25, v22;
	v45 =	vmul.f32 $5.000000000e-01, v16;
	v57 =	vmul.f32 v49, v50  }
0x237: {  	v44 =	vshra.s32 v16, $0x1;
	v40 =	vmul.f32 v26, v31;
	v26 =	vmul.f32 v26, v59  }
0x238: {  	v17 =	vadd.f32 v17, v18;
	v21 =	vmul.f32 v21, v21;
	v51 =	vmul.f32 v29, v34  }
0x239: {  	v27 =	vld [tilespmem:s17+$0xFFFFE060];
	v47 =	vsub.s32 $0x5F3759DF, v44;
	v25 =	vmul.f32 v24, v59;
	v24 =	vmul.f32 v24, v31  }
0x23a: {  	v20 =	vsub.f32 v20, v63;
	v19 =	vmul.f32 v19, v19;
	v31 =	vunpack.i.l.bf16.f32 v42  }
0x23b: {  	v18 =	vld [tilespmem:s17+$0x50];
	v52 =	vmul.f32 v47, v45;
	v22 =	vsub.f32 v22, v23;
	v53 =	vshra.s32 v17, $0x1  }
0x23c: {  	v54 =	vmul.f32 $5.000000000e-01, v17;
	v58 =	vsub.f32 $1.500000000e+00, v51;
	v25 =	vsub.f32 v40, v25  }
0x23d: {  	v23 =	vld [tilespmem:s17+$0x1050];
	v24 =	vadd.f32 v24, v26;
	v20 =	vmul.f32 v20, v20;
	v59 =	vmul.f32 v47, v52  }
0x23e: {  	v26 =	vld [tilespmem:s17+$0xFFFFE070];
	v19 =	vadd.f32 v19, v21;
	v46 =	vmul.f32 v27, v30;
	v27 =	vmul.f32 v27, v43  }
0x23f: {  	v56 =	vsub.s32 $0x5F3759DF, v53;
	v30 =	vmul.f32 v41, v30;
	v22 =	vmul.f32 v22, v22  }
0x240: {  	v60 =	vmul.f32 v56, v54;
	v36 =	vmul.f32 v29, v58;
	v18 =	vsub.f32 v25, v18  }
0x241: {  	v61 =	vshra.s32 v19, $0x1;
	v63 =	vmul.f32 $5.000000000e-01, v19;
	v37 =	vsub.f32 $1.500000000e+00, v59  }
0x242: {  	v25 =	vadd.f32 v30, v27;
	v27 =	vld [tilespmem:s17+$0x1060];
	v20 =	vadd.f32 v22, v20;
	v40 =	vmul.f32 v56, v60  }
0x243: {  	v15 =	vmul.f32 v36, v15;
	v21 =	vsub.f32 v24, v23;
	v23 =	vld [tilespmem:s17+$0x60];
	v55 =	vmul.f32 v26, v31  }
0x244: {  	v22 =	vld [tilespmem:s17+$0x1070];
	v24 =	vsub.f32 v46, v48;
	v26 =	vmul.f32 v26, v50;
	v31 =	vmul.f32 v49, v31  }
0x245: {  	v18 =	vmul.f32 v18, v18;
	v42 =	vshra.s32 v20, $0x1;
	v44 =	vsub.f32 $1.500000000e+00, v40  }
0x246: {  	v62 =	vld [tilespmem:s17+$0x70];
	v15 =	vadd.f32 $0.0e+00, v15;
	v21 =	vmul.f32 v21, v21;
	v26 =	vadd.f32 v31, v26  }
0x247: {  	v43 =	vmul.f32 $5.000000000e-01, v20;
	v25 =	vsub.f32 v25, v27;
	v27 =	vsub.f32 v55, v57  }
0x248: {  	v18 =	vadd.f32 v21, v18;
	v23 =	vsub.f32 v24, v23;
	v24 =	vsub.s32 $0x5F3759DF, v61  }
0x249: {  	v22 =	vsub.f32 v26, v22;
	v26 =	vmul.f32 v47, v37;
	v41 =	vmul.f32 v24, v63  }
0x24a: {  	v47 =	vshra.s32 v18, $0x1;
	v48 =	vmul.f32 $5.000000000e-01, v18;
	v21 =	vmul.f32 v23, v23  }
0x24b: {  	v23 =	vmul.f32 v25, v25;
	v25 =	vsub.f32 v27, v62;
	v22 =	vmul.f32 v22, v22  }
0x24c: {  	v27 =	vsub.s32 $0x5F3759DF, v42;
	v16 =	vmul.f32 v26, v16;
	v26 =	vmul.f32 v56, v44  }
0x24d: {  	v45 =	vmul.f32 v24, v41;
	v46 =	vmul.f32 v27, v43;
	v21 =	vadd.f32 v23, v21  }
0x24e: {  	v23 =	vsub.s32 $0x5F3759DF, v47;
	v25 =	vmul.f32 v25, v25;
	v15 =	vadd.f32 v16, v15  }
0x24f: {  	v16 =	vmul.f32 v26, v17;
	v49 =	vsub.f32 $1.500000000e+00, v45;
	v50 =	vmul.f32 v27, v46  }
0x250: {  	v51 =	vmul.f32 v23, v48;
	v52 =	vshra.s32 v21, $0x1;
	v53 =	vmul.f32 $5.000000000e-01, v21  }
0x251: {  	v22 =	vadd.f32 v22, v25;
	v15 =	vadd.f32 v16, v15;
	v17 =	vsub.s32 $0x5F3759DF, v52  }
0x252: {  	v24 =	vmul.f32 v24, v49;
	v25 =	vsub.f32 $1.500000000e+00, v50;
	v26 =	vmul.f32 v23, v51  }
0x253: {  	v54 =	vmul.f32 v17, v53;
	v55 =	vshra.s32 v22, $0x1;
	v56 =	vmul.f32 $5.000000000e-01, v22  }
0x254: {  	v16 =	vmul.f32 v24, v19;
	v19 =	vsub.s32 $0x5F3759DF, v55;
	v24 =	vmul.f32 v27, v25  }
0x255: {  	v25 =	vsub.f32 $1.500000000e+00, v26;
	v26 =	vmul.f32 v17, v54;
	v27 =	vmul.f32 v19, v56  }
0x256: {  	v9 =	vmul.f32 v14, v9;
	v14 =	vadd.f32 v16, v15;
	v15 =	vmul.f32 v24, v20  }
0x257: {  	v16 =	vmul.f32 v23, v25;
	v20 =	vsub.f32 $1.500000000e+00, v26;
	v23 =	vmul.f32 v19, v27  }
0x258: {  	v2 =	vadd.f32 v6, v2;
	v10 =	vmul.f32 v10, v12;
	v14 =	vadd.f32 v15, v14  }
0x259: {  	s7 =	sadd.s32 $0x1, s16;
	v15 =	vmul.f32 v16, v18;
	v16 =	vmul.f32 v17, v20;
	v17 =	vsub.f32 $1.500000000e+00, v23  }
0x25a: {  	v12 =	vor.u32 s7, v0;
	v8 =	vmul.f32 v10, v8;
	v9 =	vadd.f32 v9, v13  }
0x25b: {  	v13 =	vadd.f32 v15, v14;
	v3 =	vmul.f32 v16, v21;
	v10 =	vmul.f32 v19, v17  }
0x25c: {  	[tilespmem:v1+s26+$0x0] =	vst.idx.msk $0xffff, v5;
	v6 =	vor.u32 s16, v0;
	v1 =	vadd.f32 v4, v2  }
0x25d: {  	v7 =	vadd.f32 v8, v9;
	v8 =	vmul.f32 v10, v22;
	v3 =	vadd.f32 v3, v13;
	_ =	sdelay $0x1  }
0x25e: {  	[tilespmem:v11+s26+$0x0] =	vst.idx.msk $0xffff, v1;
	v2 =	vadd.f32 v8, v3  }
0x25f: {  	[tilespmem:v12+s26+$0x0] =	vst.idx.msk $0xffff, v7  }
0x260: {  	[tilespmem:v6+s26+$0x0] =	vst.idx.msk $0xffff, v2  }
0x261: {  	v1 =	vld [tilespmem:$0x19C20];
	_ =	sdelay $0x1  }
0x262: {  	v2 =	vld [tilespmem:$0x19C40];
	_ =	sdelay $0x1  }
0x263: {  	v3 =	vld [tilespmem:$0x19C60]  }
0x264: {  	v1 =	vadd.f32 $0.0e+00, v1  }
0x265: {  	v4 =	vld [tilespmem:$0x19C80]  }
0x266: {  	v1 =	vadd.f32 v2, v1  }
0x267: {  	v2 =	vld [tilespmem:$0x19CA0]  }
0x268: {  	v1 =	vadd.f32 v3, v1  }
0x269: {  	v3 =	vld [tilespmem:$0x19CC0]  }
0x26a: {  	v1 =	vadd.f32 v4, v1  }
0x26b: {  	v4 =	vld [tilespmem:$0x19CE0]  }
0x26c: {  	v1 =	vadd.f32 v2, v1  }
0x26d: {  	v2 =	vld [tilespmem:$0x19D00]  }
0x26e: {  	v1 =	vadd.f32 v3, v1  }
0x26f: {  	v3 =	vld [tilespmem:$0x19D20]  }
0x270: {  	v1 =	vadd.f32 v4, v1  }
0x271: {  	v4 =	vld [tilespmem:$0x19D40]  }
0x272: {  	v1 =	vadd.f32 v2, v1  }
0x273: {  	v2 =	vld [tilespmem:$0x19D60]  }
0x274: {  	v1 =	vadd.f32 v3, v1  }
0x275: {  	v3 =	vld [tilespmem:$0x19D80]  }
0x276: {  	v1 =	vadd.f32 v4, v1  }
0x277: {  	v4 =	vld [tilespmem:$0x19DA0]  }
0x278: {  	v1 =	vadd.f32 v2, v1  }
0x279: {  	v2 =	vld [tilespmem:$0x19DC0]  }
0x27a: {  	v1 =	vadd.f32 v3, v1  }
0x27b: {  	v3 =	vld [tilespmem:$0x19DE0]  }
0x27c: {  	v1 =	vadd.f32 v4, v1  }
0x27d: {  	v4 =	vld [tilespmem:$0x19E00]  }
0x27e: {  	v1 =	vadd.f32 v2, v1;
	_ =	sdelay $0x1  }
0x27f: {  	v1 =	vadd.f32 v3, v1;
	_ =	sdelay $0x1  }
0x280: {  	v1 =	vadd.f32 v4, v1  }
0x281: {  	s8 =	sshra.s32 s15, $0x2  }
0x282: {  	[tilespmem:s8+$0x19E20] =	vst v1  }
0x283: {  	v1 =	vld [tilespmem:$0x19C30];
	_ =	sdelay $0x1  }
0x284: {  	v2 =	vld [tilespmem:$0x19C50];
	_ =	sdelay $0x1  }
0x285: {  	v3 =	vld [tilespmem:$0x19C70]  }
0x286: {  	v1 =	vadd.f32 $0.0e+00, v1  }
0x287: {  	v4 =	vld [tilespmem:$0x19C90]  }
0x288: {  	v1 =	vadd.f32 v2, v1  }
0x289: {  	v2 =	vld [tilespmem:$0x19CB0]  }
0x28a: {  	v1 =	vadd.f32 v3, v1  }
0x28b: {  	v3 =	vld [tilespmem:$0x19CD0]  }
0x28c: {  	v1 =	vadd.f32 v4, v1  }
0x28d: {  	v4 =	vld [tilespmem:$0x19CF0]  }
0x28e: {  	v1 =	vadd.f32 v2, v1  }
0x28f: {  	v2 =	vld [tilespmem:$0x19D10]  }
0x290: {  	v1 =	vadd.f32 v3, v1  }
0x291: {  	v3 =	vld [tilespmem:$0x19D30]  }
0x292: {  	v1 =	vadd.f32 v4, v1  }
0x293: {  	v4 =	vld [tilespmem:$0x19D50]  }
0x294: {  	v1 =	vadd.f32 v2, v1  }
0x295: {  	v2 =	vld [tilespmem:$0x19D70]  }
0x296: {  	v1 =	vadd.f32 v3, v1  }
0x297: {  	v3 =	vld [tilespmem:$0x19D90]  }
0x298: {  	v1 =	vadd.f32 v4, v1  }
0x299: {  	v4 =	vld [tilespmem:$0x19DB0]  }
0x29a: {  	v1 =	vadd.f32 v2, v1  }
0x29b: {  	v2 =	vld [tilespmem:$0x19DD0]  }
0x29c: {  	v1 =	vadd.f32 v3, v1  }
0x29d: {  	v3 =	vld [tilespmem:$0x19DF0]  }
0x29e: {  	v1 =	vadd.f32 v4, v1  }
0x29f: {  	v4 =	vld [tilespmem:$0x19E10]  }
0x2a0: {  	v1 =	vadd.f32 v2, v1;
	_ =	sdelay $0x1  }
0x2a1: {  	v1 =	vadd.f32 v3, v1;
	_ =	sdelay $0x1  }
0x2a2: {  	v1 =	vadd.f32 v4, v1;
	_ =	sdelay $0x1  }
0x2a3: {  	[tilespmem:s8+$0x19E30] =	vst v1  }
0x2a4: {  	_ =	swait.ge [sflag:s28], $0x1000  }
0x2a5: {  	[sflag:s28] =	ssyncset.done $0x0  }
0x2a6: {  	[sflag:s28] =	ssyncadd.s32 $0xFFFFF000  }
0x2a7: {  	_ =	swait.ge [sflag:s28], $0x1000  }
0x2a8: {  	[sflag:s28] =	ssyncset.done $0x0  }
0x2a9: {  	[sflag:s28] =	ssyncadd.s32 $0xFFFFF000  }
0x2aa: {  	_ =	swait.ge [sflag:s28], $0x1000  }
0x2ab: {  	[sflag:s28] =	ssyncset.done $0x0  }
0x2ac: {  	[sflag:s28] =	ssyncadd.s32 $0xFFFFF000  }
0x2ad: {  	p1 =	seq.s32 s3, $0x7;
	_ =	swait.ge [sflag:s28], $0x1000  }
0x2ae: {  	s6 =	simm.s32 @!p1 $0x1280;
	[sflag:s28] =	ssyncset.done $0x0  }
0x2af: {  	s5 =	simm.s32 @!p1 $0x20;
	s4 =	sadd.s32 @!p1 $0x100, s15;
	[sflag:s28] =	ssyncadd.s32 $0xFFFFF000  }
0x2b0: {  	[tilespmem:s6], [sflag:$0x1] =	stream.indirect.gather @!p1 [hbm4b:s1+s5], $0x80, s4, s5, $0xb8;
	[tilespmem:$0x1A020] =	vst v63  }
0x2b1: {  	s6 =	simm.s32 @!p1 $0x2280  }
0x2b2: {  	[tilespmem:s6], [sflag:$0x1] =	stream.indirect.gather @!p1 [hbm4b:s2+s5], $0x80, s4, s5, $0xb8;
	[tilespmem:$0x1A020] =	vst v63  }
0x2b3: {  	s4 =	sadd.s32 @!p1 $0xB80, s15;
	s6 =	simm.s32 @!p1 $0x3280  }
0x2b4: {  	[tilespmem:s6], [sflag:$0x1] =	stream.indirect.gather @!p1 [hbm4b:s1+s5], $0x80, s4, s5, $0xb8;
	[tilespmem:$0x1A020] =	vst v63  }
0x2b5: {  	s6 =	simm.s32 @!p1 $0x4280  }
0x2b6: {  	[tilespmem:s6], [sflag:$0x1] =	stream.indirect.gather @!p1 [hbm4b:s2+s5], $0x80, s4, s5, $0xb8;
	[tilespmem:$0x1A020] =	vst v63  }
0x2b7: {  	v1 =	vld [tilespmem:s0+$0x0];
	_ =	sdelay $0x4  }
0x2b8: {  	(v2sf) =	vpush v1, $0x0;
	_ =	sdelay $0x9  }
0x2b9: {  	s15 =	simm.s32 $0x8370  }
0x2ba: {  	v2 =	vld [tilespmem:s15+$0xFFFFD000]  }
0x2bb: {  	v3 =	vld [tilespmem:s15+$0xFFFFE000]  }
0x2bc: {  	v1 =	vld [tilespmem:s0+$0xFFFFFFFF]  }
0x2bd: {  	v4 =	vld [tilespmem:s15+$0xFFFFCFF0]  }
0x2be: {  	v5 =	vld [tilespmem:s15+$0xFFFFCFE0];
	s4 =	spop (v2sf)  }
0x2bf: {  	v6 =	vld [tilespmem:s15+$0xFFFFCF90];
	s9 =	sadd.s32 $0x60, s4;
	s17 =	sadd.s32 $0x70, s4;
	s18 =	sand.u32 $0xFFFFFF00, s4  }
0x2c0: {  	v7 =	vld [tilespmem:s15+$0xFFFFDF90];
	s19 =	sand.u32 $0x7F, s4;
	s7 =	sshra.s32 s18, $0x1;
	s29 =	sand.u32 $0xFFFFFF00, s17  }
0x2c1: {  	v11 =	vld [tilespmem:s15+$0xFFFFDFE0];
	(v2sf) =	vpush v1, $0x0;
	s6 =	sand.u32 $0x7F, s17;
	s7 =	sor.u32 s19, s7;
	s10 =	sshra.s32 s29, $0x1  }
0x2c2: {  	s13 =	sand.u32 $0xFFFFFF00, s9;
	v8 =	vld [tilespmem:s7+$0x9280];
	s6 =	sor.u32 s6, s10  }
0x2c3: {  	s20 =	sadd.s32 $0x50, s4;
	s5 =	sand.u32 $0x7F, s9;
	s16 =	sshra.s32 s13, $0x1;
	v9 =	vld [tilespmem:s6+$0x9280]  }
0x2c4: {  	v13 =	vld [tilespmem:s15+$0xFFFFCFD0];
	s17 =	sand.u32 $0xFFFFFF00, s20;
	s5 =	sor.u32 s5, s16  }
0x2c5: {  	s20 =	sand.u32 $0x7F, s20;
	s19 =	sshra.s32 s17, $0x1;
	v10 =	vld [tilespmem:s5+$0x9280]  }
0x2c6: {  	v18 =	vld [tilespmem:s15+$0xFFFFDFD0];
	s7 =	sor.u32 s20, s19  }
0x2c7: {  	s18 =	sadd.s32 $0x40, s4;
	v12 =	vld [tilespmem:s7+$0x9280];
	v14 =	vunpack.i.u.bf16.f32 v8;
	v8 =	vunpack.i.l.bf16.f32 v8  }
0x2c8: {  	v1 =	vld [tilespmem:s15+$0xFFFFDFF0];
	s9 =	sadd.s32 $0x30, s4;
	s29 =	sand.u32 $0xFFFFFF00, s18;
	s13 =	sadd.s32 $0x20, s4;
	v16 =	vunpack.i.u.bf16.f32 v9;
	v17 =	vmul.f32 v6, v8  }
0x2c9: {  	v59 =	vld [tilespmem:s15+$0xFFFFDFB0];
	s4 =	sadd.s32 $0x10, s4;
	s5 =	sshra.s32 s29, $0x1;
	s6 =	sand.u32 $0x7F, s18;
	v9 =	vunpack.i.l.bf16.f32 v9;
	v19 =	vmul.f32 v7, v14;
	v6 =	vmul.f32 v6, v14  }
0x2ca: {  	v62 =	vld [tilespmem:s15+$0xFFFFF000];
	s10 =	sand.u32 $0xFFFFFF00, s9;
	s17 =	sand.u32 $0xFFFFFF00, s4;
	s5 =	sor.u32 s6, s5;
	v20 =	vunpack.i.u.bf16.f32 v10;
	v7 =	vmul.f32 v7, v8;
	v22 =	vmul.f32 v2, v9  }
0x2cb: {  	s16 =	sand.u32 $0xFFFFFF00, s13;
	s19 =	sand.u32 $0x7F, s4;
	s18 =	sshra.s32 s17, $0x1;
	v15 =	vld [tilespmem:s5+$0x9280];
	v8 =	vunpack.i.l.bf16.f32 v10;
	v23 =	vmul.f32 v3, v16;
	v2 =	vmul.f32 v2, v16  }
0x2cc: {  	v41 =	vld [tilespmem:s15+$0xFFFFDFA0];
	s6 =	sand.u32 $0x7F, s13;
	s20 =	sor.u32 s19, s18;
	s5 =	sshra.s32 s16, $0x1;
	v21 =	vunpack.i.u.bf16.f32 v12;
	v3 =	vmul.f32 v3, v9;
	v25 =	vmul.f32 v4, v8  }
0x2cd: {  	s8 =	sand.u32 $0x7F, s9;
	s7 =	sshra.s32 s10, $0x1;
	v27 =	vld [tilespmem:s20+$0x9280];
	s5 =	sor.u32 s6, s5;
	v12 =	vunpack.i.l.bf16.f32 v12;
	v26 =	vmul.f32 v1, v20;
	v4 =	vmul.f32 v4, v20  }
0x2ce: {  	s7 =	sor.u32 s8, s7;
	v24 =	vld [tilespmem:s5+$0x9280];
	v1 =	vmul.f32 v1, v8;
	v57 =	vmul.f32 v5, v12  }
0x2cf: {  	v14 =	vld [tilespmem:s7+$0x9280];
	v58 =	vmul.f32 v11, v21;
	v5 =	vmul.f32 v5, v21  }
0x2d0: {  	s4 =	spop (v2sf);
	v10 =	vld [tilespmem:s15+$0xFFFFCFC0];
	v11 =	vmul.f32 v11, v12;
	v16 =	vunpack.i.u.bf16.f32 v15;
	v15 =	vunpack.i.l.bf16.f32 v15  }
0x2d1: {  	s29 =	sand.u32 $0xFFFFFF00, s4;
	v9 =	vld [tilespmem:s15+$0xFFFFDFC0];
	v6 =	vadd.f32 v7, v6;
	v60 =	vmul.f32 v13, v15;
	v61 =	vmul.f32 v18, v16  }
0x2d2: {  	v44 =	vld [tilespmem:s15+$0xFFFFEFE0];
	s8 =	sand.u32 $0x7F, s4;
	s7 =	sshra.s32 s29, $0x1;
	v13 =	vmul.f32 v13, v16;
	v15 =	vmul.f32 v18, v15;
	v16 =	vunpack.i.u.bf16.f32 v27  }
0x2d3: {  	v8 =	vld [tilespmem:s15+$0xFFFFCFB0];
	s5 =	sor.u32 s8, s7;
	v27 =	vunpack.i.l.bf16.f32 v27;
	v2 =	vadd.f32 v3, v2;
	v1 =	vadd.f32 v1, v4  }
0x2d4: {  	v12 =	vld [tilespmem:s5+$0x9280];
	v5 =	vadd.f32 v11, v5;
	v21 =	vunpack.i.u.bf16.f32 v24;
	v24 =	vunpack.i.l.bf16.f32 v24  }
0x2d5: {  	v18 =	vld [tilespmem:s15+$0xFFFFCFA0];
	v43 =	vmul.f32 v41, v16;
	v20 =	vunpack.i.u.bf16.f32 v14;
	v14 =	vunpack.i.l.bf16.f32 v14  }
0x2d6: {  	v7 =	vld [tilespmem:s15+$0xFFFFEFF0];
	v42 =	vsub.f32 v60, v61;
	v63 =	vmul.f32 v10, v14;
	v40 =	vmul.f32 v9, v20  }
0x2d7: {  	v3 =	vld [tilespmem:s15+$0xFFFFEF90];
	v13 =	vadd.f32 v15, v13;
	v10 =	vmul.f32 v10, v20;
	v9 =	vmul.f32 v9, v14  }
0x2d8: {  	v4 =	vld [tilespmem:s15+$0xFFFFFF90];
	v14 =	vsub.f32 v17, v19;
	v19 =	vmul.f32 v8, v24;
	v20 =	vmul.f32 v59, v21  }
0x2d9: {  	v17 =	vld [tilespmem:s15+$0x0];
	v8 =	vmul.f32 v8, v21;
	v21 =	vsub.f32 v22, v23;
	v22 =	vsub.f32 v25, v26  }
0x2da: {  	v23 =	vld [tilespmem:s15+$0xFFFFFFF0];
	v24 =	vmul.f32 v59, v24;
	v25 =	vsub.f32 v57, v58;
	v26 =	vmul.f32 v18, v27  }
0x2db: {  	v11 =	vsub.f32 v63, v40;
	v16 =	vmul.f32 v18, v16;
	v15 =	vsub.f32 v19, v20;
	v18 =	vld [tilespmem:s15+$0xFFFFFFE0]  }
0x2dc: {  	v9 =	vadd.f32 v9, v10;
	v20 =	vld [tilespmem:s15+$0xFFFFEFD0];
	v8 =	vadd.f32 v24, v8  }
0x2dd: {  	v19 =	vmul.f32 v41, v27;
	v3 =	vsub.f32 v14, v3;
	v14 =	vld [tilespmem:s15+$0xFFFFFFD0];
	v4 =	vsub.f32 v6, v4  }
0x2de: {  	v6 =	vld [tilespmem:s15+$0xFFFFEFC0];
	v7 =	vsub.f32 v22, v7;
	v24 =	vsub.f32 v25, v44  }
0x2df: {  	v22 =	vunpack.i.u.bf16.f32 v12;
	v16 =	vadd.f32 v19, v16;
	v19 =	vsub.f32 v21, v62;
	v21 =	vld [tilespmem:s15+$0xFFFFFFC0]  }
0x2e0: {  	v12 =	vunpack.i.l.bf16.f32 v12;
	v10 =	vsub.f32 v26, v43;
	v2 =	vsub.f32 v2, v17;
	v17 =	vld [tilespmem:s15+$0xFFFFEFB0]  }
0x2e1: {  	v3 =	vmul.f32 v3, v3;
	v4 =	vmul.f32 v4, v4;
	v1 =	vsub.f32 v1, v23;
	v23 =	vld [tilespmem:s15+$0xFFFFFFB0]  }
0x2e2: {  	v7 =	vmul.f32 v7, v7;
	v20 =	vsub.f32 v42, v20;
	v5 =	vsub.f32 v5, v18;
	v18 =	vld [tilespmem:s15+$0xFFFFEFA0]  }
0x2e3: {  	v13 =	vsub.f32 v13, v14;
	v14 =	vld [tilespmem:s15+$0xFFFFFFA0];
	v6 =	vsub.f32 v11, v6;
	v11 =	vmul.f32 v19, v19  }
0x2e4: {  	v3 =	vadd.f32 v4, v3;
	v2 =	vmul.f32 v2, v2;
	v19 =	vmul.f32 v1, v1  }
0x2e5: {  	v9 =	vsub.f32 v9, v21;
	v5 =	vmul.f32 v5, v5;
	v20 =	vmul.f32 v20, v20  }
0x2e6: {  	v13 =	vmul.f32 v13, v13;
	v6 =	vmul.f32 v6, v6;
	v7 =	vadd.f32 v19, v7  }
0x2e7: {  	v21 =	vld [tilespmem:s15+$0xFFFFDF10];
	v1 =	vsub.f32 v15, v17;
	v15 =	vmul.f32 v24, v24;
	v8 =	vsub.f32 v8, v23  }
0x2e8: {  	v9 =	vmul.f32 v9, v9;
	v10 =	vsub.f32 v10, v18;
	v14 =	vsub.f32 v16, v14  }
0x2e9: {  	v17 =	vld [tilespmem:s15+$0xFFFFCF10];
	v16 =	vmul.f32 v1, v1;
	v8 =	vmul.f32 v8, v8;
	v1 =	vadd.f32 v2, v11  }
0x2ea: {  	v5 =	vadd.f32 v5, v15;
	v15 =	vshra.s32 v7, $0x1;
	v6 =	vadd.f32 v9, v6  }
0x2eb: {  	v9 =	vadd.f32 v13, v20;
	v13 =	vmul.f32 $5.000000000e-01, v3;
	v4 =	vmul.f32 v10, v10  }
0x2ec: {  	v15 =	vsub.s32 $0x5F3759DF, v15;
	v2 =	vmul.f32 v14, v14;
	v11 =	vmul.f32 v21, v22  }
0x2ed: {  	v14 =	vshra.s32 v1, $0x1;
	v18 =	vmul.f32 $5.000000000e-01, v1;
	v20 =	vshra.s32 v5, $0x1  }
0x2ee: {  	v23 =	vmul.f32 $5.000000000e-01, v5;
	v10 =	vmul.f32 v17, v12;
	v19 =	vshra.s32 v9, $0x1  }
0x2ef: {  	v2 =	vadd.f32 v2, v4;
	v4 =	vadd.f32 v8, v16;
	v8 =	vshra.s32 v3, $0x1  }
0x2f0: {  	v24 =	vshra.s32 v6, $0x1;
	v27 =	vmul.f32 $5.000000000e-01, v9;
	v8 =	vsub.s32 $0x5F3759DF, v8  }
0x2f1: {  	v13 =	vmul.f32 v8, v13;
	v25 =	vshra.s32 v2, $0x1;
	v26 =	vmul.f32 $5.000000000e-01, v2  }
0x2f2: {  	v47 =	vmul.f32 $5.000000000e-01, v6;
	v45 =	vmul.f32 $5.000000000e-01, v4;
	v25 =	vsub.s32 $0x5F3759DF, v25  }
0x2f3: {  	v46 =	vshra.s32 v4, $0x1;
	v13 =	vmul.f32 v8, v13;
	v26 =	vmul.f32 v25, v26  }
0x2f4: {  	v20 =	vsub.s32 $0x5F3759DF, v20;
	v24 =	vsub.s32 $0x5F3759DF, v24;
	v29 =	vsub.s32 $0x5F3759DF, v46  }
0x2f5: {  	v28 =	vmul.f32 v29, v45;
	v13 =	vsub.f32 $1.500000000e+00, v13;
	v26 =	vmul.f32 v25, v26  }
0x2f6: {  	v16 =	vmul.f32 $5.000000000e-01, v7;
	v19 =	vsub.s32 $0x5F3759DF, v19;
	v30 =	vmul.f32 v24, v47  }
0x2f7: {  	v8 =	vmul.f32 v8, v13;
	v13 =	vsub.f32 $1.500000000e+00, v26;
	v26 =	vmul.f32 v29, v28  }
0x2f8: {  	v14 =	vsub.s32 $0x5F3759DF, v14;
	v27 =	vmul.f32 v19, v27;
	v48 =	vmul.f32 v24, v30  }
0x2f9: {  	s9 =	sadd.s32 $0x10, s4;
	v3 =	vmul.f32 v8, v3;
	v8 =	vmul.f32 v25, v13;
	v13 =	vsub.f32 $1.500000000e+00, v26  }
0x2fa: {  	s10 =	sand.u32 $0xFFFFFF00, s9;
	v23 =	vmul.f32 v20, v23;
	v25 =	vsub.f32 $1.500000000e+00, v48;
	v26 =	vmul.f32 v19, v27  }
0x2fb: {  	s13 =	sadd.s32 $0x20, s4;
	s6 =	sshra.s32 s10, $0x1;
	s5 =	sand.u32 $0x7F, s9;
	v3 =	vadd.f32 $0.0e+00, v3;
	v2 =	vmul.f32 v8, v2;
	v8 =	vmul.f32 v29, v13  }
0x2fc: {  	s16 =	sand.u32 $0xFFFFFF00, s13;
	s5 =	sor.u32 s5, s6;
	v23 =	vmul.f32 v20, v23;
	v16 =	vmul.f32 v15, v16;
	v27 =	vld [tilespmem:s15+$0xFFFFCF20];
	v26 =	vsub.f32 $1.500000000e+00, v26  }
0x2fd: {  	s17 =	sand.u32 $0x7F, s13;
	s6 =	sshra.s32 s16, $0x1;
	v13 =	vld [tilespmem:s5+$0x9280];
	v2 =	vadd.f32 v2, v3;
	v3 =	vmul.f32 v8, v4;
	v4 =	vmul.f32 v24, v25  }
0x2fe: {  	v17 =	vmul.f32 v17, v22;
	v23 =	vsub.f32 $1.500000000e+00, v23;
	v16 =	vmul.f32 v15, v16;
	s5 =	sor.u32 s17, s6;
	v8 =	vld [tilespmem:s15+$0xFFFFDF20]  }
0x2ff: {  	v24 =	vld [tilespmem:s5+$0x9280];
	v2 =	vadd.f32 v3, v2;
	v3 =	vmul.f32 v4, v6;
	v4 =	vmul.f32 v19, v26  }
0x300: {  	v12 =	vmul.f32 v21, v12;
	v18 =	vmul.f32 v14, v18;
	v16 =	vsub.f32 $1.500000000e+00, v16;
	v6 =	vld [tilespmem:s15+$0xFFFFEF10]  }
0x301: {  	v19 =	vld [tilespmem:s15+$0xFFFFFF10];
	v2 =	vadd.f32 v3, v2;
	v3 =	vmul.f32 v4, v9;
	v4 =	vmul.f32 v20, v23  }
0x302: {  	v10 =	vsub.f32 v10, v11;
	v12 =	vadd.f32 v12, v17;
	v18 =	vmul.f32 v14, v18  }
0x303: {  	s18 =	sadd.s32 $0x30, s4;
	v9 =	vld [tilespmem:s15+$0xFFFFCF30];
	v2 =	vadd.f32 v3, v2;
	v3 =	vmul.f32 v4, v5;
	v4 =	vmul.f32 v15, v16  }
0x304: {  	s19 =	sand.u32 $0xFFFFFF00, s18;
	v22 =	vld [tilespmem:s15+$0xFFFFCF50];
	v15 =	vunpack.i.u.bf16.f32 v13;
	v16 =	vsub.f32 $1.500000000e+00, v18;
	v13 =	vunpack.i.l.bf16.f32 v13  }
0x305: {  	s6 =	sshra.s32 s19, $0x1;
	s5 =	sand.u32 $0x7F, s18;
	v20 =	vld [tilespmem:s15+$0xFFFFDF30];
	v18 =	vunpack.i.l.bf16.f32 v24;
	v17 =	vmul.f32 v8, v15;
	v15 =	vmul.f32 v27, v15  }
0x306: {  	v11 =	vld [tilespmem:s15+$0xFFFFEF20];
	s5 =	sor.u32 s5, s6;
	v8 =	vmul.f32 v8, v13;
	v6 =	vsub.f32 v10, v6;
	v12 =	vsub.f32 v12, v19  }
0x307: {  	v5 =	vld [tilespmem:s5+$0x9280];
	v2 =	vadd.f32 v3, v2;
	v4 =	vmul.f32 v4, v7;
	v3 =	vmul.f32 v14, v16  }
0x308: {  	s20 =	sadd.s32 $0x40, s4;
	v7 =	vld [tilespmem:s15+$0xFFFFFF20];
	v14 =	vmul.f32 v27, v13;
	v13 =	vunpack.i.u.bf16.f32 v24;
	v10 =	vmul.f32 v9, v18  }
0x309: {  	s29 =	sand.u32 $0xFFFFFF00, s20;
	v16 =	vld [tilespmem:s15+$0xFFFFCF40];
	v9 =	vmul.f32 v9, v13;
	v6 =	vmul.f32 v6, v6  }
0x30a: {  	s6 =	sshra.s32 s29, $0x1;
	s5 =	sand.u32 $0x7F, s20;
	v8 =	vadd.f32 v8, v15;
	v15 =	vld [tilespmem:s15+$0xFFFFFF30];
	v18 =	vmul.f32 v20, v18;
	v12 =	vmul.f32 v12, v12  }
0x30b: {  	s5 =	sor.u32 s5, s6;
	v2 =	vadd.f32 v4, v2;
	v4 =	vld [tilespmem:s15+$0xFFFFDF40];
	v14 =	vsub.f32 v14, v17;
	v17 =	vmul.f32 v20, v13  }
0x30c: {  	s7 =	sadd.s32 $0x50, s4;
	v21 =	vld [tilespmem:s5+$0x9280];
	v1 =	vmul.f32 v3, v1;
	v13 =	vunpack.i.u.bf16.f32 v5;
	v9 =	vadd.f32 v18, v9  }
0x30d: {  	s8 =	sand.u32 $0xFFFFFF00, s7;
	v19 =	vld [tilespmem:s15+$0xFFFFEF30];
	v5 =	vunpack.i.l.bf16.f32 v5;
	v6 =	vadd.f32 v12, v6;
	v11 =	vsub.f32 v14, v11  }
0x30e: {  	s6 =	sshra.s32 s8, $0x1;
	s5 =	sand.u32 $0x7F, s7;
	v14 =	vld [tilespmem:s15+$0xFFFFDF50];
	v7 =	vsub.f32 v8, v7;
	v8 =	vsub.f32 v10, v17;
	v10 =	vmul.f32 v16, v5  }
0x30f: {  	s5 =	sor.u32 s5, s6;
	v20 =	vld [tilespmem:s15+$0xFFFFFF40];
	v24 =	vmul.f32 $5.000000000e-01, v6;
	v11 =	vmul.f32 v11, v11  }
0x310: {  	v18 =	vld [tilespmem:s5+$0x9280];
	v9 =	vsub.f32 v9, v15;
	v17 =	vmul.f32 v4, v13;
	v13 =	vmul.f32 v16, v13  }
0x311: {  	v12 =	vld [tilespmem:s15+$0xFFFFEF40];
	v16 =	vunpack.i.u.bf16.f32 v21;
	v4 =	vmul.f32 v4, v5;
	v5 =	vunpack.i.l.bf16.f32 v21  }
0x312: {  	v15 =	vld [tilespmem:s15+$0xFFFFCF60];
	v7 =	vmul.f32 v7, v7;
	v8 =	vsub.f32 v8, v19;
	v9 =	vmul.f32 v9, v9  }
0x313: {  	s9 =	sadd.s32 $0x60, s4;
	v10 =	vsub.f32 v10, v17;
	v17 =	vmul.f32 v22, v5;
	v19 =	vmul.f32 v14, v16  }
0x314: {  	s10 =	sand.u32 $0xFFFFFF00, s9;
	v21 =	vld [tilespmem:s15+$0xFFFFDF60];
	v4 =	vadd.f32 v4, v13;
	v13 =	vmul.f32 v22, v16;
	v5 =	vmul.f32 v14, v5  }
0x315: {  	s6 =	sshra.s32 s10, $0x1;
	s5 =	sand.u32 $0x7F, s9;
	v16 =	vunpack.i.u.bf16.f32 v18;
	v18 =	vunpack.i.l.bf16.f32 v18;
	v22 =	vshra.s32 v6, $0x1  }
0x316: {  	v23 =	vld [tilespmem:s15+$0xFFFFEF50];
	s5 =	sor.u32 s5, s6;
	v11 =	vadd.f32 v7, v11;
	v7 =	vmul.f32 v8, v8;
	v10 =	vsub.f32 v10, v12  }
0x317: {  	v14 =	vld [tilespmem:s5+$0x9280];
	v4 =	vsub.f32 v4, v20;
	v17 =	vsub.f32 v17, v19;
	v19 =	vmul.f32 v15, v18  }
0x318: {  	s4 =	sadd.s32 $0x70, s4;
	v8 =	vld [tilespmem:s15+$0xFFFFFF50];
	v5 =	vadd.f32 v5, v13;
	v15 =	vmul.f32 v15, v16;
	v25 =	vshra.s32 v11, $0x1  }
0x319: {  	s13 =	sand.u32 $0xFFFFFF00, s4;
	v27 =	vld [tilespmem:s15+$0xFFFFEF60];
	v26 =	vmul.f32 $5.000000000e-01, v11;
	v20 =	vmul.f32 v21, v16;
	v16 =	vsub.s32 $0x5F3759DF, v22  }
0x31a: {  	s4 =	sand.u32 $0x7F, s4;
	s5 =	sshra.s32 s13, $0x1;
	v12 =	vld [tilespmem:s15+$0xFFFFCF70];
	v9 =	vadd.f32 v9, v7;
	v18 =	vmul.f32 v21, v18;
	v22 =	vmul.f32 v16, v24  }
0x31b: {  	s4 =	sor.u32 s4, s5;
	v13 =	vld [tilespmem:s15+$0xFFFFDF70];
	v25 =	vsub.s32 $0x5F3759DF, v25;
	v7 =	vmul.f32 v10, v10;
	v4 =	vmul.f32 v4, v4  }
0x31c: {  	v24 =	vld [tilespmem:s4+$0x9280];
	v10 =	vsub.f32 v17, v23;
	v26 =	vmul.f32 v25, v26;
	v51 =	vmul.f32 $5.000000000e-01, v9  }
0x31d: {  	v17 =	vld [tilespmem:s15+$0xFFFFFF60];
	v21 =	vunpack.i.u.bf16.f32 v14;
	v14 =	vunpack.i.l.bf16.f32 v14;
	v5 =	vsub.f32 v5, v8  }
0x31e: {  	v8 =	vsub.f32 v19, v20;
	v15 =	vadd.f32 v18, v15;
	v22 =	vmul.f32 v16, v22  }
0x31f: {  	v19 =	vld [tilespmem:s15+$0xFFFFCF80];
	v52 =	vadd.f32 v4, v7;
	v4 =	vmul.f32 v10, v10;
	v18 =	vmul.f32 v12, v14  }
0x320: {  	v23 =	vld [tilespmem:s15+$0xFFFFDF80];
	v49 =	vshra.s32 v9, $0x1;
	v20 =	vmul.f32 v13, v21;
	v12 =	vmul.f32 v12, v21  }
0x321: {  	v13 =	vmul.f32 v13, v14;
	v7 =	vsub.f32 v8, v27;
	v5 =	vmul.f32 v5, v5  }
0x322: {  	s4 =	sadd.s32 $0x2, s0;
	v27 =	vmul.f32 $5.000000000e-01, v52;
	v14 =	vunpack.i.u.bf16.f32 v24;
	v8 =	vsub.f32 v15, v17  }
0x323: {  	v21 =	vunpack.i.l.bf16.f32 v24;
	v24 =	vld [tilespmem:s4+$0x0];
	v10 =	vsub.f32 v18, v20;
	v12 =	vadd.f32 v13, v12  }
0x324: {  	v15 =	vld [tilespmem:s15+$0xFFFFEF70];
	v5 =	vadd.f32 v5, v4;
	v4 =	vmul.f32 v7, v7;
	v13 =	vmul.f32 v19, v21  }
0x325: {  	v17 =	vsub.s32 $0x5F3759DF, v49;
	v18 =	vld [tilespmem:s15+$0xFFFFFF70];
	v20 =	vmul.f32 v23, v14;
	v14 =	vmul.f32 v19, v14  }
0x326: {  	v19 =	vsub.f32 $1.500000000e+00, v22;
	v21 =	vmul.f32 v23, v21;
	v22 =	vmul.f32 v25, v26  }
0x327: {  	v23 =	vmul.f32 v17, v51;
	v8 =	vmul.f32 v8, v8;
	v13 =	vsub.f32 v13, v20  }
0x328: {  	v26 =	vld [tilespmem:s15+$0xFFFFEF80];
	v16 =	vmul.f32 v16, v19;
	v14 =	vadd.f32 v21, v14;
	(v2sf) =	vpush v24, $0x0  }
0x329: {  	v7 =	vld [tilespmem:s15+$0xFFFFFF80];
	v19 =	vmul.f32 v17, v23;
	v21 =	vshra.s32 v5, $0x1;
	v23 =	vadd.f32 v8, v4  }
0x32a: {  	v24 =	vshra.s32 v52, $0x1;
	v10 =	vsub.f32 v10, v15;
	v12 =	vsub.f32 v12, v18  }
0x32b: {  	v18 =	vsub.f32 $1.500000000e+00, v22;
	v22 =	vmul.f32 $5.000000000e-01, v5;
	v15 =	vsub.s32 $0x5F3759DF, v24  }
0x32c: {  	v6 =	vmul.f32 v16, v6;
	v16 =	vsub.f32 $1.500000000e+00, v19;
	v20 =	vmul.f32 v15, v27  }
0x32d: {  	v4 =	vmul.f32 v10, v10;
	v8 =	vmul.f32 v12, v12;
	v10 =	vsub.f32 v13, v26  }
0x32e: {  	v12 =	vsub.f32 v14, v7;
	v13 =	vmul.f32 v25, v18;
	v14 =	vsub.s32 $0x5F3759DF, v21  }
0x32f: {  	v21 =	vmul.f32 $5.000000000e-01, v23;
	v6 =	vadd.f32 $0.0e+00, v6;
	v19 =	vmul.f32 v14, v22  }
0x330: {  	v18 =	vmul.f32 v15, v20;
	v7 =	vadd.f32 v8, v4;
	v4 =	vmul.f32 v10, v10  }
0x331: {  	v20 =	vshra.s32 v23, $0x1;
	v8 =	vmul.f32 v12, v12;
	v11 =	vmul.f32 v13, v11  }
0x332: {  	v50 =	vld [tilespmem:s4+$0xFFFFFFFF];
	s15 =	simm.s32 $0x8470;
	v12 =	vmul.f32 v17, v16;
	v20 =	vsub.s32 $0x5F3759DF, v20;
	v17 =	vmul.f32 v14, v19  }
0x333: {  	v53 =	vld [tilespmem:s15+$0xFFFFDFD0];
	v16 =	vsub.f32 $1.500000000e+00, v18;
	v18 =	vmul.f32 v20, v21;
	v21 =	vshra.s32 v7, $0x1  }
0x334: {  	v62 =	vld [tilespmem:s15+$0xFFFFDFB0];
	v22 =	vmul.f32 $5.000000000e-01, v7;
	v4 =	vadd.f32 v8, v4;
	v6 =	vadd.f32 v11, v6  }
0x335: {  	v51 =	vld [tilespmem:s15+$0xFFFFCFA0];
	v9 =	vmul.f32 v12, v9;
	v8 =	vsub.s32 $0x5F3759DF, v21;
	v12 =	vmul.f32 v15, v16  }
0x336: {  	v46 =	vld [tilespmem:s15+$0xFFFFDFA0];
	v15 =	vsub.f32 $1.500000000e+00, v17;
	v16 =	vmul.f32 v20, v18;
	v18 =	vmul.f32 v8, v22  }
0x337: {  	v24 =	vld [tilespmem:s15+$0xFFFFDFF0];
	v21 =	vshra.s32 v4, $0x1;
	v22 =	vmul.f32 $5.000000000e-01, v4;
	v6 =	vadd.f32 v9, v6;
	s6 =	spop (v2sf)  }
0x338: {  	v25 =	vld [tilespmem:s15+$0xFFFFDF90];
	v9 =	vsub.s32 $0x5F3759DF, v21;
	v12 =	vmul.f32 v12, v52;
	v14 =	vmul.f32 v14, v15;
	s16 =	sadd.s32 $0x60, s6;
	s17 =	sadd.s32 $0x70, s6;
	s18 =	sand.u32 $0xFFFFFF00, s6  }
0x339: {  	v10 =	vld [tilespmem:s15+$0xFFFFD000];
	v3 =	vsub.f32 $1.500000000e+00, v16;
	v16 =	vmul.f32 v9, v22;
	v18 =	vmul.f32 v8, v18;
	s19 =	sand.u32 $0x7F, s6;
	s8 =	sshra.s32 s18, $0x1;
	s13 =	sand.u32 $0xFFFFFF00, s17  }
0x33a: {  	v2 =	vadd.f32 v1, v2;
	v17 =	vld [tilespmem:s15+$0xFFFFCF90];
	v6 =	vadd.f32 v12, v6;
	v5 =	vmul.f32 v14, v5;
	s7 =	sand.u32 $0x7F, s17;
	s8 =	sor.u32 s19, s8;
	s13 =	sshra.s32 s13, $0x1  }
0x33b: {  	v1 =	vmul.f32 v20, v3;
	v16 =	vmul.f32 v9, v16;
	v18 =	vsub.f32 $1.500000000e+00, v18;
	s29 =	sand.u32 $0xFFFFFF00, s16;
	v21 =	vld [tilespmem:s8+$0x9280];
	s7 =	sor.u32 s7, s13  }
0x33c: {  	(v2sf) =	vpush v50, $0x0;
	v5 =	vadd.f32 v5, v6;
	s20 =	sadd.s32 $0x50, s6;
	s5 =	sand.u32 $0x7F, s16;
	s9 =	sshra.s32 s29, $0x1;
	v15 =	vld [tilespmem:s7+$0x9280]  }
0x33d: {  	v13 =	vld [tilespmem:s15+$0xFFFFE000];
	v6 =	vmul.f32 v1, v23;
	v16 =	vsub.f32 $1.500000000e+00, v16;
	v8 =	vmul.f32 v8, v18;
	s16 =	sand.u32 $0xFFFFFF00, s20;
	s5 =	sor.u32 s5, s9  }
0x33e: {  	s18 =	sshra.s32 s16, $0x1;
	s19 =	sand.u32 $0x7F, s20;
	v12 =	vld [tilespmem:s5+$0x9280]  }
0x33f: {  	v19 =	vld [tilespmem:s15+$0xFFFFCFF0];
	v8 =	vmul.f32 v8, v7;
	v9 =	vmul.f32 v9, v16;
	v5 =	vadd.f32 v6, v5;
	s17 =	sadd.s32 $0x40, s6;
	s20 =	simm.s32 $0x1;
	s8 =	sor.u32 s19, s18  }
0x340: {  	s29 =	sand.u32 $0xFFFFFF00, s17;
	v3 =	vor.u32 s20, v0;
	v20 =	vld [tilespmem:s8+$0x9280];
	v1 =	vunpack.i.u.bf16.f32 v21;
	v21 =	vunpack.i.l.bf16.f32 v21  }
0x341: {  	v11 =	vld [tilespmem:s15+$0xFFFFCFE0];
	s16 =	sshra.s32 s29, $0x1;
	s7 =	sand.u32 $0x7F, s17;
	v26 =	vunpack.i.u.bf16.f32 v15;
	v27 =	vmul.f32 v17, v21;
	v28 =	vmul.f32 v25, v1  }
0x342: {  	v14 =	vld [tilespmem:s15+$0xFFFFDFE0];
	s7 =	sor.u32 s7, s16;
	v15 =	vunpack.i.l.bf16.f32 v15;
	v1 =	vmul.f32 v17, v1;
	v17 =	vmul.f32 v25, v21  }
0x343: {  	s18 =	sadd.s32 $0x20, s6;
	v23 =	vld [tilespmem:s7+$0x9280];
	v54 =	vunpack.i.u.bf16.f32 v12;
	v32 =	vmul.f32 v10, v15;
	v56 =	vmul.f32 v13, v26  }
0x344: {  	v22 =	vld [tilespmem:s15+$0xFFFFCFD0];
	s13 =	sadd.s32 $0x30, s6;
	s19 =	sand.u32 $0xFFFFFF00, s18;
	v12 =	vunpack.i.l.bf16.f32 v12;
	v10 =	vmul.f32 v10, v26;
	v13 =	vmul.f32 v13, v15  }
0x345: {  	v47 =	vld [tilespmem:s15+$0xFFFFFFD0];
	s17 =	sand.u32 $0xFFFFFF00, s13;
	s20 =	sand.u32 $0x7F, s18;
	s7 =	sshra.s32 s19, $0x1;
	v55 =	vunpack.i.u.bf16.f32 v20;
	v35 =	vmul.f32 v19, v12;
	v58 =	vmul.f32 v24, v54  }
0x346: {  	v7 =	vld [tilespmem:s15+$0xFFFFFFC0];
	s5 =	sand.u32 $0x7F, s13;
	s8 =	sshra.s32 s17, $0x1;
	s7 =	sor.u32 s20, s7;
	v20 =	vunpack.i.l.bf16.f32 v20;
	v19 =	vmul.f32 v19, v54;
	v12 =	vmul.f32 v24, v12  }
0x347: {  	v5 =	vadd.f32 v8, v5;
	s5 =	sor.u32 s5, s8;
	v57 =	vld [tilespmem:s7+$0x9280];
	v38 =	vmul.f32 v11, v20;
	v61 =	vmul.f32 v14, v55  }
0x348: {  	v21 =	vld [tilespmem:s5+$0x9280];
	v11 =	vmul.f32 v11, v55;
	v26 =	vunpack.i.u.bf16.f32 v23;
	v23 =	vunpack.i.l.bf16.f32 v23  }
0x349: {  	s6 =	sadd.s32 $0x10, s6;
	v25 =	vld [tilespmem:s15+$0xFFFFCFC0];
	v14 =	vmul.f32 v14, v20;
	v1 =	vadd.f32 v17, v1;
	v48 =	vmul.f32 v22, v23  }
0x34a: {  	s29 =	sand.u32 $0xFFFFFF00, s6;
	v15 =	vld [tilespmem:s15+$0xFFFFDFC0];
	v49 =	vmul.f32 v53, v26;
	v56 =	vsub.f32 v32, v56;
	v58 =	vsub.f32 v35, v58  }
0x34b: {  	s6 =	sand.u32 $0x7F, s6;
	s16 =	spop (v2sf);
	s5 =	sshra.s32 s29, $0x1;
	v24 =	vld [tilespmem:s15+$0xFFFFCFB0];
	v22 =	vmul.f32 v22, v26;
	v10 =	vadd.f32 v13, v10;
	v61 =	vsub.f32 v38, v61  }
0x34c: {  	s8 =	sand.u32 $0xFFFFFF00, s16;
	s5 =	sor.u32 s6, s5;
	v55 =	vld [tilespmem:s15+$0x0];
	v23 =	vmul.f32 v53, v23;
	v19 =	vadd.f32 v12, v19;
	v14 =	vadd.f32 v14, v11  }
0x34d: {  	s10 =	sand.u32 $0x7F, s16;
	s9 =	sshra.s32 s8, $0x1;
	v59 =	vld [tilespmem:s5+$0x9280];
	v63 =	vunpack.i.u.bf16.f32 v57;
	v34 =	vunpack.i.l.bf16.f32 v57;
	v60 =	vunpack.i.u.bf16.f32 v21  }
0x34e: {  	v16 =	vld [tilespmem:s15+$0xFFFFEFB0];
	s5 =	sor.u32 s10, s9;
	v21 =	vunpack.i.l.bf16.f32 v21;
	v54 =	vmul.f32 v62, v63;
	v57 =	vmul.f32 v62, v34  }
0x34f: {  	v20 =	vld [tilespmem:s5+$0x9280];
	v22 =	vadd.f32 v23, v22;
	v52 =	vmul.f32 v25, v21;
	v53 =	vmul.f32 v15, v60  }
0x350: {  	v26 =	vld [tilespmem:s15+$0xFFFFF000];
	v25 =	vmul.f32 v25, v60;
	v15 =	vmul.f32 v15, v21;
	v21 =	vsub.f32 v27, v28  }
0x351: {  	v13 =	vld [tilespmem:s15+$0xFFFFEF90];
	v27 =	vmul.f32 v24, v34;
	v17 =	vmul.f32 v24, v63;
	v63 =	vsub.f32 v48, v49  }
0x352: {  	v62 =	vld [tilespmem:s15+$0xFFFFFF90];
	v10 =	vsub.f32 v10, v55;
	v50 =	vunpack.i.u.bf16.f32 v59;
	v37 =	vunpack.i.l.bf16.f32 v59  }
0x353: {  	v23 =	vld [tilespmem:s15+$0xFFFFEFE0];
	v22 =	vsub.f32 v22, v47;
	v60 =	vmul.f32 v51, v37;
	v12 =	vmul.f32 v46, v50  }
0x354: {  	v24 =	vld [tilespmem:s15+$0xFFFFEFF0];
	v29 =	vmul.f32 v51, v50;
	v45 =	vsub.f32 v52, v53;
	v27 =	vsub.f32 v27, v54  }
0x355: {  	v49 =	vld [tilespmem:s15+$0xFFFFFFB0];
	v37 =	vmul.f32 v46, v37;
	v15 =	vadd.f32 v15, v25;
	v17 =	vadd.f32 v57, v17  }
0x356: {  	v59 =	vld [tilespmem:s15+$0xFFFFFFF0];
	v11 =	vunpack.i.u.bf16.f32 v20;
	v13 =	vsub.f32 v21, v13;
	v26 =	vsub.f32 v56, v26  }
0x357: {  	v25 =	vld [tilespmem:s15+$0xFFFFFFE0];
	v10 =	vmul.f32 v10, v10;
	v22 =	vmul.f32 v22, v22;
	v18 =	vsub.f32 v60, v12  }
0x358: {  	v46 =	vld [tilespmem:s15+$0xFFFFEFD0];
	v21 =	vadd.f32 v37, v29;
	v12 =	vunpack.i.l.bf16.f32 v20;
	v20 =	vsub.f32 v1, v62  }
0x359: {  	v50 =	vld [tilespmem:s15+$0xFFFFFFA0];
	v23 =	vsub.f32 v61, v23;
	v13 =	vmul.f32 v13, v13;
	v7 =	vsub.f32 v15, v7  }
0x35a: {  	v26 =	vmul.f32 v26, v26;
	v16 =	vsub.f32 v27, v16;
	v24 =	vsub.f32 v58, v24  }
0x35b: {  	v48 =	vld [tilespmem:s15+$0xFFFFEFC0];
	v17 =	vsub.f32 v17, v49;
	v20 =	vmul.f32 v20, v20;
	v23 =	vmul.f32 v23, v23  }
0x35c: {  	v27 =	vld [tilespmem:s15+$0xFFFFCF10];
	v19 =	vsub.f32 v19, v59;
	v7 =	vmul.f32 v7, v7;
	v16 =	vmul.f32 v16, v16  }
0x35d: {  	v28 =	vsub.f32 v63, v46;
	v14 =	vsub.f32 v14, v25;
	v15 =	vmul.f32 v24, v24  }
0x35e: {  	v25 =	vld [tilespmem:s15+$0xFFFFEFA0];
	v21 =	vsub.f32 v21, v50;
	v17 =	vmul.f32 v17, v17;
	v19 =	vmul.f32 v19, v19  }
0x35f: {  	s13 =	simm.s32 $0x0;
	v13 =	vadd.f32 v20, v13;
	v20 =	vadd.f32 v10, v26;
	v10 =	vmul.f32 v9, v4  }
0x360: {  	v1 =	vor.u32 s13, v0;
	v14 =	vmul.f32 v14, v14;
	v24 =	vmul.f32 v28, v28  }
0x361: {  	v51 =	vsub.f32 v45, v48;
	v21 =	vmul.f32 v21, v21;
	v9 =	vmul.f32 v27, v12  }
0x362: {  	v16 =	vadd.f32 v17, v16;
	v15 =	vadd.f32 v19, v15;
	v17 =	vshra.s32 v13, $0x1  }
0x363: {  	v19 =	vmul.f32 $5.000000000e-01, v13;
	v14 =	vadd.f32 v14, v23;
	v18 =	vsub.f32 v18, v25  }
0x364: {  	v17 =	vsub.s32 $0x5F3759DF, v17;
	v57 =	vmul.f32 $5.000000000e-01, v16;
	v25 =	vmul.f32 v51, v51  }
0x365: {  	v59 =	vshra.s32 v16, $0x1;
	v23 =	vmul.f32 $5.000000000e-01, v15;
	v18 =	vmul.f32 v18, v18  }
0x366: {  	v19 =	vmul.f32 v17, v19;
	v35 =	vsub.s32 $0x5F3759DF, v59;
	v26 =	vshra.s32 v14, $0x1  }
0x367: {  	v52 =	vmul.f32 $5.000000000e-01, v14;
	v33 =	vmul.f32 v35, v57;
	v18 =	vadd.f32 v21, v18  }
0x368: {  	v4 =	vadd.f32 v7, v25;
	v7 =	vadd.f32 v22, v24;
	v22 =	vshra.s32 v15, $0x1  }
0x369: {  	v24 =	vmul.f32 $5.000000000e-01, v20;
	v55 =	vshra.s32 v18, $0x1;
	v56 =	vmul.f32 $5.000000000e-01, v18  }
0x36a: {  	v19 =	vmul.f32 v17, v19;
	v26 =	vsub.s32 $0x5F3759DF, v26;
	v31 =	vsub.s32 $0x5F3759DF, v55  }
0x36b: {  	v22 =	vsub.s32 $0x5F3759DF, v22;
	v60 =	vmul.f32 v35, v33;
	v32 =	vmul.f32 v31, v56  }
0x36c: {  	v28 =	vmul.f32 v26, v52;
	v53 =	vshra.s32 v4, $0x1;
	v58 =	vmul.f32 $5.000000000e-01, v4  }
0x36d: {  	v19 =	vsub.f32 $1.500000000e+00, v19;
	v29 =	vsub.s32 $0x5F3759DF, v53;
	v32 =	vmul.f32 v31, v32  }
0x36e: {  	v25 =	vshra.s32 v7, $0x1;
	v54 =	vmul.f32 $5.000000000e-01, v7;
	v34 =	vmul.f32 v29, v58  }
0x36f: {  	v25 =	vsub.s32 $0x5F3759DF, v25;
	v17 =	vmul.f32 v17, v19;
	v19 =	vsub.f32 $1.500000000e+00, v32  }
0x370: {  	v21 =	vshra.s32 v20, $0x1;
	v30 =	vmul.f32 v25, v54;
	v61 =	vmul.f32 v29, v34  }
0x371: {  	s17 =	sadd.s32 $0x10, s16;
	v13 =	vmul.f32 v17, v13;
	v17 =	vmul.f32 v31, v19;
	v19 =	vsub.f32 $1.500000000e+00, v60  }
0x372: {  	s18 =	sand.u32 $0xFFFFFF00, s17;
	v23 =	vmul.f32 v22, v23;
	v30 =	vmul.f32 v25, v30;
	v62 =	vsub.f32 $1.500000000e+00, v61  }
0x373: {  	s6 =	sshra.s32 s18, $0x1;
	s5 =	sand.u32 $0x7F, s17;
	v63 =	vld [tilespmem:s15+$0xFFFFDF10];
	v13 =	vadd.f32 $0.0e+00, v13;
	v17 =	vmul.f32 v17, v18;
	v18 =	vmul.f32 v35, v19  }
0x374: {  	v36 =	vld [tilespmem:s15+$0xFFFFFF20];
	s19 =	sadd.s32 $0x20, s16;
	s5 =	sor.u32 s5, s6;
	v21 =	vsub.s32 $0x5F3759DF, v21;
	v28 =	vmul.f32 v26, v28;
	v19 =	vsub.f32 $1.500000000e+00, v30  }
0x375: {  	s20 =	sand.u32 $0xFFFFFF00, s19;
	v34 =	vld [tilespmem:s5+$0x9280];
	v13 =	vadd.f32 v17, v13;
	v16 =	vmul.f32 v18, v16;
	v17 =	vmul.f32 v29, v62  }
0x376: {  	s29 =	sand.u32 $0x7F, s19;
	s6 =	sshra.s32 s20, $0x1;
	v23 =	vmul.f32 v22, v23;
	v24 =	vmul.f32 v21, v24;
	v28 =	vsub.f32 $1.500000000e+00, v28;
	v35 =	vld [tilespmem:s15+$0xFFFFDF20]  }
0x377: {  	s5 =	sor.u32 s29, s6;
	v18 =	vld [tilespmem:s15+$0xFFFFCF20];
	v13 =	vadd.f32 v16, v13;
	v4 =	vmul.f32 v17, v4;
	v16 =	vmul.f32 v25, v19  }
0x378: {  	s7 =	sadd.s32 $0x30, s16;
	v12 =	vmul.f32 v63, v12;
	v23 =	vsub.f32 $1.500000000e+00, v23;
	v24 =	vmul.f32 v21, v24;
	v19 =	vld [tilespmem:s5+$0x9280]  }
0x379: {  	s8 =	sand.u32 $0xFFFFFF00, s7;
	v25 =	vld [tilespmem:s15+$0xFFFFEF10];
	v4 =	vadd.f32 v4, v13;
	v7 =	vmul.f32 v16, v7;
	v13 =	vmul.f32 v26, v28  }
0x37a: {  	s9 =	sadd.s32 $0x40, s16;
	s6 =	sshra.s32 s8, $0x1;
	v24 =	vsub.f32 $1.500000000e+00, v24;
	v17 =	vmul.f32 v63, v11;
	v11 =	vmul.f32 v27, v11;
	s5 =	sand.u32 $0x7F, s7;
	v16 =	vld [tilespmem:s15+$0xFFFFFF10]  }
0x37b: {  	s13 =	sand.u32 $0xFFFFFF00, s9;
	s5 =	sor.u32 s5, s6;
	v26 =	vld [tilespmem:s15+$0xFFFFCF30];
	v4 =	vadd.f32 v7, v4;
	v7 =	vmul.f32 v13, v14;
	v13 =	vmul.f32 v22, v23  }
0x37c: {  	s17 =	sshra.s32 s13, $0x1;
	v9 =	vsub.f32 v9, v17;
	v27 =	vld [tilespmem:s5+$0x9280];
	v12 =	vadd.f32 v12, v11;
	s5 =	sand.u32 $0x7F, s9;
	v22 =	vunpack.i.u.bf16.f32 v34  }
0x37d: {  	s5 =	sor.u32 s5, s17;
	v14 =	vld [tilespmem:s15+$0xFFFFDF30];
	v23 =	vunpack.i.l.bf16.f32 v34;
	v4 =	vadd.f32 v7, v4;
	v7 =	vmul.f32 v13, v15  }
0x37e: {  	s18 =	sadd.s32 $0x50, s16;
	v9 =	vsub.f32 v9, v25;
	v25 =	vld [tilespmem:s5+$0x9280];
	v13 =	vmul.f32 v21, v24;
	v21 =	vmul.f32 v18, v23  }
0x37f: {  	s19 =	sand.u32 $0xFFFFFF00, s18;
	s5 =	sand.u32 $0x7F, s18;
	s18 =	sadd.s32 $0x2, s4;
	v15 =	vld [tilespmem:s15+$0xFFFFEF20];
	v24 =	vmul.f32 v35, v22;
	v22 =	vmul.f32 v18, v22;
	v12 =	vsub.f32 v12, v16  }
0x380: {  	v47 =	vld [tilespmem:s18+$0x0];
	v9 =	vmul.f32 v9, v9;
	v17 =	vadd.f32 v7, v4;
	v18 =	vmul.f32 v13, v20  }
0x381: {  	v49 =	vld [tilespmem:s18+$0xFFFFFFFF];
	v7 =	vmul.f32 v35, v23;
	v13 =	vunpack.i.l.bf16.f32 v19;
	v19 =	vunpack.i.u.bf16.f32 v19  }
0x382: {  	s10 =	simm.s32 $0x3;
	v4 =	vld [tilespmem:s15+$0xFFFFCF40];
	v16 =	vsub.f32 v21, v24;
	v23 =	vmul.f32 v26, v13;
	v21 =	vmul.f32 v14, v19  }
0x383: {  	v11 =	vor.u32 s10, v0;
	v20 =	vld [tilespmem:s15+$0xFFFFDF40];
	v19 =	vmul.f32 v26, v19;
	v13 =	vmul.f32 v14, v13  }
0x384: {  	v12 =	vmul.f32 v12, v12;
	v7 =	vadd.f32 v7, v22;
	v18 =	vadd.f32 v18, v17  }
0x385: {  	v24 =	vld [tilespmem:s15+$0xFFFFEF30];
	v14 =	vunpack.i.l.bf16.f32 v27;
	v15 =	vsub.f32 v16, v15;
	v21 =	vsub.f32 v23, v21  }
0x386: {  	v26 =	vld [tilespmem:s15+$0xFFFFFF30];
	v22 =	vunpack.i.u.bf16.f32 v27;
	v13 =	vadd.f32 v13, v19;
	v9 =	vadd.f32 v12, v9  }
0x387: {  	v27 =	vld [tilespmem:s15+$0xFFFFCF50];
	(v2sf) =	vpush v47, $0x0;
	v7 =	vsub.f32 v7, v36;
	v19 =	vmul.f32 v4, v14  }
0x388: {  	s6 =	sshra.s32 s19, $0x1;
	v16 =	vld [tilespmem:s15+$0xFFFFDF50];
	(v2sf) =	vpush v49, $0x0;
	v37 =	vmul.f32 v20, v22;
	v4 =	vmul.f32 v4, v22  }
0x389: {  	v38 =	vld [tilespmem:s15+$0xFFFFEF40];
	s5 =	sor.u32 s5, s6;
	v22 =	vunpack.i.u.bf16.f32 v25;
	v12 =	vmul.f32 v20, v14;
	v14 =	vunpack.i.l.bf16.f32 v25  }
0x38a: {  	v23 =	vld [tilespmem:s5+$0x9280];
	v15 =	vmul.f32 v15, v15;
	v21 =	vsub.f32 v21, v24;
	v39 =	vshra.s32 v9, $0x1  }
0x38b: {  	v20 =	vld [tilespmem:s15+$0xFFFFFF40];
	v40 =	vmul.f32 $5.000000000e-01, v9;
	v7 =	vmul.f32 v7, v7;
	v13 =	vsub.f32 v13, v26  }
0x38c: {  	s20 =	sadd.s32 $0x60, s16;
	v24 =	vld [tilespmem:s15+$0xFFFFCF60];
	v28 =	vsub.s32 $0x5F3759DF, v39;
	v25 =	vmul.f32 v27, v14;
	v21 =	vmul.f32 v21, v21  }
0x38d: {  	s29 =	sand.u32 $0xFFFFFF00, s20;
	v4 =	vadd.f32 v12, v4;
	v30 =	vmul.f32 v28, v40;
	v12 =	vmul.f32 v16, v22  }
0x38e: {  	s6 =	sshra.s32 s29, $0x1;
	s5 =	sand.u32 $0x7F, s20;
	v26 =	vld [tilespmem:s15+$0xFFFFDF60];
	v19 =	vsub.f32 v19, v37;
	v22 =	vmul.f32 v27, v22;
	v14 =	vmul.f32 v16, v14  }
0x38f: {  	s5 =	sor.u32 s5, s6;
	v16 =	vunpack.i.u.bf16.f32 v23;
	v23 =	vunpack.i.l.bf16.f32 v23;
	v15 =	vadd.f32 v7, v15  }
0x390: {  	s7 =	sadd.s32 $0x70, s16;
	v27 =	vld [tilespmem:s5+$0x9280];
	v13 =	vmul.f32 v13, v13;
	v19 =	vsub.f32 v19, v38;
	v30 =	vmul.f32 v28, v30  }
0x391: {  	s8 =	sand.u32 $0xFFFFFF00, s7;
	v7 =	vld [tilespmem:s15+$0xFFFFEF50];
	v4 =	vsub.f32 v4, v20;
	v12 =	vsub.f32 v25, v12;
	v20 =	vmul.f32 v24, v23  }
0x392: {  	v41 =	vld [tilespmem:s15+$0xFFFFFF50];
	s6 =	sshra.s32 s8, $0x1;
	s5 =	sand.u32 $0x7F, s7;
	v14 =	vadd.f32 v14, v22;
	v43 =	vshra.s32 v15, $0x1;
	v44 =	vmul.f32 $5.000000000e-01, v15  }
0x393: {  	s5 =	sor.u32 s5, s6;
	v25 =	vld [tilespmem:s15+$0xFFFFCF70];
	v21 =	vadd.f32 v13, v21;
	v22 =	vmul.f32 v26, v16;
	v16 =	vmul.f32 v24, v16  }
0x394: {  	v42 =	vld [tilespmem:s5+$0x9280];
	v23 =	vmul.f32 v26, v23;
	v13 =	vmul.f32 v19, v19;
	v45 =	vsub.s32 $0x5F3759DF, v43  }
0x395: {  	v24 =	vld [tilespmem:s15+$0xFFFFDF70];
	v4 =	vmul.f32 v4, v4;
	v33 =	vmul.f32 v45, v44;
	v48 =	vshra.s32 v21, $0x1  }
0x396: {  	v19 =	vld [tilespmem:s15+$0xFFFFEF60];
	v50 =	vmul.f32 $5.000000000e-01, v21;
	v26 =	vunpack.i.u.bf16.f32 v27;
	v7 =	vsub.f32 v12, v7  }
0x397: {  	v27 =	vunpack.i.l.bf16.f32 v27;
	v12 =	vsub.f32 v14, v41;
	v14 =	vld [tilespmem:s15+$0xFFFFFF60];
	v20 =	vsub.f32 v20, v22  }
0x398: {  	v16 =	vadd.f32 v23, v16;
	v52 =	vmul.f32 v45, v33;
	v22 =	vmul.f32 v25, v27  }
0x399: {  	v23 =	vld [tilespmem:s15+$0xFFFFCF80];
	v51 =	vadd.f32 v4, v13;
	v25 =	vmul.f32 v25, v26;
	v4 =	vmul.f32 v7, v7  }
0x39a: {  	v31 =	vunpack.i.l.bf16.f32 v42;
	v7 =	vmul.f32 v12, v12;
	v46 =	vmul.f32 v24, v26  }
0x39b: {  	v26 =	vld [tilespmem:s15+$0xFFFFDF80];
	v24 =	vmul.f32 v24, v27;
	v27 =	vunpack.i.u.bf16.f32 v42;
	v12 =	vsub.f32 v20, v19  }
0x39c: {  	v55 =	vshra.s32 v51, $0x1;
	v56 =	vmul.f32 $5.000000000e-01, v51;
	v13 =	vsub.f32 v16, v14;
	v14 =	vld [tilespmem:s15+$0xFFFFEF70]  }
0x39d: {  	v57 =	vadd.f32 v7, v4;
	v33 =	vsub.s32 $0x5F3759DF, v55;
	v16 =	vsub.f32 v22, v46;
	v22 =	vld [tilespmem:s15+$0xFFFFFF70]  }
0x39e: {  	v19 =	vadd.f32 v24, v25;
	v20 =	vmul.f32 v23, v31;
	v23 =	vmul.f32 v23, v27  }
0x39f: {  	v24 =	vsub.s32 $0x5F3759DF, v48;
	v7 =	vmul.f32 v12, v12;
	v12 =	vmul.f32 v13, v13  }
0x3a0: {  	v54 =	vld [tilespmem:s15+$0xFFFFEF80];
	v53 =	vmul.f32 v24, v50;
	v25 =	vmul.f32 v26, v27;
	v27 =	vsub.f32 $1.500000000e+00, v30  }
0x3a1: {  	v4 =	vld [tilespmem:s15+$0xFFFFFF80];
	v26 =	vmul.f32 v26, v31;
	v58 =	vadd.f32 v12, v7;
	v13 =	vsub.f32 v16, v14  }
0x3a2: {  	v14 =	vsub.f32 v19, v22;
	v16 =	vsub.f32 v20, v25;
	v19 =	vmul.f32 v28, v27  }
0x3a3: {  	v20 =	vsub.f32 $1.500000000e+00, v52;
	v22 =	vadd.f32 v26, v23;
	v23 =	vmul.f32 v24, v53  }
0x3a4: {  	v25 =	vmul.f32 v33, v56;
	v26 =	vshra.s32 v57, $0x1;
	v27 =	vmul.f32 $5.000000000e-01, v57  }
0x3a5: {  	v26 =	vsub.s32 $0x5F3759DF, v26;
	v7 =	vmul.f32 v13, v13;
	v12 =	vmul.f32 v14, v14  }
0x3a6: {  	v13 =	vsub.f32 v16, v54;
	v4 =	vsub.f32 v22, v4;
	v9 =	vmul.f32 v19, v9  }
0x3a7: {  	v14 =	vmul.f32 v45, v20;
	v16 =	vsub.f32 $1.500000000e+00, v23;
	v19 =	vmul.f32 v33, v25  }
0x3a8: {  	v20 =	vmul.f32 v26, v27;
	v22 =	vshra.s32 v58, $0x1;
	v23 =	vmul.f32 $5.000000000e-01, v58  }
0x3a9: {  	s16 =	simm.s32 $0x8570;
	v25 =	vsub.s32 $0x5F3759DF, v22;
	v7 =	vadd.f32 v12, v7;
	v22 =	vmul.f32 v13, v13  }
0x3aa: {  	v17 =	vld [tilespmem:s16+$0xFFFFDFE0];
	v4 =	vmul.f32 v4, v4;
	v9 =	vadd.f32 $0.0e+00, v9;
	v14 =	vmul.f32 v14, v15  }
0x3ab: {  	[tilespmem:v11+s26+$0x0] =	vst.idx.msk $0xffff, v18;
	v18 =	vld [tilespmem:s16+$0xFFFFCFD0];
	v24 =	vmul.f32 v24, v16;
	v19 =	vsub.f32 $1.500000000e+00, v19;
	v20 =	vmul.f32 v26, v20  }
0x3ac: {  	s17 =	simm.s32 $0x2;
	s15 =	simm.s32 $0x4;
	s6 =	spop (v2sf);
	v13 =	vld [tilespmem:s16+$0xFFFFD000];
	v23 =	vmul.f32 v25, v23;
	v27 =	vshra.s32 v7, $0x1;
	v59 =	vmul.f32 $5.000000000e-01, v7  }
0x3ad: {  	s5 =	sadd.s32 $0x60, s6;
	s9 =	sadd.s32 $0x70, s6;
	s13 =	sand.u32 $0xFFFFFF00, s6;
	v16 =	vld [tilespmem:s16+$0xFFFFE000];
	v4 =	vadd.f32 v4, v22;
	v9 =	vadd.f32 v14, v9;
	v21 =	vmul.f32 v24, v21  }
0x3ae: {  	s4 =	spop (v2sf);
	s19 =	sand.u32 $0x7F, s6;
	s10 =	sadd.s32 $0x50, s6;
	v12 =	vld [tilespmem:s16+$0xFFFFCFF0];
	v22 =	vmul.f32 v33, v19;
	v24 =	vsub.f32 $1.500000000e+00, v20;
	v27 =	vsub.s32 $0x5F3759DF, v27  }
0x3af: {  	s8 =	sshra.s32 s13, $0x1;
	s20 =	sand.u32 $0xFFFFFF00, s9;
	s7 =	sand.u32 $0x7F, s9;
	v23 =	vmul.f32 v25, v23;
	v19 =	vld [tilespmem:s16+$0xFFFFCF90];
	v29 =	vmul.f32 v27, v59;
	v60 =	vshra.s32 v4, $0x1  }
0x3b0: {  	s29 =	sand.u32 $0xFFFFFF00, s5;
	s8 =	sor.u32 s19, s8;
	s13 =	sshra.s32 s20, $0x1;
	v20 =	vld [tilespmem:s16+$0xFFFFDF90];
	v61 =	vmul.f32 $5.000000000e-01, v4;
	v21 =	vadd.f32 v21, v9;
	v62 =	vmul.f32 v22, v51  }
0x3b1: {  	s5 =	sand.u32 $0x7F, s5;
	s9 =	sshra.s32 s29, $0x1;
	s19 =	sor.u32 s7, s13;
	v22 =	vld [tilespmem:s8+$0x9280];
	v26 =	vmul.f32 v26, v24;
	v23 =	vsub.f32 $1.500000000e+00, v23;
	v9 =	vsub.s32 $0x5F3759DF, v60  }
0x3b2: {  	[tilespmem:v3+s26+$0x0] =	vst.idx.msk $0xffff, v2;
	s20 =	sand.u32 $0xFFFFFF00, s10;
	s29 =	sadd.s32 $0x40, s6;
	s5 =	sor.u32 s5, s9;
	v24 =	vld [tilespmem:s19+$0x9280];
	v29 =	vmul.f32 v27, v29;
	v31 =	vmul.f32 v9, v61  }
0x3b3: {  	s10 =	sand.u32 $0x7F, s10;
	s7 =	sand.u32 $0xFFFFFF00, s4;
	s13 =	sshra.s32 s20, $0x1;
	v63 =	vadd.f32 v62, v21;
	v21 =	vld [tilespmem:s5+$0x9280];
	v2 =	vmul.f32 v26, v57;
	v3 =	vmul.f32 v25, v23  }
0x3b4: {  	s9 =	sadd.s32 $0x30, s6;
	s20 =	sand.u32 $0xFFFFFF00, s29;
	s10 =	sor.u32 s10, s13;
	v15 =	vld [tilespmem:s16+$0xFFFFDFF0];
	v6 =	vsub.f32 $1.500000000e+00, v29;
	v26 =	vmul.f32 v9, v31  }
0x3b5: {  	v5 =	vadd.f32 v10, v5;
	s29 =	sand.u32 $0x7F, s29;
	s8 =	sadd.s32 $0x20, s6;
	s5 =	sshra.s32 s20, $0x1;
	v23 =	vld [tilespmem:s10+$0x9280];
	v2 =	vadd.f32 v2, v63;
	v3 =	vmul.f32 v3, v58  }
0x3b6: {  	v14 =	vld [tilespmem:s16+$0xFFFFCFE0];
	s19 =	sand.u32 $0xFFFFFF00, s9;
	s20 =	simm.s32 $0x6;
	s10 =	sor.u32 s29, s5;
	v25 =	vunpack.i.u.bf16.f32 v22;
	v8 =	vmul.f32 v27, v6;
	v11 =	vsub.f32 $1.500000000e+00, v26  }
.LBB2_5:
0x3b7: {  	p1 =	slt.u32 s20, $0x1E;
	v6 =	vunpack.i.l.bf16.f32 v22;
	s5 =	sshra.s32 s19, $0x1;
	s9 =	sand.u32 $0x7F, s9;
	v10 =	vld [tilespmem:s10+$0x9280];
	v22 =	vunpack.i.u.bf16.f32 v24;
	v24 =	vunpack.i.l.bf16.f32 v24  }
0x3b8: {  	s7 =	sshra.s32 s7, $0x1;
	v27 =	vmul.f32 v20, v25;
	s10 =	sand.u32 $0xFFFFFF00, s8;
	v26 =	vmul.f32 v19, v6;
	s5 =	sor.u32 s9, s5;
	v28 =	vld [tilespmem:s16+$0xFFFFDFD0];
	v29 =	vunpack.i.u.bf16.f32 v21;
	[tilespmem:v1+s26+$0x0] =	vst.idx.msk $0xffff, v5  }
0x3b9: {  	s6 =	sadd.s32 $0x10, s6;
	s8 =	sand.u32 $0x7F, s8;
	v1 =	vmul.f32 v19, v25;
	v5 =	vmul.f32 v20, v6;
	s9 =	sshra.s32 s10, $0x1;
	v19 =	vunpack.i.l.bf16.f32 v21;
	v6 =	vld [tilespmem:s5+$0x9280]  }
0x3ba: {  	s10 =	sand.u32 $0xFFFFFF00, s6;
	v25 =	vmul.f32 v13, v24;
	v30 =	vmul.f32 v16, v22;
	s5 =	sand.u32 $0x7F, s4;
	s8 =	sor.u32 s8, s9;
	v20 =	vld [tilespmem:s16+$0xFFFFCFC0];
	v21 =	vunpack.i.u.bf16.f32 v23  }
0x3bb: {  	s6 =	sand.u32 $0x7F, s6;
	v13 =	vmul.f32 v13, v22;
	v16 =	vmul.f32 v16, v24;
	s9 =	sadd.s32 $0x10, s4;
	s10 =	sshra.s32 s10, $0x1;
	v23 =	vunpack.i.l.bf16.f32 v23;
	v31 =	vld [tilespmem:s8+$0x9280]  }
0x3bc: {  	v32 =	vmul.f32 v12, v19;
	v33 =	vmul.f32 v15, v29;
	s5 =	sor.u32 s5, s7;
	s7 =	sand.u32 $0xFFFFFF00, s9;
	s6 =	sor.u32 s6, s10;
	v22 =	vld [tilespmem:s16+$0xFFFFDFC0];
	v24 =	vunpack.i.u.bf16.f32 v10  }
0x3bd: {  	v12 =	vmul.f32 v12, v29;
	v15 =	vmul.f32 v15, v19;
	s7 =	sshra.s32 s7, $0x1;
	s8 =	sand.u32 $0x7F, s9;
	s9 =	sadd.s32 $0x20, s4;
	v10 =	vunpack.i.l.bf16.f32 v10;
	v34 =	vld [tilespmem:s6+$0x9280]  }
0x3be: {  	v35 =	vmul.f32 v14, v23;
	v36 =	vmul.f32 v17, v21;
	s10 =	sor.u32 s8, s7;
	s7 =	sand.u32 $0x7F, s9;
	s6 =	sand.u32 $0xFFFFFF00, s9;
	v19 =	vld [tilespmem:s16+$0xFFFFCFB0];
	v29 =	vunpack.i.u.bf16.f32 v6  }
0x3bf: {  	v14 =	vmul.f32 v14, v21;
	v17 =	vmul.f32 v17, v23;
	s8 =	sadd.s32 $0x30, s4;
	s9 =	sadd.s32 $0x40, s4;
	s6 =	sshra.s32 s6, $0x1;
	v6 =	vunpack.i.l.bf16.f32 v6;
	v37 =	vld [tilespmem:s16+$0xFFFFDFB0]  }
0x3c0: {  	v38 =	vmul.f32 v18, v10;
	v39 =	vmul.f32 v28, v24;
	s19 =	sor.u32 s7, s6;
	s6 =	sand.u32 $0x7F, s8;
	v21 =	vld [tilespmem:s5+$0x9280];
	s5 =	sand.u32 $0xFFFFFF00, s8;
	v23 =	vunpack.i.u.bf16.f32 v31  }
0x3c1: {  	v18 =	vmul.f32 v18, v24;
	v10 =	vmul.f32 v28, v10;
	s7 =	sand.u32 $0xFFFFFF00, s9;
	s8 =	sand.u32 $0x7F, s9;
	v31 =	vunpack.i.l.bf16.f32 v31;
	s5 =	sshra.s32 s5, $0x1;
	v24 =	vld [tilespmem:s16+$0xFFFFF000]  }
0x3c2: {  	v41 =	vmul.f32 v20, v6;
	v42 =	vmul.f32 v22, v29;
	s9 =	sor.u32 s6, s5;
	s5 =	sshra.s32 s7, $0x1;
	s6 =	sadd.s32 $0x50, s4;
	v28 =	vunpack.i.u.bf16.f32 v34;
	v40 =	vld [tilespmem:s16+$0xFFFFCFA0]  }
0x3c3: {  	v20 =	vmul.f32 v20, v29;
	v6 =	vmul.f32 v22, v6;
	v34 =	vunpack.i.l.bf16.f32 v34;
	s8 =	sor.u32 s8, s5;
	s5 =	sand.u32 $0xFFFFFF00, s6;
	s6 =	sand.u32 $0x7F, s6;
	v43 =	vld [tilespmem:s16+$0xFFFFDFA0]  }
0x3c4: {  	s13 =	sadd.s32 $0x60, s4;
	v22 =	vsub.f32 v26, v27;
	s4 =	sadd.s32 $0x70, s4;
	v26 =	vmul.f32 v19, v31;
	s5 =	sshra.s32 s5, $0x1;
	v27 =	vmul.f32 v37, v23;
	v29 =	vld [tilespmem:s16+$0x0]  }
0x3c5: {  	v1 =	vadd.f32 v5, v1;
	v5 =	vmul.f32 v19, v23;
	v23 =	vsub.f32 v25, v30;
	s7 =	sor.u32 s6, s5;
	s5 =	sand.u32 $0xFFFFFF00, s13;
	s6 =	sand.u32 $0x7F, s13;
	v19 =	vld [tilespmem:s16+$0xFFFFEFF0]  }
0x3c6: {  	v13 =	vadd.f32 v16, v13;
	v25 =	vmul.f32 v37, v31;
	v30 =	vsub.f32 v32, v33;
	s13 =	sand.u32 $0xFFFFFF00, s4;
	s4 =	sand.u32 $0x7F, s4;
	s5 =	sshra.s32 s5, $0x1;
	v31 =	vld [tilespmem:s16+$0xFFFFFFF0]  }
0x3c7: {  	v15 =	vadd.f32 v15, v12;
	v33 =	vsub.f32 v35, v36;
	s6 =	sor.u32 s6, s5;
	s5 =	sshra.s32 s13, $0x1;
	v16 =	vld [tilespmem:s16+$0xFFFFEF90];
	v32 =	vmul.f32 v40, v34  }
0x3c8: {  	v14 =	vadd.f32 v17, v14;
	v37 =	vsub.f32 v38, v39;
	s4 =	sor.u32 s4, s5;
	v35 =	vld [tilespmem:s16+$0xFFFFFF90];
	v36 =	vmul.f32 v43, v28  }
0x3c9: {  	v18 =	vadd.f32 v10, v18;
	v17 =	vmul.f32 v40, v28;
	v28 =	vsub.f32 v41, v42;
	v38 =	vld [tilespmem:s16+$0xFFFFEFE0]  }
0x3ca: {  	v20 =	vadd.f32 v6, v20;
	v27 =	vsub.f32 v26, v27;
	v34 =	vmul.f32 v43, v34;
	v6 =	vld [tilespmem:s16+$0xFFFFFFE0]  }
0x3cb: {  	v12 =	vunpack.i.u.bf16.f32 v21;
	v25 =	vadd.f32 v25, v5;
	v32 =	vsub.f32 v32, v36;
	v26 =	vld [tilespmem:s16+$0xFFFFEFD0]  }
0x3cc: {  	v10 =	vunpack.i.l.bf16.f32 v21;
	v17 =	vadd.f32 v34, v17;
	v16 =	vsub.f32 v22, v16;
	v21 =	vld [tilespmem:s16+$0xFFFFFFD0]  }
0x3cd: {  	v23 =	vsub.f32 v23, v24;
	v5 =	vmul.f32 v8, v7;
	v22 =	vsub.f32 v1, v35;
	v34 =	vld [tilespmem:s16+$0xFFFFEFC0]  }
0x3ce: {  	v9 =	vmul.f32 v9, v11;
	v13 =	vsub.f32 v13, v29;
	v8 =	vsub.f32 v30, v19;
	v7 =	vld [tilespmem:s16+$0xFFFFFFC0]  }
0x3cf: {  	v15 =	vsub.f32 v15, v31;
	v1 =	vor.u32 s17, v0;
	s17 =	smov.u32 s15;
	s15 =	smov.u32 s20;
	v19 =	vsub.f32 v33, v38;
	v11 =	vld [tilespmem:s16+$0xFFFFEFB0]  }
0x3d0: {  	v14 =	vsub.f32 v14, v6;
	v6 =	vmul.f32 v9, v4;
	v24 =	vld [tilespmem:s16+$0xFFFFFFB0];
	v29 =	vsub.f32 v37, v26  }
0x3d1: {  	v9 =	vmul.f32 v16, v16;
	v30 =	vmul.f32 v22, v22;
	v31 =	vld [tilespmem:s16+$0xFFFFEFA0];
	v4 =	vsub.f32 v18, v21  }
0x3d2: {  	v23 =	vmul.f32 v23, v23;
	v13 =	vmul.f32 v13, v13;
	v18 =	vld [tilespmem:s16+$0xFFFFFFA0];
	v21 =	vsub.f32 v28, v34  }
0x3d3: {  	v15 =	vmul.f32 v15, v15;
	v26 =	vld [tilespmem:s16+$0xFFFFCF10];
	v7 =	vsub.f32 v20, v7;
	v20 =	vmul.f32 v8, v8  }
0x3d4: {  	v19 =	vmul.f32 v19, v19;
	v14 =	vmul.f32 v14, v14;
	v22 =	vld [tilespmem:s16+$0xFFFFDF10];
	v8 =	vsub.f32 v27, v11  }
0x3d5: {  	v16 =	vld [tilespmem:s10+$0x9280];
	v11 =	vsub.f32 v25, v24;
	v24 =	vmul.f32 v29, v29;
	v25 =	vmul.f32 v4, v4  }
0x3d6: {  	v21 =	vmul.f32 v21, v21;
	v28 =	vmul.f32 v7, v7;
	v4 =	vld [tilespmem:s16+$0xFFFFCF20];
	v27 =	vsub.f32 v32, v31  }
0x3d7: {  	v29 =	vmul.f32 v8, v8;
	v7 =	vld [tilespmem:s16+$0xFFFFDF20];
	v17 =	vsub.f32 v17, v18;
	v31 =	vmul.f32 v11, v11  }
0x3d8: {  	v30 =	vadd.f32 v30, v9;
	v18 =	vadd.f32 v13, v23;
	v8 =	vld [tilespmem:s19+$0x9280];
	v9 =	vmul.f32 v27, v27  }
0x3d9: {  	v39 =	vadd.f32 v14, v19;
	v36 =	vadd.f32 v15, v20;
	v11 =	vld [tilespmem:s16+$0xFFFFEF10];
	v17 =	vmul.f32 v17, v17  }
0x3da: {  	v38 =	vadd.f32 v28, v21;
	v41 =	vadd.f32 v25, v24;
	v40 =	vmul.f32 v26, v10;
	v14 =	vld [tilespmem:s16+$0xFFFFFF10]  }
0x3db: {  	v42 =	vmul.f32 v22, v12;
	v37 =	vadd.f32 v31, v29;
	v13 =	vld [tilespmem:s16+$0xFFFFCF30];
	v34 =	vadd.f32 v17, v9  }
0x3dc: {  	v19 =	vshra.s32 v30, $0x1;
	v20 =	vmul.f32 $5.000000000e-01, v30;
	v25 =	vshra.s32 v18, $0x1;
	v9 =	vld [tilespmem:s16+$0xFFFFDF30]  }
0x3dd: {  	v28 =	vshra.s32 v36, $0x1;
	v35 =	vmul.f32 $5.000000000e-01, v36;
	v43 =	vmul.f32 $5.000000000e-01, v18;
	v15 =	vld [tilespmem:s9+$0x9280]  }
0x3de: {  	v44 =	vmul.f32 $5.000000000e-01, v39;
	v29 =	vshra.s32 v41, $0x1;
	v31 =	vshra.s32 v39, $0x1;
	v17 =	vld [tilespmem:s16+$0xFFFFEF20]  }
0x3df: {  	v32 =	vsub.s32 $0x5F3759DF, v19;
	v27 =	vshra.s32 v38, $0x1;
	v45 =	vmul.f32 $5.000000000e-01, v41;
	v21 =	vld [tilespmem:s16+$0xFFFFFF20]  }
0x3e0: {  	v24 =	vmul.f32 v32, v20;
	v23 =	vshra.s32 v34, $0x1;
	v33 =	vmul.f32 $5.000000000e-01, v34;
	v19 =	vld [tilespmem:s16+$0xFFFFCF40]  }
0x3e1: {  	v48 =	vmul.f32 $5.000000000e-01, v38;
	v47 =	vmul.f32 $5.000000000e-01, v37;
	v46 =	vsub.s32 $0x5F3759DF, v23;
	v20 =	vld [tilespmem:s16+$0xFFFFDF40]  }
0x3e2: {  	v49 =	vmul.f32 v32, v24;
	v50 =	vshra.s32 v37, $0x1;
	v33 =	vmul.f32 v46, v33;
	v23 =	vld [tilespmem:s8+$0x9280]  }
0x3e3: {  	v51 =	vsub.s32 $0x5F3759DF, v27;
	v52 =	vsub.s32 $0x5F3759DF, v25;
	v50 =	vsub.s32 $0x5F3759DF, v50;
	v24 =	vld [tilespmem:s16+$0xFFFFEF30]  }
0x3e4: {  	v49 =	vsub.f32 $1.500000000e+00, v49;
	v47 =	vmul.f32 v50, v47;
	v33 =	vmul.f32 v46, v33;
	v27 =	vld [tilespmem:s16+$0xFFFFFF30]  }
0x3e5: {  	v54 =	vsub.s32 $0x5F3759DF, v28;
	v53 =	vsub.s32 $0x5F3759DF, v29;
	v48 =	vmul.f32 v51, v48;
	v25 =	vld [tilespmem:s16+$0xFFFFCF50]  }
0x3e6: {  	v32 =	vmul.f32 v32, v49;
	v47 =	vmul.f32 v50, v47;
	v49 =	vsub.f32 $1.500000000e+00, v33;
	v29 =	vld [tilespmem:s16+$0xFFFFDF50]  }
0x3e7: {  	v55 =	vsub.s32 $0x5F3759DF, v31;
	v45 =	vmul.f32 v53, v45;
	v48 =	vmul.f32 v51, v48;
	v33 =	vld [tilespmem:s7+$0x9280]  }
0x3e8: {  	v30 =	vmul.f32 v32, v30;
	v47 =	vsub.f32 $1.500000000e+00, v47;
	v46 =	vmul.f32 v46, v49;
	v28 =	vld [tilespmem:s16+$0xFFFFEF40]  }
0x3e9: {  	v44 =	vmul.f32 v55, v44;
	v45 =	vmul.f32 v53, v45;
	v48 =	vsub.f32 $1.500000000e+00, v48;
	v32 =	vld [tilespmem:s16+$0xFFFFFF40]  }
0x3ea: {  	v30 =	vadd.f32 $0.0e+00, v30;
	v47 =	vmul.f32 v50, v47;
	v46 =	vmul.f32 v46, v34;
	v31 =	vld [tilespmem:s16+$0xFFFFCF60]  }
0x3eb: {  	v44 =	vmul.f32 v55, v44;
	v45 =	vsub.f32 $1.500000000e+00, v45;
	v49 =	vmul.f32 v54, v35;
	v34 =	vld [tilespmem:s16+$0xFFFFDF60]  }
0x3ec: {  	v48 =	vmul.f32 v51, v48;
	v47 =	vmul.f32 v47, v37;
	v46 =	vadd.f32 v46, v30;
	v35 =	vld [tilespmem:s6+$0x9280]  }
0x3ed: {  	v43 =	vmul.f32 v52, v43;
	v44 =	vsub.f32 $1.500000000e+00, v44;
	v49 =	vmul.f32 v54, v49;
	v30 =	vld [tilespmem:s16+$0xFFFFEF50]  }
0x3ee: {  	v45 =	vmul.f32 v53, v45;
	v46 =	vadd.f32 v47, v46;
	v47 =	vmul.f32 v48, v38;
	v37 =	vld [tilespmem:s16+$0xFFFFFF50]  }
0x3ef: {  	v49 =	vsub.f32 $1.500000000e+00, v49;
	v48 =	vmul.f32 v26, v12;
	v12 =	vmul.f32 v52, v43;
	v26 =	vld [tilespmem:s16+$0xFFFFCF70]  }
0x3f0: {  	v44 =	vmul.f32 v55, v44;
	v41 =	vmul.f32 v45, v41;
	v43 =	vadd.f32 v47, v46;
	v38 =	vld [tilespmem:s16+$0xFFFFDF70]  }
0x3f1: {  	v10 =	vmul.f32 v22, v10;
	v45 =	vunpack.i.u.bf16.f32 v16;
	v22 =	vsub.f32 $1.500000000e+00, v12;
	v46 =	vld [tilespmem:s4+$0x9280]  }
0x3f2: {  	v41 =	vadd.f32 v41, v43;
	v43 =	vmul.f32 v44, v39;
	v44 =	vmul.f32 v54, v49;
	v12 =	vld [tilespmem:s16+$0xFFFFEF60]  }
0x3f3: {  	v40 =	vsub.f32 v40, v42;
	v42 =	vadd.f32 v10, v48;
	v47 =	vunpack.i.l.bf16.f32 v16;
	v39 =	vld [tilespmem:s16+$0xFFFFFF60]  }
0x3f4: {  	v41 =	vadd.f32 v43, v41;
	v36 =	vmul.f32 v44, v36;
	v43 =	vmul.f32 v52, v22;
	s4 =	sadd.s32 $0x1, s17;
	v16 =	vld [tilespmem:s16+$0xFFFFCF80]  }
0x3f5: {  	v48 =	vmul.f32 v7, v45;
	v44 =	vmul.f32 v4, v47;
	v49 =	vor.u32 s4, v0;
	v22 =	vld [tilespmem:s16+$0xFFFFDF80]  }
0x3f6: {  	v45 =	vmul.f32 v4, v45;
	v36 =	vadd.f32 v36, v41;
	v18 =	vmul.f32 v43, v18;
	v10 =	vld [tilespmem:s16+$0xFFFFEF70]  }
0x3f7: {  	v41 =	vmul.f32 v7, v47;
	v43 =	vunpack.i.u.bf16.f32 v8;
	v47 =	vunpack.i.l.bf16.f32 v8;
	v8 =	vld [tilespmem:s16+$0xFFFFFF70]  }
0x3f8: {  	v11 =	vsub.f32 v40, v11;
	v40 =	vmul.f32 v13, v47;
	v18 =	vadd.f32 v18, v36;
	v4 =	vld [tilespmem:s16+$0xFFFFEF80]  }
0x3f9: {  	v14 =	vsub.f32 v42, v14;
	v42 =	vmul.f32 v9, v43;
	v36 =	vsub.f32 v44, v48;
	v7 =	vld [tilespmem:s16+$0xFFFFFF80]  }
0x3fa: {  	v13 =	vmul.f32 v13, v43;
	v43 =	vunpack.i.u.bf16.f32 v15;
	v41 =	vadd.f32 v41, v45;
	[tilespmem:v49+s26+$0x0] =	vst.idx.msk $0xffff, v18  }
0x3fb: {  	v11 =	vmul.f32 v11, v11;
	v9 =	vmul.f32 v9, v47;
	v15 =	vunpack.i.l.bf16.f32 v15  }
0x3fc: {  	v14 =	vmul.f32 v14, v14;
	v17 =	vsub.f32 v36, v17;
	v18 =	vsub.f32 v41, v21  }
0x3fd: {  	v9 =	vadd.f32 v9, v13;
	v13 =	vmul.f32 v19, v15;
	v21 =	vsub.f32 v40, v42  }
0x3fe: {  	v19 =	vmul.f32 v19, v43;
	v36 =	vmul.f32 v20, v43;
	v40 =	vunpack.i.u.bf16.f32 v23  }
0x3ff: {  	v11 =	vadd.f32 v14, v11;
	v14 =	vmul.f32 v20, v15;
	v15 =	vunpack.i.l.bf16.f32 v23  }
0x400: {  	v17 =	vmul.f32 v17, v17;
	v18 =	vmul.f32 v18, v18;
	v20 =	vsub.f32 v21, v24  }
0x401: {  	v9 =	vsub.f32 v9, v27;
	v13 =	vsub.f32 v13, v36;
	v21 =	vmul.f32 v25, v15  }
0x402: {  	v14 =	vadd.f32 v14, v19;
	v19 =	vmul.f32 v29, v40;
	v23 =	vmul.f32 v25, v40  }
0x403: {  	v15 =	vmul.f32 v29, v15;
	v24 =	vunpack.i.u.bf16.f32 v33;
	v25 =	vunpack.i.l.bf16.f32 v33  }
0x404: {  	v27 =	vshra.s32 v11, $0x1;
	v29 =	vmul.f32 $5.000000000e-01, v11;
	v17 =	vadd.f32 v18, v17  }
0x405: {  	v9 =	vmul.f32 v9, v9;
	v13 =	vsub.f32 v13, v28;
	v18 =	vmul.f32 v20, v20  }
0x406: {  	v14 =	vsub.f32 v14, v32;
	v19 =	vsub.f32 v21, v19;
	v20 =	vmul.f32 v31, v25  }
0x407: {  	v15 =	vadd.f32 v15, v23;
	v21 =	vmul.f32 v34, v24;
	v23 =	vmul.f32 v31, v24  }
0x408: {  	v24 =	vsub.s32 $0x5F3759DF, v27;
	v25 =	vmul.f32 v34, v25;
	v27 =	vunpack.i.u.bf16.f32 v35  }
0x409: {  	v31 =	vunpack.i.l.bf16.f32 v35;
	v28 =	vmul.f32 v24, v29;
	v29 =	vshra.s32 v17, $0x1  }
0x40a: {  	v13 =	vmul.f32 v13, v13;
	v32 =	vmul.f32 $5.000000000e-01, v17;
	v9 =	vadd.f32 v9, v18  }
0x40b: {  	v14 =	vmul.f32 v14, v14;
	v18 =	vsub.f32 v19, v30;
	v15 =	vsub.f32 v15, v37  }
0x40c: {  	v19 =	vsub.f32 v20, v21;
	v20 =	vadd.f32 v25, v23;
	v21 =	vmul.f32 v26, v31  }
0x40d: {  	v25 =	vmul.f32 v38, v27;
	v26 =	vmul.f32 v26, v27;
	v23 =	vsub.s32 $0x5F3759DF, v29  }
0x40e: {  	s18 =	sadd.s32 $0x2, s18;
	v27 =	vmul.f32 v38, v31;
	v30 =	vunpack.i.l.bf16.f32 v46;
	v29 =	vunpack.i.u.bf16.f32 v46  }
0x40f: {  	v28 =	vmul.f32 v24, v28;
	v32 =	vmul.f32 v23, v32;
	v33 =	vshra.s32 v9, $0x1;
	v31 =	vld [tilespmem:s18+$0x0]  }
0x410: {  	v36 =	vadd.f32 v14, v13;
	v35 =	vmul.f32 $5.000000000e-01, v9;
	v13 =	vmul.f32 v18, v18;
	v34 =	vld [tilespmem:s18+$0xFFFFFFFF]  }
0x411: {  	v14 =	vmul.f32 v15, v15;
	v12 =	vsub.f32 v19, v12;
	v15 =	vsub.f32 v20, v39  }
0x412: {  	v18 =	vsub.f32 v21, v25;
	v19 =	vadd.f32 v27, v26;
	v20 =	vmul.f32 v16, v30  }
0x413: {  	v25 =	vmul.f32 v22, v29;
	v16 =	vmul.f32 v16, v29;
	v21 =	vsub.s32 $0x5F3759DF, v33  }
0x414: {  	v22 =	vmul.f32 v22, v30;
	v26 =	vsub.f32 $1.500000000e+00, v28;
	(v2sf) =	vpush v31, $0x0  }
0x415: {  	v27 =	vmul.f32 v23, v32;
	v28 =	vmul.f32 v21, v35;
	(v2sf) =	vpush v34, $0x0  }
0x416: {  	v29 =	vshra.s32 v36, $0x1;
	v30 =	vmul.f32 $5.000000000e-01, v36;
	v31 =	vadd.f32 v14, v13  }
0x417: {  	v12 =	vmul.f32 v12, v12;
	v10 =	vsub.f32 v18, v10;
	v13 =	vmul.f32 v15, v15  }
0x418: {  	v18 =	vsub.s32 $0x5F3759DF, v29;
	v8 =	vsub.f32 v19, v8;
	v14 =	vsub.f32 v20, v25  }
0x419: {  	v16 =	vadd.f32 v22, v16;
	v19 =	vsub.f32 $1.500000000e+00, v27;
	v15 =	vmul.f32 v24, v26  }
0x41a: {  	v22 =	vmul.f32 v18, v30;
	v20 =	vmul.f32 v21, v28;
	v24 =	vshra.s32 v31, $0x1  }
0x41b: {  	v10 =	vmul.f32 v10, v10;
	v25 =	vmul.f32 $5.000000000e-01, v31;
	v26 =	vadd.f32 v13, v12  }
0x41c: {  	v8 =	vmul.f32 v8, v8;
	v4 =	vsub.f32 v14, v4;
	v12 =	vsub.f32 v16, v7  }
0x41d: {  	v11 =	vmul.f32 v15, v11;
	v14 =	vmul.f32 v23, v19;
	v23 =	vsub.s32 $0x5F3759DF, v24  }
0x41e: {  	v15 =	vsub.f32 $1.500000000e+00, v20;
	v19 =	vmul.f32 v18, v22;
	v20 =	vmul.f32 v23, v25  }
0x41f: {  	v7 =	vadd.f32 v8, v10;
	v13 =	vshra.s32 v26, $0x1;
	v22 =	vmul.f32 $5.000000000e-01, v26  }
0x420: {  	s16 =	sadd.s32 $0x100, s16;
	v4 =	vmul.f32 v4, v4;
	v10 =	vmul.f32 v12, v12;
	v8 =	vsub.s32 $0x5F3759DF, v13  }
0x421: {  	v11 =	vadd.f32 $0.0e+00, v11;
	v14 =	vmul.f32 v14, v17;
	v17 =	vmul.f32 v21, v15;
	v13 =	vld [tilespmem:s16+$0xFFFFD000]  }
0x422: {  	v19 =	vsub.f32 $1.500000000e+00, v19;
	v20 =	vmul.f32 v23, v20;
	v21 =	vmul.f32 v8, v22;
	v16 =	vld [tilespmem:s16+$0xFFFFE000]  }
0x423: {  	s6 =	spop (v2sf)  }
0x424: {  	v24 =	vmul.f32 $5.000000000e-01, v7;
	v22 =	vshra.s32 v7, $0x1;
	v4 =	vadd.f32 v10, v4;
	v12 =	vld [tilespmem:s16+$0xFFFFCFF0];
	s5 =	sadd.s32 $0x60, s6  }
0x425: {  	v10 =	vadd.f32 v14, v11;
	v9 =	vmul.f32 v17, v9;
	v11 =	vsub.s32 $0x5F3759DF, v22;
	v15 =	vld [tilespmem:s16+$0xFFFFDFF0];
	s7 =	sadd.s32 $0x70, s6;
	s4 =	spop (v2sf);
	s8 =	sand.u32 $0xFFFFFF00, s6  }
0x426: {  	v17 =	vmul.f32 v18, v19;
	v18 =	vsub.f32 $1.500000000e+00, v20;
	v21 =	vmul.f32 v8, v21;
	s9 =	sand.u32 $0x7F, s6;
	s10 =	sadd.s32 $0x50, s6;
	v14 =	vld [tilespmem:s16+$0xFFFFCFE0];
	s8 =	sshra.s32 s8, $0x1  }
0x427: {  	v24 =	vmul.f32 v11, v24;
	v22 =	vshra.s32 v4, $0x1;
	v25 =	vmul.f32 $5.000000000e-01, v4;
	s13 =	sand.u32 $0xFFFFFF00, s7;
	s7 =	sand.u32 $0x7F, s7;
	v19 =	vld [tilespmem:s16+$0xFFFFCF90];
	s8 =	sor.u32 s9, s8  }
0x428: {  	v10 =	vadd.f32 v9, v10;
	v17 =	vmul.f32 v17, v36;
	v9 =	vsub.s32 $0x5F3759DF, v22;
	s9 =	sand.u32 $0xFFFFFF00, s5;
	s13 =	sshra.s32 s13, $0x1;
	s5 =	sand.u32 $0x7F, s5;
	v20 =	vld [tilespmem:s16+$0xFFFFDF90]  }
0x429: {  	v18 =	vmul.f32 v23, v18;
	v23 =	vsub.f32 $1.500000000e+00, v21;
	v27 =	vmul.f32 v11, v24;
	v22 =	vld [tilespmem:s8+$0x9280];
	s8 =	sshra.s32 s9, $0x1;
	s9 =	sor.u32 s7, s13;
	s7 =	sand.u32 $0xFFFFFF00, s4  }
.Ltmp1:
0x42a: {  	v2 =	vadd.f32 v3, v2;
	v10 =	vadd.f32 v17, v10;
	v25 =	vmul.f32 v9, v25;
	s13 =	sand.u32 $0xFFFFFF00, s10;
	s5 =	sor.u32 s5, s8;
	v24 =	vld [tilespmem:s9+$0x9280];
	(pc) =	sbr.rel @p1 .LBB2_5-.Ltmp1, $4  }
0x42b: {  	v3 =	vmul.f32 v18, v31;
	v8 =	vmul.f32 v8, v23;
	v18 =	vsub.f32 $1.500000000e+00, v27;
	s19 =	sadd.s32 $0x40, s6;
	s10 =	sand.u32 $0x7F, s10;
	s8 =	sshra.s32 s13, $0x1;
	v21 =	vld [tilespmem:s5+$0x9280]  }
0x42c: {  	v5 =	vadd.f32 v5, v2;
	v27 =	vmul.f32 v9, v25;
	s9 =	sadd.s32 $0x30, s6;
	s5 =	sand.u32 $0xFFFFFF00, s19;
	s10 =	sor.u32 s10, s8;
	v17 =	vld [tilespmem:s16+$0xFFFFDFE0]  }
0x42d: {  	v2 =	vadd.f32 v3, v10;
	v3 =	vmul.f32 v8, v26;
	v8 =	vmul.f32 v11, v18;
	s13 =	sand.u32 $0x7F, s19;
	s8 =	sadd.s32 $0x20, s6;
	s5 =	sshra.s32 s5, $0x1;
	v23 =	vld [tilespmem:s10+$0x9280]  }
0x42e: {  	s20 =	sadd.s32 $0x2, s20;
	v5 =	vadd.f32 v6, v5;
	v11 =	vsub.f32 $1.500000000e+00, v27;
	s19 =	sand.u32 $0xFFFFFF00, s9;
	s10 =	sor.u32 s13, s5;
	v25 =	vunpack.i.u.bf16.f32 v22;
	v18 =	vld [tilespmem:s16+$0xFFFFCFD0]  }
0x42f: {  	v6 =	vunpack.i.l.bf16.f32 v22;
	v10 =	vld [tilespmem:s10+$0x9280]  }
0x430: {  	v59 =	vunpack.i.u.bf16.f32 v24;
	v27 =	vmul.f32 v20, v25;
	v28 =	vld [tilespmem:s16+$0xFFFFDFD0];
	v26 =	vmul.f32 v19, v6  }
0x431: {  	v60 =	vunpack.i.l.bf16.f32 v24;
	v63 =	vld [tilespmem:s16+$0xFFFFCFC0];
	v19 =	vmul.f32 v19, v25;
	v6 =	vmul.f32 v20, v6  }
0x432: {  	v48 =	vld [tilespmem:s16+$0xFFFFDFC0];
	v29 =	vunpack.i.u.bf16.f32 v21;
	v31 =	vmul.f32 v13, v60;
	v32 =	vmul.f32 v16, v59  }
0x433: {  	v52 =	vld [tilespmem:s16+$0xFFFFCFB0];
	v62 =	vunpack.i.l.bf16.f32 v21;
	v13 =	vmul.f32 v13, v59;
	v16 =	vmul.f32 v16, v60  }
0x434: {  	v39 =	vld [tilespmem:s16+$0xFFFFDFB0];
	v34 =	vmul.f32 v12, v62;
	v35 =	vmul.f32 v15, v29  }
0x435: {  	s5 =	sshra.s32 s19, $0x1;
	s9 =	sand.u32 $0x7F, s9;
	v24 =	vld [tilespmem:s16+$0xFFFFF000];
	v50 =	vmul.f32 v12, v29;
	v51 =	vmul.f32 v15, v62  }
0x436: {  	s18 =	sand.u32 $0xFFFFFF00, s8;
	v46 =	vld [tilespmem:s16+$0xFFFFFFF0];
	s5 =	sor.u32 s9, s5;
	v30 =	vunpack.i.u.bf16.f32 v23;
	v47 =	vunpack.i.l.bf16.f32 v23;
	v22 =	vsub.f32 v26, v27  }
0x437: {  	s20 =	sand.u32 $0x7F, s8;
	s19 =	sshra.s32 s18, $0x1;
	v61 =	vld [tilespmem:s5+$0x9280];
	v6 =	vadd.f32 v6, v19;
	v37 =	vmul.f32 v14, v47;
	v38 =	vmul.f32 v17, v30  }
0x438: {  	s6 =	sadd.s32 $0x10, s6;
	s8 =	sor.u32 s20, s19;
	v29 =	vld [tilespmem:s16+$0x0];
	v16 =	vadd.f32 v16, v13;
	v54 =	vmul.f32 v14, v30;
	v55 =	vmul.f32 v17, v47  }
0x439: {  	s29 =	sand.u32 $0xFFFFFF00, s6;
	v33 =	vld [tilespmem:s8+$0x9280];
	v30 =	vsub.f32 v31, v32;
	v49 =	vunpack.i.u.bf16.f32 v10;
	v10 =	vunpack.i.l.bf16.f32 v10  }
0x43a: {  	v42 =	vld [tilespmem:s16+$0xFFFFCFA0];
	s6 =	sand.u32 $0x7F, s6;
	s5 =	sshra.s32 s29, $0x1;
	v15 =	vadd.f32 v51, v50;
	v40 =	vmul.f32 v18, v10;
	v41 =	vmul.f32 v28, v49  }
0x43b: {  	v45 =	vld [tilespmem:s16+$0xFFFFDFA0];
	s5 =	sor.u32 s6, s5;
	v57 =	vmul.f32 v18, v49;
	v49 =	vsub.f32 v37, v38;
	v14 =	vadd.f32 v55, v54  }
0x43c: {  	v36 =	vld [tilespmem:s5+$0x9280];
	v10 =	vmul.f32 v28, v10;
	v24 =	vsub.f32 v30, v24;
	v15 =	vsub.f32 v15, v46  }
0x43d: {  	v21 =	vld [tilespmem:s16+$0xFFFFEFF0];
	v53 =	vunpack.i.u.bf16.f32 v61;
	v20 =	vunpack.i.l.bf16.f32 v61;
	v16 =	vsub.f32 v16, v29  }
0x43e: {  	s7 =	sshra.s32 s7, $0x1;
	s8 =	sand.u32 $0x7F, s4;
	v47 =	vld [tilespmem:s16+$0xFFFFEF90];
	v56 =	vunpack.i.u.bf16.f32 v33;
	v43 =	vmul.f32 v63, v20;
	v44 =	vmul.f32 v48, v53  }
0x43f: {  	s5 =	sor.u32 s8, s7;
	v50 =	vld [tilespmem:s16+$0xFFFFFF90];
	v33 =	vunpack.i.l.bf16.f32 v33;
	v25 =	vmul.f32 v63, v53;
	v20 =	vmul.f32 v48, v20  }
0x440: {  	v23 =	vld [tilespmem:s5+$0x9280];
	v63 =	vsub.f32 v34, v35;
	v10 =	vadd.f32 v10, v57;
	v24 =	vmul.f32 v24, v24  }
0x441: {  	v55 =	vld [tilespmem:s16+$0xFFFFEFE0];
	v15 =	vmul.f32 v15, v15;
	v58 =	vunpack.i.u.bf16.f32 v36;
	v59 =	vmul.f32 v52, v33  }
0x442: {  	v36 =	vunpack.i.l.bf16.f32 v36;
	v60 =	vmul.f32 v39, v56;
	v61 =	vmul.f32 v52, v56;
	v56 =	vld [tilespmem:s16+$0xFFFFFFE0]  }
0x443: {  	v62 =	vmul.f32 v39, v33;
	v52 =	vsub.f32 v40, v41;
	v39 =	vld [tilespmem:s16+$0xFFFFFFB0];
	v16 =	vmul.f32 v16, v16  }
0x444: {  	v22 =	vsub.f32 v22, v47;
	v51 =	vmul.f32 v45, v58;
	v53 =	vmul.f32 v42, v58;
	v58 =	vld [tilespmem:s16+$0xFFFFEFD0]  }
0x445: {  	v48 =	vmul.f32 v42, v36;
	v54 =	vsub.f32 v43, v44;
	v21 =	vsub.f32 v63, v21;
	v63 =	vld [tilespmem:s16+$0xFFFFEFB0]  }
0x446: {  	v36 =	vmul.f32 v45, v36;
	v20 =	vadd.f32 v20, v25;
	v13 =	vunpack.i.u.bf16.f32 v23;
	v42 =	vld [tilespmem:s16+$0xFFFFEFA0]  }
0x447: {  	v12 =	vunpack.i.l.bf16.f32 v23;
	v43 =	vld [tilespmem:s16+$0xFFFFFFA0];
	v26 =	vsub.f32 v59, v60;
	v19 =	vadd.f32 v62, v61  }
0x448: {  	v59 =	vld [tilespmem:s16+$0xFFFFFFD0];
	v60 =	vsub.f32 v6, v50;
	v6 =	vmul.f32 v8, v7;
	v18 =	vsub.f32 v49, v55  }
0x449: {  	v61 =	vld [tilespmem:s16+$0xFFFFEFC0];
	v7 =	vmul.f32 v9, v11;
	v22 =	vmul.f32 v22, v22;
	v57 =	vsub.f32 v48, v51  }
0x44a: {  	v23 =	vld [tilespmem:s16+$0xFFFFCF10];
	v17 =	vadd.f32 v36, v53;
	v21 =	vmul.f32 v21, v21;
	v14 =	vsub.f32 v14, v56  }
0x44b: {  	v62 =	vld [tilespmem:s16+$0xFFFFFFC0];
	v41 =	vmul.f32 v60, v60;
	v9 =	vsub.f32 v19, v39;
	v40 =	vsub.f32 v52, v58  }
0x44c: {  	v18 =	vmul.f32 v18, v18;
	v8 =	vsub.f32 v26, v63;
	v44 =	vsub.f32 v57, v42  }
0x44d: {  	v4 =	vmul.f32 v7, v4;
	v17 =	vsub.f32 v17, v43;
	v22 =	vadd.f32 v41, v22  }
0x44e: {  	v10 =	vsub.f32 v10, v59;
	v28 =	vsub.f32 v54, v61;
	v14 =	vmul.f32 v14, v14  }
0x44f: {  	v47 =	vmul.f32 v9, v9;
	v9 =	vadd.f32 v15, v21;
	v15 =	vmul.f32 v23, v12  }
0x450: {  	v20 =	vsub.f32 v20, v62;
	v11 =	vmul.f32 v40, v40;
	v46 =	vmul.f32 v8, v8  }
0x451: {  	v48 =	vmul.f32 v44, v44;
	v8 =	vadd.f32 v16, v24;
	v49 =	vmul.f32 v17, v17  }
0x452: {  	v19 =	vld [tilespmem:s16+$0xFFFFDF10];
	v50 =	vshra.s32 v22, $0x1;
	v51 =	vmul.f32 $5.000000000e-01, v22;
	v10 =	vmul.f32 v10, v10  }
0x453: {  	v45 =	vmul.f32 v28, v28;
	v20 =	vmul.f32 v20, v20;
	v14 =	vadd.f32 v14, v18  }
0x454: {  	v52 =	vshra.s32 v9, $0x1;
	v53 =	vmul.f32 $5.000000000e-01, v9;
	v57 =	vsub.s32 $0x5F3759DF, v50  }
0x455: {  	v16 =	vadd.f32 v47, v46;
	v24 =	vshra.s32 v8, $0x1;
	v27 =	vmul.f32 $5.000000000e-01, v8  }
0x456: {  	v21 =	vmul.f32 v57, v51;
	v25 =	vsub.s32 $0x5F3759DF, v52;
	v17 =	vadd.f32 v20, v45  }
0x457: {  	v18 =	vadd.f32 v10, v11;
	v20 =	vmul.f32 v19, v13;
	v11 =	vadd.f32 v49, v48  }
0x458: {  	v55 =	vshra.s32 v14, $0x1;
	v56 =	vmul.f32 $5.000000000e-01, v14;
	v26 =	vmul.f32 v25, v53  }
0x459: {  	s9 =	sadd.s32 $0x10, s4;
	v10 =	vsub.s32 $0x5F3759DF, v24;
	v13 =	vmul.f32 v23, v13;
	v19 =	vmul.f32 v19, v12  }
0x45a: {  	s10 =	sand.u32 $0xFFFFFF00, s9;
	v62 =	vmul.f32 $5.000000000e-01, v16;
	v21 =	vmul.f32 v57, v21;
	v40 =	vshra.s32 v16, $0x1  }
0x45b: {  	s6 =	sshra.s32 s10, $0x1;
	s5 =	sand.u32 $0x7F, s9;
	v29 =	vsub.s32 $0x5F3759DF, v55;
	v27 =	vmul.f32 v10, v27;
	v54 =	vshra.s32 v18, $0x1  }
0x45c: {  	s5 =	sor.u32 s5, s6;
	v58 =	vshra.s32 v17, $0x1;
	v59 =	vmul.f32 $5.000000000e-01, v18;
	v60 =	vshra.s32 v11, $0x1  }
0x45d: {  	s13 =	sadd.s32 $0x20, s4;
	v50 =	vld [tilespmem:s5+$0x9280];
	v61 =	vmul.f32 $5.000000000e-01, v11;
	v63 =	vmul.f32 $5.000000000e-01, v17;
	v37 =	vsub.s32 $0x5F3759DF, v40  }
0x45e: {  	s18 =	sand.u32 $0xFFFFFF00, s13;
	v53 =	vld [tilespmem:s16+$0xFFFFDF20];
	v30 =	vmul.f32 v29, v56;
	v26 =	vmul.f32 v25, v26;
	v33 =	vsub.s32 $0x5F3759DF, v60  }
0x45f: {  	s19 =	sand.u32 $0x7F, s13;
	s6 =	sshra.s32 s18, $0x1;
	v41 =	vsub.s32 $0x5F3759DF, v58;
	v21 =	vsub.f32 $1.500000000e+00, v21;
	v43 =	vmul.f32 v37, v62  }
0x460: {  	s5 =	sor.u32 s19, s6;
	v52 =	vld [tilespmem:s16+$0xFFFFCF20];
	v28 =	vsub.s32 $0x5F3759DF, v54;
	v34 =	vmul.f32 v33, v61;
	v44 =	vmul.f32 v41, v63  }
0x461: {  	v55 =	vld [tilespmem:s5+$0x9280];
	v15 =	vsub.f32 v15, v20;
	v32 =	vmul.f32 v28, v59;
	v30 =	vmul.f32 v29, v30  }
0x462: {  	v56 =	vld [tilespmem:s16+$0xFFFFEF10];
	v36 =	vunpack.i.u.bf16.f32 v50;
	v59 =	vmul.f32 v10, v27;
	v21 =	vmul.f32 v57, v21  }
0x463: {  	v19 =	vadd.f32 v19, v13;
	v45 =	vmul.f32 v37, v43;
	v43 =	vmul.f32 v53, v36  }
0x464: {  	v60 =	vld [tilespmem:s16+$0xFFFFCF30];
	v40 =	vunpack.i.l.bf16.f32 v50;
	v42 =	vmul.f32 v33, v34;
	v46 =	vmul.f32 v41, v44  }
0x465: {  	v32 =	vmul.f32 v28, v32;
	v30 =	vsub.f32 $1.500000000e+00, v30;
	v21 =	vmul.f32 v21, v22  }
0x466: {  	v58 =	vld [tilespmem:s16+$0xFFFFFF10];
	v48 =	vsub.f32 $1.500000000e+00, v45;
	v45 =	vmul.f32 v52, v36;
	v22 =	vunpack.i.l.bf16.f32 v55  }
0x467: {  	v15 =	vsub.f32 v15, v56;
	v24 =	vsub.f32 $1.500000000e+00, v42;
	v62 =	vmul.f32 v29, v30  }
0x468: {  	s20 =	sadd.s32 $0x30, s4;
	v63 =	vld [tilespmem:s16+$0xFFFFDF30];
	v49 =	vsub.f32 $1.500000000e+00, v46;
	v42 =	vmul.f32 v52, v40;
	v46 =	vmul.f32 v53, v40  }
0x469: {  	s29 =	sand.u32 $0xFFFFFF00, s20;
	v32 =	vsub.f32 $1.500000000e+00, v32;
	v50 =	vmul.f32 v60, v22;
	v51 =	vmul.f32 v37, v48  }
0x46a: {  	s7 =	sadd.s32 $0x40, s4;
	v39 =	vld [tilespmem:s16+$0xFFFFEF20];
	s6 =	sshra.s32 s29, $0x1;
	s5 =	sand.u32 $0x7F, s20;
	v26 =	vsub.f32 $1.500000000e+00, v26;
	v15 =	vmul.f32 v15, v15;
	v47 =	vmul.f32 v33, v24  }
0x46b: {  	s8 =	sand.u32 $0xFFFFFF00, s7;
	s5 =	sor.u32 s5, s6;
	v44 =	vld [tilespmem:s16+$0xFFFFCF40];
	v19 =	vsub.f32 v19, v58;
	v54 =	vmul.f32 v41, v49;
	v57 =	vmul.f32 v28, v32  }
0x46c: {  	s6 =	sshra.s32 s8, $0x1;
	v37 =	vld [tilespmem:s5+$0x9280];
	s5 =	sand.u32 $0x7F, s7;
	v48 =	vunpack.i.u.bf16.f32 v55;
	v38 =	vmul.f32 v62, v14;
	v14 =	vmul.f32 v25, v26  }
0x46d: {  	v12 =	vsub.f32 $1.500000000e+00, v59;
	v56 =	vld [tilespmem:s16+$0xFFFFCF50];
	s5 =	sor.u32 s5, s6;
	v52 =	vmul.f32 v63, v48;
	v53 =	vmul.f32 v60, v48  }
0x46e: {  	v25 =	vsub.f32 v42, v43;
	v19 =	vmul.f32 v19, v19;
	v16 =	vmul.f32 v51, v16;
	v49 =	vld [tilespmem:s5+$0x9280]  }
0x46f: {  	s9 =	sadd.s32 $0x50, s4;
	v21 =	vadd.f32 $0.0e+00, v21;
	v51 =	vld [tilespmem:s16+$0xFFFFEF30];
	v11 =	vmul.f32 v47, v11;
	v17 =	vmul.f32 v54, v17  }
0x470: {  	s10 =	sand.u32 $0xFFFFFF00, s9;
	v61 =	vmul.f32 v57, v18;
	v47 =	vld [tilespmem:s16+$0xFFFFDF40];
	v18 =	vsub.f32 v25, v39;
	v58 =	vsub.f32 v50, v52  }
0x471: {  	s6 =	sshra.s32 s10, $0x1;
	s5 =	sand.u32 $0x7F, s9;
	v57 =	vld [tilespmem:s16+$0xFFFFDF50];
	v15 =	vadd.f32 v19, v15;
	v11 =	vadd.f32 v11, v21;
	v55 =	vunpack.i.u.bf16.f32 v37  }
0x472: {  	s5 =	sor.u32 s5, s6;
	v21 =	vmul.f32 v63, v22;
	v30 =	vunpack.i.l.bf16.f32 v37;
	v18 =	vmul.f32 v18, v18  }
0x473: {  	v60 =	vld [tilespmem:s5+$0x9280];
	v43 =	vshra.s32 v15, $0x1;
	v59 =	vmul.f32 v44, v30;
	v27 =	vmul.f32 v44, v55  }
0x474: {  	v36 =	vld [tilespmem:s16+$0xFFFFFF40];
	v44 =	vmul.f32 $5.000000000e-01, v15;
	v16 =	vadd.f32 v16, v11;
	v11 =	vor.u32 s17, v0  }
0x475: {  	s13 =	sadd.s32 $0x60, s4;
	v37 =	vld [tilespmem:s16+$0xFFFFCF60];
	v63 =	vunpack.i.u.bf16.f32 v49;
	v29 =	vunpack.i.l.bf16.f32 v49;
	v35 =	vmul.f32 v47, v30  }
0x476: {  	v54 =	vld [tilespmem:s16+$0xFFFFFF30];
	v23 =	vsub.f32 v58, v51;
	s17 =	sand.u32 $0xFFFFFF00, s13;
	v39 =	vmul.f32 v56, v29;
	v40 =	vmul.f32 v57, v63  }
0x477: {  	v41 =	vld [tilespmem:s16+$0xFFFFFF20];
	s5 =	sand.u32 $0x7F, s13;
	s6 =	sshra.s32 s17, $0x1;
	v22 =	vmul.f32 v56, v63;
	v25 =	vmul.f32 v57, v29;
	v29 =	vsub.s32 $0x5F3759DF, v43  }
0x478: {  	v62 =	vld [tilespmem:s16+$0xFFFFEF40];
	v16 =	vadd.f32 v17, v16;
	v17 =	vadd.f32 v21, v53;
	s5 =	sor.u32 s5, s6;
	v31 =	vunpack.i.l.bf16.f32 v60  }
0x479: {  	s18 =	sadd.s32 $0x70, s4;
	v34 =	vmul.f32 v29, v44;
	v19 =	vadd.f32 v35, v27;
	v42 =	vld [tilespmem:s5+$0x9280];
	v48 =	vsub.f32 v39, v40  }
0x47a: {  	s19 =	sand.u32 $0xFFFFFF00, s18;
	v52 =	vld [tilespmem:s16+$0xFFFFDF70];
	v50 =	vmul.f32 v37, v31;
	v22 =	vadd.f32 v25, v22;
	v16 =	vadd.f32 v61, v16  }
0x47b: {  	s4 =	sand.u32 $0x7F, s18;
	v49 =	vld [tilespmem:s16+$0xFFFFCF70];
	s5 =	sshra.s32 s19, $0x1;
	v61 =	vmul.f32 v47, v55;
	v17 =	vsub.f32 v17, v54;
	v19 =	vsub.f32 v19, v36  }
0x47c: {  	v47 =	vld [tilespmem:s16+$0xFFFFFF50];
	s4 =	sor.u32 s4, s5;
	v13 =	vadd.f32 v38, v16;
	v16 =	vadd.f32 v46, v45;
	v46 =	vmul.f32 v23, v23  }
0x47d: {  	v53 =	vld [tilespmem:s4+$0x9280];
	v21 =	vsub.f32 v59, v61;
	v17 =	vmul.f32 v17, v17;
	v19 =	vmul.f32 v19, v19  }
0x47e: {  	v38 =	vld [tilespmem:s16+$0xFFFFDF60];
	v16 =	vsub.f32 v16, v41;
	v41 =	vunpack.i.u.bf16.f32 v60;
	v54 =	vunpack.i.u.bf16.f32 v42  }
0x47f: {  	v45 =	vld [tilespmem:s16+$0xFFFFEF50];
	v30 =	vunpack.i.l.bf16.f32 v42;
	v42 =	vmul.f32 v29, v34;
	v26 =	vmul.f32 v37, v41  }
0x480: {  	v21 =	vsub.f32 v21, v62;
	v60 =	vmul.f32 v49, v30;
	v61 =	vmul.f32 v52, v54  }
0x481: {  	v17 =	vadd.f32 v17, v46;
	v27 =	vmul.f32 v49, v54;
	v30 =	vmul.f32 v52, v30  }
0x482: {  	v59 =	vld [tilespmem:s16+$0xFFFFCF80];
	v22 =	vsub.f32 v22, v47;
	v16 =	vmul.f32 v16, v16;
	v21 =	vmul.f32 v21, v21  }
0x483: {  	v62 =	vld [tilespmem:s16+$0xFFFFDF80];
	v63 =	vunpack.i.u.bf16.f32 v53;
	v44 =	vshra.s32 v17, $0x1;
	v51 =	vmul.f32 v38, v41  }
0x484: {  	v24 =	vmul.f32 v38, v31;
	v20 =	vsub.f32 v48, v45;
	v31 =	vunpack.i.l.bf16.f32 v53  }
0x485: {  	v57 =	vld [tilespmem:s16+$0xFFFFEF60];
	v45 =	vmul.f32 $5.000000000e-01, v17;
	v22 =	vmul.f32 v22, v22;
	v48 =	vsub.f32 v60, v61  }
0x486: {  	v47 =	vld [tilespmem:s16+$0xFFFFEF70];
	v49 =	vadd.f32 v30, v27;
	v30 =	vsub.s32 $0x5F3759DF, v44;
	v53 =	vsub.f32 $1.500000000e+00, v42  }
0x487: {  	v58 =	vld [tilespmem:s16+$0xFFFFFF60];
	v16 =	vadd.f32 v16, v18;
	v19 =	vadd.f32 v19, v21;
	v20 =	vmul.f32 v20, v20  }
0x488: {  	v25 =	vsub.f32 v50, v51;
	v51 =	vmul.f32 v59, v31;
	v52 =	vmul.f32 v62, v63  }
0x489: {  	v24 =	vadd.f32 v24, v26;
	v26 =	vmul.f32 v59, v63;
	v31 =	vmul.f32 v62, v31  }
0x48a: {  	v62 =	vmul.f32 v29, v53;
	v55 =	vshra.s32 v16, $0x1;
	v56 =	vmul.f32 $5.000000000e-01, v16  }
0x48b: {  	v23 =	vsub.f32 v48, v47;
	v35 =	vsub.s32 $0x5F3759DF, v55;
	v18 =	vsub.f32 v25, v57  }
0x48c: {  	v50 =	vld [tilespmem:s16+$0xFFFFFF70];
	v46 =	vsub.f32 v24, v58;
	v55 =	vmul.f32 v30, v45;
	v58 =	vmul.f32 $5.000000000e-01, v19  }
0x48d: {  	v59 =	vld [tilespmem:s16+$0xFFFFFF80];
	v20 =	vadd.f32 v22, v20;
	v61 =	vsub.f32 v51, v52;
	v15 =	vmul.f32 v62, v15  }
0x48e: {  	v26 =	vadd.f32 v31, v26;
	v43 =	vmul.f32 v35, v56;
	v41 =	vmul.f32 v23, v23  }
0x48f: {  	v56 =	vshra.s32 v19, $0x1;
	v18 =	vmul.f32 v18, v18;
	v21 =	vmul.f32 v46, v46  }
0x490: {  	v57 =	vld [tilespmem:s16+$0xFFFFEF80];
	v60 =	vsub.s32 $0x5F3759DF, v56;
	v36 =	vmul.f32 v30, v55;
	v39 =	vshra.s32 v20, $0x1  }
0x491: {  	v40 =	vmul.f32 $5.000000000e-01, v20;
	v15 =	vadd.f32 $0.0e+00, v15;
	v54 =	vmul.f32 v35, v43  }
0x492: {  	v25 =	vsub.f32 v49, v50;
	v37 =	vmul.f32 v60, v58;
	v22 =	vsub.f32 v26, v59  }
0x493: {  	v45 =	vsub.s32 $0x5F3759DF, v39;
	v18 =	vadd.f32 v21, v18;
	v46 =	vsub.f32 $1.500000000e+00, v36  }
0x494: {  	v48 =	vmul.f32 v45, v40;
	v63 =	vsub.f32 $1.500000000e+00, v54;
	v42 =	vmul.f32 v25, v25  }
0x495: {  	v43 =	vsub.f32 v61, v57;
	v47 =	vmul.f32 v60, v37;
	v22 =	vmul.f32 v22, v22  }
0x496: {  	v49 =	vshra.s32 v18, $0x1;
	v50 =	vmul.f32 $5.000000000e-01, v18;
	v52 =	vmul.f32 v30, v46  }
0x497: {  	v54 =	vmul.f32 v45, v48;
	v44 =	vmul.f32 v35, v63;
	v51 =	vsub.s32 $0x5F3759DF, v49  }
0x498: {  	v21 =	vadd.f32 v42, v41;
	v25 =	vmul.f32 v43, v43;
	v55 =	vmul.f32 v51, v50  }
0x499: {  	v53 =	vsub.f32 $1.500000000e+00, v47;
	v58 =	vmul.f32 v52, v17;
	v16 =	vmul.f32 v44, v16  }
0x49a: {  	v56 =	vshra.s32 v21, $0x1;
	v57 =	vmul.f32 $5.000000000e-01, v21;
	v22 =	vadd.f32 v22, v25  }
0x49b: {  	v24 =	vmul.f32 v60, v53;
	v60 =	vsub.f32 $1.500000000e+00, v54;
	v59 =	vsub.s32 $0x5F3759DF, v56  }
0x49c: {  	v61 =	vmul.f32 v51, v55;
	v15 =	vadd.f32 v16, v15;
	v62 =	vmul.f32 v59, v57  }
0x49d: {  	v63 =	vshra.s32 v22, $0x1;
	v33 =	vmul.f32 $5.000000000e-01, v22;
	v34 =	vmul.f32 v24, v19  }
0x49e: {  	v36 =	vmul.f32 v45, v60;
	v35 =	vsub.s32 $0x5F3759DF, v63;
	v37 =	vsub.f32 $1.500000000e+00, v61  }
0x49f: {  	v15 =	vadd.f32 v58, v15;
	v38 =	vmul.f32 v59, v62;
	v39 =	vmul.f32 v35, v33  }
0x4a0: {  	v41 =	vmul.f32 v36, v20;
	v42 =	vmul.f32 v51, v37  }
0x4a1: {  	v40 =	vadd.f32 v34, v15;
	v43 =	vsub.f32 $1.500000000e+00, v38;
	v44 =	vmul.f32 v35, v39  }
0x4a2: {  	v2 =	vadd.f32 v3, v2;
	v9 =	vmul.f32 v14, v9;
	v46 =	vmul.f32 v42, v18  }
0x4a3: {  	s20 =	sadd.s32 $0x1, s15;
	v14 =	vadd.f32 v41, v40;
	v47 =	vmul.f32 v59, v43;
	v48 =	vsub.f32 $1.500000000e+00, v44  }
0x4a4: {  	v2 =	vadd.f32 v6, v2;
	v10 =	vmul.f32 v10, v12;
	v45 =	vor.u32 s20, v0  }
0x4a5: {  	v3 =	vmul.f32 v47, v21;
	v49 =	vmul.f32 v35, v48;
	v50 =	vadd.f32 v46, v14  }
0x4a6: {  	[tilespmem:v1+s26+$0x0] =	vst.idx.msk $0xffff, v5;
	v8 =	vmul.f32 v10, v8;
	v9 =	vadd.f32 v9, v13;
	v51 =	vor.u32 s15, v0  }
0x4a7: {  	v1 =	vadd.f32 v4, v2;
	v53 =	vmul.f32 v49, v22;
	v3 =	vadd.f32 v3, v50  }
0x4a8: {  	v52 =	vadd.f32 v8, v9  }
0x4a9: {  	[tilespmem:v11+s26+$0x0] =	vst.idx.msk $0xffff, v1;
	v2 =	vadd.f32 v53, v3  }
0x4aa: {  	[tilespmem:v45+s26+$0x0] =	vst.idx.msk $0xffff, v52  }
0x4ab: {  	[tilespmem:v51+s26+$0x0] =	vst.idx.msk $0xffff, v2  }
0x4ac: {  	v1 =	vld [tilespmem:$0x19C20];
	_ =	sdelay $0x1  }
0x4ad: {  	v2 =	vld [tilespmem:$0x19C40];
	_ =	sdelay $0x1  }
0x4ae: {  	v3 =	vld [tilespmem:$0x19C60]  }
0x4af: {  	v1 =	vadd.f32 $0.0e+00, v1  }
0x4b0: {  	v54 =	vld [tilespmem:$0x19C80]  }
0x4b1: {  	v1 =	vadd.f32 v2, v1  }
0x4b2: {  	v2 =	vld [tilespmem:$0x19CA0]  }
0x4b3: {  	v1 =	vadd.f32 v3, v1  }
0x4b4: {  	v3 =	vld [tilespmem:$0x19CC0]  }
0x4b5: {  	v1 =	vadd.f32 v54, v1  }
0x4b6: {  	v55 =	vld [tilespmem:$0x19CE0]  }
0x4b7: {  	v1 =	vadd.f32 v2, v1  }
0x4b8: {  	v2 =	vld [tilespmem:$0x19D00]  }
0x4b9: {  	v1 =	vadd.f32 v3, v1  }
0x4ba: {  	v3 =	vld [tilespmem:$0x19D20]  }
0x4bb: {  	v1 =	vadd.f32 v55, v1  }
0x4bc: {  	v56 =	vld [tilespmem:$0x19D40]  }
0x4bd: {  	v1 =	vadd.f32 v2, v1  }
0x4be: {  	v2 =	vld [tilespmem:$0x19D60]  }
0x4bf: {  	v1 =	vadd.f32 v3, v1  }
0x4c0: {  	v3 =	vld [tilespmem:$0x19D80]  }
0x4c1: {  	v1 =	vadd.f32 v56, v1  }
0x4c2: {  	v57 =	vld [tilespmem:$0x19DA0]  }
0x4c3: {  	v1 =	vadd.f32 v2, v1  }
0x4c4: {  	v2 =	vld [tilespmem:$0x19DC0]  }
0x4c5: {  	v1 =	vadd.f32 v3, v1  }
0x4c6: {  	v3 =	vld [tilespmem:$0x19DE0]  }
0x4c7: {  	v1 =	vadd.f32 v57, v1  }
0x4c8: {  	v58 =	vld [tilespmem:$0x19E00]  }
0x4c9: {  	v1 =	vadd.f32 v2, v1;
	_ =	sdelay $0x1  }
0x4ca: {  	v1 =	vadd.f32 v3, v1;
	_ =	sdelay $0x1  }
0x4cb: {  	v1 =	vadd.f32 v58, v1  }
0x4cc: {  	s29 =	sshra.s32 s12, $0x2  }
0x4cd: {  	[tilespmem:s29+$0x19E20] =	vst v1  }
0x4ce: {  	v1 =	vld [tilespmem:$0x19C30];
	_ =	sdelay $0x1  }
0x4cf: {  	v2 =	vld [tilespmem:$0x19C50];
	_ =	sdelay $0x1  }
0x4d0: {  	v3 =	vld [tilespmem:$0x19C70]  }
0x4d1: {  	v1 =	vadd.f32 $0.0e+00, v1  }
0x4d2: {  	v59 =	vld [tilespmem:$0x19C90]  }
0x4d3: {  	v1 =	vadd.f32 v2, v1  }
0x4d4: {  	v2 =	vld [tilespmem:$0x19CB0]  }
0x4d5: {  	v1 =	vadd.f32 v3, v1  }
0x4d6: {  	v3 =	vld [tilespmem:$0x19CD0]  }
0x4d7: {  	v1 =	vadd.f32 v59, v1  }
0x4d8: {  	v60 =	vld [tilespmem:$0x19CF0]  }
0x4d9: {  	v1 =	vadd.f32 v2, v1  }
0x4da: {  	v2 =	vld [tilespmem:$0x19D10]  }
0x4db: {  	v1 =	vadd.f32 v3, v1  }
0x4dc: {  	v3 =	vld [tilespmem:$0x19D30]  }
0x4dd: {  	v1 =	vadd.f32 v60, v1  }
0x4de: {  	v61 =	vld [tilespmem:$0x19D50]  }
0x4df: {  	v1 =	vadd.f32 v2, v1  }
0x4e0: {  	v2 =	vld [tilespmem:$0x19D70]  }
0x4e1: {  	v1 =	vadd.f32 v3, v1  }
0x4e2: {  	v3 =	vld [tilespmem:$0x19D90]  }
0x4e3: {  	v1 =	vadd.f32 v61, v1  }
0x4e4: {  	v62 =	vld [tilespmem:$0x19DB0]  }
0x4e5: {  	v1 =	vadd.f32 v2, v1  }
0x4e6: {  	v2 =	vld [tilespmem:$0x19DD0]  }
0x4e7: {  	v1 =	vadd.f32 v3, v1  }
0x4e8: {  	v3 =	vld [tilespmem:$0x19DF0]  }
0x4e9: {  	v1 =	vadd.f32 v62, v1  }
0x4ea: {  	v63 =	vld [tilespmem:$0x19E10]  }
0x4eb: {  	s3 =	sadd.s32 $0x1, s3;
	v1 =	vadd.f32 v2, v1  }
0x4ec: {  	p1 =	sne.s32 s3, $0x8  }
.Ltmp2:
0x4ed: {  	v1 =	vadd.f32 v3, v1;
	(pc) =	sbr.rel @p1 .LBB2_2-.Ltmp2, $3  }
0x4ee: {  	_ = 	snop  }
0x4ef: {  	v1 =	vadd.f32 v63, v1;
	_ =	sdelay $0x1  }
0x4f0: {  	s31 =	sadd.s32 $0x40, s31;
	s0 =	sadd.s32 $0x40, s0;
	[tilespmem:s29+$0x19E30] =	vst v1  }
0x4f1: {  	s12 =	simm.s32 $0x0;
	s0 =	rddreg [dreg:$0xc];
	s3 =	simm.s32 $0x19E20  }
0x4f2: {  	[hbm4b:s0+s12] =	stream.linear.scatter [tilespmem:s3], [sflag:$0x3], $0x200, $0x38;
	[tilespmem:$0x1A020] =	vst v63  }
0x4f3: {  	_ =	swait.ge [sflag:s11], $0x200  }
0x4f4: {  	s30 =	sadd.s32 $0x1, s30;
	s31 =	rddreg [dreg:$0xd]  }
0x4f5: {  	p1 =	sne.s32 s30, s31  }
.Ltmp3:
0x4f6: {  	_ = 	snop;
	(pc) =	sbr.rel @p1 .LBB2_1-.Ltmp3, $3  }
0x4f7: {  	_ =	sdelay $0x1  }
0x4f8: {  	[sflag:s11] =	ssyncset.done $0x0  }
0x4f9: {  	[sflag:s11] =	ssyncadd.s32 $0xFFFFFE00  }
0x4fa: {  	_ =	sfence.sel $0x180000  }
0x4fb: {  	[bflag:$0x0] =	sbarrier.arrive $0xFFFF  }
0x4fc: {  	_ =	strace $0x90000047  }
0x4fd: {  	[bflag:$0x2] =	sbarrier.arrive $0xFFFF  }
0x4fe: {  	s0 =	rddreg [dreg:$0x8]  }
0x4ff: {  	s0 =	sadd.s32 @!p0 $0x100000, s0  }
0x500: {  	[sflag:s0] =	ssyncadd.tile.s32 @!p0 $0x1;
	_ =	shalt  }
.Lfunc_end2:
_tile_overlayer_lowered:
.L_overlay_start_2:
0x501: {  	(tag) =	ssettag $0x2  }
0x502: {  	s0 =	rddreg [dreg:$0x0];
	s2 =	stileid.u32  }
0x503: {  	s1 =	rddreg [dreg:$0x1];
	p0 =	sne.s32 s2, $0x0  }
0x504: {  	s3 =	rddreg [dreg:$0x2];
	[bflag:$0x3] =	sbarrier.arrive $0xFFFF;
	s2 =	simm.s32 @!p0 $0x1C03  }
0x505: {  	[timem:s3], [sflag:s2] =	dma.local @!p0 [hbm:s0], s1  }
0x506: {  	s0 =	simm.s32 @!p0 $0x3  }
0x507: {  	_ =	swait.ge @!p0 [sflag:s0], s1  }
0x508: {  	s1 =	ssub.s32 @!p0 $0x0, s1;
	[sflag:s0] =	ssyncset.done @!p0 $0x0  }
0x509: {  	[sflag:s0] =	ssyncadd.s32 @!p0 s1  }
0x50a: {  	[bflag:$0x3] =	sbarrier.arrive $0xFFFF  }
0x50b: {  	_ =	shalt  }

</sc_bundles>
